<compile_context>
chip_gen: v7x
topology: tpu7x:2x2x1
jax: 0.10.2.dev20260603
libtpu: 0.0.44.dev20260713+nightly
codegen_flags: <defaults>
</compile_context>

<pallas_src>
import functools

import jax
import jax.numpy as jnp
from jax import lax
from jax.experimental import pallas as pl
from jax.experimental.pallas import tpu as pltpu
from jax.experimental.pallas import tpu_sc as plsc

N = 10000
E = 320000
D = 128
NC = 2
NS = 16
NP = 10240

KE = 40
ET = E // (NC * NS)
NCH = ET // KE

KD = 80
DCH = 2000
DT_SRC = E // NS
DT_DST = E // (NC * NS)
NDC_S = DT_SRC // DCH
NDC_D = DT_DST // DCH

RPT = NP // NS


def _rsqrt16(x):
    xh = x * 0.5
    i = lax.bitcast_convert_type(x, jnp.int32)
    i = jnp.int32(0x5F3759DF) - (i >> 1)
    y = lax.bitcast_convert_type(i, jnp.float32)
    for _ in range(3):
        y = y * (1.5 - xh * y * y)
    return y


def _sc_body(feat_h, src_h, dst_h, edata_h, agg_h, degin_h,
             agg_s, dego_s, degi_s, norm_s,
             e0, e1, e2, e3, e4, e5,
             ri0, ri1, ri2, ro0, ro1,
             ng0, ng1, ng2, scale_v,
             db0, db1, zdeg_v, ones_v, nbuf_v,
             lsem, gsem, ngsem, ssem, dlsem, dssem):
    c = lax.axis_index("c")
    s = lax.axis_index("s")
    ebuf = (e0, e1, e2, e3, e4, e5)
    rows_in = (ri0, ri1, ri2)
    rows_out = (ro0, ro1)
    nsg = (ng0, ng1, ng2)
    degbuf = (db0, db1)

    @pl.loop(0, RPT // 16)
    def _(j):
        zdeg_v[pl.ds(j * 16, 16)] = jnp.zeros((16,), jnp.float32)

    @pl.loop(0, KE)
    def _(r):
        for cix in range(D // 16):
            ri0[r, pl.ds(cix * 16, 16)] = jnp.zeros((16,), jnp.float32)

    @pl.loop(0, KD // 16)
    def _(j):
        ones_v[pl.ds(j * 16, 16)] = jnp.full((16,), 1.0, jnp.float32)

    pltpu.sync_copy(zdeg_v, dego_s.at[pl.ds(s * RPT, RPT)])
    pltpu.sync_copy(zdeg_v, degi_s.at[pl.ds(s * RPT, RPT)])
    rb = s * RPT
    for tix in range(RPT // KE):
        pltpu.sync_copy(ri0, agg_s.at[pl.ds(rb + tix * KE, KE)])
    plsc.subcore_barrier()

    NDC = NDC_S + NDC_D

    def dsrc(k):
        if k < NDC_S:
            return src_h.at[pl.ds(s * DT_SRC + k * DCH, DCH)]
        return dst_h.at[pl.ds((c * NS + s) * DT_DST + (k - NDC_S) * DCH, DCH)]

    def dtgt(k):
        return dego_s if k < NDC_S else degi_s

    pltpu.async_copy(dsrc(0), degbuf[0], dlsem.at[0])
    for k in range(NDC):
        b = k % 2
        pltpu.make_async_copy(dsrc(k), degbuf[b], dlsem.at[b]).wait()
        if k + 1 < NDC:
            pltpu.async_copy(dsrc(k + 1), degbuf[1 - b], dlsem.at[1 - b])

        @pl.loop(0, DCH // KD)
        def _(j):
            pltpu.async_copy(
                ones_v, dtgt(k).at[degbuf[b].at[pl.ds(j * KD, KD)]],
                dssem, add=True)

        @pl.loop(0, DCH // KD)
        def _(j):
            pltpu.make_async_copy(
                ones_v, dtgt(k).at[degbuf[b].at[pl.ds(0, KD)]], dssem).wait()
    plsc.subcore_barrier()

    pltpu.sync_copy(dego_s.at[pl.ds(s * RPT, RPT)], nbuf_v)

    @pl.loop(0, RPT // 16)
    def _(j):
        x = jnp.maximum(nbuf_v[pl.ds(j * 16, 16)], 1.0)
        nbuf_v[pl.ds(j * 16, 16)] = _rsqrt16(x)

    pltpu.sync_copy(nbuf_v, norm_s.at[pl.ds(s * RPT, RPT)])
    pltpu.sync_copy(degi_s.at[pl.ds(s * RPT, RPT)],
                    degin_h.at[c, pl.ds(s * RPT, RPT)])
    plsc.subcore_barrier()

    cbase = (c * NS + s) * NCH

    def eload(ch, slot):
        pltpu.async_copy(edata_h.at[cbase + ch], ebuf[slot], lsem.at[slot])

    def eload_wait(ch, slot):
        pltpu.make_async_copy(
            edata_h.at[cbase + ch], ebuf[slot], lsem.at[slot]).wait()

    def fire_gathers(slot, g):
        sidx = ebuf[slot].at[pl.ds(0, KE)]
        pltpu.async_copy(feat_h.at[sidx], rows_in[g], gsem.at[g])
        pltpu.async_copy(norm_s.at[sidx], nsg[g].at[pl.ds(0, KE)],
                         ngsem.at[g])

    def wait_gathers(slot, g):
        sidx = ebuf[slot].at[pl.ds(0, KE)]
        pltpu.make_async_copy(feat_h.at[sidx], rows_in[g], gsem.at[g]).wait()
        pltpu.make_async_copy(norm_s.at[sidx], nsg[g].at[pl.ds(0, KE)],
                              ngsem.at[g]).wait()

    def fire_scatter(slot, o):
        didx = ebuf[slot].at[pl.ds(KE, KE)]
        pltpu.async_copy(rows_out[o], agg_s.at[didx], ssem.at[o], add=True)

    def wait_scatter(slot, o):
        didx = ebuf[slot].at[pl.ds(KE, KE)]
        pltpu.make_async_copy(rows_out[o], agg_s.at[didx], ssem.at[o]).wait()

    for ch in range(4):
        eload(ch, ch)
    eload_wait(0, 0)
    fire_gathers(0, 0)
    eload_wait(1, 1)
    fire_gathers(1, 1)

    @pl.loop(0, NCH + 5, step=6)
    def _(i):
        for b in range(6):
            ch = i + b
            g, o = b % 3, b % 2

            @pl.when(ch < NCH)
            def _():
                wait_gathers(b, g)

                @pl.when(ch >= 2)
                def _():
                    wait_scatter((b - 2) % 6, o)

                for j in range(3):
                    av = lax.bitcast_convert_type(
                        ebuf[b][pl.ds(2 * KE + j * 16, 16)], jnp.float32)
                    scale_v[pl.ds(j * 16, 16)] = av * nsg[g][pl.ds(j * 16, 16)]

                @pl.loop(0, KE)
                def _(r):
                    sc = scale_v[pl.ds(r, 16)][0]
                    vals = [rows_in[g][r, pl.ds(cix * 16, 16)]
                            for cix in range(D // 16)]
                    for cix in range(D // 16):
                        rows_out[o][r, pl.ds(cix * 16, 16)] = vals[cix] * sc

                fire_scatter(b, o)

                @pl.when(ch + 4 < NCH)
                def _():
                    eload(ch + 4, (b + 4) % 6)

                @pl.when(ch + 2 < NCH)
                def _():
                    eload_wait(ch + 2, (b + 2) % 6)
                    fire_gathers((b + 2) % 6, (b + 2) % 3)

    wait_scatter((NCH - 2) % 6, (NCH - 2) % 2)
    wait_scatter((NCH - 1) % 6, (NCH - 1) % 2)
    plsc.subcore_barrier()

    pltpu.sync_copy(agg_s.at[pl.ds(rb, RPT)], agg_h.at[c, pl.ds(rb, RPT)])


@functools.cache
def _build_sc_call():
    return pl.kernel(
        _sc_body,
        out_type=(
            jax.ShapeDtypeStruct((NC, NP, D), jnp.float32),
            jax.ShapeDtypeStruct((NC, NP), jnp.float32),
        ),
        mesh=plsc.VectorSubcoreMesh(
            core_axis_name="c", subcore_axis_name="s",
            num_cores=NC, num_subcores=NS),
        compiler_params=pltpu.CompilerParams(needs_layout_passes=False),
        scratch_types=(
            pltpu.VMEM_SHARED((NP, D), jnp.float32),
            pltpu.VMEM_SHARED((NP,), jnp.float32),
            pltpu.VMEM_SHARED((NP,), jnp.float32),
            pltpu.VMEM_SHARED((NP,), jnp.float32),
            *[pltpu.VMEM((3 * KE + 8,), jnp.int32) for _ in range(6)],
            *[pltpu.VMEM((KE, D), jnp.float32) for _ in range(3)],
            *[pltpu.VMEM((KE, D), jnp.float32) for _ in range(2)],
            *[pltpu.VMEM((KE + 8,), jnp.float32) for _ in range(3)],
            pltpu.VMEM((KE + 16,), jnp.float32),
            *[pltpu.VMEM((DCH,), jnp.int32) for _ in range(2)],
            pltpu.VMEM((RPT,), jnp.float32),
            pltpu.VMEM((KD,), jnp.float32),
            pltpu.VMEM((RPT,), jnp.float32),
            pltpu.SemaphoreType.DMA((6,)),
            pltpu.SemaphoreType.DMA((3,)),
            pltpu.SemaphoreType.DMA((3,)),
            pltpu.SemaphoreType.DMA((2,)),
            pltpu.SemaphoreType.DMA((2,)),
            pltpu.SemaphoreType.DMA,
        ),
    )


def _tc_body(feat_r, agg_r, deg_r, w1_r, w2_r, b_r, out_r):
    aggsum = agg_r[0] + agg_r[1]
    acc = jnp.dot(feat_r[...], w1_r[...], preferred_element_type=jnp.float32)
    acc = acc + jnp.dot(aggsum, w2_r[...], preferred_element_type=jnp.float32)
    deg = deg_r[0] + deg_r[1]
    nr = lax.rsqrt(jnp.maximum(deg, 1.0))
    out_r[...] = acc * nr + b_r[...]


BR = 1000

_tc_call = pl.pallas_call(
    _tc_body,
    grid=(N // BR,),
    in_specs=[
        pl.BlockSpec((BR, D), lambda i: (i, 0)),
        pl.BlockSpec((NC, BR, D), lambda i: (0, i, 0)),
        pl.BlockSpec((NC, BR, 1), lambda i: (0, i, 0)),
        pl.BlockSpec((D, D), lambda i: (0, 0)),
        pl.BlockSpec((D, D), lambda i: (0, 0)),
        pl.BlockSpec((1, D), lambda i: (0, 0)),
    ],
    out_specs=pl.BlockSpec((BR, D), lambda i: (i, 0)),
    out_shape=jax.ShapeDtypeStruct((N, D), jnp.float32),
)


def kernel(feat, edge_index, edge_affine, W, b):
    src = edge_index[0]
    dst = edge_index[1]
    aff = edge_affine[:, 0]
    aff_i = lax.bitcast_convert_type(aff, jnp.int32)
    edata = jnp.concatenate(
        [src.reshape(-1, KE), dst.reshape(-1, KE), aff_i.reshape(-1, KE),
         jnp.zeros((E // KE, 8), jnp.int32)], axis=1)
    agg2, degin = _build_sc_call()(feat, src, dst, edata)
    deg3d = degin.reshape(NC, NP, 1)
    return _tc_call(feat, agg2, deg3d, W[:D], W[D:], b.reshape(1, D))

# --- scband reference (transcript-rebuilt; emitter-appended) ---
"""Pipeline reference for scband-graph-conv-concat-79388175499439 (READ-ONLY COPY).

The authoritative reference and input builder live on the scoring server;
editing this copy changes nothing except your own understanding.
"""

import jax, jax.numpy as jnp
import numpy as np

N = 10000
E = 320000
D_IN = 128
D_OUT = 128


def setup_inputs(seed: int = 0) -> dict:
    key = jax.random.key(seed)
    k1, k2, k3, k4 = jax.random.split(key, 4)
    feat = jax.random.normal(k1, (N, D_IN), dtype=jnp.float32)
    edge_index = jax.random.randint(k2, (2, E), 0, N, dtype=jnp.int32)
    edge_affine = jax.random.uniform(k3, (E, 1), dtype=jnp.float32)
    # xavier-uniform init for weight [2*in_feats, out_feats]
    fan_in, fan_out = 2 * D_IN, D_OUT
    bound = float(np.sqrt(6.0 / (fan_in + fan_out)))
    W = jax.random.uniform(k4, (2 * D_IN, D_OUT), dtype=jnp.float32, minval=-bound, maxval=bound)
    b = jnp.zeros((D_OUT,), dtype=jnp.float32)
    return {"feat": feat, "edge_index": edge_index, "edge_affine": edge_affine, "W": W, "b": b}


def reference(feat, edge_index, edge_affine, W, b):
    src = edge_index[0]
    dst = edge_index[1]
    ori_feat = feat
    # norm == 'both': left normalize by out-degree^{-1/2}
    deg_out = jnp.zeros((N,), dtype=jnp.float32).at[src].add(1.0)
    deg_out = jnp.clip(deg_out, 1.0, None)
    norm_l = jnp.power(deg_out, -0.5)
    h = feat * norm_l[:, None]
    # message passing: u_mul_e('h', 'affine', 'm') then sum over dst
    m = h[src] * edge_affine
    agg = jax.ops.segment_sum(m, dst, num_segments=N)
    # concat original features with aggregated features
    rst = jnp.concatenate([ori_feat, agg], axis=-1)
    # linear projection
    rst = jnp.matmul(rst, W)
    # right normalize by in-degree^{-1/2} (norm == 'both')
    deg_in = jnp.zeros((N,), dtype=jnp.float32).at[dst].add(1.0)
    deg_in = jnp.clip(deg_in, 1.0, None)
    norm_r = jnp.power(deg_in, -0.5)
    rst = rst * norm_r[:, None]
    rst = rst + b
    return rst

if __name__ == "__main__":
    import jax
    _d = setup_inputs()
    print(jax.jit(kernel)(*tuple(_d.values())))

</pallas_src>

<mosaic_0001>
#map = affine_map<(d0, d1) -> (0, 0)>
#map1 = affine_map<(d0, d1) -> (0)>
#map2 = affine_map<(d0, d1) -> (0, 0, 0)>
module attributes {stable_mosaic.version = 14 : i64} {
  func.func @_sc_body(%arg0: i32, %arg1: i32, %arg2: memref<10000x128xf32, #tpu.memory_space<hbm>>, %arg3: memref<320000xi32, #tpu.memory_space<hbm>>, %arg4: memref<320000xi32, #tpu.memory_space<hbm>>, %arg5: memref<8000x128xi32, #tpu.memory_space<hbm>>, %arg6: memref<2x10240x128xf32, #tpu.memory_space<hbm>>, %arg7: memref<2x10240xf32, #tpu.memory_space<hbm>>, %arg8: memref<10240x128xf32, #tpu.memory_space<vmem_shared>>, %arg9: memref<10240xf32, #tpu.memory_space<vmem_shared>>, %arg10: memref<10240xf32, #tpu.memory_space<vmem_shared>>, %arg11: memref<10240xf32, #tpu.memory_space<vmem_shared>>, %arg12: memref<128xi32, #tpu.memory_space<vmem>>, %arg13: memref<128xi32, #tpu.memory_space<vmem>>, %arg14: memref<128xi32, #tpu.memory_space<vmem>>, %arg15: memref<128xi32, #tpu.memory_space<vmem>>, %arg16: memref<128xi32, #tpu.memory_space<vmem>>, %arg17: memref<128xi32, #tpu.memory_space<vmem>>, %arg18: memref<40x128xf32, #tpu.memory_space<vmem>>, %arg19: memref<40x128xf32, #tpu.memory_space<vmem>>, %arg20: memref<40x128xf32, #tpu.memory_space<vmem>>, %arg21: memref<40x128xf32, #tpu.memory_space<vmem>>, %arg22: memref<40x128xf32, #tpu.memory_space<vmem>>, %arg23: memref<48xf32, #tpu.memory_space<vmem>>, %arg24: memref<48xf32, #tpu.memory_space<vmem>>, %arg25: memref<48xf32, #tpu.memory_space<vmem>>, %arg26: memref<56xf32, #tpu.memory_space<vmem>>, %arg27: memref<2000xi32, #tpu.memory_space<vmem>>, %arg28: memref<2000xi32, #tpu.memory_space<vmem>>, %arg29: memref<640xf32, #tpu.memory_space<vmem>>, %arg30: memref<80xf32, #tpu.memory_space<vmem>>, %arg31: memref<640xf32, #tpu.memory_space<vmem>>, %arg32: memref<6x!tpu.dma_semaphore, #tpu.memory_space<semaphore_mem>>, %arg33: memref<3x!tpu.dma_semaphore, #tpu.memory_space<semaphore_mem>>, %arg34: memref<3x!tpu.dma_semaphore, #tpu.memory_space<semaphore_mem>>, %arg35: memref<2x!tpu.dma_semaphore, #tpu.memory_space<semaphore_mem>>, %arg36: memref<2x!tpu.dma_semaphore, #tpu.memory_space<semaphore_mem>>, %arg37: memref<!tpu.dma_semaphore, #tpu.memory_space<semaphore_mem>>) attributes {dimension_semantics = [#tpu.dimension_semantics<core_parallel>, #tpu.dimension_semantics<subcore_parallel>], iteration_bounds = array<i64: 2, 16>, scalar_prefetch = 0 : i64, scratch_operands = 30 : i64, tpu.core_type = #tpu.core_type<sc_vector_subcore>, window_params = [{transform_indices = #map}, {transform_indices = #map1}, {transform_indices = #map1}, {transform_indices = #map}, {transform_indices = #map2}, {transform_indices = #map}]} {
    %scan3A = arith.constant 0 : i32
    %scan3A_0 = arith.constant 40 : i32
    %scan3A_1 = arith.addi %scan3A, %scan3A_0 : i32
    %scan3A_2 = arith.constant 1 : i32
    scf.for %scan3A_640 = %scan3A to %scan3A_1 step %scan3A_2  : i32 {
      %mul3A_641 = arith.constant 1 : i32
      %mul3A_642 = arith.muli %scan3A_640, %mul3A_641 : i32
      %add3A_643 = arith.constant 0 : i32
      %add3A_644 = arith.addi %add3A_643, %mul3A_642 : i32
      %broadcast_in_dim3A = arith.constant 0.000000e+00 : f32
      %broadcast_in_dim3A_645 = vector.broadcast %broadcast_in_dim3A : f32 to vector<16xf32>
      %mul3A_646 = arith.constant 16 : i32
      %mul3A_647 = arith.muli %add3A_644, %mul3A_646 : i32
      %swap3A = arith.index_cast %mul3A_647 : i32 to index
      %swap3A_648 = tpu.vector_load %arg29[%swap3A] {strides = array<i32>} : memref<640xf32, #tpu.memory_space<vmem>>, vector<16xf32>,
      tpu.vector_store %arg29[%swap3A], %broadcast_in_dim3A_645 {strides = array<i32>} : memref<640xf32, #tpu.memory_space<vmem>>, vector<16xf32>,
    }
    %scan3A_3 = arith.constant 40 : i32
    %scan3A_4 = arith.constant 0 : i32
    %scan3A_5 = arith.constant 40 : i32
    %scan3A_6 = arith.addi %scan3A_4, %scan3A_5 : i32
    %scan3A_7 = arith.constant 1 : i32
    scf.for %scan3A_640 = %scan3A_4 to %scan3A_6 step %scan3A_7  : i32 {
      %mul3A_641 = arith.constant 1 : i32
      %mul3A_642 = arith.muli %scan3A_640, %mul3A_641 : i32
      %add3A_643 = arith.constant 0 : i32
      %add3A_644 = arith.addi %add3A_643, %mul3A_642 : i32
      %broadcast_in_dim3A = arith.constant 0.000000e+00 : f32
      %broadcast_in_dim3A_645 = vector.broadcast %broadcast_in_dim3A : f32 to vector<16xf32>
      %swap3A = arith.index_cast %add3A_644 : i32 to index
      %swap3A_646 = arith.constant 0 : index
      %swap3A_647 = tpu.vector_load %arg18[%swap3A, %swap3A_646] {strides = array<i32>} : memref<40x128xf32, #tpu.memory_space<vmem>>, vector<16xf32>,
      tpu.vector_store %arg18[%swap3A, %swap3A_646], %broadcast_in_dim3A_645 {strides = array<i32>} : memref<40x128xf32, #tpu.memory_space<vmem>>, vector<16xf32>,
      %broadcast_in_dim3A_648 = arith.constant 0.000000e+00 : f32
      %broadcast_in_dim3A_649 = vector.broadcast %broadcast_in_dim3A_648 : f32 to vector<16xf32>
      %swap3A_650 = arith.index_cast %add3A_644 : i32 to index
      %swap3A_651 = arith.constant 16 : index
      %swap3A_652 = tpu.vector_load %arg18[%swap3A_650, %swap3A_651] {strides = array<i32>} : memref<40x128xf32, #tpu.memory_space<vmem>>, vector<16xf32>,
      tpu.vector_store %arg18[%swap3A_650, %swap3A_651], %broadcast_in_dim3A_649 {strides = array<i32>} : memref<40x128xf32, #tpu.memory_space<vmem>>, vector<16xf32>,
      %broadcast_in_dim3A_653 = arith.constant 0.000000e+00 : f32
      %broadcast_in_dim3A_654 = vector.broadcast %broadcast_in_dim3A_653 : f32 to vector<16xf32>
      %swap3A_655 = arith.index_cast %add3A_644 : i32 to index
      %swap3A_656 = arith.constant 32 : index
      %swap3A_657 = tpu.vector_load %arg18[%swap3A_655, %swap3A_656] {strides = array<i32>} : memref<40x128xf32, #tpu.memory_space<vmem>>, vector<16xf32>,
      tpu.vector_store %arg18[%swap3A_655, %swap3A_656], %broadcast_in_dim3A_654 {strides = array<i32>} : memref<40x128xf32, #tpu.memory_space<vmem>>, vector<16xf32>,
      %broadcast_in_dim3A_658 = arith.constant 0.000000e+00 : f32
      %broadcast_in_dim3A_659 = vector.broadcast %broadcast_in_dim3A_658 : f32 to vector<16xf32>
      %swap3A_660 = arith.index_cast %add3A_644 : i32 to index
      %swap3A_661 = arith.constant 48 : index
      %swap3A_662 = tpu.vector_load %arg18[%swap3A_660, %swap3A_661] {strides = array<i32>} : memref<40x128xf32, #tpu.memory_space<vmem>>, vector<16xf32>,
      tpu.vector_store %arg18[%swap3A_660, %swap3A_661], %broadcast_in_dim3A_659 {strides = array<i32>} : memref<40x128xf32, #tpu.memory_space<vmem>>, vector<16xf32>,
      %broadcast_in_dim3A_663 = arith.constant 0.000000e+00 : f32
      %broadcast_in_dim3A_664 = vector.broadcast %broadcast_in_dim3A_663 : f32 to vector<16xf32>
      %swap3A_665 = arith.index_cast %add3A_644 : i32 to index
      %swap3A_666 = arith.constant 64 : index
      %swap3A_667 = tpu.vector_load %arg18[%swap3A_665, %swap3A_666] {strides = array<i32>} : memref<40x128xf32, #tpu.memory_space<vmem>>, vector<16xf32>,
      tpu.vector_store %arg18[%swap3A_665, %swap3A_666], %broadcast_in_dim3A_664 {strides = array<i32>} : memref<40x128xf32, #tpu.memory_space<vmem>>, vector<16xf32>,
      %broadcast_in_dim3A_668 = arith.constant 0.000000e+00 : f32
      %broadcast_in_dim3A_669 = vector.broadcast %broadcast_in_dim3A_668 : f32 to vector<16xf32>
      %swap3A_670 = arith.index_cast %add3A_644 : i32 to index
      %swap3A_671 = arith.constant 80 : index
      %swap3A_672 = tpu.vector_load %arg18[%swap3A_670, %swap3A_671] {strides = array<i32>} : memref<40x128xf32, #tpu.memory_space<vmem>>, vector<16xf32>,
      tpu.vector_store %arg18[%swap3A_670, %swap3A_671], %broadcast_in_dim3A_669 {strides = array<i32>} : memref<40x128xf32, #tpu.memory_space<vmem>>, vector<16xf32>,
      %broadcast_in_dim3A_673 = arith.constant 0.000000e+00 : f32
      %broadcast_in_dim3A_674 = vector.broadcast %broadcast_in_dim3A_673 : f32 to vector<16xf32>
      %swap3A_675 = arith.index_cast %add3A_644 : i32 to index
      %swap3A_676 = arith.constant 96 : index
      %swap3A_677 = tpu.vector_load %arg18[%swap3A_675, %swap3A_676] {strides = array<i32>} : memref<40x128xf32, #tpu.memory_space<vmem>>, vector<16xf32>,
      tpu.vector_store %arg18[%swap3A_675, %swap3A_676], %broadcast_in_dim3A_674 {strides = array<i32>} : memref<40x128xf32, #tpu.memory_space<vmem>>, vector<16xf32>,
      %broadcast_in_dim3A_678 = arith.constant 0.000000e+00 : f32
      %broadcast_in_dim3A_679 = vector.broadcast %broadcast_in_dim3A_678 : f32 to vector<16xf32>
      %swap3A_680 = arith.index_cast %add3A_644 : i32 to index
      %swap3A_681 = arith.constant 112 : index
      %swap3A_682 = tpu.vector_load %arg18[%swap3A_680, %swap3A_681] {strides = array<i32>} : memref<40x128xf32, #tpu.memory_space<vmem>>, vector<16xf32>,
      tpu.vector_store %arg18[%swap3A_680, %swap3A_681], %broadcast_in_dim3A_679 {strides = array<i32>} : memref<40x128xf32, #tpu.memory_space<vmem>>, vector<16xf32>,
    }
    %scan3A_8 = arith.constant 40 : i32
    %scan3A_9 = arith.constant 0 : i32
    %scan3A_10 = arith.constant 5 : i32
    %scan3A_11 = arith.addi %scan3A_9, %scan3A_10 : i32
    %scan3A_12 = arith.constant 1 : i32
    scf.for %scan3A_640 = %scan3A_9 to %scan3A_11 step %scan3A_12  : i32 {
      %mul3A_641 = arith.constant 1 : i32
      %mul3A_642 = arith.muli %scan3A_640, %mul3A_641 : i32
      %add3A_643 = arith.constant 0 : i32
      %add3A_644 = arith.addi %add3A_643, %mul3A_642 : i32
      %broadcast_in_dim3A = arith.constant 1.000000e+00 : f32
      %broadcast_in_dim3A_645 = vector.broadcast %broadcast_in_dim3A : f32 to vector<16xf32>
      %mul3A_646 = arith.constant 16 : i32
      %mul3A_647 = arith.muli %add3A_644, %mul3A_646 : i32
      %swap3A = arith.index_cast %mul3A_647 : i32 to index
      %swap3A_648 = tpu.vector_load %arg30[%swap3A] {strides = array<i32>} : memref<80xf32, #tpu.memory_space<vmem>>, vector<16xf32>,
      tpu.vector_store %arg30[%swap3A], %broadcast_in_dim3A_645 {strides = array<i32>} : memref<80xf32, #tpu.memory_space<vmem>>, vector<16xf32>,
    }
    %scan3A_13 = arith.constant 5 : i32
    %mul3A = arith.constant 640 : i32
    %mul3A_14 = arith.muli %arg1, %mul3A : i32
    "tpu.region"() ({
      %run_scoped3A = tpu.sem_alloc : memref<!tpu.dma_semaphore, #tpu.memory_space<semaphore_mem>>
      %dma_start3A_640 = tpu.memref_slice %arg9[%mul3A_14] : memref<10240xf32, #tpu.memory_space<vmem_shared>> -> memref<640xf32, #tpu.memory_space<vmem_shared>>
      %dma_start3A_641 = tpu.memref_slice %arg9[%mul3A_14] : memref<10240xf32, #tpu.memory_space<vmem_shared>> -> memref<640xf32, #tpu.memory_space<vmem_shared>>
      tpu.enqueue_dma source(%arg29 : memref<640xf32, #tpu.memory_space<vmem>>) target(%dma_start3A_641 : memref<640xf32, #tpu.memory_space<vmem_shared>>) target_semaphore(%run_scoped3A : memref<!tpu.dma_semaphore, #tpu.memory_space<semaphore_mem>>)
      %dma_wait3A_642 = tpu.memref_slice %arg9[%mul3A_14] : memref<10240xf32, #tpu.memory_space<vmem_shared>> -> memref<640xf32, #tpu.memory_space<vmem_shared>>
      %dma_wait3A_643 = tpu.memref_slice %arg9[%mul3A_14] : memref<10240xf32, #tpu.memory_space<vmem_shared>> -> memref<640xf32, #tpu.memory_space<vmem_shared>>
      tpu.wait_dma2 semaphore(%run_scoped3A : memref<!tpu.dma_semaphore, #tpu.memory_space<semaphore_mem>>) src(%arg29 : memref<640xf32, #tpu.memory_space<vmem>>) dst(%dma_wait3A_643 : memref<640xf32, #tpu.memory_space<vmem_shared>>)
      tpu.yield
    }) : () -> ()
    %mul3A_15 = arith.constant 640 : i32
    %mul3A_16 = arith.muli %arg1, %mul3A_15 : i32
    "tpu.region"() ({
      %run_scoped3A = tpu.sem_alloc : memref<!tpu.dma_semaphore, #tpu.memory_space<semaphore_mem>>
      %dma_start3A_640 = tpu.memref_slice %arg10[%mul3A_16] : memref<10240xf32, #tpu.memory_space<vmem_shared>> -> memref<640xf32, #tpu.memory_space<vmem_shared>>
      %dma_start3A_641 = tpu.memref_slice %arg10[%mul3A_16] : memref<10240xf32, #tpu.memory_space<vmem_shared>> -> memref<640xf32, #tpu.memory_space<vmem_shared>>
      tpu.enqueue_dma source(%arg29 : memref<640xf32, #tpu.memory_space<vmem>>) target(%dma_start3A_641 : memref<640xf32, #tpu.memory_space<vmem_shared>>) target_semaphore(%run_scoped3A : memref<!tpu.dma_semaphore, #tpu.memory_space<semaphore_mem>>)
      %dma_wait3A_642 = tpu.memref_slice %arg10[%mul3A_16] : memref<10240xf32, #tpu.memory_space<vmem_shared>> -> memref<640xf32, #tpu.memory_space<vmem_shared>>
      %dma_wait3A_643 = tpu.memref_slice %arg10[%mul3A_16] : memref<10240xf32, #tpu.memory_space<vmem_shared>> -> memref<640xf32, #tpu.memory_space<vmem_shared>>
      tpu.wait_dma2 semaphore(%run_scoped3A : memref<!tpu.dma_semaphore, #tpu.memory_space<semaphore_mem>>) src(%arg29 : memref<640xf32, #tpu.memory_space<vmem>>) dst(%dma_wait3A_643 : memref<640xf32, #tpu.memory_space<vmem_shared>>)
      tpu.yield
    }) : () -> ()
    %mul3A_17 = arith.constant 640 : i32
    %mul3A_18 = arith.muli %arg1, %mul3A_17 : i32
    %add3A = arith.constant 0 : i32
    %add3A_19 = arith.addi %mul3A_18, %add3A : i32
    "tpu.region"() ({
      %run_scoped3A = tpu.sem_alloc : memref<!tpu.dma_semaphore, #tpu.memory_space<semaphore_mem>>
      %dma_start3A_640 = arith.constant 0 : i32
      %dma_start3A_641 = tpu.memref_slice %arg8[%add3A_19, %dma_start3A_640] : memref<10240x128xf32, #tpu.memory_space<vmem_shared>> -> memref<40x128xf32, #tpu.memory_space<vmem_shared>>
      %dma_start3A_642 = arith.constant 0 : i32
      %dma_start3A_643 = tpu.memref_slice %arg8[%add3A_19, %dma_start3A_642] : memref<10240x128xf32, #tpu.memory_space<vmem_shared>> -> memref<40x128xf32, #tpu.memory_space<vmem_shared>>
      tpu.enqueue_dma source(%arg18 : memref<40x128xf32, #tpu.memory_space<vmem>>) target(%dma_start3A_643 : memref<40x128xf32, #tpu.memory_space<vmem_shared>>) target_semaphore(%run_scoped3A : memref<!tpu.dma_semaphore, #tpu.memory_space<semaphore_mem>>)
      %dma_wait3A_644 = arith.constant 0 : i32
      %dma_wait3A_645 = tpu.memref_slice %arg8[%add3A_19, %dma_wait3A_644] : memref<10240x128xf32, #tpu.memory_space<vmem_shared>> -> memref<40x128xf32, #tpu.memory_space<vmem_shared>>
      %dma_wait3A_646 = arith.constant 0 : i32
      %dma_wait3A_647 = tpu.memref_slice %arg8[%add3A_19, %dma_wait3A_646] : memref<10240x128xf32, #tpu.memory_space<vmem_shared>> -> memref<40x128xf32, #tpu.memory_space<vmem_shared>>
      tpu.wait_dma2 semaphore(%run_scoped3A : memref<!tpu.dma_semaphore, #tpu.memory_space<semaphore_mem>>) src(%arg18 : memref<40x128xf32, #tpu.memory_space<vmem>>) dst(%dma_wait3A_647 : memref<40x128xf32, #tpu.memory_space<vmem_shared>>)
      tpu.yield
    }) : () -> ()
    %add3A_20 = arith.constant 40 : i32
    %add3A_21 = arith.addi %mul3A_18, %add3A_20 : i32
    "tpu.region"() ({
      %run_scoped3A = tpu.sem_alloc : memref<!tpu.dma_semaphore, #tpu.memory_space<semaphore_mem>>
      %dma_start3A_640 = arith.constant 0 : i32
      %dma_start3A_641 = tpu.memref_slice %arg8[%add3A_21, %dma_start3A_640] : memref<10240x128xf32, #tpu.memory_space<vmem_shared>> -> memref<40x128xf32, #tpu.memory_space<vmem_shared>>
      %dma_start3A_642 = arith.constant 0 : i32
      %dma_start3A_643 = tpu.memref_slice %arg8[%add3A_21, %dma_start3A_642] : memref<10240x128xf32, #tpu.memory_space<vmem_shared>> -> memref<40x128xf32, #tpu.memory_space<vmem_shared>>
      tpu.enqueue_dma source(%arg18 : memref<40x128xf32, #tpu.memory_space<vmem>>) target(%dma_start3A_643 : memref<40x128xf32, #tpu.memory_space<vmem_shared>>) target_semaphore(%run_scoped3A : memref<!tpu.dma_semaphore, #tpu.memory_space<semaphore_mem>>)
      %dma_wait3A_644 = arith.constant 0 : i32
      %dma_wait3A_645 = tpu.memref_slice %arg8[%add3A_21, %dma_wait3A_644] : memref<10240x128xf32, #tpu.memory_space<vmem_shared>> -> memref<40x128xf32, #tpu.memory_space<vmem_shared>>
      %dma_wait3A_646 = arith.constant 0 : i32
      %dma_wait3A_647 = tpu.memref_slice %arg8[%add3A_21, %dma_wait3A_646] : memref<10240x128xf32, #tpu.memory_space<vmem_shared>> -> memref<40x128xf32, #tpu.memory_space<vmem_shared>>
      tpu.wait_dma2 semaphore(%run_scoped3A : memref<!tpu.dma_semaphore, #tpu.memory_space<semaphore_mem>>) src(%arg18 : memref<40x128xf32, #tpu.memory_space<vmem>>) dst(%dma_wait3A_647 : memref<40x128xf32, #tpu.memory_space<vmem_shared>>)
      tpu.yield
    }) : () -> ()
    %add3A_22 = arith.constant 80 : i32
    %add3A_23 = arith.addi %mul3A_18, %add3A_22 : i32
    "tpu.region"() ({
      %run_scoped3A = tpu.sem_alloc : memref<!tpu.dma_semaphore, #tpu.memory_space<semaphore_mem>>
      %dma_start3A_640 = arith.constant 0 : i32
      %dma_start3A_641 = tpu.memref_slice %arg8[%add3A_23, %dma_start3A_640] : memref<10240x128xf32, #tpu.memory_space<vmem_shared>> -> memref<40x128xf32, #tpu.memory_space<vmem_shared>>
      %dma_start3A_642 = arith.constant 0 : i32
      %dma_start3A_643 = tpu.memref_slice %arg8[%add3A_23, %dma_start3A_642] : memref<10240x128xf32, #tpu.memory_space<vmem_shared>> -> memref<40x128xf32, #tpu.memory_space<vmem_shared>>
      tpu.enqueue_dma source(%arg18 : memref<40x128xf32, #tpu.memory_space<vmem>>) target(%dma_start3A_643 : memref<40x128xf32, #tpu.memory_space<vmem_shared>>) target_semaphore(%run_scoped3A : memref<!tpu.dma_semaphore, #tpu.memory_space<semaphore_mem>>)
      %dma_wait3A_644 = arith.constant 0 : i32
      %dma_wait3A_645 = tpu.memref_slice %arg8[%add3A_23, %dma_wait3A_644] : memref<10240x128xf32, #tpu.memory_space<vmem_shared>> -> memref<40x128xf32, #tpu.memory_space<vmem_shared>>
      %dma_wait3A_646 = arith.constant 0 : i32
      %dma_wait3A_647 = tpu.memref_slice %arg8[%add3A_23, %dma_wait3A_646] : memref<10240x128xf32, #tpu.memory_space<vmem_shared>> -> memref<40x128xf32, #tpu.memory_space<vmem_shared>>
      tpu.wait_dma2 semaphore(%run_scoped3A : memref<!tpu.dma_semaphore, #tpu.memory_space<semaphore_mem>>) src(%arg18 : memref<40x128xf32, #tpu.memory_space<vmem>>) dst(%dma_wait3A_647 : memref<40x128xf32, #tpu.memory_space<vmem_shared>>)
      tpu.yield
    }) : () -> ()
    %add3A_24 = arith.constant 120 : i32
    %add3A_25 = arith.addi %mul3A_18, %add3A_24 : i32
    "tpu.region"() ({
      %run_scoped3A = tpu.sem_alloc : memref<!tpu.dma_semaphore, #tpu.memory_space<semaphore_mem>>
      %dma_start3A_640 = arith.constant 0 : i32
      %dma_start3A_641 = tpu.memref_slice %arg8[%add3A_25, %dma_start3A_640] : memref<10240x128xf32, #tpu.memory_space<vmem_shared>> -> memref<40x128xf32, #tpu.memory_space<vmem_shared>>
      %dma_start3A_642 = arith.constant 0 : i32
      %dma_start3A_643 = tpu.memref_slice %arg8[%add3A_25, %dma_start3A_642] : memref<10240x128xf32, #tpu.memory_space<vmem_shared>> -> memref<40x128xf32, #tpu.memory_space<vmem_shared>>
      tpu.enqueue_dma source(%arg18 : memref<40x128xf32, #tpu.memory_space<vmem>>) target(%dma_start3A_643 : memref<40x128xf32, #tpu.memory_space<vmem_shared>>) target_semaphore(%run_scoped3A : memref<!tpu.dma_semaphore, #tpu.memory_space<semaphore_mem>>)
      %dma_wait3A_644 = arith.constant 0 : i32
      %dma_wait3A_645 = tpu.memref_slice %arg8[%add3A_25, %dma_wait3A_644] : memref<10240x128xf32, #tpu.memory_space<vmem_shared>> -> memref<40x128xf32, #tpu.memory_space<vmem_shared>>
      %dma_wait3A_646 = arith.constant 0 : i32
      %dma_wait3A_647 = tpu.memref_slice %arg8[%add3A_25, %dma_wait3A_646] : memref<10240x128xf32, #tpu.memory_space<vmem_shared>> -> memref<40x128xf32, #tpu.memory_space<vmem_shared>>
      tpu.wait_dma2 semaphore(%run_scoped3A : memref<!tpu.dma_semaphore, #tpu.memory_space<semaphore_mem>>) src(%arg18 : memref<40x128xf32, #tpu.memory_space<vmem>>) dst(%dma_wait3A_647 : memref<40x128xf32, #tpu.memory_space<vmem_shared>>)
      tpu.yield
    }) : () -> ()
    %add3A_26 = arith.constant 160 : i32
    %add3A_27 = arith.addi %mul3A_18, %add3A_26 : i32
    "tpu.region"() ({
      %run_scoped3A = tpu.sem_alloc : memref<!tpu.dma_semaphore, #tpu.memory_space<semaphore_mem>>
      %dma_start3A_640 = arith.constant 0 : i32
      %dma_start3A_641 = tpu.memref_slice %arg8[%add3A_27, %dma_start3A_640] : memref<10240x128xf32, #tpu.memory_space<vmem_shared>> -> memref<40x128xf32, #tpu.memory_space<vmem_shared>>
      %dma_start3A_642 = arith.constant 0 : i32
      %dma_start3A_643 = tpu.memref_slice %arg8[%add3A_27, %dma_start3A_642] : memref<10240x128xf32, #tpu.memory_space<vmem_shared>> -> memref<40x128xf32, #tpu.memory_space<vmem_shared>>
      tpu.enqueue_dma source(%arg18 : memref<40x128xf32, #tpu.memory_space<vmem>>) target(%dma_start3A_643 : memref<40x128xf32, #tpu.memory_space<vmem_shared>>) target_semaphore(%run_scoped3A : memref<!tpu.dma_semaphore, #tpu.memory_space<semaphore_mem>>)
      %dma_wait3A_644 = arith.constant 0 : i32
      %dma_wait3A_645 = tpu.memref_slice %arg8[%add3A_27, %dma_wait3A_644] : memref<10240x128xf32, #tpu.memory_space<vmem_shared>> -> memref<40x128xf32, #tpu.memory_space<vmem_shared>>
      %dma_wait3A_646 = arith.constant 0 : i32
      %dma_wait3A_647 = tpu.memref_slice %arg8[%add3A_27, %dma_wait3A_646] : memref<10240x128xf32, #tpu.memory_space<vmem_shared>> -> memref<40x128xf32, #tpu.memory_space<vmem_shared>>
      tpu.wait_dma2 semaphore(%run_scoped3A : memref<!tpu.dma_semaphore, #tpu.memory_space<semaphore_mem>>) src(%arg18 : memref<40x128xf32, #tpu.memory_space<vmem>>) dst(%dma_wait3A_647 : memref<40x128xf32, #tpu.memory_space<vmem_shared>>)
      tpu.yield
    }) : () -> ()
    %add3A_28 = arith.constant 200 : i32
    %add3A_29 = arith.addi %mul3A_18, %add3A_28 : i32
    "tpu.region"() ({
      %run_scoped3A = tpu.sem_alloc : memref<!tpu.dma_semaphore, #tpu.memory_space<semaphore_mem>>
      %dma_start3A_640 = arith.constant 0 : i32
      %dma_start3A_641 = tpu.memref_slice %arg8[%add3A_29, %dma_start3A_640] : memref<10240x128xf32, #tpu.memory_space<vmem_shared>> -> memref<40x128xf32, #tpu.memory_space<vmem_shared>>
      %dma_start3A_642 = arith.constant 0 : i32
      %dma_start3A_643 = tpu.memref_slice %arg8[%add3A_29, %dma_start3A_642] : memref<10240x128xf32, #tpu.memory_space<vmem_shared>> -> memref<40x128xf32, #tpu.memory_space<vmem_shared>>
      tpu.enqueue_dma source(%arg18 : memref<40x128xf32, #tpu.memory_space<vmem>>) target(%dma_start3A_643 : memref<40x128xf32, #tpu.memory_space<vmem_shared>>) target_semaphore(%run_scoped3A : memref<!tpu.dma_semaphore, #tpu.memory_space<semaphore_mem>>)
      %dma_wait3A_644 = arith.constant 0 : i32
      %dma_wait3A_645 = tpu.memref_slice %arg8[%add3A_29, %dma_wait3A_644] : memref<10240x128xf32, #tpu.memory_space<vmem_shared>> -> memref<40x128xf32, #tpu.memory_space<vmem_shared>>
      %dma_wait3A_646 = arith.constant 0 : i32
      %dma_wait3A_647 = tpu.memref_slice %arg8[%add3A_29, %dma_wait3A_646] : memref<10240x128xf32, #tpu.memory_space<vmem_shared>> -> memref<40x128xf32, #tpu.memory_space<vmem_shared>>
      tpu.wait_dma2 semaphore(%run_scoped3A : memref<!tpu.dma_semaphore, #tpu.memory_space<semaphore_mem>>) src(%arg18 : memref<40x128xf32, #tpu.memory_space<vmem>>) dst(%dma_wait3A_647 : memref<40x128xf32, #tpu.memory_space<vmem_shared>>)
      tpu.yield
    }) : () -> ()
    %add3A_30 = arith.constant 240 : i32
    %add3A_31 = arith.addi %mul3A_18, %add3A_30 : i32
    "tpu.region"() ({
      %run_scoped3A = tpu.sem_alloc : memref<!tpu.dma_semaphore, #tpu.memory_space<semaphore_mem>>
      %dma_start3A_640 = arith.constant 0 : i32
      %dma_start3A_641 = tpu.memref_slice %arg8[%add3A_31, %dma_start3A_640] : memref<10240x128xf32, #tpu.memory_space<vmem_shared>> -> memref<40x128xf32, #tpu.memory_space<vmem_shared>>
      %dma_start3A_642 = arith.constant 0 : i32
      %dma_start3A_643 = tpu.memref_slice %arg8[%add3A_31, %dma_start3A_642] : memref<10240x128xf32, #tpu.memory_space<vmem_shared>> -> memref<40x128xf32, #tpu.memory_space<vmem_shared>>
      tpu.enqueue_dma source(%arg18 : memref<40x128xf32, #tpu.memory_space<vmem>>) target(%dma_start3A_643 : memref<40x128xf32, #tpu.memory_space<vmem_shared>>) target_semaphore(%run_scoped3A : memref<!tpu.dma_semaphore, #tpu.memory_space<semaphore_mem>>)
      %dma_wait3A_644 = arith.constant 0 : i32
      %dma_wait3A_645 = tpu.memref_slice %arg8[%add3A_31, %dma_wait3A_644] : memref<10240x128xf32, #tpu.memory_space<vmem_shared>> -> memref<40x128xf32, #tpu.memory_space<vmem_shared>>
      %dma_wait3A_646 = arith.constant 0 : i32
      %dma_wait3A_647 = tpu.memref_slice %arg8[%add3A_31, %dma_wait3A_646] : memref<10240x128xf32, #tpu.memory_space<vmem_shared>> -> memref<40x128xf32, #tpu.memory_space<vmem_shared>>
      tpu.wait_dma2 semaphore(%run_scoped3A : memref<!tpu.dma_semaphore, #tpu.memory_space<semaphore_mem>>) src(%arg18 : memref<40x128xf32, #tpu.memory_space<vmem>>) dst(%dma_wait3A_647 : memref<40x128xf32, #tpu.memory_space<vmem_shared>>)
      tpu.yield
    }) : () -> ()
    %add3A_32 = arith.constant 280 : i32
    %add3A_33 = arith.addi %mul3A_18, %add3A_32 : i32
    "tpu.region"() ({
      %run_scoped3A = tpu.sem_alloc : memref<!tpu.dma_semaphore, #tpu.memory_space<semaphore_mem>>
      %dma_start3A_640 = arith.constant 0 : i32
      %dma_start3A_641 = tpu.memref_slice %arg8[%add3A_33, %dma_start3A_640] : memref<10240x128xf32, #tpu.memory_space<vmem_shared>> -> memref<40x128xf32, #tpu.memory_space<vmem_shared>>
      %dma_start3A_642 = arith.constant 0 : i32
      %dma_start3A_643 = tpu.memref_slice %arg8[%add3A_33, %dma_start3A_642] : memref<10240x128xf32, #tpu.memory_space<vmem_shared>> -> memref<40x128xf32, #tpu.memory_space<vmem_shared>>
      tpu.enqueue_dma source(%arg18 : memref<40x128xf32, #tpu.memory_space<vmem>>) target(%dma_start3A_643 : memref<40x128xf32, #tpu.memory_space<vmem_shared>>) target_semaphore(%run_scoped3A : memref<!tpu.dma_semaphore, #tpu.memory_space<semaphore_mem>>)
      %dma_wait3A_644 = arith.constant 0 : i32
      %dma_wait3A_645 = tpu.memref_slice %arg8[%add3A_33, %dma_wait3A_644] : memref<10240x128xf32, #tpu.memory_space<vmem_shared>> -> memref<40x128xf32, #tpu.memory_space<vmem_shared>>
      %dma_wait3A_646 = arith.constant 0 : i32
      %dma_wait3A_647 = tpu.memref_slice %arg8[%add3A_33, %dma_wait3A_646] : memref<10240x128xf32, #tpu.memory_space<vmem_shared>> -> memref<40x128xf32, #tpu.memory_space<vmem_shared>>
      tpu.wait_dma2 semaphore(%run_scoped3A : memref<!tpu.dma_semaphore, #tpu.memory_space<semaphore_mem>>) src(%arg18 : memref<40x128xf32, #tpu.memory_space<vmem>>) dst(%dma_wait3A_647 : memref<40x128xf32, #tpu.memory_space<vmem_shared>>)
      tpu.yield
    }) : () -> ()
    %add3A_34 = arith.constant 320 : i32
    %add3A_35 = arith.addi %mul3A_18, %add3A_34 : i32
    "tpu.region"() ({
      %run_scoped3A = tpu.sem_alloc : memref<!tpu.dma_semaphore, #tpu.memory_space<semaphore_mem>>
      %dma_start3A_640 = arith.constant 0 : i32
      %dma_start3A_641 = tpu.memref_slice %arg8[%add3A_35, %dma_start3A_640] : memref<10240x128xf32, #tpu.memory_space<vmem_shared>> -> memref<40x128xf32, #tpu.memory_space<vmem_shared>>
      %dma_start3A_642 = arith.constant 0 : i32
      %dma_start3A_643 = tpu.memref_slice %arg8[%add3A_35, %dma_start3A_642] : memref<10240x128xf32, #tpu.memory_space<vmem_shared>> -> memref<40x128xf32, #tpu.memory_space<vmem_shared>>
      tpu.enqueue_dma source(%arg18 : memref<40x128xf32, #tpu.memory_space<vmem>>) target(%dma_start3A_643 : memref<40x128xf32, #tpu.memory_space<vmem_shared>>) target_semaphore(%run_scoped3A : memref<!tpu.dma_semaphore, #tpu.memory_space<semaphore_mem>>)
      %dma_wait3A_644 = arith.constant 0 : i32
      %dma_wait3A_645 = tpu.memref_slice %arg8[%add3A_35, %dma_wait3A_644] : memref<10240x128xf32, #tpu.memory_space<vmem_shared>> -> memref<40x128xf32, #tpu.memory_space<vmem_shared>>
      %dma_wait3A_646 = arith.constant 0 : i32
      %dma_wait3A_647 = tpu.memref_slice %arg8[%add3A_35, %dma_wait3A_646] : memref<10240x128xf32, #tpu.memory_space<vmem_shared>> -> memref<40x128xf32, #tpu.memory_space<vmem_shared>>
      tpu.wait_dma2 semaphore(%run_scoped3A : memref<!tpu.dma_semaphore, #tpu.memory_space<semaphore_mem>>) src(%arg18 : memref<40x128xf32, #tpu.memory_space<vmem>>) dst(%dma_wait3A_647 : memref<40x128xf32, #tpu.memory_space<vmem_shared>>)
      tpu.yield
    }) : () -> ()
    %add3A_36 = arith.constant 360 : i32
    %add3A_37 = arith.addi %mul3A_18, %add3A_36 : i32
    "tpu.region"() ({
      %run_scoped3A = tpu.sem_alloc : memref<!tpu.dma_semaphore, #tpu.memory_space<semaphore_mem>>
      %dma_start3A_640 = arith.constant 0 : i32
      %dma_start3A_641 = tpu.memref_slice %arg8[%add3A_37, %dma_start3A_640] : memref<10240x128xf32, #tpu.memory_space<vmem_shared>> -> memref<40x128xf32, #tpu.memory_space<vmem_shared>>
      %dma_start3A_642 = arith.constant 0 : i32
      %dma_start3A_643 = tpu.memref_slice %arg8[%add3A_37, %dma_start3A_642] : memref<10240x128xf32, #tpu.memory_space<vmem_shared>> -> memref<40x128xf32, #tpu.memory_space<vmem_shared>>
      tpu.enqueue_dma source(%arg18 : memref<40x128xf32, #tpu.memory_space<vmem>>) target(%dma_start3A_643 : memref<40x128xf32, #tpu.memory_space<vmem_shared>>) target_semaphore(%run_scoped3A : memref<!tpu.dma_semaphore, #tpu.memory_space<semaphore_mem>>)
      %dma_wait3A_644 = arith.constant 0 : i32
      %dma_wait3A_645 = tpu.memref_slice %arg8[%add3A_37, %dma_wait3A_644] : memref<10240x128xf32, #tpu.memory_space<vmem_shared>> -> memref<40x128xf32, #tpu.memory_space<vmem_shared>>
      %dma_wait3A_646 = arith.constant 0 : i32
      %dma_wait3A_647 = tpu.memref_slice %arg8[%add3A_37, %dma_wait3A_646] : memref<10240x128xf32, #tpu.memory_space<vmem_shared>> -> memref<40x128xf32, #tpu.memory_space<vmem_shared>>
      tpu.wait_dma2 semaphore(%run_scoped3A : memref<!tpu.dma_semaphore, #tpu.memory_space<semaphore_mem>>) src(%arg18 : memref<40x128xf32, #tpu.memory_space<vmem>>) dst(%dma_wait3A_647 : memref<40x128xf32, #tpu.memory_space<vmem_shared>>)
      tpu.yield
    }) : () -> ()
    %add3A_38 = arith.constant 400 : i32
    %add3A_39 = arith.addi %mul3A_18, %add3A_38 : i32
    "tpu.region"() ({
      %run_scoped3A = tpu.sem_alloc : memref<!tpu.dma_semaphore, #tpu.memory_space<semaphore_mem>>
      %dma_start3A_640 = arith.constant 0 : i32
      %dma_start3A_641 = tpu.memref_slice %arg8[%add3A_39, %dma_start3A_640] : memref<10240x128xf32, #tpu.memory_space<vmem_shared>> -> memref<40x128xf32, #tpu.memory_space<vmem_shared>>
      %dma_start3A_642 = arith.constant 0 : i32
      %dma_start3A_643 = tpu.memref_slice %arg8[%add3A_39, %dma_start3A_642] : memref<10240x128xf32, #tpu.memory_space<vmem_shared>> -> memref<40x128xf32, #tpu.memory_space<vmem_shared>>
      tpu.enqueue_dma source(%arg18 : memref<40x128xf32, #tpu.memory_space<vmem>>) target(%dma_start3A_643 : memref<40x128xf32, #tpu.memory_space<vmem_shared>>) target_semaphore(%run_scoped3A : memref<!tpu.dma_semaphore, #tpu.memory_space<semaphore_mem>>)
      %dma_wait3A_644 = arith.constant 0 : i32
      %dma_wait3A_645 = tpu.memref_slice %arg8[%add3A_39, %dma_wait3A_644] : memref<10240x128xf32, #tpu.memory_space<vmem_shared>> -> memref<40x128xf32, #tpu.memory_space<vmem_shared>>
      %dma_wait3A_646 = arith.constant 0 : i32
      %dma_wait3A_647 = tpu.memref_slice %arg8[%add3A_39, %dma_wait3A_646] : memref<10240x128xf32, #tpu.memory_space<vmem_shared>> -> memref<40x128xf32, #tpu.memory_space<vmem_shared>>
      tpu.wait_dma2 semaphore(%run_scoped3A : memref<!tpu.dma_semaphore, #tpu.memory_space<semaphore_mem>>) src(%arg18 : memref<40x128xf32, #tpu.memory_space<vmem>>) dst(%dma_wait3A_647 : memref<40x128xf32, #tpu.memory_space<vmem_shared>>)
      tpu.yield
    }) : () -> ()
    %add3A_40 = arith.constant 440 : i32
    %add3A_41 = arith.addi %mul3A_18, %add3A_40 : i32
    "tpu.region"() ({
      %run_scoped3A = tpu.sem_alloc : memref<!tpu.dma_semaphore, #tpu.memory_space<semaphore_mem>>
      %dma_start3A_640 = arith.constant 0 : i32
      %dma_start3A_641 = tpu.memref_slice %arg8[%add3A_41, %dma_start3A_640] : memref<10240x128xf32, #tpu.memory_space<vmem_shared>> -> memref<40x128xf32, #tpu.memory_space<vmem_shared>>
      %dma_start3A_642 = arith.constant 0 : i32
      %dma_start3A_643 = tpu.memref_slice %arg8[%add3A_41, %dma_start3A_642] : memref<10240x128xf32, #tpu.memory_space<vmem_shared>> -> memref<40x128xf32, #tpu.memory_space<vmem_shared>>
      tpu.enqueue_dma source(%arg18 : memref<40x128xf32, #tpu.memory_space<vmem>>) target(%dma_start3A_643 : memref<40x128xf32, #tpu.memory_space<vmem_shared>>) target_semaphore(%run_scoped3A : memref<!tpu.dma_semaphore, #tpu.memory_space<semaphore_mem>>)
      %dma_wait3A_644 = arith.constant 0 : i32
      %dma_wait3A_645 = tpu.memref_slice %arg8[%add3A_41, %dma_wait3A_644] : memref<10240x128xf32, #tpu.memory_space<vmem_shared>> -> memref<40x128xf32, #tpu.memory_space<vmem_shared>>
      %dma_wait3A_646 = arith.constant 0 : i32
      %dma_wait3A_647 = tpu.memref_slice %arg8[%add3A_41, %dma_wait3A_646] : memref<10240x128xf32, #tpu.memory_space<vmem_shared>> -> memref<40x128xf32, #tpu.memory_space<vmem_shared>>
      tpu.wait_dma2 semaphore(%run_scoped3A : memref<!tpu.dma_semaphore, #tpu.memory_space<semaphore_mem>>) src(%arg18 : memref<40x128xf32, #tpu.memory_space<vmem>>) dst(%dma_wait3A_647 : memref<40x128xf32, #tpu.memory_space<vmem_shared>>)
      tpu.yield
    }) : () -> ()
    %add3A_42 = arith.constant 480 : i32
    %add3A_43 = arith.addi %mul3A_18, %add3A_42 : i32
    "tpu.region"() ({
      %run_scoped3A = tpu.sem_alloc : memref<!tpu.dma_semaphore, #tpu.memory_space<semaphore_mem>>
      %dma_start3A_640 = arith.constant 0 : i32
      %dma_start3A_641 = tpu.memref_slice %arg8[%add3A_43, %dma_start3A_640] : memref<10240x128xf32, #tpu.memory_space<vmem_shared>> -> memref<40x128xf32, #tpu.memory_space<vmem_shared>>
      %dma_start3A_642 = arith.constant 0 : i32
      %dma_start3A_643 = tpu.memref_slice %arg8[%add3A_43, %dma_start3A_642] : memref<10240x128xf32, #tpu.memory_space<vmem_shared>> -> memref<40x128xf32, #tpu.memory_space<vmem_shared>>
      tpu.enqueue_dma source(%arg18 : memref<40x128xf32, #tpu.memory_space<vmem>>) target(%dma_start3A_643 : memref<40x128xf32, #tpu.memory_space<vmem_shared>>) target_semaphore(%run_scoped3A : memref<!tpu.dma_semaphore, #tpu.memory_space<semaphore_mem>>)
      %dma_wait3A_644 = arith.constant 0 : i32
      %dma_wait3A_645 = tpu.memref_slice %arg8[%add3A_43, %dma_wait3A_644] : memref<10240x128xf32, #tpu.memory_space<vmem_shared>> -> memref<40x128xf32, #tpu.memory_space<vmem_shared>>
      %dma_wait3A_646 = arith.constant 0 : i32
      %dma_wait3A_647 = tpu.memref_slice %arg8[%add3A_43, %dma_wait3A_646] : memref<10240x128xf32, #tpu.memory_space<vmem_shared>> -> memref<40x128xf32, #tpu.memory_space<vmem_shared>>
      tpu.wait_dma2 semaphore(%run_scoped3A : memref<!tpu.dma_semaphore, #tpu.memory_space<semaphore_mem>>) src(%arg18 : memref<40x128xf32, #tpu.memory_space<vmem>>) dst(%dma_wait3A_647 : memref<40x128xf32, #tpu.memory_space<vmem_shared>>)
      tpu.yield
    }) : () -> ()
    %add3A_44 = arith.constant 520 : i32
    %add3A_45 = arith.addi %mul3A_18, %add3A_44 : i32
    "tpu.region"() ({
      %run_scoped3A = tpu.sem_alloc : memref<!tpu.dma_semaphore, #tpu.memory_space<semaphore_mem>>
      %dma_start3A_640 = arith.constant 0 : i32
      %dma_start3A_641 = tpu.memref_slice %arg8[%add3A_45, %dma_start3A_640] : memref<10240x128xf32, #tpu.memory_space<vmem_shared>> -> memref<40x128xf32, #tpu.memory_space<vmem_shared>>
      %dma_start3A_642 = arith.constant 0 : i32
      %dma_start3A_643 = tpu.memref_slice %arg8[%add3A_45, %dma_start3A_642] : memref<10240x128xf32, #tpu.memory_space<vmem_shared>> -> memref<40x128xf32, #tpu.memory_space<vmem_shared>>
      tpu.enqueue_dma source(%arg18 : memref<40x128xf32, #tpu.memory_space<vmem>>) target(%dma_start3A_643 : memref<40x128xf32, #tpu.memory_space<vmem_shared>>) target_semaphore(%run_scoped3A : memref<!tpu.dma_semaphore, #tpu.memory_space<semaphore_mem>>)
      %dma_wait3A_644 = arith.constant 0 : i32
      %dma_wait3A_645 = tpu.memref_slice %arg8[%add3A_45, %dma_wait3A_644] : memref<10240x128xf32, #tpu.memory_space<vmem_shared>> -> memref<40x128xf32, #tpu.memory_space<vmem_shared>>
      %dma_wait3A_646 = arith.constant 0 : i32
      %dma_wait3A_647 = tpu.memref_slice %arg8[%add3A_45, %dma_wait3A_646] : memref<10240x128xf32, #tpu.memory_space<vmem_shared>> -> memref<40x128xf32, #tpu.memory_space<vmem_shared>>
      tpu.wait_dma2 semaphore(%run_scoped3A : memref<!tpu.dma_semaphore, #tpu.memory_space<semaphore_mem>>) src(%arg18 : memref<40x128xf32, #tpu.memory_space<vmem>>) dst(%dma_wait3A_647 : memref<40x128xf32, #tpu.memory_space<vmem_shared>>)
      tpu.yield
    }) : () -> ()
    %add3A_46 = arith.constant 560 : i32
    %add3A_47 = arith.addi %mul3A_18, %add3A_46 : i32
    "tpu.region"() ({
      %run_scoped3A = tpu.sem_alloc : memref<!tpu.dma_semaphore, #tpu.memory_space<semaphore_mem>>
      %dma_start3A_640 = arith.constant 0 : i32
      %dma_start3A_641 = tpu.memref_slice %arg8[%add3A_47, %dma_start3A_640] : memref<10240x128xf32, #tpu.memory_space<vmem_shared>> -> memref<40x128xf32, #tpu.memory_space<vmem_shared>>
      %dma_start3A_642 = arith.constant 0 : i32
      %dma_start3A_643 = tpu.memref_slice %arg8[%add3A_47, %dma_start3A_642] : memref<10240x128xf32, #tpu.memory_space<vmem_shared>> -> memref<40x128xf32, #tpu.memory_space<vmem_shared>>
      tpu.enqueue_dma source(%arg18 : memref<40x128xf32, #tpu.memory_space<vmem>>) target(%dma_start3A_643 : memref<40x128xf32, #tpu.memory_space<vmem_shared>>) target_semaphore(%run_scoped3A : memref<!tpu.dma_semaphore, #tpu.memory_space<semaphore_mem>>)
      %dma_wait3A_644 = arith.constant 0 : i32
      %dma_wait3A_645 = tpu.memref_slice %arg8[%add3A_47, %dma_wait3A_644] : memref<10240x128xf32, #tpu.memory_space<vmem_shared>> -> memref<40x128xf32, #tpu.memory_space<vmem_shared>>
      %dma_wait3A_646 = arith.constant 0 : i32
      %dma_wait3A_647 = tpu.memref_slice %arg8[%add3A_47, %dma_wait3A_646] : memref<10240x128xf32, #tpu.memory_space<vmem_shared>> -> memref<40x128xf32, #tpu.memory_space<vmem_shared>>
      tpu.wait_dma2 semaphore(%run_scoped3A : memref<!tpu.dma_semaphore, #tpu.memory_space<semaphore_mem>>) src(%arg18 : memref<40x128xf32, #tpu.memory_space<vmem>>) dst(%dma_wait3A_647 : memref<40x128xf32, #tpu.memory_space<vmem_shared>>)
      tpu.yield
    }) : () -> ()
    %add3A_48 = arith.constant 600 : i32
    %add3A_49 = arith.addi %mul3A_18, %add3A_48 : i32
    "tpu.region"() ({
      %run_scoped3A = tpu.sem_alloc : memref<!tpu.dma_semaphore, #tpu.memory_space<semaphore_mem>>
      %dma_start3A_640 = arith.constant 0 : i32
      %dma_start3A_641 = tpu.memref_slice %arg8[%add3A_49, %dma_start3A_640] : memref<10240x128xf32, #tpu.memory_space<vmem_shared>> -> memref<40x128xf32, #tpu.memory_space<vmem_shared>>
      %dma_start3A_642 = arith.constant 0 : i32
      %dma_start3A_643 = tpu.memref_slice %arg8[%add3A_49, %dma_start3A_642] : memref<10240x128xf32, #tpu.memory_space<vmem_shared>> -> memref<40x128xf32, #tpu.memory_space<vmem_shared>>
      tpu.enqueue_dma source(%arg18 : memref<40x128xf32, #tpu.memory_space<vmem>>) target(%dma_start3A_643 : memref<40x128xf32, #tpu.memory_space<vmem_shared>>) target_semaphore(%run_scoped3A : memref<!tpu.dma_semaphore, #tpu.memory_space<semaphore_mem>>)
      %dma_wait3A_644 = arith.constant 0 : i32
      %dma_wait3A_645 = tpu.memref_slice %arg8[%add3A_49, %dma_wait3A_644] : memref<10240x128xf32, #tpu.memory_space<vmem_shared>> -> memref<40x128xf32, #tpu.memory_space<vmem_shared>>
      %dma_wait3A_646 = arith.constant 0 : i32
      %dma_wait3A_647 = tpu.memref_slice %arg8[%add3A_49, %dma_wait3A_646] : memref<10240x128xf32, #tpu.memory_space<vmem_shared>> -> memref<40x128xf32, #tpu.memory_space<vmem_shared>>
      tpu.wait_dma2 semaphore(%run_scoped3A : memref<!tpu.dma_semaphore, #tpu.memory_space<semaphore_mem>>) src(%arg18 : memref<40x128xf32, #tpu.memory_space<vmem>>) dst(%dma_wait3A_647 : memref<40x128xf32, #tpu.memory_space<vmem_shared>>)
      tpu.yield
    }) : () -> ()
    %barrier3A = arith.constant 0 : index
    tpu.barrier barrier_id(%barrier3A)
    %mul3A_50 = arith.constant 20000 : i32
    %mul3A_51 = arith.muli %arg1, %mul3A_50 : i32
    %add3A_52 = arith.constant 0 : i32
    %add3A_53 = arith.addi %mul3A_51, %add3A_52 : i32
    %dma_start3A = arith.constant 0 : i32
    %dma_start3A_54 = tpu.memref_slice %arg3[%add3A_53] : memref<320000xi32, #tpu.memory_space<hbm>> -> memref<2000xi32, #tpu.memory_space<hbm>>
    %dma_start3A_55 = tpu.memref_slice %arg36[%dma_start3A] : memref<2x!tpu.dma_semaphore, #tpu.memory_space<semaphore_mem>> -> memref<1x!tpu.dma_semaphore, #tpu.memory_space<semaphore_mem>>
    %dma_start3A_56 = tpu.memref_squeeze %dma_start3A_55 : memref<1x!tpu.dma_semaphore, #tpu.memory_space<semaphore_mem>> -> memref<!tpu.dma_semaphore, #tpu.memory_space<semaphore_mem>>
    %dma_start3A_57 = tpu.memref_slice %arg3[%add3A_53] : memref<320000xi32, #tpu.memory_space<hbm>> -> memref<2000xi32, #tpu.memory_space<hbm>>
    tpu.enqueue_dma source(%dma_start3A_57 : memref<2000xi32, #tpu.memory_space<hbm>>) target(%arg27 : memref<2000xi32, #tpu.memory_space<vmem>>) target_semaphore(%dma_start3A_56 : memref<!tpu.dma_semaphore, #tpu.memory_space<semaphore_mem>>)
    %mul3A_58 = arith.constant 20000 : i32
    %mul3A_59 = arith.muli %arg1, %mul3A_58 : i32
    %add3A_60 = arith.constant 0 : i32
    %add3A_61 = arith.addi %mul3A_59, %add3A_60 : i32
    %dma_wait3A = arith.constant 0 : i32
    %dma_wait3A_62 = tpu.memref_slice %arg3[%add3A_61] : memref<320000xi32, #tpu.memory_space<hbm>> -> memref<2000xi32, #tpu.memory_space<hbm>>
    %dma_wait3A_63 = tpu.memref_slice %arg36[%dma_wait3A] : memref<2x!tpu.dma_semaphore, #tpu.memory_space<semaphore_mem>> -> memref<1x!tpu.dma_semaphore, #tpu.memory_space<semaphore_mem>>
    %dma_wait3A_64 = tpu.memref_squeeze %dma_wait3A_63 : memref<1x!tpu.dma_semaphore, #tpu.memory_space<semaphore_mem>> -> memref<!tpu.dma_semaphore, #tpu.memory_space<semaphore_mem>>
    %dma_wait3A_65 = tpu.memref_slice %arg3[%add3A_61] : memref<320000xi32, #tpu.memory_space<hbm>> -> memref<2000xi32, #tpu.memory_space<hbm>>
    tpu.wait_dma2 semaphore(%dma_wait3A_64 : memref<!tpu.dma_semaphore, #tpu.memory_space<semaphore_mem>>) src(%dma_wait3A_65 : memref<2000xi32, #tpu.memory_space<hbm>>) dst(%arg27 : memref<2000xi32, #tpu.memory_space<vmem>>)
    %mul3A_66 = arith.constant 20000 : i32
    %mul3A_67 = arith.muli %arg1, %mul3A_66 : i32
    %add3A_68 = arith.constant 2000 : i32
    %add3A_69 = arith.addi %mul3A_67, %add3A_68 : i32
    %dma_start3A_70 = arith.constant 1 : i32
    %dma_start3A_71 = tpu.memref_slice %arg3[%add3A_69] : memref<320000xi32, #tpu.memory_space<hbm>> -> memref<2000xi32, #tpu.memory_space<hbm>>
    %dma_start3A_72 = tpu.memref_slice %arg36[%dma_start3A_70] : memref<2x!tpu.dma_semaphore, #tpu.memory_space<semaphore_mem>> -> memref<1x!tpu.dma_semaphore, #tpu.memory_space<semaphore_mem>>
    %dma_start3A_73 = tpu.memref_squeeze %dma_start3A_72 : memref<1x!tpu.dma_semaphore, #tpu.memory_space<semaphore_mem>> -> memref<!tpu.dma_semaphore, #tpu.memory_space<semaphore_mem>>
    %dma_start3A_74 = tpu.memref_slice %arg3[%add3A_69] : memref<320000xi32, #tpu.memory_space<hbm>> -> memref<2000xi32, #tpu.memory_space<hbm>>
    tpu.enqueue_dma source(%dma_start3A_74 : memref<2000xi32, #tpu.memory_space<hbm>>) target(%arg28 : memref<2000xi32, #tpu.memory_space<vmem>>) target_semaphore(%dma_start3A_73 : memref<!tpu.dma_semaphore, #tpu.memory_space<semaphore_mem>>)
    %scan3A_75 = arith.constant 0 : i32
    %scan3A_76 = arith.constant 25 : i32
    %scan3A_77 = arith.addi %scan3A_75, %scan3A_76 : i32
    %scan3A_78 = arith.constant 1 : i32
    scf.for %scan3A_640 = %scan3A_75 to %scan3A_77 step %scan3A_78  : i32 {
      %mul3A_641 = arith.constant 1 : i32
      %mul3A_642 = arith.muli %scan3A_640, %mul3A_641 : i32
      %add3A_643 = arith.constant 0 : i32
      %add3A_644 = arith.addi %add3A_643, %mul3A_642 : i32
      %mul3A_645 = arith.constant 80 : i32
      %mul3A_646 = arith.muli %add3A_644, %mul3A_645 : i32
      %dma_start3A_647 = tpu.memref_slice %arg27[%mul3A_646] : memref<2000xi32, #tpu.memory_space<vmem>> -> memref<80xi32, #tpu.memory_space<vmem>>
      %dma_start3A_648 = arith.constant 0 : i32
      %dma_start3A_649 = tpu.memref_slice %arg9[%dma_start3A_648] : memref<10240xf32, #tpu.memory_space<vmem_shared>> -> memref<10240xf32, #tpu.memory_space<vmem_shared>>
      tpu.enqueue_indirect_dma source(%arg30 : memref<80xf32, #tpu.memory_space<vmem>>) target(%dma_start3A_649 : memref<10240xf32, #tpu.memory_space<vmem_shared>>) offsets(%dma_start3A_647 : memref<80xi32, #tpu.memory_space<vmem>>) semaphore(%arg37 : memref<!tpu.dma_semaphore, #tpu.memory_space<semaphore_mem>>) {add = true}
    }
    %scan3A_79 = arith.constant 25 : i32
    %scan3A_80 = arith.constant 0 : i32
    %scan3A_81 = arith.constant 25 : i32
    %scan3A_82 = arith.addi %scan3A_80, %scan3A_81 : i32
    %scan3A_83 = arith.constant 1 : i32
    scf.for %scan3A_640 = %scan3A_80 to %scan3A_82 step %scan3A_83  : i32 {
      %mul3A_641 = arith.constant 1 : i32
      %mul3A_642 = arith.muli %scan3A_640, %mul3A_641 : i32
      %add3A_643 = arith.constant 0 : i32
      %add3A_644 = arith.addi %add3A_643, %mul3A_642 : i32
      %dma_wait3A_645 = arith.constant 0 : i32
      %dma_wait3A_646 = tpu.memref_slice %arg27[%dma_wait3A_645] : memref<2000xi32, #tpu.memory_space<vmem>> -> memref<80xi32, #tpu.memory_space<vmem>>
      %dma_wait3A_647 = arith.constant 0 : i32
      %dma_wait3A_648 = tpu.memref_slice %arg9[%dma_wait3A_647] : memref<10240xf32, #tpu.memory_space<vmem_shared>> -> memref<10240xf32, #tpu.memory_space<vmem_shared>>
      tpu.wait_indirect_dma semaphore(%arg37 : memref<!tpu.dma_semaphore, #tpu.memory_space<semaphore_mem>>) src(%arg30 : memref<80xf32, #tpu.memory_space<vmem>>) dst(%dma_wait3A_648 : memref<10240xf32, #tpu.memory_space<vmem_shared>>)
    }
    %scan3A_84 = arith.constant 25 : i32
    %mul3A_85 = arith.constant 20000 : i32
    %mul3A_86 = arith.muli %arg1, %mul3A_85 : i32
    %add3A_87 = arith.constant 2000 : i32
    %add3A_88 = arith.addi %mul3A_86, %add3A_87 : i32
    %dma_wait3A_89 = arith.constant 1 : i32
    %dma_wait3A_90 = tpu.memref_slice %arg3[%add3A_88] : memref<320000xi32, #tpu.memory_space<hbm>> -> memref<2000xi32, #tpu.memory_space<hbm>>
    %dma_wait3A_91 = tpu.memref_slice %arg36[%dma_wait3A_89] : memref<2x!tpu.dma_semaphore, #tpu.memory_space<semaphore_mem>> -> memref<1x!tpu.dma_semaphore, #tpu.memory_space<semaphore_mem>>
    %dma_wait3A_92 = tpu.memref_squeeze %dma_wait3A_91 : memref<1x!tpu.dma_semaphore, #tpu.memory_space<semaphore_mem>> -> memref<!tpu.dma_semaphore, #tpu.memory_space<semaphore_mem>>
    %dma_wait3A_93 = tpu.memref_slice %arg3[%add3A_88] : memref<320000xi32, #tpu.memory_space<hbm>> -> memref<2000xi32, #tpu.memory_space<hbm>>
    tpu.wait_dma2 semaphore(%dma_wait3A_92 : memref<!tpu.dma_semaphore, #tpu.memory_space<semaphore_mem>>) src(%dma_wait3A_93 : memref<2000xi32, #tpu.memory_space<hbm>>) dst(%arg28 : memref<2000xi32, #tpu.memory_space<vmem>>)
    %mul3A_94 = arith.constant 20000 : i32
    %mul3A_95 = arith.muli %arg1, %mul3A_94 : i32
    %add3A_96 = arith.constant 4000 : i32
    %add3A_97 = arith.addi %mul3A_95, %add3A_96 : i32
    %dma_start3A_98 = arith.constant 0 : i32
    %dma_start3A_99 = tpu.memref_slice %arg3[%add3A_97] : memref<320000xi32, #tpu.memory_space<hbm>> -> memref<2000xi32, #tpu.memory_space<hbm>>
    %dma_start3A_100 = tpu.memref_slice %arg36[%dma_start3A_98] : memref<2x!tpu.dma_semaphore, #tpu.memory_space<semaphore_mem>> -> memref<1x!tpu.dma_semaphore, #tpu.memory_space<semaphore_mem>>
    %dma_start3A_101 = tpu.memref_squeeze %dma_start3A_100 : memref<1x!tpu.dma_semaphore, #tpu.memory_space<semaphore_mem>> -> memref<!tpu.dma_semaphore, #tpu.memory_space<semaphore_mem>>
    %dma_start3A_102 = tpu.memref_slice %arg3[%add3A_97] : memref<320000xi32, #tpu.memory_space<hbm>> -> memref<2000xi32, #tpu.memory_space<hbm>>
    tpu.enqueue_dma source(%dma_start3A_102 : memref<2000xi32, #tpu.memory_space<hbm>>) target(%arg27 : memref<2000xi32, #tpu.memory_space<vmem>>) target_semaphore(%dma_start3A_101 : memref<!tpu.dma_semaphore, #tpu.memory_space<semaphore_mem>>)
    %scan3A_103 = arith.constant 0 : i32
    %scan3A_104 = arith.constant 25 : i32
    %scan3A_105 = arith.addi %scan3A_103, %scan3A_104 : i32
    %scan3A_106 = arith.constant 1 : i32
    scf.for %scan3A_640 = %scan3A_103 to %scan3A_105 step %scan3A_106  : i32 {
      %mul3A_641 = arith.constant 1 : i32
      %mul3A_642 = arith.muli %scan3A_640, %mul3A_641 : i32
      %add3A_643 = arith.constant 0 : i32
      %add3A_644 = arith.addi %add3A_643, %mul3A_642 : i32
      %mul3A_645 = arith.constant 80 : i32
      %mul3A_646 = arith.muli %add3A_644, %mul3A_645 : i32
      %dma_start3A_647 = tpu.memref_slice %arg28[%mul3A_646] : memref<2000xi32, #tpu.memory_space<vmem>> -> memref<80xi32, #tpu.memory_space<vmem>>
      %dma_start3A_648 = arith.constant 0 : i32
      %dma_start3A_649 = tpu.memref_slice %arg9[%dma_start3A_648] : memref<10240xf32, #tpu.memory_space<vmem_shared>> -> memref<10240xf32, #tpu.memory_space<vmem_shared>>
      tpu.enqueue_indirect_dma source(%arg30 : memref<80xf32, #tpu.memory_space<vmem>>) target(%dma_start3A_649 : memref<10240xf32, #tpu.memory_space<vmem_shared>>) offsets(%dma_start3A_647 : memref<80xi32, #tpu.memory_space<vmem>>) semaphore(%arg37 : memref<!tpu.dma_semaphore, #tpu.memory_space<semaphore_mem>>) {add = true}
    }
    %scan3A_107 = arith.constant 25 : i32
    %scan3A_108 = arith.constant 0 : i32
    %scan3A_109 = arith.constant 25 : i32
    %scan3A_110 = arith.addi %scan3A_108, %scan3A_109 : i32
    %scan3A_111 = arith.constant 1 : i32
    scf.for %scan3A_640 = %scan3A_108 to %scan3A_110 step %scan3A_111  : i32 {
      %mul3A_641 = arith.constant 1 : i32
      %mul3A_642 = arith.muli %scan3A_640, %mul3A_641 : i32
      %add3A_643 = arith.constant 0 : i32
      %add3A_644 = arith.addi %add3A_643, %mul3A_642 : i32
      %dma_wait3A_645 = arith.constant 0 : i32
      %dma_wait3A_646 = tpu.memref_slice %arg28[%dma_wait3A_645] : memref<2000xi32, #tpu.memory_space<vmem>> -> memref<80xi32, #tpu.memory_space<vmem>>
      %dma_wait3A_647 = arith.constant 0 : i32
      %dma_wait3A_648 = tpu.memref_slice %arg9[%dma_wait3A_647] : memref<10240xf32, #tpu.memory_space<vmem_shared>> -> memref<10240xf32, #tpu.memory_space<vmem_shared>>
      tpu.wait_indirect_dma semaphore(%arg37 : memref<!tpu.dma_semaphore, #tpu.memory_space<semaphore_mem>>) src(%arg30 : memref<80xf32, #tpu.memory_space<vmem>>) dst(%dma_wait3A_648 : memref<10240xf32, #tpu.memory_space<vmem_shared>>)
    }
    %scan3A_112 = arith.constant 25 : i32
    %mul3A_113 = arith.constant 20000 : i32
    %mul3A_114 = arith.muli %arg1, %mul3A_113 : i32
    %add3A_115 = arith.constant 4000 : i32
    %add3A_116 = arith.addi %mul3A_114, %add3A_115 : i32
    %dma_wait3A_117 = arith.constant 0 : i32
    %dma_wait3A_118 = tpu.memref_slice %arg3[%add3A_116] : memref<320000xi32, #tpu.memory_space<hbm>> -> memref<2000xi32, #tpu.memory_space<hbm>>
    %dma_wait3A_119 = tpu.memref_slice %arg36[%dma_wait3A_117] : memref<2x!tpu.dma_semaphore, #tpu.memory_space<semaphore_mem>> -> memref<1x!tpu.dma_semaphore, #tpu.memory_space<semaphore_mem>>
    %dma_wait3A_120 = tpu.memref_squeeze %dma_wait3A_119 : memref<1x!tpu.dma_semaphore, #tpu.memory_space<semaphore_mem>> -> memref<!tpu.dma_semaphore, #tpu.memory_space<semaphore_mem>>
    %dma_wait3A_121 = tpu.memref_slice %arg3[%add3A_116] : memref<320000xi32, #tpu.memory_space<hbm>> -> memref<2000xi32, #tpu.memory_space<hbm>>
    tpu.wait_dma2 semaphore(%dma_wait3A_120 : memref<!tpu.dma_semaphore, #tpu.memory_space<semaphore_mem>>) src(%dma_wait3A_121 : memref<2000xi32, #tpu.memory_space<hbm>>) dst(%arg27 : memref<2000xi32, #tpu.memory_space<vmem>>)
    %mul3A_122 = arith.constant 20000 : i32
    %mul3A_123 = arith.muli %arg1, %mul3A_122 : i32
    %add3A_124 = arith.constant 6000 : i32
    %add3A_125 = arith.addi %mul3A_123, %add3A_124 : i32
    %dma_start3A_126 = arith.constant 1 : i32
    %dma_start3A_127 = tpu.memref_slice %arg3[%add3A_125] : memref<320000xi32, #tpu.memory_space<hbm>> -> memref<2000xi32, #tpu.memory_space<hbm>>
    %dma_start3A_128 = tpu.memref_slice %arg36[%dma_start3A_126] : memref<2x!tpu.dma_semaphore, #tpu.memory_space<semaphore_mem>> -> memref<1x!tpu.dma_semaphore, #tpu.memory_space<semaphore_mem>>
    %dma_start3A_129 = tpu.memref_squeeze %dma_start3A_128 : memref<1x!tpu.dma_semaphore, #tpu.memory_space<semaphore_mem>> -> memref<!tpu.dma_semaphore, #tpu.memory_space<semaphore_mem>>
    %dma_start3A_130 = tpu.memref_slice %arg3[%add3A_125] : memref<320000xi32, #tpu.memory_space<hbm>> -> memref<2000xi32, #tpu.memory_space<hbm>>
    tpu.enqueue_dma source(%dma_start3A_130 : memref<2000xi32, #tpu.memory_space<hbm>>) target(%arg28 : memref<2000xi32, #tpu.memory_space<vmem>>) target_semaphore(%dma_start3A_129 : memref<!tpu.dma_semaphore, #tpu.memory_space<semaphore_mem>>)
    %scan3A_131 = arith.constant 0 : i32
    %scan3A_132 = arith.constant 25 : i32
    %scan3A_133 = arith.addi %scan3A_131, %scan3A_132 : i32
    %scan3A_134 = arith.constant 1 : i32
    scf.for %scan3A_640 = %scan3A_131 to %scan3A_133 step %scan3A_134  : i32 {
      %mul3A_641 = arith.constant 1 : i32
      %mul3A_642 = arith.muli %scan3A_640, %mul3A_641 : i32
      %add3A_643 = arith.constant 0 : i32
      %add3A_644 = arith.addi %add3A_643, %mul3A_642 : i32
      %mul3A_645 = arith.constant 80 : i32
      %mul3A_646 = arith.muli %add3A_644, %mul3A_645 : i32
      %dma_start3A_647 = tpu.memref_slice %arg27[%mul3A_646] : memref<2000xi32, #tpu.memory_space<vmem>> -> memref<80xi32, #tpu.memory_space<vmem>>
      %dma_start3A_648 = arith.constant 0 : i32
      %dma_start3A_649 = tpu.memref_slice %arg9[%dma_start3A_648] : memref<10240xf32, #tpu.memory_space<vmem_shared>> -> memref<10240xf32, #tpu.memory_space<vmem_shared>>
      tpu.enqueue_indirect_dma source(%arg30 : memref<80xf32, #tpu.memory_space<vmem>>) target(%dma_start3A_649 : memref<10240xf32, #tpu.memory_space<vmem_shared>>) offsets(%dma_start3A_647 : memref<80xi32, #tpu.memory_space<vmem>>) semaphore(%arg37 : memref<!tpu.dma_semaphore, #tpu.memory_space<semaphore_mem>>) {add = true}
    }
    %scan3A_135 = arith.constant 25 : i32
    %scan3A_136 = arith.constant 0 : i32
    %scan3A_137 = arith.constant 25 : i32
    %scan3A_138 = arith.addi %scan3A_136, %scan3A_137 : i32
    %scan3A_139 = arith.constant 1 : i32
    scf.for %scan3A_640 = %scan3A_136 to %scan3A_138 step %scan3A_139  : i32 {
      %mul3A_641 = arith.constant 1 : i32
      %mul3A_642 = arith.muli %scan3A_640, %mul3A_641 : i32
      %add3A_643 = arith.constant 0 : i32
      %add3A_644 = arith.addi %add3A_643, %mul3A_642 : i32
      %dma_wait3A_645 = arith.constant 0 : i32
      %dma_wait3A_646 = tpu.memref_slice %arg27[%dma_wait3A_645] : memref<2000xi32, #tpu.memory_space<vmem>> -> memref<80xi32, #tpu.memory_space<vmem>>
      %dma_wait3A_647 = arith.constant 0 : i32
      %dma_wait3A_648 = tpu.memref_slice %arg9[%dma_wait3A_647] : memref<10240xf32, #tpu.memory_space<vmem_shared>> -> memref<10240xf32, #tpu.memory_space<vmem_shared>>
      tpu.wait_indirect_dma semaphore(%arg37 : memref<!tpu.dma_semaphore, #tpu.memory_space<semaphore_mem>>) src(%arg30 : memref<80xf32, #tpu.memory_space<vmem>>) dst(%dma_wait3A_648 : memref<10240xf32, #tpu.memory_space<vmem_shared>>)
    }
    %scan3A_140 = arith.constant 25 : i32
    %mul3A_141 = arith.constant 20000 : i32
    %mul3A_142 = arith.muli %arg1, %mul3A_141 : i32
    %add3A_143 = arith.constant 6000 : i32
    %add3A_144 = arith.addi %mul3A_142, %add3A_143 : i32
    %dma_wait3A_145 = arith.constant 1 : i32
    %dma_wait3A_146 = tpu.memref_slice %arg3[%add3A_144] : memref<320000xi32, #tpu.memory_space<hbm>> -> memref<2000xi32, #tpu.memory_space<hbm>>
    %dma_wait3A_147 = tpu.memref_slice %arg36[%dma_wait3A_145] : memref<2x!tpu.dma_semaphore, #tpu.memory_space<semaphore_mem>> -> memref<1x!tpu.dma_semaphore, #tpu.memory_space<semaphore_mem>>
    %dma_wait3A_148 = tpu.memref_squeeze %dma_wait3A_147 : memref<1x!tpu.dma_semaphore, #tpu.memory_space<semaphore_mem>> -> memref<!tpu.dma_semaphore, #tpu.memory_space<semaphore_mem>>
    %dma_wait3A_149 = tpu.memref_slice %arg3[%add3A_144] : memref<320000xi32, #tpu.memory_space<hbm>> -> memref<2000xi32, #tpu.memory_space<hbm>>
    tpu.wait_dma2 semaphore(%dma_wait3A_148 : memref<!tpu.dma_semaphore, #tpu.memory_space<semaphore_mem>>) src(%dma_wait3A_149 : memref<2000xi32, #tpu.memory_space<hbm>>) dst(%arg28 : memref<2000xi32, #tpu.memory_space<vmem>>)
    %mul3A_150 = arith.constant 20000 : i32
    %mul3A_151 = arith.muli %arg1, %mul3A_150 : i32
    %add3A_152 = arith.constant 8000 : i32
    %add3A_153 = arith.addi %mul3A_151, %add3A_152 : i32
    %dma_start3A_154 = arith.constant 0 : i32
    %dma_start3A_155 = tpu.memref_slice %arg3[%add3A_153] : memref<320000xi32, #tpu.memory_space<hbm>> -> memref<2000xi32, #tpu.memory_space<hbm>>
    %dma_start3A_156 = tpu.memref_slice %arg36[%dma_start3A_154] : memref<2x!tpu.dma_semaphore, #tpu.memory_space<semaphore_mem>> -> memref<1x!tpu.dma_semaphore, #tpu.memory_space<semaphore_mem>>
    %dma_start3A_157 = tpu.memref_squeeze %dma_start3A_156 : memref<1x!tpu.dma_semaphore, #tpu.memory_space<semaphore_mem>> -> memref<!tpu.dma_semaphore, #tpu.memory_space<semaphore_mem>>
    %dma_start3A_158 = tpu.memref_slice %arg3[%add3A_153] : memref<320000xi32, #tpu.memory_space<hbm>> -> memref<2000xi32, #tpu.memory_space<hbm>>
    tpu.enqueue_dma source(%dma_start3A_158 : memref<2000xi32, #tpu.memory_space<hbm>>) target(%arg27 : memref<2000xi32, #tpu.memory_space<vmem>>) target_semaphore(%dma_start3A_157 : memref<!tpu.dma_semaphore, #tpu.memory_space<semaphore_mem>>)
    %scan3A_159 = arith.constant 0 : i32
    %scan3A_160 = arith.constant 25 : i32
    %scan3A_161 = arith.addi %scan3A_159, %scan3A_160 : i32
    %scan3A_162 = arith.constant 1 : i32
    scf.for %scan3A_640 = %scan3A_159 to %scan3A_161 step %scan3A_162  : i32 {
      %mul3A_641 = arith.constant 1 : i32
      %mul3A_642 = arith.muli %scan3A_640, %mul3A_641 : i32
      %add3A_643 = arith.constant 0 : i32
      %add3A_644 = arith.addi %add3A_643, %mul3A_642 : i32
      %mul3A_645 = arith.constant 80 : i32
      %mul3A_646 = arith.muli %add3A_644, %mul3A_645 : i32
      %dma_start3A_647 = tpu.memref_slice %arg28[%mul3A_646] : memref<2000xi32, #tpu.memory_space<vmem>> -> memref<80xi32, #tpu.memory_space<vmem>>
      %dma_start3A_648 = arith.constant 0 : i32
      %dma_start3A_649 = tpu.memref_slice %arg9[%dma_start3A_648] : memref<10240xf32, #tpu.memory_space<vmem_shared>> -> memref<10240xf32, #tpu.memory_space<vmem_shared>>
      tpu.enqueue_indirect_dma source(%arg30 : memref<80xf32, #tpu.memory_space<vmem>>) target(%dma_start3A_649 : memref<10240xf32, #tpu.memory_space<vmem_shared>>) offsets(%dma_start3A_647 : memref<80xi32, #tpu.memory_space<vmem>>) semaphore(%arg37 : memref<!tpu.dma_semaphore, #tpu.memory_space<semaphore_mem>>) {add = true}
    }
    %scan3A_163 = arith.constant 25 : i32
    %scan3A_164 = arith.constant 0 : i32
    %scan3A_165 = arith.constant 25 : i32
    %scan3A_166 = arith.addi %scan3A_164, %scan3A_165 : i32
    %scan3A_167 = arith.constant 1 : i32
    scf.for %scan3A_640 = %scan3A_164 to %scan3A_166 step %scan3A_167  : i32 {
      %mul3A_641 = arith.constant 1 : i32
      %mul3A_642 = arith.muli %scan3A_640, %mul3A_641 : i32
      %add3A_643 = arith.constant 0 : i32
      %add3A_644 = arith.addi %add3A_643, %mul3A_642 : i32
      %dma_wait3A_645 = arith.constant 0 : i32
      %dma_wait3A_646 = tpu.memref_slice %arg28[%dma_wait3A_645] : memref<2000xi32, #tpu.memory_space<vmem>> -> memref<80xi32, #tpu.memory_space<vmem>>
      %dma_wait3A_647 = arith.constant 0 : i32
      %dma_wait3A_648 = tpu.memref_slice %arg9[%dma_wait3A_647] : memref<10240xf32, #tpu.memory_space<vmem_shared>> -> memref<10240xf32, #tpu.memory_space<vmem_shared>>
      tpu.wait_indirect_dma semaphore(%arg37 : memref<!tpu.dma_semaphore, #tpu.memory_space<semaphore_mem>>) src(%arg30 : memref<80xf32, #tpu.memory_space<vmem>>) dst(%dma_wait3A_648 : memref<10240xf32, #tpu.memory_space<vmem_shared>>)
    }
    %scan3A_168 = arith.constant 25 : i32
    %mul3A_169 = arith.constant 20000 : i32
    %mul3A_170 = arith.muli %arg1, %mul3A_169 : i32
    %add3A_171 = arith.constant 8000 : i32
    %add3A_172 = arith.addi %mul3A_170, %add3A_171 : i32
    %dma_wait3A_173 = arith.constant 0 : i32
    %dma_wait3A_174 = tpu.memref_slice %arg3[%add3A_172] : memref<320000xi32, #tpu.memory_space<hbm>> -> memref<2000xi32, #tpu.memory_space<hbm>>
    %dma_wait3A_175 = tpu.memref_slice %arg36[%dma_wait3A_173] : memref<2x!tpu.dma_semaphore, #tpu.memory_space<semaphore_mem>> -> memref<1x!tpu.dma_semaphore, #tpu.memory_space<semaphore_mem>>
    %dma_wait3A_176 = tpu.memref_squeeze %dma_wait3A_175 : memref<1x!tpu.dma_semaphore, #tpu.memory_space<semaphore_mem>> -> memref<!tpu.dma_semaphore, #tpu.memory_space<semaphore_mem>>
    %dma_wait3A_177 = tpu.memref_slice %arg3[%add3A_172] : memref<320000xi32, #tpu.memory_space<hbm>> -> memref<2000xi32, #tpu.memory_space<hbm>>
    tpu.wait_dma2 semaphore(%dma_wait3A_176 : memref<!tpu.dma_semaphore, #tpu.memory_space<semaphore_mem>>) src(%dma_wait3A_177 : memref<2000xi32, #tpu.memory_space<hbm>>) dst(%arg27 : memref<2000xi32, #tpu.memory_space<vmem>>)
    %mul3A_178 = arith.constant 20000 : i32
    %mul3A_179 = arith.muli %arg1, %mul3A_178 : i32
    %add3A_180 = arith.constant 10000 : i32
    %add3A_181 = arith.addi %mul3A_179, %add3A_180 : i32
    %dma_start3A_182 = arith.constant 1 : i32
    %dma_start3A_183 = tpu.memref_slice %arg3[%add3A_181] : memref<320000xi32, #tpu.memory_space<hbm>> -> memref<2000xi32, #tpu.memory_space<hbm>>
    %dma_start3A_184 = tpu.memref_slice %arg36[%dma_start3A_182] : memref<2x!tpu.dma_semaphore, #tpu.memory_space<semaphore_mem>> -> memref<1x!tpu.dma_semaphore, #tpu.memory_space<semaphore_mem>>
    %dma_start3A_185 = tpu.memref_squeeze %dma_start3A_184 : memref<1x!tpu.dma_semaphore, #tpu.memory_space<semaphore_mem>> -> memref<!tpu.dma_semaphore, #tpu.memory_space<semaphore_mem>>
    %dma_start3A_186 = tpu.memref_slice %arg3[%add3A_181] : memref<320000xi32, #tpu.memory_space<hbm>> -> memref<2000xi32, #tpu.memory_space<hbm>>
    tpu.enqueue_dma source(%dma_start3A_186 : memref<2000xi32, #tpu.memory_space<hbm>>) target(%arg28 : memref<2000xi32, #tpu.memory_space<vmem>>) target_semaphore(%dma_start3A_185 : memref<!tpu.dma_semaphore, #tpu.memory_space<semaphore_mem>>)
    %scan3A_187 = arith.constant 0 : i32
    %scan3A_188 = arith.constant 25 : i32
    %scan3A_189 = arith.addi %scan3A_187, %scan3A_188 : i32
    %scan3A_190 = arith.constant 1 : i32
    scf.for %scan3A_640 = %scan3A_187 to %scan3A_189 step %scan3A_190  : i32 {
      %mul3A_641 = arith.constant 1 : i32
      %mul3A_642 = arith.muli %scan3A_640, %mul3A_641 : i32
      %add3A_643 = arith.constant 0 : i32
      %add3A_644 = arith.addi %add3A_643, %mul3A_642 : i32
      %mul3A_645 = arith.constant 80 : i32
      %mul3A_646 = arith.muli %add3A_644, %mul3A_645 : i32
      %dma_start3A_647 = tpu.memref_slice %arg27[%mul3A_646] : memref<2000xi32, #tpu.memory_space<vmem>> -> memref<80xi32, #tpu.memory_space<vmem>>
      %dma_start3A_648 = arith.constant 0 : i32
      %dma_start3A_649 = tpu.memref_slice %arg9[%dma_start3A_648] : memref<10240xf32, #tpu.memory_space<vmem_shared>> -> memref<10240xf32, #tpu.memory_space<vmem_shared>>
      tpu.enqueue_indirect_dma source(%arg30 : memref<80xf32, #tpu.memory_space<vmem>>) target(%dma_start3A_649 : memref<10240xf32, #tpu.memory_space<vmem_shared>>) offsets(%dma_start3A_647 : memref<80xi32, #tpu.memory_space<vmem>>) semaphore(%arg37 : memref<!tpu.dma_semaphore, #tpu.memory_space<semaphore_mem>>) {add = true}
    }
    %scan3A_191 = arith.constant 25 : i32
    %scan3A_192 = arith.constant 0 : i32
    %scan3A_193 = arith.constant 25 : i32
    %scan3A_194 = arith.addi %scan3A_192, %scan3A_193 : i32
    %scan3A_195 = arith.constant 1 : i32
    scf.for %scan3A_640 = %scan3A_192 to %scan3A_194 step %scan3A_195  : i32 {
      %mul3A_641 = arith.constant 1 : i32
      %mul3A_642 = arith.muli %scan3A_640, %mul3A_641 : i32
      %add3A_643 = arith.constant 0 : i32
      %add3A_644 = arith.addi %add3A_643, %mul3A_642 : i32
      %dma_wait3A_645 = arith.constant 0 : i32
      %dma_wait3A_646 = tpu.memref_slice %arg27[%dma_wait3A_645] : memref<2000xi32, #tpu.memory_space<vmem>> -> memref<80xi32, #tpu.memory_space<vmem>>
      %dma_wait3A_647 = arith.constant 0 : i32
      %dma_wait3A_648 = tpu.memref_slice %arg9[%dma_wait3A_647] : memref<10240xf32, #tpu.memory_space<vmem_shared>> -> memref<10240xf32, #tpu.memory_space<vmem_shared>>
      tpu.wait_indirect_dma semaphore(%arg37 : memref<!tpu.dma_semaphore, #tpu.memory_space<semaphore_mem>>) src(%arg30 : memref<80xf32, #tpu.memory_space<vmem>>) dst(%dma_wait3A_648 : memref<10240xf32, #tpu.memory_space<vmem_shared>>)
    }
    %scan3A_196 = arith.constant 25 : i32
    %mul3A_197 = arith.constant 20000 : i32
    %mul3A_198 = arith.muli %arg1, %mul3A_197 : i32
    %add3A_199 = arith.constant 10000 : i32
    %add3A_200 = arith.addi %mul3A_198, %add3A_199 : i32
    %dma_wait3A_201 = arith.constant 1 : i32
    %dma_wait3A_202 = tpu.memref_slice %arg3[%add3A_200] : memref<320000xi32, #tpu.memory_space<hbm>> -> memref<2000xi32, #tpu.memory_space<hbm>>
    %dma_wait3A_203 = tpu.memref_slice %arg36[%dma_wait3A_201] : memref<2x!tpu.dma_semaphore, #tpu.memory_space<semaphore_mem>> -> memref<1x!tpu.dma_semaphore, #tpu.memory_space<semaphore_mem>>
    %dma_wait3A_204 = tpu.memref_squeeze %dma_wait3A_203 : memref<1x!tpu.dma_semaphore, #tpu.memory_space<semaphore_mem>> -> memref<!tpu.dma_semaphore, #tpu.memory_space<semaphore_mem>>
    %dma_wait3A_205 = tpu.memref_slice %arg3[%add3A_200] : memref<320000xi32, #tpu.memory_space<hbm>> -> memref<2000xi32, #tpu.memory_space<hbm>>
    tpu.wait_dma2 semaphore(%dma_wait3A_204 : memref<!tpu.dma_semaphore, #tpu.memory_space<semaphore_mem>>) src(%dma_wait3A_205 : memref<2000xi32, #tpu.memory_space<hbm>>) dst(%arg28 : memref<2000xi32, #tpu.memory_space<vmem>>)
    %mul3A_206 = arith.constant 20000 : i32
    %mul3A_207 = arith.muli %arg1, %mul3A_206 : i32
    %add3A_208 = arith.constant 12000 : i32
    %add3A_209 = arith.addi %mul3A_207, %add3A_208 : i32
    %dma_start3A_210 = arith.constant 0 : i32
    %dma_start3A_211 = tpu.memref_slice %arg3[%add3A_209] : memref<320000xi32, #tpu.memory_space<hbm>> -> memref<2000xi32, #tpu.memory_space<hbm>>
    %dma_start3A_212 = tpu.memref_slice %arg36[%dma_start3A_210] : memref<2x!tpu.dma_semaphore, #tpu.memory_space<semaphore_mem>> -> memref<1x!tpu.dma_semaphore, #tpu.memory_space<semaphore_mem>>
    %dma_start3A_213 = tpu.memref_squeeze %dma_start3A_212 : memref<1x!tpu.dma_semaphore, #tpu.memory_space<semaphore_mem>> -> memref<!tpu.dma_semaphore, #tpu.memory_space<semaphore_mem>>
    %dma_start3A_214 = tpu.memref_slice %arg3[%add3A_209] : memref<320000xi32, #tpu.memory_space<hbm>> -> memref<2000xi32, #tpu.memory_space<hbm>>
    tpu.enqueue_dma source(%dma_start3A_214 : memref<2000xi32, #tpu.memory_space<hbm>>) target(%arg27 : memref<2000xi32, #tpu.memory_space<vmem>>) target_semaphore(%dma_start3A_213 : memref<!tpu.dma_semaphore, #tpu.memory_space<semaphore_mem>>)
    %scan3A_215 = arith.constant 0 : i32
    %scan3A_216 = arith.constant 25 : i32
    %scan3A_217 = arith.addi %scan3A_215, %scan3A_216 : i32
    %scan3A_218 = arith.constant 1 : i32
    scf.for %scan3A_640 = %scan3A_215 to %scan3A_217 step %scan3A_218  : i32 {
      %mul3A_641 = arith.constant 1 : i32
      %mul3A_642 = arith.muli %scan3A_640, %mul3A_641 : i32
      %add3A_643 = arith.constant 0 : i32
      %add3A_644 = arith.addi %add3A_643, %mul3A_642 : i32
      %mul3A_645 = arith.constant 80 : i32
      %mul3A_646 = arith.muli %add3A_644, %mul3A_645 : i32
      %dma_start3A_647 = tpu.memref_slice %arg28[%mul3A_646] : memref<2000xi32, #tpu.memory_space<vmem>> -> memref<80xi32, #tpu.memory_space<vmem>>
      %dma_start3A_648 = arith.constant 0 : i32
      %dma_start3A_649 = tpu.memref_slice %arg9[%dma_start3A_648] : memref<10240xf32, #tpu.memory_space<vmem_shared>> -> memref<10240xf32, #tpu.memory_space<vmem_shared>>
      tpu.enqueue_indirect_dma source(%arg30 : memref<80xf32, #tpu.memory_space<vmem>>) target(%dma_start3A_649 : memref<10240xf32, #tpu.memory_space<vmem_shared>>) offsets(%dma_start3A_647 : memref<80xi32, #tpu.memory_space<vmem>>) semaphore(%arg37 : memref<!tpu.dma_semaphore, #tpu.memory_space<semaphore_mem>>) {add = true}
    }
    %scan3A_219 = arith.constant 25 : i32
    %scan3A_220 = arith.constant 0 : i32
    %scan3A_221 = arith.constant 25 : i32
    %scan3A_222 = arith.addi %scan3A_220, %scan3A_221 : i32
    %scan3A_223 = arith.constant 1 : i32
    scf.for %scan3A_640 = %scan3A_220 to %scan3A_222 step %scan3A_223  : i32 {
      %mul3A_641 = arith.constant 1 : i32
      %mul3A_642 = arith.muli %scan3A_640, %mul3A_641 : i32
      %add3A_643 = arith.constant 0 : i32
      %add3A_644 = arith.addi %add3A_643, %mul3A_642 : i32
      %dma_wait3A_645 = arith.constant 0 : i32
      %dma_wait3A_646 = tpu.memref_slice %arg28[%dma_wait3A_645] : memref<2000xi32, #tpu.memory_space<vmem>> -> memref<80xi32, #tpu.memory_space<vmem>>
      %dma_wait3A_647 = arith.constant 0 : i32
      %dma_wait3A_648 = tpu.memref_slice %arg9[%dma_wait3A_647] : memref<10240xf32, #tpu.memory_space<vmem_shared>> -> memref<10240xf32, #tpu.memory_space<vmem_shared>>
      tpu.wait_indirect_dma semaphore(%arg37 : memref<!tpu.dma_semaphore, #tpu.memory_space<semaphore_mem>>) src(%arg30 : memref<80xf32, #tpu.memory_space<vmem>>) dst(%dma_wait3A_648 : memref<10240xf32, #tpu.memory_space<vmem_shared>>)
    }
    %scan3A_224 = arith.constant 25 : i32
    %mul3A_225 = arith.constant 20000 : i32
    %mul3A_226 = arith.muli %arg1, %mul3A_225 : i32
    %add3A_227 = arith.constant 12000 : i32
    %add3A_228 = arith.addi %mul3A_226, %add3A_227 : i32
    %dma_wait3A_229 = arith.constant 0 : i32
    %dma_wait3A_230 = tpu.memref_slice %arg3[%add3A_228] : memref<320000xi32, #tpu.memory_space<hbm>> -> memref<2000xi32, #tpu.memory_space<hbm>>
    %dma_wait3A_231 = tpu.memref_slice %arg36[%dma_wait3A_229] : memref<2x!tpu.dma_semaphore, #tpu.memory_space<semaphore_mem>> -> memref<1x!tpu.dma_semaphore, #tpu.memory_space<semaphore_mem>>
    %dma_wait3A_232 = tpu.memref_squeeze %dma_wait3A_231 : memref<1x!tpu.dma_semaphore, #tpu.memory_space<semaphore_mem>> -> memref<!tpu.dma_semaphore, #tpu.memory_space<semaphore_mem>>
    %dma_wait3A_233 = tpu.memref_slice %arg3[%add3A_228] : memref<320000xi32, #tpu.memory_space<hbm>> -> memref<2000xi32, #tpu.memory_space<hbm>>
    tpu.wait_dma2 semaphore(%dma_wait3A_232 : memref<!tpu.dma_semaphore, #tpu.memory_space<semaphore_mem>>) src(%dma_wait3A_233 : memref<2000xi32, #tpu.memory_space<hbm>>) dst(%arg27 : memref<2000xi32, #tpu.memory_space<vmem>>)
    %mul3A_234 = arith.constant 20000 : i32
    %mul3A_235 = arith.muli %arg1, %mul3A_234 : i32
    %add3A_236 = arith.constant 14000 : i32
    %add3A_237 = arith.addi %mul3A_235, %add3A_236 : i32
    %dma_start3A_238 = arith.constant 1 : i32
    %dma_start3A_239 = tpu.memref_slice %arg3[%add3A_237] : memref<320000xi32, #tpu.memory_space<hbm>> -> memref<2000xi32, #tpu.memory_space<hbm>>
    %dma_start3A_240 = tpu.memref_slice %arg36[%dma_start3A_238] : memref<2x!tpu.dma_semaphore, #tpu.memory_space<semaphore_mem>> -> memref<1x!tpu.dma_semaphore, #tpu.memory_space<semaphore_mem>>
    %dma_start3A_241 = tpu.memref_squeeze %dma_start3A_240 : memref<1x!tpu.dma_semaphore, #tpu.memory_space<semaphore_mem>> -> memref<!tpu.dma_semaphore, #tpu.memory_space<semaphore_mem>>
    %dma_start3A_242 = tpu.memref_slice %arg3[%add3A_237] : memref<320000xi32, #tpu.memory_space<hbm>> -> memref<2000xi32, #tpu.memory_space<hbm>>
    tpu.enqueue_dma source(%dma_start3A_242 : memref<2000xi32, #tpu.memory_space<hbm>>) target(%arg28 : memref<2000xi32, #tpu.memory_space<vmem>>) target_semaphore(%dma_start3A_241 : memref<!tpu.dma_semaphore, #tpu.memory_space<semaphore_mem>>)
    %scan3A_243 = arith.constant 0 : i32
    %scan3A_244 = arith.constant 25 : i32
    %scan3A_245 = arith.addi %scan3A_243, %scan3A_244 : i32
    %scan3A_246 = arith.constant 1 : i32
    scf.for %scan3A_640 = %scan3A_243 to %scan3A_245 step %scan3A_246  : i32 {
      %mul3A_641 = arith.constant 1 : i32
      %mul3A_642 = arith.muli %scan3A_640, %mul3A_641 : i32
      %add3A_643 = arith.constant 0 : i32
      %add3A_644 = arith.addi %add3A_643, %mul3A_642 : i32
      %mul3A_645 = arith.constant 80 : i32
      %mul3A_646 = arith.muli %add3A_644, %mul3A_645 : i32
      %dma_start3A_647 = tpu.memref_slice %arg27[%mul3A_646] : memref<2000xi32, #tpu.memory_space<vmem>> -> memref<80xi32, #tpu.memory_space<vmem>>
      %dma_start3A_648 = arith.constant 0 : i32
      %dma_start3A_649 = tpu.memref_slice %arg9[%dma_start3A_648] : memref<10240xf32, #tpu.memory_space<vmem_shared>> -> memref<10240xf32, #tpu.memory_space<vmem_shared>>
      tpu.enqueue_indirect_dma source(%arg30 : memref<80xf32, #tpu.memory_space<vmem>>) target(%dma_start3A_649 : memref<10240xf32, #tpu.memory_space<vmem_shared>>) offsets(%dma_start3A_647 : memref<80xi32, #tpu.memory_space<vmem>>) semaphore(%arg37 : memref<!tpu.dma_semaphore, #tpu.memory_space<semaphore_mem>>) {add = true}
    }
    %scan3A_247 = arith.constant 25 : i32
    %scan3A_248 = arith.constant 0 : i32
    %scan3A_249 = arith.constant 25 : i32
    %scan3A_250 = arith.addi %scan3A_248, %scan3A_249 : i32
    %scan3A_251 = arith.constant 1 : i32
    scf.for %scan3A_640 = %scan3A_248 to %scan3A_250 step %scan3A_251  : i32 {
      %mul3A_641 = arith.constant 1 : i32
      %mul3A_642 = arith.muli %scan3A_640, %mul3A_641 : i32
      %add3A_643 = arith.constant 0 : i32
      %add3A_644 = arith.addi %add3A_643, %mul3A_642 : i32
      %dma_wait3A_645 = arith.constant 0 : i32
      %dma_wait3A_646 = tpu.memref_slice %arg27[%dma_wait3A_645] : memref<2000xi32, #tpu.memory_space<vmem>> -> memref<80xi32, #tpu.memory_space<vmem>>
      %dma_wait3A_647 = arith.constant 0 : i32
      %dma_wait3A_648 = tpu.memref_slice %arg9[%dma_wait3A_647] : memref<10240xf32, #tpu.memory_space<vmem_shared>> -> memref<10240xf32, #tpu.memory_space<vmem_shared>>
      tpu.wait_indirect_dma semaphore(%arg37 : memref<!tpu.dma_semaphore, #tpu.memory_space<semaphore_mem>>) src(%arg30 : memref<80xf32, #tpu.memory_space<vmem>>) dst(%dma_wait3A_648 : memref<10240xf32, #tpu.memory_space<vmem_shared>>)
    }
    %scan3A_252 = arith.constant 25 : i32
    %mul3A_253 = arith.constant 20000 : i32
    %mul3A_254 = arith.muli %arg1, %mul3A_253 : i32
    %add3A_255 = arith.constant 14000 : i32
    %add3A_256 = arith.addi %mul3A_254, %add3A_255 : i32
    %dma_wait3A_257 = arith.constant 1 : i32
    %dma_wait3A_258 = tpu.memref_slice %arg3[%add3A_256] : memref<320000xi32, #tpu.memory_space<hbm>> -> memref<2000xi32, #tpu.memory_space<hbm>>
    %dma_wait3A_259 = tpu.memref_slice %arg36[%dma_wait3A_257] : memref<2x!tpu.dma_semaphore, #tpu.memory_space<semaphore_mem>> -> memref<1x!tpu.dma_semaphore, #tpu.memory_space<semaphore_mem>>
    %dma_wait3A_260 = tpu.memref_squeeze %dma_wait3A_259 : memref<1x!tpu.dma_semaphore, #tpu.memory_space<semaphore_mem>> -> memref<!tpu.dma_semaphore, #tpu.memory_space<semaphore_mem>>
    %dma_wait3A_261 = tpu.memref_slice %arg3[%add3A_256] : memref<320000xi32, #tpu.memory_space<hbm>> -> memref<2000xi32, #tpu.memory_space<hbm>>
    tpu.wait_dma2 semaphore(%dma_wait3A_260 : memref<!tpu.dma_semaphore, #tpu.memory_space<semaphore_mem>>) src(%dma_wait3A_261 : memref<2000xi32, #tpu.memory_space<hbm>>) dst(%arg28 : memref<2000xi32, #tpu.memory_space<vmem>>)
    %mul3A_262 = arith.constant 20000 : i32
    %mul3A_263 = arith.muli %arg1, %mul3A_262 : i32
    %add3A_264 = arith.constant 16000 : i32
    %add3A_265 = arith.addi %mul3A_263, %add3A_264 : i32
    %dma_start3A_266 = arith.constant 0 : i32
    %dma_start3A_267 = tpu.memref_slice %arg3[%add3A_265] : memref<320000xi32, #tpu.memory_space<hbm>> -> memref<2000xi32, #tpu.memory_space<hbm>>
    %dma_start3A_268 = tpu.memref_slice %arg36[%dma_start3A_266] : memref<2x!tpu.dma_semaphore, #tpu.memory_space<semaphore_mem>> -> memref<1x!tpu.dma_semaphore, #tpu.memory_space<semaphore_mem>>
    %dma_start3A_269 = tpu.memref_squeeze %dma_start3A_268 : memref<1x!tpu.dma_semaphore, #tpu.memory_space<semaphore_mem>> -> memref<!tpu.dma_semaphore, #tpu.memory_space<semaphore_mem>>
    %dma_start3A_270 = tpu.memref_slice %arg3[%add3A_265] : memref<320000xi32, #tpu.memory_space<hbm>> -> memref<2000xi32, #tpu.memory_space<hbm>>
    tpu.enqueue_dma source(%dma_start3A_270 : memref<2000xi32, #tpu.memory_space<hbm>>) target(%arg27 : memref<2000xi32, #tpu.memory_space<vmem>>) target_semaphore(%dma_start3A_269 : memref<!tpu.dma_semaphore, #tpu.memory_space<semaphore_mem>>)
    %scan3A_271 = arith.constant 0 : i32
    %scan3A_272 = arith.constant 25 : i32
    %scan3A_273 = arith.addi %scan3A_271, %scan3A_272 : i32
    %scan3A_274 = arith.constant 1 : i32
    scf.for %scan3A_640 = %scan3A_271 to %scan3A_273 step %scan3A_274  : i32 {
      %mul3A_641 = arith.constant 1 : i32
      %mul3A_642 = arith.muli %scan3A_640, %mul3A_641 : i32
      %add3A_643 = arith.constant 0 : i32
      %add3A_644 = arith.addi %add3A_643, %mul3A_642 : i32
      %mul3A_645 = arith.constant 80 : i32
      %mul3A_646 = arith.muli %add3A_644, %mul3A_645 : i32
      %dma_start3A_647 = tpu.memref_slice %arg28[%mul3A_646] : memref<2000xi32, #tpu.memory_space<vmem>> -> memref<80xi32, #tpu.memory_space<vmem>>
      %dma_start3A_648 = arith.constant 0 : i32
      %dma_start3A_649 = tpu.memref_slice %arg9[%dma_start3A_648] : memref<10240xf32, #tpu.memory_space<vmem_shared>> -> memref<10240xf32, #tpu.memory_space<vmem_shared>>
      tpu.enqueue_indirect_dma source(%arg30 : memref<80xf32, #tpu.memory_space<vmem>>) target(%dma_start3A_649 : memref<10240xf32, #tpu.memory_space<vmem_shared>>) offsets(%dma_start3A_647 : memref<80xi32, #tpu.memory_space<vmem>>) semaphore(%arg37 : memref<!tpu.dma_semaphore, #tpu.memory_space<semaphore_mem>>) {add = true}
    }
    %scan3A_275 = arith.constant 25 : i32
    %scan3A_276 = arith.constant 0 : i32
    %scan3A_277 = arith.constant 25 : i32
    %scan3A_278 = arith.addi %scan3A_276, %scan3A_277 : i32
    %scan3A_279 = arith.constant 1 : i32
    scf.for %scan3A_640 = %scan3A_276 to %scan3A_278 step %scan3A_279  : i32 {
      %mul3A_641 = arith.constant 1 : i32
      %mul3A_642 = arith.muli %scan3A_640, %mul3A_641 : i32
      %add3A_643 = arith.constant 0 : i32
      %add3A_644 = arith.addi %add3A_643, %mul3A_642 : i32
      %dma_wait3A_645 = arith.constant 0 : i32
      %dma_wait3A_646 = tpu.memref_slice %arg28[%dma_wait3A_645] : memref<2000xi32, #tpu.memory_space<vmem>> -> memref<80xi32, #tpu.memory_space<vmem>>
      %dma_wait3A_647 = arith.constant 0 : i32
      %dma_wait3A_648 = tpu.memref_slice %arg9[%dma_wait3A_647] : memref<10240xf32, #tpu.memory_space<vmem_shared>> -> memref<10240xf32, #tpu.memory_space<vmem_shared>>
      tpu.wait_indirect_dma semaphore(%arg37 : memref<!tpu.dma_semaphore, #tpu.memory_space<semaphore_mem>>) src(%arg30 : memref<80xf32, #tpu.memory_space<vmem>>) dst(%dma_wait3A_648 : memref<10240xf32, #tpu.memory_space<vmem_shared>>)
    }
    %scan3A_280 = arith.constant 25 : i32
    %mul3A_281 = arith.constant 20000 : i32
    %mul3A_282 = arith.muli %arg1, %mul3A_281 : i32
    %add3A_283 = arith.constant 16000 : i32
    %add3A_284 = arith.addi %mul3A_282, %add3A_283 : i32
    %dma_wait3A_285 = arith.constant 0 : i32
    %dma_wait3A_286 = tpu.memref_slice %arg3[%add3A_284] : memref<320000xi32, #tpu.memory_space<hbm>> -> memref<2000xi32, #tpu.memory_space<hbm>>
    %dma_wait3A_287 = tpu.memref_slice %arg36[%dma_wait3A_285] : memref<2x!tpu.dma_semaphore, #tpu.memory_space<semaphore_mem>> -> memref<1x!tpu.dma_semaphore, #tpu.memory_space<semaphore_mem>>
    %dma_wait3A_288 = tpu.memref_squeeze %dma_wait3A_287 : memref<1x!tpu.dma_semaphore, #tpu.memory_space<semaphore_mem>> -> memref<!tpu.dma_semaphore, #tpu.memory_space<semaphore_mem>>
    %dma_wait3A_289 = tpu.memref_slice %arg3[%add3A_284] : memref<320000xi32, #tpu.memory_space<hbm>> -> memref<2000xi32, #tpu.memory_space<hbm>>
    tpu.wait_dma2 semaphore(%dma_wait3A_288 : memref<!tpu.dma_semaphore, #tpu.memory_space<semaphore_mem>>) src(%dma_wait3A_289 : memref<2000xi32, #tpu.memory_space<hbm>>) dst(%arg27 : memref<2000xi32, #tpu.memory_space<vmem>>)
    %mul3A_290 = arith.constant 20000 : i32
    %mul3A_291 = arith.muli %arg1, %mul3A_290 : i32
    %add3A_292 = arith.constant 18000 : i32
    %add3A_293 = arith.addi %mul3A_291, %add3A_292 : i32
    %dma_start3A_294 = arith.constant 1 : i32
    %dma_start3A_295 = tpu.memref_slice %arg3[%add3A_293] : memref<320000xi32, #tpu.memory_space<hbm>> -> memref<2000xi32, #tpu.memory_space<hbm>>
    %dma_start3A_296 = tpu.memref_slice %arg36[%dma_start3A_294] : memref<2x!tpu.dma_semaphore, #tpu.memory_space<semaphore_mem>> -> memref<1x!tpu.dma_semaphore, #tpu.memory_space<semaphore_mem>>
    %dma_start3A_297 = tpu.memref_squeeze %dma_start3A_296 : memref<1x!tpu.dma_semaphore, #tpu.memory_space<semaphore_mem>> -> memref<!tpu.dma_semaphore, #tpu.memory_space<semaphore_mem>>
    %dma_start3A_298 = tpu.memref_slice %arg3[%add3A_293] : memref<320000xi32, #tpu.memory_space<hbm>> -> memref<2000xi32, #tpu.memory_space<hbm>>
    tpu.enqueue_dma source(%dma_start3A_298 : memref<2000xi32, #tpu.memory_space<hbm>>) target(%arg28 : memref<2000xi32, #tpu.memory_space<vmem>>) target_semaphore(%dma_start3A_297 : memref<!tpu.dma_semaphore, #tpu.memory_space<semaphore_mem>>)
    %scan3A_299 = arith.constant 0 : i32
    %scan3A_300 = arith.constant 25 : i32
    %scan3A_301 = arith.addi %scan3A_299, %scan3A_300 : i32
    %scan3A_302 = arith.constant 1 : i32
    scf.for %scan3A_640 = %scan3A_299 to %scan3A_301 step %scan3A_302  : i32 {
      %mul3A_641 = arith.constant 1 : i32
      %mul3A_642 = arith.muli %scan3A_640, %mul3A_641 : i32
      %add3A_643 = arith.constant 0 : i32
      %add3A_644 = arith.addi %add3A_643, %mul3A_642 : i32
      %mul3A_645 = arith.constant 80 : i32
      %mul3A_646 = arith.muli %add3A_644, %mul3A_645 : i32
      %dma_start3A_647 = tpu.memref_slice %arg27[%mul3A_646] : memref<2000xi32, #tpu.memory_space<vmem>> -> memref<80xi32, #tpu.memory_space<vmem>>
      %dma_start3A_648 = arith.constant 0 : i32
      %dma_start3A_649 = tpu.memref_slice %arg9[%dma_start3A_648] : memref<10240xf32, #tpu.memory_space<vmem_shared>> -> memref<10240xf32, #tpu.memory_space<vmem_shared>>
      tpu.enqueue_indirect_dma source(%arg30 : memref<80xf32, #tpu.memory_space<vmem>>) target(%dma_start3A_649 : memref<10240xf32, #tpu.memory_space<vmem_shared>>) offsets(%dma_start3A_647 : memref<80xi32, #tpu.memory_space<vmem>>) semaphore(%arg37 : memref<!tpu.dma_semaphore, #tpu.memory_space<semaphore_mem>>) {add = true}
    }
    %scan3A_303 = arith.constant 25 : i32
    %scan3A_304 = arith.constant 0 : i32
    %scan3A_305 = arith.constant 25 : i32
    %scan3A_306 = arith.addi %scan3A_304, %scan3A_305 : i32
    %scan3A_307 = arith.constant 1 : i32
    scf.for %scan3A_640 = %scan3A_304 to %scan3A_306 step %scan3A_307  : i32 {
      %mul3A_641 = arith.constant 1 : i32
      %mul3A_642 = arith.muli %scan3A_640, %mul3A_641 : i32
      %add3A_643 = arith.constant 0 : i32
      %add3A_644 = arith.addi %add3A_643, %mul3A_642 : i32
      %dma_wait3A_645 = arith.constant 0 : i32
      %dma_wait3A_646 = tpu.memref_slice %arg27[%dma_wait3A_645] : memref<2000xi32, #tpu.memory_space<vmem>> -> memref<80xi32, #tpu.memory_space<vmem>>
      %dma_wait3A_647 = arith.constant 0 : i32
      %dma_wait3A_648 = tpu.memref_slice %arg9[%dma_wait3A_647] : memref<10240xf32, #tpu.memory_space<vmem_shared>> -> memref<10240xf32, #tpu.memory_space<vmem_shared>>
      tpu.wait_indirect_dma semaphore(%arg37 : memref<!tpu.dma_semaphore, #tpu.memory_space<semaphore_mem>>) src(%arg30 : memref<80xf32, #tpu.memory_space<vmem>>) dst(%dma_wait3A_648 : memref<10240xf32, #tpu.memory_space<vmem_shared>>)
    }
    %scan3A_308 = arith.constant 25 : i32
    %mul3A_309 = arith.constant 20000 : i32
    %mul3A_310 = arith.muli %arg1, %mul3A_309 : i32
    %add3A_311 = arith.constant 18000 : i32
    %add3A_312 = arith.addi %mul3A_310, %add3A_311 : i32
    %dma_wait3A_313 = arith.constant 1 : i32
    %dma_wait3A_314 = tpu.memref_slice %arg3[%add3A_312] : memref<320000xi32, #tpu.memory_space<hbm>> -> memref<2000xi32, #tpu.memory_space<hbm>>
    %dma_wait3A_315 = tpu.memref_slice %arg36[%dma_wait3A_313] : memref<2x!tpu.dma_semaphore, #tpu.memory_space<semaphore_mem>> -> memref<1x!tpu.dma_semaphore, #tpu.memory_space<semaphore_mem>>
    %dma_wait3A_316 = tpu.memref_squeeze %dma_wait3A_315 : memref<1x!tpu.dma_semaphore, #tpu.memory_space<semaphore_mem>> -> memref<!tpu.dma_semaphore, #tpu.memory_space<semaphore_mem>>
    %dma_wait3A_317 = tpu.memref_slice %arg3[%add3A_312] : memref<320000xi32, #tpu.memory_space<hbm>> -> memref<2000xi32, #tpu.memory_space<hbm>>
    tpu.wait_dma2 semaphore(%dma_wait3A_316 : memref<!tpu.dma_semaphore, #tpu.memory_space<semaphore_mem>>) src(%dma_wait3A_317 : memref<2000xi32, #tpu.memory_space<hbm>>) dst(%arg28 : memref<2000xi32, #tpu.memory_space<vmem>>)
    %mul3A_318 = arith.constant 16 : i32
    %mul3A_319 = arith.muli %arg0, %mul3A_318 : i32
    %add3A_320 = arith.addi %mul3A_319, %arg1 : i32
    %mul3A_321 = arith.constant 10000 : i32
    %mul3A_322 = arith.muli %add3A_320, %mul3A_321 : i32
    %add3A_323 = arith.constant 0 : i32
    %add3A_324 = arith.addi %mul3A_322, %add3A_323 : i32
    %dma_start3A_325 = arith.constant 0 : i32
    %dma_start3A_326 = tpu.memref_slice %arg4[%add3A_324] : memref<320000xi32, #tpu.memory_space<hbm>> -> memref<2000xi32, #tpu.memory_space<hbm>>
    %dma_start3A_327 = tpu.memref_slice %arg36[%dma_start3A_325] : memref<2x!tpu.dma_semaphore, #tpu.memory_space<semaphore_mem>> -> memref<1x!tpu.dma_semaphore, #tpu.memory_space<semaphore_mem>>
    %dma_start3A_328 = tpu.memref_squeeze %dma_start3A_327 : memref<1x!tpu.dma_semaphore, #tpu.memory_space<semaphore_mem>> -> memref<!tpu.dma_semaphore, #tpu.memory_space<semaphore_mem>>
    %dma_start3A_329 = tpu.memref_slice %arg4[%add3A_324] : memref<320000xi32, #tpu.memory_space<hbm>> -> memref<2000xi32, #tpu.memory_space<hbm>>
    tpu.enqueue_dma source(%dma_start3A_329 : memref<2000xi32, #tpu.memory_space<hbm>>) target(%arg27 : memref<2000xi32, #tpu.memory_space<vmem>>) target_semaphore(%dma_start3A_328 : memref<!tpu.dma_semaphore, #tpu.memory_space<semaphore_mem>>)
    %scan3A_330 = arith.constant 0 : i32
    %scan3A_331 = arith.constant 25 : i32
    %scan3A_332 = arith.addi %scan3A_330, %scan3A_331 : i32
    %scan3A_333 = arith.constant 1 : i32
    scf.for %scan3A_640 = %scan3A_330 to %scan3A_332 step %scan3A_333  : i32 {
      %mul3A_641 = arith.constant 1 : i32
      %mul3A_642 = arith.muli %scan3A_640, %mul3A_641 : i32
      %add3A_643 = arith.constant 0 : i32
      %add3A_644 = arith.addi %add3A_643, %mul3A_642 : i32
      %mul3A_645 = arith.constant 80 : i32
      %mul3A_646 = arith.muli %add3A_644, %mul3A_645 : i32
      %dma_start3A_647 = tpu.memref_slice %arg28[%mul3A_646] : memref<2000xi32, #tpu.memory_space<vmem>> -> memref<80xi32, #tpu.memory_space<vmem>>
      %dma_start3A_648 = arith.constant 0 : i32
      %dma_start3A_649 = tpu.memref_slice %arg9[%dma_start3A_648] : memref<10240xf32, #tpu.memory_space<vmem_shared>> -> memref<10240xf32, #tpu.memory_space<vmem_shared>>
      tpu.enqueue_indirect_dma source(%arg30 : memref<80xf32, #tpu.memory_space<vmem>>) target(%dma_start3A_649 : memref<10240xf32, #tpu.memory_space<vmem_shared>>) offsets(%dma_start3A_647 : memref<80xi32, #tpu.memory_space<vmem>>) semaphore(%arg37 : memref<!tpu.dma_semaphore, #tpu.memory_space<semaphore_mem>>) {add = true}
    }
    %scan3A_334 = arith.constant 25 : i32
    %scan3A_335 = arith.constant 0 : i32
    %scan3A_336 = arith.constant 25 : i32
    %scan3A_337 = arith.addi %scan3A_335, %scan3A_336 : i32
    %scan3A_338 = arith.constant 1 : i32
    scf.for %scan3A_640 = %scan3A_335 to %scan3A_337 step %scan3A_338  : i32 {
      %mul3A_641 = arith.constant 1 : i32
      %mul3A_642 = arith.muli %scan3A_640, %mul3A_641 : i32
      %add3A_643 = arith.constant 0 : i32
      %add3A_644 = arith.addi %add3A_643, %mul3A_642 : i32
      %dma_wait3A_645 = arith.constant 0 : i32
      %dma_wait3A_646 = tpu.memref_slice %arg28[%dma_wait3A_645] : memref<2000xi32, #tpu.memory_space<vmem>> -> memref<80xi32, #tpu.memory_space<vmem>>
      %dma_wait3A_647 = arith.constant 0 : i32
      %dma_wait3A_648 = tpu.memref_slice %arg9[%dma_wait3A_647] : memref<10240xf32, #tpu.memory_space<vmem_shared>> -> memref<10240xf32, #tpu.memory_space<vmem_shared>>
      tpu.wait_indirect_dma semaphore(%arg37 : memref<!tpu.dma_semaphore, #tpu.memory_space<semaphore_mem>>) src(%arg30 : memref<80xf32, #tpu.memory_space<vmem>>) dst(%dma_wait3A_648 : memref<10240xf32, #tpu.memory_space<vmem_shared>>)
    }
    %scan3A_339 = arith.constant 25 : i32
    %mul3A_340 = arith.constant 16 : i32
    %mul3A_341 = arith.muli %arg0, %mul3A_340 : i32
    %add3A_342 = arith.addi %mul3A_341, %arg1 : i32
    %mul3A_343 = arith.constant 10000 : i32
    %mul3A_344 = arith.muli %add3A_342, %mul3A_343 : i32
    %add3A_345 = arith.constant 0 : i32
    %add3A_346 = arith.addi %mul3A_344, %add3A_345 : i32
    %dma_wait3A_347 = arith.constant 0 : i32
    %dma_wait3A_348 = tpu.memref_slice %arg4[%add3A_346] : memref<320000xi32, #tpu.memory_space<hbm>> -> memref<2000xi32, #tpu.memory_space<hbm>>
    %dma_wait3A_349 = tpu.memref_slice %arg36[%dma_wait3A_347] : memref<2x!tpu.dma_semaphore, #tpu.memory_space<semaphore_mem>> -> memref<1x!tpu.dma_semaphore, #tpu.memory_space<semaphore_mem>>
    %dma_wait3A_350 = tpu.memref_squeeze %dma_wait3A_349 : memref<1x!tpu.dma_semaphore, #tpu.memory_space<semaphore_mem>> -> memref<!tpu.dma_semaphore, #tpu.memory_space<semaphore_mem>>
    %dma_wait3A_351 = tpu.memref_slice %arg4[%add3A_346] : memref<320000xi32, #tpu.memory_space<hbm>> -> memref<2000xi32, #tpu.memory_space<hbm>>
    tpu.wait_dma2 semaphore(%dma_wait3A_350 : memref<!tpu.dma_semaphore, #tpu.memory_space<semaphore_mem>>) src(%dma_wait3A_351 : memref<2000xi32, #tpu.memory_space<hbm>>) dst(%arg27 : memref<2000xi32, #tpu.memory_space<vmem>>)
    %mul3A_352 = arith.constant 16 : i32
    %mul3A_353 = arith.muli %arg0, %mul3A_352 : i32
    %add3A_354 = arith.addi %mul3A_353, %arg1 : i32
    %mul3A_355 = arith.constant 10000 : i32
    %mul3A_356 = arith.muli %add3A_354, %mul3A_355 : i32
    %add3A_357 = arith.constant 2000 : i32
    %add3A_358 = arith.addi %mul3A_356, %add3A_357 : i32
    %dma_start3A_359 = arith.constant 1 : i32
    %dma_start3A_360 = tpu.memref_slice %arg4[%add3A_358] : memref<320000xi32, #tpu.memory_space<hbm>> -> memref<2000xi32, #tpu.memory_space<hbm>>
    %dma_start3A_361 = tpu.memref_slice %arg36[%dma_start3A_359] : memref<2x!tpu.dma_semaphore, #tpu.memory_space<semaphore_mem>> -> memref<1x!tpu.dma_semaphore, #tpu.memory_space<semaphore_mem>>
    %dma_start3A_362 = tpu.memref_squeeze %dma_start3A_361 : memref<1x!tpu.dma_semaphore, #tpu.memory_space<semaphore_mem>> -> memref<!tpu.dma_semaphore, #tpu.memory_space<semaphore_mem>>
    %dma_start3A_363 = tpu.memref_slice %arg4[%add3A_358] : memref<320000xi32, #tpu.memory_space<hbm>> -> memref<2000xi32, #tpu.memory_space<hbm>>
    tpu.enqueue_dma source(%dma_start3A_363 : memref<2000xi32, #tpu.memory_space<hbm>>) target(%arg28 : memref<2000xi32, #tpu.memory_space<vmem>>) target_semaphore(%dma_start3A_362 : memref<!tpu.dma_semaphore, #tpu.memory_space<semaphore_mem>>)
    %scan3A_364 = arith.constant 0 : i32
    %scan3A_365 = arith.constant 25 : i32
    %scan3A_366 = arith.addi %scan3A_364, %scan3A_365 : i32
    %scan3A_367 = arith.constant 1 : i32
    scf.for %scan3A_640 = %scan3A_364 to %scan3A_366 step %scan3A_367  : i32 {
      %mul3A_641 = arith.constant 1 : i32
      %mul3A_642 = arith.muli %scan3A_640, %mul3A_641 : i32
      %add3A_643 = arith.constant 0 : i32
      %add3A_644 = arith.addi %add3A_643, %mul3A_642 : i32
      %mul3A_645 = arith.constant 80 : i32
      %mul3A_646 = arith.muli %add3A_644, %mul3A_645 : i32
      %dma_start3A_647 = tpu.memref_slice %arg27[%mul3A_646] : memref<2000xi32, #tpu.memory_space<vmem>> -> memref<80xi32, #tpu.memory_space<vmem>>
      %dma_start3A_648 = arith.constant 0 : i32
      %dma_start3A_649 = tpu.memref_slice %arg10[%dma_start3A_648] : memref<10240xf32, #tpu.memory_space<vmem_shared>> -> memref<10240xf32, #tpu.memory_space<vmem_shared>>
      tpu.enqueue_indirect_dma source(%arg30 : memref<80xf32, #tpu.memory_space<vmem>>) target(%dma_start3A_649 : memref<10240xf32, #tpu.memory_space<vmem_shared>>) offsets(%dma_start3A_647 : memref<80xi32, #tpu.memory_space<vmem>>) semaphore(%arg37 : memref<!tpu.dma_semaphore, #tpu.memory_space<semaphore_mem>>) {add = true}
    }
    %scan3A_368 = arith.constant 25 : i32
    %scan3A_369 = arith.constant 0 : i32
    %scan3A_370 = arith.constant 25 : i32
    %scan3A_371 = arith.addi %scan3A_369, %scan3A_370 : i32
    %scan3A_372 = arith.constant 1 : i32
    scf.for %scan3A_640 = %scan3A_369 to %scan3A_371 step %scan3A_372  : i32 {
      %mul3A_641 = arith.constant 1 : i32
      %mul3A_642 = arith.muli %scan3A_640, %mul3A_641 : i32
      %add3A_643 = arith.constant 0 : i32
      %add3A_644 = arith.addi %add3A_643, %mul3A_642 : i32
      %dma_wait3A_645 = arith.constant 0 : i32
      %dma_wait3A_646 = tpu.memref_slice %arg27[%dma_wait3A_645] : memref<2000xi32, #tpu.memory_space<vmem>> -> memref<80xi32, #tpu.memory_space<vmem>>
      %dma_wait3A_647 = arith.constant 0 : i32
      %dma_wait3A_648 = tpu.memref_slice %arg10[%dma_wait3A_647] : memref<10240xf32, #tpu.memory_space<vmem_shared>> -> memref<10240xf32, #tpu.memory_space<vmem_shared>>
      tpu.wait_indirect_dma semaphore(%arg37 : memref<!tpu.dma_semaphore, #tpu.memory_space<semaphore_mem>>) src(%arg30 : memref<80xf32, #tpu.memory_space<vmem>>) dst(%dma_wait3A_648 : memref<10240xf32, #tpu.memory_space<vmem_shared>>)
    }
    %scan3A_373 = arith.constant 25 : i32
    %mul3A_374 = arith.constant 16 : i32
    %mul3A_375 = arith.muli %arg0, %mul3A_374 : i32
    %add3A_376 = arith.addi %mul3A_375, %arg1 : i32
    %mul3A_377 = arith.constant 10000 : i32
    %mul3A_378 = arith.muli %add3A_376, %mul3A_377 : i32
    %add3A_379 = arith.constant 2000 : i32
    %add3A_380 = arith.addi %mul3A_378, %add3A_379 : i32
    %dma_wait3A_381 = arith.constant 1 : i32
    %dma_wait3A_382 = tpu.memref_slice %arg4[%add3A_380] : memref<320000xi32, #tpu.memory_space<hbm>> -> memref<2000xi32, #tpu.memory_space<hbm>>
    %dma_wait3A_383 = tpu.memref_slice %arg36[%dma_wait3A_381] : memref<2x!tpu.dma_semaphore, #tpu.memory_space<semaphore_mem>> -> memref<1x!tpu.dma_semaphore, #tpu.memory_space<semaphore_mem>>
    %dma_wait3A_384 = tpu.memref_squeeze %dma_wait3A_383 : memref<1x!tpu.dma_semaphore, #tpu.memory_space<semaphore_mem>> -> memref<!tpu.dma_semaphore, #tpu.memory_space<semaphore_mem>>
    %dma_wait3A_385 = tpu.memref_slice %arg4[%add3A_380] : memref<320000xi32, #tpu.memory_space<hbm>> -> memref<2000xi32, #tpu.memory_space<hbm>>
    tpu.wait_dma2 semaphore(%dma_wait3A_384 : memref<!tpu.dma_semaphore, #tpu.memory_space<semaphore_mem>>) src(%dma_wait3A_385 : memref<2000xi32, #tpu.memory_space<hbm>>) dst(%arg28 : memref<2000xi32, #tpu.memory_space<vmem>>)
    %mul3A_386 = arith.constant 16 : i32
    %mul3A_387 = arith.muli %arg0, %mul3A_386 : i32
    %add3A_388 = arith.addi %mul3A_387, %arg1 : i32
    %mul3A_389 = arith.constant 10000 : i32
    %mul3A_390 = arith.muli %add3A_388, %mul3A_389 : i32
    %add3A_391 = arith.constant 4000 : i32
    %add3A_392 = arith.addi %mul3A_390, %add3A_391 : i32
    %dma_start3A_393 = arith.constant 0 : i32
    %dma_start3A_394 = tpu.memref_slice %arg4[%add3A_392] : memref<320000xi32, #tpu.memory_space<hbm>> -> memref<2000xi32, #tpu.memory_space<hbm>>
    %dma_start3A_395 = tpu.memref_slice %arg36[%dma_start3A_393] : memref<2x!tpu.dma_semaphore, #tpu.memory_space<semaphore_mem>> -> memref<1x!tpu.dma_semaphore, #tpu.memory_space<semaphore_mem>>
    %dma_start3A_396 = tpu.memref_squeeze %dma_start3A_395 : memref<1x!tpu.dma_semaphore, #tpu.memory_space<semaphore_mem>> -> memref<!tpu.dma_semaphore, #tpu.memory_space<semaphore_mem>>
    %dma_start3A_397 = tpu.memref_slice %arg4[%add3A_392] : memref<320000xi32, #tpu.memory_space<hbm>> -> memref<2000xi32, #tpu.memory_space<hbm>>
    tpu.enqueue_dma source(%dma_start3A_397 : memref<2000xi32, #tpu.memory_space<hbm>>) target(%arg27 : memref<2000xi32, #tpu.memory_space<vmem>>) target_semaphore(%dma_start3A_396 : memref<!tpu.dma_semaphore, #tpu.memory_space<semaphore_mem>>)
    %scan3A_398 = arith.constant 0 : i32
    %scan3A_399 = arith.constant 25 : i32
    %scan3A_400 = arith.addi %scan3A_398, %scan3A_399 : i32
    %scan3A_401 = arith.constant 1 : i32
    scf.for %scan3A_640 = %scan3A_398 to %scan3A_400 step %scan3A_401  : i32 {
      %mul3A_641 = arith.constant 1 : i32
      %mul3A_642 = arith.muli %scan3A_640, %mul3A_641 : i32
      %add3A_643 = arith.constant 0 : i32
      %add3A_644 = arith.addi %add3A_643, %mul3A_642 : i32
      %mul3A_645 = arith.constant 80 : i32
      %mul3A_646 = arith.muli %add3A_644, %mul3A_645 : i32
      %dma_start3A_647 = tpu.memref_slice %arg28[%mul3A_646] : memref<2000xi32, #tpu.memory_space<vmem>> -> memref<80xi32, #tpu.memory_space<vmem>>
      %dma_start3A_648 = arith.constant 0 : i32
      %dma_start3A_649 = tpu.memref_slice %arg10[%dma_start3A_648] : memref<10240xf32, #tpu.memory_space<vmem_shared>> -> memref<10240xf32, #tpu.memory_space<vmem_shared>>
      tpu.enqueue_indirect_dma source(%arg30 : memref<80xf32, #tpu.memory_space<vmem>>) target(%dma_start3A_649 : memref<10240xf32, #tpu.memory_space<vmem_shared>>) offsets(%dma_start3A_647 : memref<80xi32, #tpu.memory_space<vmem>>) semaphore(%arg37 : memref<!tpu.dma_semaphore, #tpu.memory_space<semaphore_mem>>) {add = true}
    }
    %scan3A_402 = arith.constant 25 : i32
    %scan3A_403 = arith.constant 0 : i32
    %scan3A_404 = arith.constant 25 : i32
    %scan3A_405 = arith.addi %scan3A_403, %scan3A_404 : i32
    %scan3A_406 = arith.constant 1 : i32
    scf.for %scan3A_640 = %scan3A_403 to %scan3A_405 step %scan3A_406  : i32 {
      %mul3A_641 = arith.constant 1 : i32
      %mul3A_642 = arith.muli %scan3A_640, %mul3A_641 : i32
      %add3A_643 = arith.constant 0 : i32
      %add3A_644 = arith.addi %add3A_643, %mul3A_642 : i32
      %dma_wait3A_645 = arith.constant 0 : i32
      %dma_wait3A_646 = tpu.memref_slice %arg28[%dma_wait3A_645] : memref<2000xi32, #tpu.memory_space<vmem>> -> memref<80xi32, #tpu.memory_space<vmem>>
      %dma_wait3A_647 = arith.constant 0 : i32
      %dma_wait3A_648 = tpu.memref_slice %arg10[%dma_wait3A_647] : memref<10240xf32, #tpu.memory_space<vmem_shared>> -> memref<10240xf32, #tpu.memory_space<vmem_shared>>
      tpu.wait_indirect_dma semaphore(%arg37 : memref<!tpu.dma_semaphore, #tpu.memory_space<semaphore_mem>>) src(%arg30 : memref<80xf32, #tpu.memory_space<vmem>>) dst(%dma_wait3A_648 : memref<10240xf32, #tpu.memory_space<vmem_shared>>)
    }
    %scan3A_407 = arith.constant 25 : i32
    %mul3A_408 = arith.constant 16 : i32
    %mul3A_409 = arith.muli %arg0, %mul3A_408 : i32
    %add3A_410 = arith.addi %mul3A_409, %arg1 : i32
    %mul3A_411 = arith.constant 10000 : i32
    %mul3A_412 = arith.muli %add3A_410, %mul3A_411 : i32
    %add3A_413 = arith.constant 4000 : i32
    %add3A_414 = arith.addi %mul3A_412, %add3A_413 : i32
    %dma_wait3A_415 = arith.constant 0 : i32
    %dma_wait3A_416 = tpu.memref_slice %arg4[%add3A_414] : memref<320000xi32, #tpu.memory_space<hbm>> -> memref<2000xi32, #tpu.memory_space<hbm>>
    %dma_wait3A_417 = tpu.memref_slice %arg36[%dma_wait3A_415] : memref<2x!tpu.dma_semaphore, #tpu.memory_space<semaphore_mem>> -> memref<1x!tpu.dma_semaphore, #tpu.memory_space<semaphore_mem>>
    %dma_wait3A_418 = tpu.memref_squeeze %dma_wait3A_417 : memref<1x!tpu.dma_semaphore, #tpu.memory_space<semaphore_mem>> -> memref<!tpu.dma_semaphore, #tpu.memory_space<semaphore_mem>>
    %dma_wait3A_419 = tpu.memref_slice %arg4[%add3A_414] : memref<320000xi32, #tpu.memory_space<hbm>> -> memref<2000xi32, #tpu.memory_space<hbm>>
    tpu.wait_dma2 semaphore(%dma_wait3A_418 : memref<!tpu.dma_semaphore, #tpu.memory_space<semaphore_mem>>) src(%dma_wait3A_419 : memref<2000xi32, #tpu.memory_space<hbm>>) dst(%arg27 : memref<2000xi32, #tpu.memory_space<vmem>>)
    %mul3A_420 = arith.constant 16 : i32
    %mul3A_421 = arith.muli %arg0, %mul3A_420 : i32
    %add3A_422 = arith.addi %mul3A_421, %arg1 : i32
    %mul3A_423 = arith.constant 10000 : i32
    %mul3A_424 = arith.muli %add3A_422, %mul3A_423 : i32
    %add3A_425 = arith.constant 6000 : i32
    %add3A_426 = arith.addi %mul3A_424, %add3A_425 : i32
    %dma_start3A_427 = arith.constant 1 : i32
    %dma_start3A_428 = tpu.memref_slice %arg4[%add3A_426] : memref<320000xi32, #tpu.memory_space<hbm>> -> memref<2000xi32, #tpu.memory_space<hbm>>
    %dma_start3A_429 = tpu.memref_slice %arg36[%dma_start3A_427] : memref<2x!tpu.dma_semaphore, #tpu.memory_space<semaphore_mem>> -> memref<1x!tpu.dma_semaphore, #tpu.memory_space<semaphore_mem>>
    %dma_start3A_430 = tpu.memref_squeeze %dma_start3A_429 : memref<1x!tpu.dma_semaphore, #tpu.memory_space<semaphore_mem>> -> memref<!tpu.dma_semaphore, #tpu.memory_space<semaphore_mem>>
    %dma_start3A_431 = tpu.memref_slice %arg4[%add3A_426] : memref<320000xi32, #tpu.memory_space<hbm>> -> memref<2000xi32, #tpu.memory_space<hbm>>
    tpu.enqueue_dma source(%dma_start3A_431 : memref<2000xi32, #tpu.memory_space<hbm>>) target(%arg28 : memref<2000xi32, #tpu.memory_space<vmem>>) target_semaphore(%dma_start3A_430 : memref<!tpu.dma_semaphore, #tpu.memory_space<semaphore_mem>>)
    %scan3A_432 = arith.constant 0 : i32
    %scan3A_433 = arith.constant 25 : i32
    %scan3A_434 = arith.addi %scan3A_432, %scan3A_433 : i32
    %scan3A_435 = arith.constant 1 : i32
    scf.for %scan3A_640 = %scan3A_432 to %scan3A_434 step %scan3A_435  : i32 {
      %mul3A_641 = arith.constant 1 : i32
      %mul3A_642 = arith.muli %scan3A_640, %mul3A_641 : i32
      %add3A_643 = arith.constant 0 : i32
      %add3A_644 = arith.addi %add3A_643, %mul3A_642 : i32
      %mul3A_645 = arith.constant 80 : i32
      %mul3A_646 = arith.muli %add3A_644, %mul3A_645 : i32
      %dma_start3A_647 = tpu.memref_slice %arg27[%mul3A_646] : memref<2000xi32, #tpu.memory_space<vmem>> -> memref<80xi32, #tpu.memory_space<vmem>>
      %dma_start3A_648 = arith.constant 0 : i32
      %dma_start3A_649 = tpu.memref_slice %arg10[%dma_start3A_648] : memref<10240xf32, #tpu.memory_space<vmem_shared>> -> memref<10240xf32, #tpu.memory_space<vmem_shared>>
      tpu.enqueue_indirect_dma source(%arg30 : memref<80xf32, #tpu.memory_space<vmem>>) target(%dma_start3A_649 : memref<10240xf32, #tpu.memory_space<vmem_shared>>) offsets(%dma_start3A_647 : memref<80xi32, #tpu.memory_space<vmem>>) semaphore(%arg37 : memref<!tpu.dma_semaphore, #tpu.memory_space<semaphore_mem>>) {add = true}
    }
    %scan3A_436 = arith.constant 25 : i32
    %scan3A_437 = arith.constant 0 : i32
    %scan3A_438 = arith.constant 25 : i32
    %scan3A_439 = arith.addi %scan3A_437, %scan3A_438 : i32
    %scan3A_440 = arith.constant 1 : i32
    scf.for %scan3A_640 = %scan3A_437 to %scan3A_439 step %scan3A_440  : i32 {
      %mul3A_641 = arith.constant 1 : i32
      %mul3A_642 = arith.muli %scan3A_640, %mul3A_641 : i32
      %add3A_643 = arith.constant 0 : i32
      %add3A_644 = arith.addi %add3A_643, %mul3A_642 : i32
      %dma_wait3A_645 = arith.constant 0 : i32
      %dma_wait3A_646 = tpu.memref_slice %arg27[%dma_wait3A_645] : memref<2000xi32, #tpu.memory_space<vmem>> -> memref<80xi32, #tpu.memory_space<vmem>>
      %dma_wait3A_647 = arith.constant 0 : i32
      %dma_wait3A_648 = tpu.memref_slice %arg10[%dma_wait3A_647] : memref<10240xf32, #tpu.memory_space<vmem_shared>> -> memref<10240xf32, #tpu.memory_space<vmem_shared>>
      tpu.wait_indirect_dma semaphore(%arg37 : memref<!tpu.dma_semaphore, #tpu.memory_space<semaphore_mem>>) src(%arg30 : memref<80xf32, #tpu.memory_space<vmem>>) dst(%dma_wait3A_648 : memref<10240xf32, #tpu.memory_space<vmem_shared>>)
    }
    %scan3A_441 = arith.constant 25 : i32
    %mul3A_442 = arith.constant 16 : i32
    %mul3A_443 = arith.muli %arg0, %mul3A_442 : i32
    %add3A_444 = arith.addi %mul3A_443, %arg1 : i32
    %mul3A_445 = arith.constant 10000 : i32
    %mul3A_446 = arith.muli %add3A_444, %mul3A_445 : i32
    %add3A_447 = arith.constant 6000 : i32
    %add3A_448 = arith.addi %mul3A_446, %add3A_447 : i32
    %dma_wait3A_449 = arith.constant 1 : i32
    %dma_wait3A_450 = tpu.memref_slice %arg4[%add3A_448] : memref<320000xi32, #tpu.memory_space<hbm>> -> memref<2000xi32, #tpu.memory_space<hbm>>
    %dma_wait3A_451 = tpu.memref_slice %arg36[%dma_wait3A_449] : memref<2x!tpu.dma_semaphore, #tpu.memory_space<semaphore_mem>> -> memref<1x!tpu.dma_semaphore, #tpu.memory_space<semaphore_mem>>
    %dma_wait3A_452 = tpu.memref_squeeze %dma_wait3A_451 : memref<1x!tpu.dma_semaphore, #tpu.memory_space<semaphore_mem>> -> memref<!tpu.dma_semaphore, #tpu.memory_space<semaphore_mem>>
    %dma_wait3A_453 = tpu.memref_slice %arg4[%add3A_448] : memref<320000xi32, #tpu.memory_space<hbm>> -> memref<2000xi32, #tpu.memory_space<hbm>>
    tpu.wait_dma2 semaphore(%dma_wait3A_452 : memref<!tpu.dma_semaphore, #tpu.memory_space<semaphore_mem>>) src(%dma_wait3A_453 : memref<2000xi32, #tpu.memory_space<hbm>>) dst(%arg28 : memref<2000xi32, #tpu.memory_space<vmem>>)
    %mul3A_454 = arith.constant 16 : i32
    %mul3A_455 = arith.muli %arg0, %mul3A_454 : i32
    %add3A_456 = arith.addi %mul3A_455, %arg1 : i32
    %mul3A_457 = arith.constant 10000 : i32
    %mul3A_458 = arith.muli %add3A_456, %mul3A_457 : i32
    %add3A_459 = arith.constant 8000 : i32
    %add3A_460 = arith.addi %mul3A_458, %add3A_459 : i32
    %dma_start3A_461 = arith.constant 0 : i32
    %dma_start3A_462 = tpu.memref_slice %arg4[%add3A_460] : memref<320000xi32, #tpu.memory_space<hbm>> -> memref<2000xi32, #tpu.memory_space<hbm>>
    %dma_start3A_463 = tpu.memref_slice %arg36[%dma_start3A_461] : memref<2x!tpu.dma_semaphore, #tpu.memory_space<semaphore_mem>> -> memref<1x!tpu.dma_semaphore, #tpu.memory_space<semaphore_mem>>
    %dma_start3A_464 = tpu.memref_squeeze %dma_start3A_463 : memref<1x!tpu.dma_semaphore, #tpu.memory_space<semaphore_mem>> -> memref<!tpu.dma_semaphore, #tpu.memory_space<semaphore_mem>>
    %dma_start3A_465 = tpu.memref_slice %arg4[%add3A_460] : memref<320000xi32, #tpu.memory_space<hbm>> -> memref<2000xi32, #tpu.memory_space<hbm>>
    tpu.enqueue_dma source(%dma_start3A_465 : memref<2000xi32, #tpu.memory_space<hbm>>) target(%arg27 : memref<2000xi32, #tpu.memory_space<vmem>>) target_semaphore(%dma_start3A_464 : memref<!tpu.dma_semaphore, #tpu.memory_space<semaphore_mem>>)
    %scan3A_466 = arith.constant 0 : i32
    %scan3A_467 = arith.constant 25 : i32
    %scan3A_468 = arith.addi %scan3A_466, %scan3A_467 : i32
    %scan3A_469 = arith.constant 1 : i32
    scf.for %scan3A_640 = %scan3A_466 to %scan3A_468 step %scan3A_469  : i32 {
      %mul3A_641 = arith.constant 1 : i32
      %mul3A_642 = arith.muli %scan3A_640, %mul3A_641 : i32
      %add3A_643 = arith.constant 0 : i32
      %add3A_644 = arith.addi %add3A_643, %mul3A_642 : i32
      %mul3A_645 = arith.constant 80 : i32
      %mul3A_646 = arith.muli %add3A_644, %mul3A_645 : i32
      %dma_start3A_647 = tpu.memref_slice %arg28[%mul3A_646] : memref<2000xi32, #tpu.memory_space<vmem>> -> memref<80xi32, #tpu.memory_space<vmem>>
      %dma_start3A_648 = arith.constant 0 : i32
      %dma_start3A_649 = tpu.memref_slice %arg10[%dma_start3A_648] : memref<10240xf32, #tpu.memory_space<vmem_shared>> -> memref<10240xf32, #tpu.memory_space<vmem_shared>>
      tpu.enqueue_indirect_dma source(%arg30 : memref<80xf32, #tpu.memory_space<vmem>>) target(%dma_start3A_649 : memref<10240xf32, #tpu.memory_space<vmem_shared>>) offsets(%dma_start3A_647 : memref<80xi32, #tpu.memory_space<vmem>>) semaphore(%arg37 : memref<!tpu.dma_semaphore, #tpu.memory_space<semaphore_mem>>) {add = true}
    }
    %scan3A_470 = arith.constant 25 : i32
    %scan3A_471 = arith.constant 0 : i32
    %scan3A_472 = arith.constant 25 : i32
    %scan3A_473 = arith.addi %scan3A_471, %scan3A_472 : i32
    %scan3A_474 = arith.constant 1 : i32
    scf.for %scan3A_640 = %scan3A_471 to %scan3A_473 step %scan3A_474  : i32 {
      %mul3A_641 = arith.constant 1 : i32
      %mul3A_642 = arith.muli %scan3A_640, %mul3A_641 : i32
      %add3A_643 = arith.constant 0 : i32
      %add3A_644 = arith.addi %add3A_643, %mul3A_642 : i32
      %dma_wait3A_645 = arith.constant 0 : i32
      %dma_wait3A_646 = tpu.memref_slice %arg28[%dma_wait3A_645] : memref<2000xi32, #tpu.memory_space<vmem>> -> memref<80xi32, #tpu.memory_space<vmem>>
      %dma_wait3A_647 = arith.constant 0 : i32
      %dma_wait3A_648 = tpu.memref_slice %arg10[%dma_wait3A_647] : memref<10240xf32, #tpu.memory_space<vmem_shared>> -> memref<10240xf32, #tpu.memory_space<vmem_shared>>
      tpu.wait_indirect_dma semaphore(%arg37 : memref<!tpu.dma_semaphore, #tpu.memory_space<semaphore_mem>>) src(%arg30 : memref<80xf32, #tpu.memory_space<vmem>>) dst(%dma_wait3A_648 : memref<10240xf32, #tpu.memory_space<vmem_shared>>)
    }
    %scan3A_475 = arith.constant 25 : i32
    %mul3A_476 = arith.constant 16 : i32
    %mul3A_477 = arith.muli %arg0, %mul3A_476 : i32
    %add3A_478 = arith.addi %mul3A_477, %arg1 : i32
    %mul3A_479 = arith.constant 10000 : i32
    %mul3A_480 = arith.muli %add3A_478, %mul3A_479 : i32
    %add3A_481 = arith.constant 8000 : i32
    %add3A_482 = arith.addi %mul3A_480, %add3A_481 : i32
    %dma_wait3A_483 = arith.constant 0 : i32
    %dma_wait3A_484 = tpu.memref_slice %arg4[%add3A_482] : memref<320000xi32, #tpu.memory_space<hbm>> -> memref<2000xi32, #tpu.memory_space<hbm>>
    %dma_wait3A_485 = tpu.memref_slice %arg36[%dma_wait3A_483] : memref<2x!tpu.dma_semaphore, #tpu.memory_space<semaphore_mem>> -> memref<1x!tpu.dma_semaphore, #tpu.memory_space<semaphore_mem>>
    %dma_wait3A_486 = tpu.memref_squeeze %dma_wait3A_485 : memref<1x!tpu.dma_semaphore, #tpu.memory_space<semaphore_mem>> -> memref<!tpu.dma_semaphore, #tpu.memory_space<semaphore_mem>>
    %dma_wait3A_487 = tpu.memref_slice %arg4[%add3A_482] : memref<320000xi32, #tpu.memory_space<hbm>> -> memref<2000xi32, #tpu.memory_space<hbm>>
    tpu.wait_dma2 semaphore(%dma_wait3A_486 : memref<!tpu.dma_semaphore, #tpu.memory_space<semaphore_mem>>) src(%dma_wait3A_487 : memref<2000xi32, #tpu.memory_space<hbm>>) dst(%arg27 : memref<2000xi32, #tpu.memory_space<vmem>>)
    %scan3A_488 = arith.constant 0 : i32
    %scan3A_489 = arith.constant 25 : i32
    %scan3A_490 = arith.addi %scan3A_488, %scan3A_489 : i32
    %scan3A_491 = arith.constant 1 : i32
    scf.for %scan3A_640 = %scan3A_488 to %scan3A_490 step %scan3A_491  : i32 {
      %mul3A_641 = arith.constant 1 : i32
      %mul3A_642 = arith.muli %scan3A_640, %mul3A_641 : i32
      %add3A_643 = arith.constant 0 : i32
      %add3A_644 = arith.addi %add3A_643, %mul3A_642 : i32
      %mul3A_645 = arith.constant 80 : i32
      %mul3A_646 = arith.muli %add3A_644, %mul3A_645 : i32
      %dma_start3A_647 = tpu.memref_slice %arg27[%mul3A_646] : memref<2000xi32, #tpu.memory_space<vmem>> -> memref<80xi32, #tpu.memory_space<vmem>>
      %dma_start3A_648 = arith.constant 0 : i32
      %dma_start3A_649 = tpu.memref_slice %arg10[%dma_start3A_648] : memref<10240xf32, #tpu.memory_space<vmem_shared>> -> memref<10240xf32, #tpu.memory_space<vmem_shared>>
      tpu.enqueue_indirect_dma source(%arg30 : memref<80xf32, #tpu.memory_space<vmem>>) target(%dma_start3A_649 : memref<10240xf32, #tpu.memory_space<vmem_shared>>) offsets(%dma_start3A_647 : memref<80xi32, #tpu.memory_space<vmem>>) semaphore(%arg37 : memref<!tpu.dma_semaphore, #tpu.memory_space<semaphore_mem>>) {add = true}
    }
    %scan3A_492 = arith.constant 25 : i32
    %scan3A_493 = arith.constant 0 : i32
    %scan3A_494 = arith.constant 25 : i32
    %scan3A_495 = arith.addi %scan3A_493, %scan3A_494 : i32
    %scan3A_496 = arith.constant 1 : i32
    scf.for %scan3A_640 = %scan3A_493 to %scan3A_495 step %scan3A_496  : i32 {
      %mul3A_641 = arith.constant 1 : i32
      %mul3A_642 = arith.muli %scan3A_640, %mul3A_641 : i32
      %add3A_643 = arith.constant 0 : i32
      %add3A_644 = arith.addi %add3A_643, %mul3A_642 : i32
      %dma_wait3A_645 = arith.constant 0 : i32
      %dma_wait3A_646 = tpu.memref_slice %arg27[%dma_wait3A_645] : memref<2000xi32, #tpu.memory_space<vmem>> -> memref<80xi32, #tpu.memory_space<vmem>>
      %dma_wait3A_647 = arith.constant 0 : i32
      %dma_wait3A_648 = tpu.memref_slice %arg10[%dma_wait3A_647] : memref<10240xf32, #tpu.memory_space<vmem_shared>> -> memref<10240xf32, #tpu.memory_space<vmem_shared>>
      tpu.wait_indirect_dma semaphore(%arg37 : memref<!tpu.dma_semaphore, #tpu.memory_space<semaphore_mem>>) src(%arg30 : memref<80xf32, #tpu.memory_space<vmem>>) dst(%dma_wait3A_648 : memref<10240xf32, #tpu.memory_space<vmem_shared>>)
    }
    %scan3A_497 = arith.constant 25 : i32
    %barrier3A_498 = arith.constant 0 : index
    tpu.barrier barrier_id(%barrier3A_498)
    %mul3A_499 = arith.constant 640 : i32
    %mul3A_500 = arith.muli %arg1, %mul3A_499 : i32
    "tpu.region"() ({
      %run_scoped3A = tpu.sem_alloc : memref<!tpu.dma_semaphore, #tpu.memory_space<semaphore_mem>>
      %dma_start3A_640 = tpu.memref_slice %arg9[%mul3A_500] : memref<10240xf32, #tpu.memory_space<vmem_shared>> -> memref<640xf32, #tpu.memory_space<vmem_shared>>
      %dma_start3A_641 = tpu.memref_slice %arg9[%mul3A_500] : memref<10240xf32, #tpu.memory_space<vmem_shared>> -> memref<640xf32, #tpu.memory_space<vmem_shared>>
      tpu.enqueue_dma source(%dma_start3A_641 : memref<640xf32, #tpu.memory_space<vmem_shared>>) target(%arg31 : memref<640xf32, #tpu.memory_space<vmem>>) target_semaphore(%run_scoped3A : memref<!tpu.dma_semaphore, #tpu.memory_space<semaphore_mem>>)
      %dma_wait3A_642 = tpu.memref_slice %arg9[%mul3A_500] : memref<10240xf32, #tpu.memory_space<vmem_shared>> -> memref<640xf32, #tpu.memory_space<vmem_shared>>
      %dma_wait3A_643 = tpu.memref_slice %arg9[%mul3A_500] : memref<10240xf32, #tpu.memory_space<vmem_shared>> -> memref<640xf32, #tpu.memory_space<vmem_shared>>
      tpu.wait_dma2 semaphore(%run_scoped3A : memref<!tpu.dma_semaphore, #tpu.memory_space<semaphore_mem>>) src(%dma_wait3A_643 : memref<640xf32, #tpu.memory_space<vmem_shared>>) dst(%arg31 : memref<640xf32, #tpu.memory_space<vmem>>)
      tpu.yield
    }) : () -> ()
    %scan3A_501 = arith.constant 0 : i32
    %scan3A_502 = arith.constant 40 : i32
    %scan3A_503 = arith.addi %scan3A_501, %scan3A_502 : i32
    %scan3A_504 = arith.constant 1 : i32
    scf.for %scan3A_640 = %scan3A_501 to %scan3A_503 step %scan3A_504  : i32 {
      %mul3A_641 = arith.constant 1 : i32
      %mul3A_642 = arith.muli %scan3A_640, %mul3A_641 : i32
      %add3A_643 = arith.constant 0 : i32
      %add3A_644 = arith.addi %add3A_643, %mul3A_642 : i32
      %mul3A_645 = arith.constant 16 : i32
      %mul3A_646 = arith.muli %add3A_644, %mul3A_645 : i32
      %get3A = arith.index_cast %mul3A_646 : i32 to index
      %get3A_647 = tpu.vector_load %arg31[%get3A] {strides = array<i32>} : memref<640xf32, #tpu.memory_space<vmem>>, vector<16xf32>,
      %max3A = arith.constant 1.000000e+00 : f32
      %max3A_648 = vector.broadcast %max3A : f32 to vector<16xf32>
      %max3A_649 = arith.maximumf %get3A_647, %max3A_648 : vector<16xf32>
      %mul3A_650 = arith.constant 5.000000e-01 : f32
      %mul3A_651 = vector.broadcast %mul3A_650 : f32 to vector<16xf32>
      %mul3A_652 = arith.mulf %max3A_649, %mul3A_651 : vector<16xf32>
      %bitcast_convert_type3A = tpu.bitcast %max3A_649 : vector<16xf32> -> vector<16xi32>
      %shift_right_arithmetic3A = arith.constant 1 : i32
      %shift_right_arithmetic3A_653 = vector.broadcast %shift_right_arithmetic3A : i32 to vector<16xi32>
      %shift_right_arithmetic3A_654 = arith.shrsi %bitcast_convert_type3A, %shift_right_arithmetic3A_653 : vector<16xi32>
      %sub3A = arith.constant 1597463007 : i32
      %sub3A_655 = vector.broadcast %sub3A : i32 to vector<16xi32>
      %sub3A_656 = arith.subi %sub3A_655, %shift_right_arithmetic3A_654 : vector<16xi32>
      %bitcast_convert_type3A_657 = tpu.bitcast %sub3A_656 : vector<16xi32> -> vector<16xf32>
      %mul3A_658 = arith.mulf %mul3A_652, %bitcast_convert_type3A_657 : vector<16xf32>
      %mul3A_659 = arith.mulf %mul3A_658, %bitcast_convert_type3A_657 : vector<16xf32>
      %sub3A_660 = arith.constant 1.500000e+00 : f32
      %sub3A_661 = vector.broadcast %sub3A_660 : f32 to vector<16xf32>
      %sub3A_662 = arith.subf %sub3A_661, %mul3A_659 : vector<16xf32>
      %mul3A_663 = arith.mulf %bitcast_convert_type3A_657, %sub3A_662 : vector<16xf32>
      %mul3A_664 = arith.mulf %mul3A_652, %mul3A_663 : vector<16xf32>
      %mul3A_665 = arith.mulf %mul3A_664, %mul3A_663 : vector<16xf32>
      %sub3A_666 = arith.constant 1.500000e+00 : f32
      %sub3A_667 = vector.broadcast %sub3A_666 : f32 to vector<16xf32>
      %sub3A_668 = arith.subf %sub3A_667, %mul3A_665 : vector<16xf32>
      %mul3A_669 = arith.mulf %mul3A_663, %sub3A_668 : vector<16xf32>
      %mul3A_670 = arith.mulf %mul3A_652, %mul3A_669 : vector<16xf32>
      %mul3A_671 = arith.mulf %mul3A_670, %mul3A_669 : vector<16xf32>
      %sub3A_672 = arith.constant 1.500000e+00 : f32
      %sub3A_673 = vector.broadcast %sub3A_672 : f32 to vector<16xf32>
      %sub3A_674 = arith.subf %sub3A_673, %mul3A_671 : vector<16xf32>
      %mul3A_675 = arith.mulf %mul3A_669, %sub3A_674 : vector<16xf32>
      %mul3A_676 = arith.constant 16 : i32
      %mul3A_677 = arith.muli %add3A_644, %mul3A_676 : i32
      %swap3A = arith.index_cast %mul3A_677 : i32 to index
      %swap3A_678 = tpu.vector_load %arg31[%swap3A] {strides = array<i32>} : memref<640xf32, #tpu.memory_space<vmem>>, vector<16xf32>,
      tpu.vector_store %arg31[%swap3A], %mul3A_675 {strides = array<i32>} : memref<640xf32, #tpu.memory_space<vmem>>, vector<16xf32>,
    }
    %scan3A_505 = arith.constant 40 : i32
    %mul3A_506 = arith.constant 640 : i32
    %mul3A_507 = arith.muli %arg1, %mul3A_506 : i32
    "tpu.region"() ({
      %run_scoped3A = tpu.sem_alloc : memref<!tpu.dma_semaphore, #tpu.memory_space<semaphore_mem>>
      %dma_start3A_640 = tpu.memref_slice %arg11[%mul3A_507] : memref<10240xf32, #tpu.memory_space<vmem_shared>> -> memref<640xf32, #tpu.memory_space<vmem_shared>>
      %dma_start3A_641 = tpu.memref_slice %arg11[%mul3A_507] : memref<10240xf32, #tpu.memory_space<vmem_shared>> -> memref<640xf32, #tpu.memory_space<vmem_shared>>
      tpu.enqueue_dma source(%arg31 : memref<640xf32, #tpu.memory_space<vmem>>) target(%dma_start3A_641 : memref<640xf32, #tpu.memory_space<vmem_shared>>) target_semaphore(%run_scoped3A : memref<!tpu.dma_semaphore, #tpu.memory_space<semaphore_mem>>)
      %dma_wait3A_642 = tpu.memref_slice %arg11[%mul3A_507] : memref<10240xf32, #tpu.memory_space<vmem_shared>> -> memref<640xf32, #tpu.memory_space<vmem_shared>>
      %dma_wait3A_643 = tpu.memref_slice %arg11[%mul3A_507] : memref<10240xf32, #tpu.memory_space<vmem_shared>> -> memref<640xf32, #tpu.memory_space<vmem_shared>>
      tpu.wait_dma2 semaphore(%run_scoped3A : memref<!tpu.dma_semaphore, #tpu.memory_space<semaphore_mem>>) src(%arg31 : memref<640xf32, #tpu.memory_space<vmem>>) dst(%dma_wait3A_643 : memref<640xf32, #tpu.memory_space<vmem_shared>>)
      tpu.yield
    }) : () -> ()
    %mul3A_508 = arith.constant 640 : i32
    %mul3A_509 = arith.muli %arg1, %mul3A_508 : i32
    %mul3A_510 = arith.constant 640 : i32
    %mul3A_511 = arith.muli %arg1, %mul3A_510 : i32
    "tpu.region"() ({
      %run_scoped3A = tpu.sem_alloc : memref<!tpu.dma_semaphore, #tpu.memory_space<semaphore_mem>>
      %dma_start3A_640 = tpu.memref_slice %arg7[%arg0, %mul3A_511] : memref<2x10240xf32, #tpu.memory_space<hbm>> -> memref<1x640xf32, #tpu.memory_space<hbm>>
      %dma_start3A_641 = tpu.memref_squeeze %dma_start3A_640 : memref<1x640xf32, #tpu.memory_space<hbm>> -> memref<640xf32, #tpu.memory_space<hbm>>
      %dma_start3A_642 = tpu.memref_slice %arg10[%mul3A_509] : memref<10240xf32, #tpu.memory_space<vmem_shared>> -> memref<640xf32, #tpu.memory_space<vmem_shared>>
      tpu.enqueue_dma source(%dma_start3A_642 : memref<640xf32, #tpu.memory_space<vmem_shared>>) target(%dma_start3A_641 : memref<640xf32, #tpu.memory_space<hbm>>) target_semaphore(%run_scoped3A : memref<!tpu.dma_semaphore, #tpu.memory_space<semaphore_mem>>)
      %dma_wait3A_643 = tpu.memref_slice %arg7[%arg0, %mul3A_511] : memref<2x10240xf32, #tpu.memory_space<hbm>> -> memref<1x640xf32, #tpu.memory_space<hbm>>
      %dma_wait3A_644 = tpu.memref_squeeze %dma_wait3A_643 : memref<1x640xf32, #tpu.memory_space<hbm>> -> memref<640xf32, #tpu.memory_space<hbm>>
      %dma_wait3A_645 = tpu.memref_slice %arg10[%mul3A_509] : memref<10240xf32, #tpu.memory_space<vmem_shared>> -> memref<640xf32, #tpu.memory_space<vmem_shared>>
      tpu.wait_dma2 semaphore(%run_scoped3A : memref<!tpu.dma_semaphore, #tpu.memory_space<semaphore_mem>>) src(%dma_wait3A_645 : memref<640xf32, #tpu.memory_space<vmem_shared>>) dst(%dma_wait3A_644 : memref<640xf32, #tpu.memory_space<hbm>>)
      tpu.yield
    }) : () -> ()
    %barrier3A_512 = arith.constant 0 : index
    tpu.barrier barrier_id(%barrier3A_512)
    %mul3A_513 = arith.constant 16 : i32
    %mul3A_514 = arith.muli %arg0, %mul3A_513 : i32
    %add3A_515 = arith.addi %mul3A_514, %arg1 : i32
    %mul3A_516 = arith.constant 250 : i32
    %mul3A_517 = arith.muli %add3A_515, %mul3A_516 : i32
    %add3A_518 = arith.constant 0 : i32
    %add3A_519 = arith.addi %mul3A_517, %add3A_518 : i32
    %dma_start3A_520 = arith.constant 0 : i32
    %dma_start3A_521 = arith.constant 0 : i32
    %dma_start3A_522 = tpu.memref_slice %arg5[%add3A_519, %dma_start3A_521] : memref<8000x128xi32, #tpu.memory_space<hbm>> -> memref<1x128xi32, #tpu.memory_space<hbm>>
    %dma_start3A_523 = tpu.memref_squeeze %dma_start3A_522 : memref<1x128xi32, #tpu.memory_space<hbm>> -> memref<128xi32, #tpu.memory_space<hbm>>
    %dma_start3A_524 = tpu.memref_slice %arg32[%dma_start3A_520] : memref<6x!tpu.dma_semaphore, #tpu.memory_space<semaphore_mem>> -> memref<1x!tpu.dma_semaphore, #tpu.memory_space<semaphore_mem>>
    %dma_start3A_525 = tpu.memref_squeeze %dma_start3A_524 : memref<1x!tpu.dma_semaphore, #tpu.memory_space<semaphore_mem>> -> memref<!tpu.dma_semaphore, #tpu.memory_space<semaphore_mem>>
    %dma_start3A_526 = arith.constant 0 : i32
    %dma_start3A_527 = tpu.memref_slice %arg5[%add3A_519, %dma_start3A_526] : memref<8000x128xi32, #tpu.memory_space<hbm>> -> memref<1x128xi32, #tpu.memory_space<hbm>>
    %dma_start3A_528 = tpu.memref_squeeze %dma_start3A_527 : memref<1x128xi32, #tpu.memory_space<hbm>> -> memref<128xi32, #tpu.memory_space<hbm>>
    tpu.enqueue_dma source(%dma_start3A_528 : memref<128xi32, #tpu.memory_space<hbm>>) target(%arg12 : memref<128xi32, #tpu.memory_space<vmem>>) target_semaphore(%dma_start3A_525 : memref<!tpu.dma_semaphore, #tpu.memory_space<semaphore_mem>>)
    %add3A_529 = arith.constant 1 : i32
    %add3A_530 = arith.addi %mul3A_517, %add3A_529 : i32
    %dma_start3A_531 = arith.constant 1 : i32
    %dma_start3A_532 = arith.constant 0 : i32
    %dma_start3A_533 = tpu.memref_slice %arg5[%add3A_530, %dma_start3A_532] : memref<8000x128xi32, #tpu.memory_space<hbm>> -> memref<1x128xi32, #tpu.memory_space<hbm>>
    %dma_start3A_534 = tpu.memref_squeeze %dma_start3A_533 : memref<1x128xi32, #tpu.memory_space<hbm>> -> memref<128xi32, #tpu.memory_space<hbm>>
    %dma_start3A_535 = tpu.memref_slice %arg32[%dma_start3A_531] : memref<6x!tpu.dma_semaphore, #tpu.memory_space<semaphore_mem>> -> memref<1x!tpu.dma_semaphore, #tpu.memory_space<semaphore_mem>>
    %dma_start3A_536 = tpu.memref_squeeze %dma_start3A_535 : memref<1x!tpu.dma_semaphore, #tpu.memory_space<semaphore_mem>> -> memref<!tpu.dma_semaphore, #tpu.memory_space<semaphore_mem>>
    %dma_start3A_537 = arith.constant 0 : i32
    %dma_start3A_538 = tpu.memref_slice %arg5[%add3A_530, %dma_start3A_537] : memref<8000x128xi32, #tpu.memory_space<hbm>> -> memref<1x128xi32, #tpu.memory_space<hbm>>
    %dma_start3A_539 = tpu.memref_squeeze %dma_start3A_538 : memref<1x128xi32, #tpu.memory_space<hbm>> -> memref<128xi32, #tpu.memory_space<hbm>>
    tpu.enqueue_dma source(%dma_start3A_539 : memref<128xi32, #tpu.memory_space<hbm>>) target(%arg13 : memref<128xi32, #tpu.memory_space<vmem>>) target_semaphore(%dma_start3A_536 : memref<!tpu.dma_semaphore, #tpu.memory_space<semaphore_mem>>)
    %add3A_540 = arith.constant 2 : i32
    %add3A_541 = arith.addi %mul3A_517, %add3A_540 : i32
    %dma_start3A_542 = arith.constant 2 : i32
    %dma_start3A_543 = arith.constant 0 : i32
    %dma_start3A_544 = tpu.memref_slice %arg5[%add3A_541, %dma_start3A_543] : memref<8000x128xi32, #tpu.memory_space<hbm>> -> memref<1x128xi32, #tpu.memory_space<hbm>>
    %dma_start3A_545 = tpu.memref_squeeze %dma_start3A_544 : memref<1x128xi32, #tpu.memory_space<hbm>> -> memref<128xi32, #tpu.memory_space<hbm>>
    %dma_start3A_546 = tpu.memref_slice %arg32[%dma_start3A_542] : memref<6x!tpu.dma_semaphore, #tpu.memory_space<semaphore_mem>> -> memref<1x!tpu.dma_semaphore, #tpu.memory_space<semaphore_mem>>
    %dma_start3A_547 = tpu.memref_squeeze %dma_start3A_546 : memref<1x!tpu.dma_semaphore, #tpu.memory_space<semaphore_mem>> -> memref<!tpu.dma_semaphore, #tpu.memory_space<semaphore_mem>>
    %dma_start3A_548 = arith.constant 0 : i32
    %dma_start3A_549 = tpu.memref_slice %arg5[%add3A_541, %dma_start3A_548] : memref<8000x128xi32, #tpu.memory_space<hbm>> -> memref<1x128xi32, #tpu.memory_space<hbm>>
    %dma_start3A_550 = tpu.memref_squeeze %dma_start3A_549 : memref<1x128xi32, #tpu.memory_space<hbm>> -> memref<128xi32, #tpu.memory_space<hbm>>
    tpu.enqueue_dma source(%dma_start3A_550 : memref<128xi32, #tpu.memory_space<hbm>>) target(%arg14 : memref<128xi32, #tpu.memory_space<vmem>>) target_semaphore(%dma_start3A_547 : memref<!tpu.dma_semaphore, #tpu.memory_space<semaphore_mem>>)
    %add3A_551 = arith.constant 3 : i32
    %add3A_552 = arith.addi %mul3A_517, %add3A_551 : i32
    %dma_start3A_553 = arith.constant 3 : i32
    %dma_start3A_554 = arith.constant 0 : i32
    %dma_start3A_555 = tpu.memref_slice %arg5[%add3A_552, %dma_start3A_554] : memref<8000x128xi32, #tpu.memory_space<hbm>> -> memref<1x128xi32, #tpu.memory_space<hbm>>
    %dma_start3A_556 = tpu.memref_squeeze %dma_start3A_555 : memref<1x128xi32, #tpu.memory_space<hbm>> -> memref<128xi32, #tpu.memory_space<hbm>>
    %dma_start3A_557 = tpu.memref_slice %arg32[%dma_start3A_553] : memref<6x!tpu.dma_semaphore, #tpu.memory_space<semaphore_mem>> -> memref<1x!tpu.dma_semaphore, #tpu.memory_space<semaphore_mem>>
    %dma_start3A_558 = tpu.memref_squeeze %dma_start3A_557 : memref<1x!tpu.dma_semaphore, #tpu.memory_space<semaphore_mem>> -> memref<!tpu.dma_semaphore, #tpu.memory_space<semaphore_mem>>
    %dma_start3A_559 = arith.constant 0 : i32
    %dma_start3A_560 = tpu.memref_slice %arg5[%add3A_552, %dma_start3A_559] : memref<8000x128xi32, #tpu.memory_space<hbm>> -> memref<1x128xi32, #tpu.memory_space<hbm>>
    %dma_start3A_561 = tpu.memref_squeeze %dma_start3A_560 : memref<1x128xi32, #tpu.memory_space<hbm>> -> memref<128xi32, #tpu.memory_space<hbm>>
    tpu.enqueue_dma source(%dma_start3A_561 : memref<128xi32, #tpu.memory_space<hbm>>) target(%arg15 : memref<128xi32, #tpu.memory_space<vmem>>) target_semaphore(%dma_start3A_558 : memref<!tpu.dma_semaphore, #tpu.memory_space<semaphore_mem>>)
    %add3A_562 = arith.constant 0 : i32
    %add3A_563 = arith.addi %mul3A_517, %add3A_562 : i32
    %dma_wait3A_564 = arith.constant 0 : i32
    %dma_wait3A_565 = arith.constant 0 : i32
    %dma_wait3A_566 = tpu.memref_slice %arg5[%add3A_563, %dma_wait3A_565] : memref<8000x128xi32, #tpu.memory_space<hbm>> -> memref<1x128xi32, #tpu.memory_space<hbm>>
    %dma_wait3A_567 = tpu.memref_squeeze %dma_wait3A_566 : memref<1x128xi32, #tpu.memory_space<hbm>> -> memref<128xi32, #tpu.memory_space<hbm>>
    %dma_wait3A_568 = tpu.memref_slice %arg32[%dma_wait3A_564] : memref<6x!tpu.dma_semaphore, #tpu.memory_space<semaphore_mem>> -> memref<1x!tpu.dma_semaphore, #tpu.memory_space<semaphore_mem>>
    %dma_wait3A_569 = tpu.memref_squeeze %dma_wait3A_568 : memref<1x!tpu.dma_semaphore, #tpu.memory_space<semaphore_mem>> -> memref<!tpu.dma_semaphore, #tpu.memory_space<semaphore_mem>>
    %dma_wait3A_570 = arith.constant 0 : i32
    %dma_wait3A_571 = tpu.memref_slice %arg5[%add3A_563, %dma_wait3A_570] : memref<8000x128xi32, #tpu.memory_space<hbm>> -> memref<1x128xi32, #tpu.memory_space<hbm>>
    %dma_wait3A_572 = tpu.memref_squeeze %dma_wait3A_571 : memref<1x128xi32, #tpu.memory_space<hbm>> -> memref<128xi32, #tpu.memory_space<hbm>>
    tpu.wait_dma2 semaphore(%dma_wait3A_569 : memref<!tpu.dma_semaphore, #tpu.memory_space<semaphore_mem>>) src(%dma_wait3A_572 : memref<128xi32, #tpu.memory_space<hbm>>) dst(%arg12 : memref<128xi32, #tpu.memory_space<vmem>>)
    %dma_start3A_573 = arith.constant 0 : i32
    %dma_start3A_574 = arith.constant 0 : i32
    %dma_start3A_575 = tpu.memref_slice %arg12[%dma_start3A_574] : memref<128xi32, #tpu.memory_space<vmem>> -> memref<40xi32, #tpu.memory_space<vmem>>
    %dma_start3A_576 = arith.constant 0 : i32
    %dma_start3A_577 = arith.constant 0 : i32
    %dma_start3A_578 = tpu.memref_slice %arg2[%dma_start3A_576, %dma_start3A_577] : memref<10000x128xf32, #tpu.memory_space<hbm>> -> memref<10000x128xf32, #tpu.memory_space<hbm>>
    %dma_start3A_579 = tpu.memref_slice %arg33[%dma_start3A_573] : memref<3x!tpu.dma_semaphore, #tpu.memory_space<semaphore_mem>> -> memref<1x!tpu.dma_semaphore, #tpu.memory_space<semaphore_mem>>
    %dma_start3A_580 = tpu.memref_squeeze %dma_start3A_579 : memref<1x!tpu.dma_semaphore, #tpu.memory_space<semaphore_mem>> -> memref<!tpu.dma_semaphore, #tpu.memory_space<semaphore_mem>>
    tpu.enqueue_indirect_dma source(%dma_start3A_578 : memref<10000x128xf32, #tpu.memory_space<hbm>>) target(%arg18 : memref<40x128xf32, #tpu.memory_space<vmem>>) offsets(%dma_start3A_575 : memref<40xi32, #tpu.memory_space<vmem>>) semaphore(%dma_start3A_580 : memref<!tpu.dma_semaphore, #tpu.memory_space<semaphore_mem>>)
    %dma_start3A_581 = arith.constant 0 : i32
    %dma_start3A_582 = arith.constant 0 : i32
    %dma_start3A_583 = tpu.memref_slice %arg23[%dma_start3A_582] : memref<48xf32, #tpu.memory_space<vmem>> -> memref<40xf32, #tpu.memory_space<vmem>>
    %dma_start3A_584 = arith.constant 0 : i32
    %dma_start3A_585 = tpu.memref_slice %arg12[%dma_start3A_584] : memref<128xi32, #tpu.memory_space<vmem>> -> memref<40xi32, #tpu.memory_space<vmem>>
    %dma_start3A_586 = arith.constant 0 : i32
    %dma_start3A_587 = tpu.memref_slice %arg11[%dma_start3A_586] : memref<10240xf32, #tpu.memory_space<vmem_shared>> -> memref<10240xf32, #tpu.memory_space<vmem_shared>>
    %dma_start3A_588 = tpu.memref_slice %arg34[%dma_start3A_581] : memref<3x!tpu.dma_semaphore, #tpu.memory_space<semaphore_mem>> -> memref<1x!tpu.dma_semaphore, #tpu.memory_space<semaphore_mem>>
    %dma_start3A_589 = tpu.memref_squeeze %dma_start3A_588 : memref<1x!tpu.dma_semaphore, #tpu.memory_space<semaphore_mem>> -> memref<!tpu.dma_semaphore, #tpu.memory_space<semaphore_mem>>
    tpu.enqueue_indirect_dma source(%dma_start3A_587 : memref<10240xf32, #tpu.memory_space<vmem_shared>>) target(%dma_start3A_583 : memref<40xf32, #tpu.memory_space<vmem>>) offsets(%dma_start3A_585 : memref<40xi32, #tpu.memory_space<vmem>>) semaphore(%dma_start3A_589 : memref<!tpu.dma_semaphore, #tpu.memory_space<semaphore_mem>>)
    %add3A_590 = arith.constant 1 : i32
    %add3A_591 = arith.addi %mul3A_517, %add3A_590 : i32
    %dma_wait3A_592 = arith.constant 1 : i32
    %dma_wait3A_593 = arith.constant 0 : i32
    %dma_wait3A_594 = tpu.memref_slice %arg5[%add3A_591, %dma_wait3A_593] : memref<8000x128xi32, #tpu.memory_space<hbm>> -> memref<1x128xi32, #tpu.memory_space<hbm>>
    %dma_wait3A_595 = tpu.memref_squeeze %dma_wait3A_594 : memref<1x128xi32, #tpu.memory_space<hbm>> -> memref<128xi32, #tpu.memory_space<hbm>>
    %dma_wait3A_596 = tpu.memref_slice %arg32[%dma_wait3A_592] : memref<6x!tpu.dma_semaphore, #tpu.memory_space<semaphore_mem>> -> memref<1x!tpu.dma_semaphore, #tpu.memory_space<semaphore_mem>>
    %dma_wait3A_597 = tpu.memref_squeeze %dma_wait3A_596 : memref<1x!tpu.dma_semaphore, #tpu.memory_space<semaphore_mem>> -> memref<!tpu.dma_semaphore, #tpu.memory_space<semaphore_mem>>
    %dma_wait3A_598 = arith.constant 0 : i32
    %dma_wait3A_599 = tpu.memref_slice %arg5[%add3A_591, %dma_wait3A_598] : memref<8000x128xi32, #tpu.memory_space<hbm>> -> memref<1x128xi32, #tpu.memory_space<hbm>>
    %dma_wait3A_600 = tpu.memref_squeeze %dma_wait3A_599 : memref<1x128xi32, #tpu.memory_space<hbm>> -> memref<128xi32, #tpu.memory_space<hbm>>
    tpu.wait_dma2 semaphore(%dma_wait3A_597 : memref<!tpu.dma_semaphore, #tpu.memory_space<semaphore_mem>>) src(%dma_wait3A_600 : memref<128xi32, #tpu.memory_space<hbm>>) dst(%arg13 : memref<128xi32, #tpu.memory_space<vmem>>)
    %dma_start3A_601 = arith.constant 1 : i32
    %dma_start3A_602 = arith.constant 0 : i32
    %dma_start3A_603 = tpu.memref_slice %arg13[%dma_start3A_602] : memref<128xi32, #tpu.memory_space<vmem>> -> memref<40xi32, #tpu.memory_space<vmem>>
    %dma_start3A_604 = arith.constant 0 : i32
    %dma_start3A_605 = arith.constant 0 : i32
    %dma_start3A_606 = tpu.memref_slice %arg2[%dma_start3A_604, %dma_start3A_605] : memref<10000x128xf32, #tpu.memory_space<hbm>> -> memref<10000x128xf32, #tpu.memory_space<hbm>>
    %dma_start3A_607 = tpu.memref_slice %arg33[%dma_start3A_601] : memref<3x!tpu.dma_semaphore, #tpu.memory_space<semaphore_mem>> -> memref<1x!tpu.dma_semaphore, #tpu.memory_space<semaphore_mem>>
    %dma_start3A_608 = tpu.memref_squeeze %dma_start3A_607 : memref<1x!tpu.dma_semaphore, #tpu.memory_space<semaphore_mem>> -> memref<!tpu.dma_semaphore, #tpu.memory_space<semaphore_mem>>
    tpu.enqueue_indirect_dma source(%dma_start3A_606 : memref<10000x128xf32, #tpu.memory_space<hbm>>) target(%arg19 : memref<40x128xf32, #tpu.memory_space<vmem>>) offsets(%dma_start3A_603 : memref<40xi32, #tpu.memory_space<vmem>>) semaphore(%dma_start3A_608 : memref<!tpu.dma_semaphore, #tpu.memory_space<semaphore_mem>>)
    %dma_start3A_609 = arith.constant 1 : i32
    %dma_start3A_610 = arith.constant 0 : i32
    %dma_start3A_611 = tpu.memref_slice %arg24[%dma_start3A_610] : memref<48xf32, #tpu.memory_space<vmem>> -> memref<40xf32, #tpu.memory_space<vmem>>
    %dma_start3A_612 = arith.constant 0 : i32
    %dma_start3A_613 = tpu.memref_slice %arg13[%dma_start3A_612] : memref<128xi32, #tpu.memory_space<vmem>> -> memref<40xi32, #tpu.memory_space<vmem>>
    %dma_start3A_614 = arith.constant 0 : i32
    %dma_start3A_615 = tpu.memref_slice %arg11[%dma_start3A_614] : memref<10240xf32, #tpu.memory_space<vmem_shared>> -> memref<10240xf32, #tpu.memory_space<vmem_shared>>
    %dma_start3A_616 = tpu.memref_slice %arg34[%dma_start3A_609] : memref<3x!tpu.dma_semaphore, #tpu.memory_space<semaphore_mem>> -> memref<1x!tpu.dma_semaphore, #tpu.memory_space<semaphore_mem>>
    %dma_start3A_617 = tpu.memref_squeeze %dma_start3A_616 : memref<1x!tpu.dma_semaphore, #tpu.memory_space<semaphore_mem>> -> memref<!tpu.dma_semaphore, #tpu.memory_space<semaphore_mem>>
    tpu.enqueue_indirect_dma source(%dma_start3A_615 : memref<10240xf32, #tpu.memory_space<vmem_shared>>) target(%dma_start3A_611 : memref<40xf32, #tpu.memory_space<vmem>>) offsets(%dma_start3A_613 : memref<40xi32, #tpu.memory_space<vmem>>) semaphore(%dma_start3A_617 : memref<!tpu.dma_semaphore, #tpu.memory_space<semaphore_mem>>)
    %scan3A_618 = arith.constant 0 : i32
    %scan3A_619 = arith.constant 43 : i32
    %scan3A_620 = arith.addi %scan3A_618, %scan3A_619 : i32
    %scan3A_621 = arith.constant 1 : i32
    scf.for %scan3A_640 = %scan3A_618 to %scan3A_620 step %scan3A_621  : i32 {
      %mul3A_641 = arith.constant 6 : i32
      %mul3A_642 = arith.muli %scan3A_640, %mul3A_641 : i32
      %add3A_643 = arith.constant 0 : i32
      %add3A_644 = arith.addi %add3A_643, %mul3A_642 : i32
      %add3A_645 = arith.constant 0 : i32
      %add3A_646 = arith.addi %add3A_644, %add3A_645 : i32
      %lt3A = arith.constant 250 : i32
      %lt3A_647 = arith.cmpi slt, %add3A_646, %lt3A : i32
      %convert_element_type3A = arith.extui %lt3A_647 : i1 to i32
      %cond3A = arith.constant 0 : i32
      %cond3A_648 = arith.cmpi ne, %convert_element_type3A, %cond3A : i32
      scf.if %cond3A_648 {
        %dma_wait3A_684 = arith.constant 0 : i32
        %dma_wait3A_685 = arith.constant 0 : i32
        %dma_wait3A_686 = tpu.memref_slice %arg12[%dma_wait3A_685] : memref<128xi32, #tpu.memory_space<vmem>> -> memref<40xi32, #tpu.memory_space<vmem>>
        %dma_wait3A_687 = arith.constant 0 : i32
        %dma_wait3A_688 = arith.constant 0 : i32
        %dma_wait3A_689 = tpu.memref_slice %arg2[%dma_wait3A_687, %dma_wait3A_688] : memref<10000x128xf32, #tpu.memory_space<hbm>> -> memref<10000x128xf32, #tpu.memory_space<hbm>>
        %dma_wait3A_690 = tpu.memref_slice %arg33[%dma_wait3A_684] : memref<3x!tpu.dma_semaphore, #tpu.memory_space<semaphore_mem>> -> memref<1x!tpu.dma_semaphore, #tpu.memory_space<semaphore_mem>>
        %dma_wait3A_691 = tpu.memref_squeeze %dma_wait3A_690 : memref<1x!tpu.dma_semaphore, #tpu.memory_space<semaphore_mem>> -> memref<!tpu.dma_semaphore, #tpu.memory_space<semaphore_mem>>
        tpu.wait_indirect_dma semaphore(%dma_wait3A_691 : memref<!tpu.dma_semaphore, #tpu.memory_space<semaphore_mem>>) src(%dma_wait3A_689 : memref<10000x128xf32, #tpu.memory_space<hbm>>) dst(%arg18 : memref<40x128xf32, #tpu.memory_space<vmem>>)
        %dma_wait3A_692 = arith.constant 0 : i32
        %dma_wait3A_693 = arith.constant 0 : i32
        %dma_wait3A_694 = tpu.memref_slice %arg23[%dma_wait3A_693] : memref<48xf32, #tpu.memory_space<vmem>> -> memref<40xf32, #tpu.memory_space<vmem>>
        %dma_wait3A_695 = arith.constant 0 : i32
        %dma_wait3A_696 = tpu.memref_slice %arg12[%dma_wait3A_695] : memref<128xi32, #tpu.memory_space<vmem>> -> memref<40xi32, #tpu.memory_space<vmem>>
        %dma_wait3A_697 = arith.constant 0 : i32
        %dma_wait3A_698 = tpu.memref_slice %arg11[%dma_wait3A_697] : memref<10240xf32, #tpu.memory_space<vmem_shared>> -> memref<10240xf32, #tpu.memory_space<vmem_shared>>
        %dma_wait3A_699 = tpu.memref_slice %arg34[%dma_wait3A_692] : memref<3x!tpu.dma_semaphore, #tpu.memory_space<semaphore_mem>> -> memref<1x!tpu.dma_semaphore, #tpu.memory_space<semaphore_mem>>
        %dma_wait3A_700 = tpu.memref_squeeze %dma_wait3A_699 : memref<1x!tpu.dma_semaphore, #tpu.memory_space<semaphore_mem>> -> memref<!tpu.dma_semaphore, #tpu.memory_space<semaphore_mem>>
        tpu.wait_indirect_dma semaphore(%dma_wait3A_700 : memref<!tpu.dma_semaphore, #tpu.memory_space<semaphore_mem>>) src(%dma_wait3A_698 : memref<10240xf32, #tpu.memory_space<vmem_shared>>) dst(%dma_wait3A_694 : memref<40xf32, #tpu.memory_space<vmem>>)
        %ge3A = arith.constant 2 : i32
        %ge3A_701 = arith.cmpi sge, %add3A_646, %ge3A : i32
        %convert_element_type3A_702 = arith.extui %ge3A_701 : i1 to i32
        %cond3A_703 = arith.constant 0 : i32
        %cond3A_704 = arith.cmpi ne, %convert_element_type3A_702, %cond3A_703 : i32
        scf.if %cond3A_704 {
          %dma_wait3A_753 = arith.constant 0 : i32
          %dma_wait3A_754 = arith.constant 40 : i32
          %dma_wait3A_755 = tpu.memref_slice %arg16[%dma_wait3A_754] : memref<128xi32, #tpu.memory_space<vmem>> -> memref<40xi32, #tpu.memory_space<vmem>>
          %dma_wait3A_756 = arith.constant 0 : i32
          %dma_wait3A_757 = arith.constant 0 : i32
          %dma_wait3A_758 = tpu.memref_slice %arg8[%dma_wait3A_756, %dma_wait3A_757] : memref<10240x128xf32, #tpu.memory_space<vmem_shared>> -> memref<10240x128xf32, #tpu.memory_space<vmem_shared>>
          %dma_wait3A_759 = tpu.memref_slice %arg35[%dma_wait3A_753] : memref<2x!tpu.dma_semaphore, #tpu.memory_space<semaphore_mem>> -> memref<1x!tpu.dma_semaphore, #tpu.memory_space<semaphore_mem>>
          %dma_wait3A_760 = tpu.memref_squeeze %dma_wait3A_759 : memref<1x!tpu.dma_semaphore, #tpu.memory_space<semaphore_mem>> -> memref<!tpu.dma_semaphore, #tpu.memory_space<semaphore_mem>>
          tpu.wait_indirect_dma semaphore(%dma_wait3A_760 : memref<!tpu.dma_semaphore, #tpu.memory_space<semaphore_mem>>) src(%arg21 : memref<40x128xf32, #tpu.memory_space<vmem>>) dst(%dma_wait3A_758 : memref<10240x128xf32, #tpu.memory_space<vmem_shared>>)
        } else {
        }
        %get3A = arith.constant 80 : index
        %get3A_705 = tpu.vector_load %arg12[%get3A] {strides = array<i32>} : memref<128xi32, #tpu.memory_space<vmem>>, vector<16xi32>,
        %bitcast_convert_type3A = tpu.bitcast %get3A_705 : vector<16xi32> -> vector<16xf32>
        %get3A_706 = arith.constant 0 : index
        %get3A_707 = tpu.vector_load %arg23[%get3A_706] {strides = array<i32>} : memref<48xf32, #tpu.memory_space<vmem>>, vector<16xf32>,
        %mul3A_708 = arith.mulf %bitcast_convert_type3A, %get3A_707 : vector<16xf32>
        %swap3A = arith.constant 0 : index
        %swap3A_709 = tpu.vector_load %arg26[%swap3A] {strides = array<i32>} : memref<56xf32, #tpu.memory_space<vmem>>, vector<16xf32>,
        tpu.vector_store %arg26[%swap3A], %mul3A_708 {strides = array<i32>} : memref<56xf32, #tpu.memory_space<vmem>>, vector<16xf32>,
        %get3A_710 = arith.constant 96 : index
        %get3A_711 = tpu.vector_load %arg12[%get3A_710] {strides = array<i32>} : memref<128xi32, #tpu.memory_space<vmem>>, vector<16xi32>,
        %bitcast_convert_type3A_712 = tpu.bitcast %get3A_711 : vector<16xi32> -> vector<16xf32>
        %get3A_713 = arith.constant 16 : index
        %get3A_714 = tpu.vector_load %arg23[%get3A_713] {strides = array<i32>} : memref<48xf32, #tpu.memory_space<vmem>>, vector<16xf32>,
        %mul3A_715 = arith.mulf %bitcast_convert_type3A_712, %get3A_714 : vector<16xf32>
        %swap3A_716 = arith.constant 16 : index
        %swap3A_717 = tpu.vector_load %arg26[%swap3A_716] {strides = array<i32>} : memref<56xf32, #tpu.memory_space<vmem>>, vector<16xf32>,
        tpu.vector_store %arg26[%swap3A_716], %mul3A_715 {strides = array<i32>} : memref<56xf32, #tpu.memory_space<vmem>>, vector<16xf32>,
        %get3A_718 = arith.constant 112 : index
        %get3A_719 = tpu.vector_load %arg12[%get3A_718] {strides = array<i32>} : memref<128xi32, #tpu.memory_space<vmem>>, vector<16xi32>,
        %bitcast_convert_type3A_720 = tpu.bitcast %get3A_719 : vector<16xi32> -> vector<16xf32>
        %get3A_721 = arith.constant 32 : index
        %get3A_722 = tpu.vector_load %arg23[%get3A_721] {strides = array<i32>} : memref<48xf32, #tpu.memory_space<vmem>>, vector<16xf32>,
        %mul3A_723 = arith.mulf %bitcast_convert_type3A_720, %get3A_722 : vector<16xf32>
        %swap3A_724 = arith.constant 32 : index
        %swap3A_725 = tpu.vector_load %arg26[%swap3A_724] {strides = array<i32>} : memref<56xf32, #tpu.memory_space<vmem>>, vector<16xf32>,
        tpu.vector_store %arg26[%swap3A_724], %mul3A_723 {strides = array<i32>} : memref<56xf32, #tpu.memory_space<vmem>>, vector<16xf32>,
        %scan3A_726 = arith.constant 0 : i32
        %scan3A_727 = arith.constant 40 : i32
        %scan3A_728 = arith.addi %scan3A_726, %scan3A_727 : i32
        %scan3A_729 = arith.constant 1 : i32
        scf.for %scan3A_753 = %scan3A_726 to %scan3A_728 step %scan3A_729  : i32 {
          %mul3A_754 = arith.constant 1 : i32
          %mul3A_755 = arith.muli %scan3A_753, %mul3A_754 : i32
          %add3A_756 = arith.constant 0 : i32
          %add3A_757 = arith.addi %add3A_756, %mul3A_755 : i32
          %get3A_758 = arith.index_cast %add3A_757 : i32 to index
          %get3A_759 = tpu.vector_load %arg26[%get3A_758] {strides = array<i32>} : memref<56xf32, #tpu.memory_space<vmem>>, vector<16xf32>,
          %slice3A = vector.extract_strided_slice %get3A_759 {offsets = [0], sizes = [1], strides = [1]} : vector<16xf32> to vector<1xf32>
          %squeeze3A = vector.extract %slice3A[0] : f32 from vector<1xf32>
          %get3A_760 = arith.index_cast %add3A_757 : i32 to index
          %get3A_761 = arith.constant 0 : index
          %get3A_762 = tpu.vector_load %arg18[%get3A_760, %get3A_761] {strides = array<i32>} : memref<40x128xf32, #tpu.memory_space<vmem>>, vector<16xf32>,
          %get3A_763 = arith.index_cast %add3A_757 : i32 to index
          %get3A_764 = arith.constant 16 : index
          %get3A_765 = tpu.vector_load %arg18[%get3A_763, %get3A_764] {strides = array<i32>} : memref<40x128xf32, #tpu.memory_space<vmem>>, vector<16xf32>,
          %get3A_766 = arith.index_cast %add3A_757 : i32 to index
          %get3A_767 = arith.constant 32 : index
          %get3A_768 = tpu.vector_load %arg18[%get3A_766, %get3A_767] {strides = array<i32>} : memref<40x128xf32, #tpu.memory_space<vmem>>, vector<16xf32>,
          %get3A_769 = arith.index_cast %add3A_757 : i32 to index
          %get3A_770 = arith.constant 48 : index
          %get3A_771 = tpu.vector_load %arg18[%get3A_769, %get3A_770] {strides = array<i32>} : memref<40x128xf32, #tpu.memory_space<vmem>>, vector<16xf32>,
          %get3A_772 = arith.index_cast %add3A_757 : i32 to index
          %get3A_773 = arith.constant 64 : index
          %get3A_774 = tpu.vector_load %arg18[%get3A_772, %get3A_773] {strides = array<i32>} : memref<40x128xf32, #tpu.memory_space<vmem>>, vector<16xf32>,
          %get3A_775 = arith.index_cast %add3A_757 : i32 to index
          %get3A_776 = arith.constant 80 : index
          %get3A_777 = tpu.vector_load %arg18[%get3A_775, %get3A_776] {strides = array<i32>} : memref<40x128xf32, #tpu.memory_space<vmem>>, vector<16xf32>,
          %get3A_778 = arith.index_cast %add3A_757 : i32 to index
          %get3A_779 = arith.constant 96 : index
          %get3A_780 = tpu.vector_load %arg18[%get3A_778, %get3A_779] {strides = array<i32>} : memref<40x128xf32, #tpu.memory_space<vmem>>, vector<16xf32>,
          %get3A_781 = arith.index_cast %add3A_757 : i32 to index
          %get3A_782 = arith.constant 112 : index
          %get3A_783 = tpu.vector_load %arg18[%get3A_781, %get3A_782] {strides = array<i32>} : memref<40x128xf32, #tpu.memory_space<vmem>>, vector<16xf32>,
          %mul3A_784 = vector.broadcast %squeeze3A : f32 to vector<16xf32>
          %mul3A_785 = arith.mulf %get3A_762, %mul3A_784 : vector<16xf32>
          %swap3A_786 = arith.index_cast %add3A_757 : i32 to index
          %swap3A_787 = arith.constant 0 : index
          %swap3A_788 = tpu.vector_load %arg21[%swap3A_786, %swap3A_787] {strides = array<i32>} : memref<40x128xf32, #tpu.memory_space<vmem>>, vector<16xf32>,
          tpu.vector_store %arg21[%swap3A_786, %swap3A_787], %mul3A_785 {strides = array<i32>} : memref<40x128xf32, #tpu.memory_space<vmem>>, vector<16xf32>,
          %mul3A_789 = vector.broadcast %squeeze3A : f32 to vector<16xf32>
          %mul3A_790 = arith.mulf %get3A_765, %mul3A_789 : vector<16xf32>
          %swap3A_791 = arith.index_cast %add3A_757 : i32 to index
          %swap3A_792 = arith.constant 16 : index
          %swap3A_793 = tpu.vector_load %arg21[%swap3A_791, %swap3A_792] {strides = array<i32>} : memref<40x128xf32, #tpu.memory_space<vmem>>, vector<16xf32>,
          tpu.vector_store %arg21[%swap3A_791, %swap3A_792], %mul3A_790 {strides = array<i32>} : memref<40x128xf32, #tpu.memory_space<vmem>>, vector<16xf32>,
          %mul3A_794 = vector.broadcast %squeeze3A : f32 to vector<16xf32>
          %mul3A_795 = arith.mulf %get3A_768, %mul3A_794 : vector<16xf32>
          %swap3A_796 = arith.index_cast %add3A_757 : i32 to index
          %swap3A_797 = arith.constant 32 : index
          %swap3A_798 = tpu.vector_load %arg21[%swap3A_796, %swap3A_797] {strides = array<i32>} : memref<40x128xf32, #tpu.memory_space<vmem>>, vector<16xf32>,
          tpu.vector_store %arg21[%swap3A_796, %swap3A_797], %mul3A_795 {strides = array<i32>} : memref<40x128xf32, #tpu.memory_space<vmem>>, vector<16xf32>,
          %mul3A_799 = vector.broadcast %squeeze3A : f32 to vector<16xf32>
          %mul3A_800 = arith.mulf %get3A_771, %mul3A_799 : vector<16xf32>
          %swap3A_801 = arith.index_cast %add3A_757 : i32 to index
          %swap3A_802 = arith.constant 48 : index
          %swap3A_803 = tpu.vector_load %arg21[%swap3A_801, %swap3A_802] {strides = array<i32>} : memref<40x128xf32, #tpu.memory_space<vmem>>, vector<16xf32>,
          tpu.vector_store %arg21[%swap3A_801, %swap3A_802], %mul3A_800 {strides = array<i32>} : memref<40x128xf32, #tpu.memory_space<vmem>>, vector<16xf32>,
          %mul3A_804 = vector.broadcast %squeeze3A : f32 to vector<16xf32>
          %mul3A_805 = arith.mulf %get3A_774, %mul3A_804 : vector<16xf32>
          %swap3A_806 = arith.index_cast %add3A_757 : i32 to index
          %swap3A_807 = arith.constant 64 : index
          %swap3A_808 = tpu.vector_load %arg21[%swap3A_806, %swap3A_807] {strides = array<i32>} : memref<40x128xf32, #tpu.memory_space<vmem>>, vector<16xf32>,
          tpu.vector_store %arg21[%swap3A_806, %swap3A_807], %mul3A_805 {strides = array<i32>} : memref<40x128xf32, #tpu.memory_space<vmem>>, vector<16xf32>,
          %mul3A_809 = vector.broadcast %squeeze3A : f32 to vector<16xf32>
          %mul3A_810 = arith.mulf %get3A_777, %mul3A_809 : vector<16xf32>
          %swap3A_811 = arith.index_cast %add3A_757 : i32 to index
          %swap3A_812 = arith.constant 80 : index
          %swap3A_813 = tpu.vector_load %arg21[%swap3A_811, %swap3A_812] {strides = array<i32>} : memref<40x128xf32, #tpu.memory_space<vmem>>, vector<16xf32>,
          tpu.vector_store %arg21[%swap3A_811, %swap3A_812], %mul3A_810 {strides = array<i32>} : memref<40x128xf32, #tpu.memory_space<vmem>>, vector<16xf32>,
          %mul3A_814 = vector.broadcast %squeeze3A : f32 to vector<16xf32>
          %mul3A_815 = arith.mulf %get3A_780, %mul3A_814 : vector<16xf32>
          %swap3A_816 = arith.index_cast %add3A_757 : i32 to index
          %swap3A_817 = arith.constant 96 : index
          %swap3A_818 = tpu.vector_load %arg21[%swap3A_816, %swap3A_817] {strides = array<i32>} : memref<40x128xf32, #tpu.memory_space<vmem>>, vector<16xf32>,
          tpu.vector_store %arg21[%swap3A_816, %swap3A_817], %mul3A_815 {strides = array<i32>} : memref<40x128xf32, #tpu.memory_space<vmem>>, vector<16xf32>,
          %mul3A_819 = vector.broadcast %squeeze3A : f32 to vector<16xf32>
          %mul3A_820 = arith.mulf %get3A_783, %mul3A_819 : vector<16xf32>
          %swap3A_821 = arith.index_cast %add3A_757 : i32 to index
          %swap3A_822 = arith.constant 112 : index
          %swap3A_823 = tpu.vector_load %arg21[%swap3A_821, %swap3A_822] {strides = array<i32>} : memref<40x128xf32, #tpu.memory_space<vmem>>, vector<16xf32>,
          tpu.vector_store %arg21[%swap3A_821, %swap3A_822], %mul3A_820 {strides = array<i32>} : memref<40x128xf32, #tpu.memory_space<vmem>>, vector<16xf32>,
        }
        %scan3A_730 = arith.constant 40 : i32
        %dma_start3A_731 = arith.constant 0 : i32
        %dma_start3A_732 = arith.constant 40 : i32
        %dma_start3A_733 = tpu.memref_slice %arg12[%dma_start3A_732] : memref<128xi32, #tpu.memory_space<vmem>> -> memref<40xi32, #tpu.memory_space<vmem>>
        %dma_start3A_734 = arith.constant 0 : i32
        %dma_start3A_735 = arith.constant 0 : i32
        %dma_start3A_736 = tpu.memref_slice %arg8[%dma_start3A_734, %dma_start3A_735] : memref<10240x128xf32, #tpu.memory_space<vmem_shared>> -> memref<10240x128xf32, #tpu.memory_space<vmem_shared>>
        %dma_start3A_737 = tpu.memref_slice %arg35[%dma_start3A_731] : memref<2x!tpu.dma_semaphore, #tpu.memory_space<semaphore_mem>> -> memref<1x!tpu.dma_semaphore, #tpu.memory_space<semaphore_mem>>
        %dma_start3A_738 = tpu.memref_squeeze %dma_start3A_737 : memref<1x!tpu.dma_semaphore, #tpu.memory_space<semaphore_mem>> -> memref<!tpu.dma_semaphore, #tpu.memory_space<semaphore_mem>>
        tpu.enqueue_indirect_dma source(%arg21 : memref<40x128xf32, #tpu.memory_space<vmem>>) target(%dma_start3A_736 : memref<10240x128xf32, #tpu.memory_space<vmem_shared>>) offsets(%dma_start3A_733 : memref<40xi32, #tpu.memory_space<vmem>>) semaphore(%dma_start3A_738 : memref<!tpu.dma_semaphore, #tpu.memory_space<semaphore_mem>>) {add = true}
        %add3A_739 = arith.constant 4 : i32
        %add3A_740 = arith.addi %add3A_646, %add3A_739 : i32
        %lt3A_741 = arith.constant 250 : i32
        %lt3A_742 = arith.cmpi slt, %add3A_740, %lt3A_741 : i32
        %convert_element_type3A_743 = arith.extui %lt3A_742 : i1 to i32
        %cond3A_744 = arith.constant 0 : i32
        %cond3A_745 = arith.cmpi ne, %convert_element_type3A_743, %cond3A_744 : i32
        scf.if %cond3A_745 {
          %add3A_753 = arith.constant 4 : i32
          %add3A_754 = arith.addi %add3A_646, %add3A_753 : i32
          %add3A_755 = arith.addi %mul3A_517, %add3A_754 : i32
          %dma_start3A_756 = arith.constant 4 : i32
          %dma_start3A_757 = arith.constant 0 : i32
          %dma_start3A_758 = tpu.memref_slice %arg5[%add3A_755, %dma_start3A_757] : memref<8000x128xi32, #tpu.memory_space<hbm>> -> memref<1x128xi32, #tpu.memory_space<hbm>>
          %dma_start3A_759 = tpu.memref_squeeze %dma_start3A_758 : memref<1x128xi32, #tpu.memory_space<hbm>> -> memref<128xi32, #tpu.memory_space<hbm>>
          %dma_start3A_760 = tpu.memref_slice %arg32[%dma_start3A_756] : memref<6x!tpu.dma_semaphore, #tpu.memory_space<semaphore_mem>> -> memref<1x!tpu.dma_semaphore, #tpu.memory_space<semaphore_mem>>
          %dma_start3A_761 = tpu.memref_squeeze %dma_start3A_760 : memref<1x!tpu.dma_semaphore, #tpu.memory_space<semaphore_mem>> -> memref<!tpu.dma_semaphore, #tpu.memory_space<semaphore_mem>>
          %dma_start3A_762 = arith.constant 0 : i32
          %dma_start3A_763 = tpu.memref_slice %arg5[%add3A_755, %dma_start3A_762] : memref<8000x128xi32, #tpu.memory_space<hbm>> -> memref<1x128xi32, #tpu.memory_space<hbm>>
          %dma_start3A_764 = tpu.memref_squeeze %dma_start3A_763 : memref<1x128xi32, #tpu.memory_space<hbm>> -> memref<128xi32, #tpu.memory_space<hbm>>
          tpu.enqueue_dma source(%dma_start3A_764 : memref<128xi32, #tpu.memory_space<hbm>>) target(%arg16 : memref<128xi32, #tpu.memory_space<vmem>>) target_semaphore(%dma_start3A_761 : memref<!tpu.dma_semaphore, #tpu.memory_space<semaphore_mem>>)
        } else {
        }
        %add3A_746 = arith.constant 2 : i32
        %add3A_747 = arith.addi %add3A_646, %add3A_746 : i32
        %lt3A_748 = arith.constant 250 : i32
        %lt3A_749 = arith.cmpi slt, %add3A_747, %lt3A_748 : i32
        %convert_element_type3A_750 = arith.extui %lt3A_749 : i1 to i32
        %cond3A_751 = arith.constant 0 : i32
        %cond3A_752 = arith.cmpi ne, %convert_element_type3A_750, %cond3A_751 : i32
        scf.if %cond3A_752 {
          %add3A_753 = arith.constant 2 : i32
          %add3A_754 = arith.addi %add3A_646, %add3A_753 : i32
          %add3A_755 = arith.addi %mul3A_517, %add3A_754 : i32
          %dma_wait3A_756 = arith.constant 2 : i32
          %dma_wait3A_757 = arith.constant 0 : i32
          %dma_wait3A_758 = tpu.memref_slice %arg5[%add3A_755, %dma_wait3A_757] : memref<8000x128xi32, #tpu.memory_space<hbm>> -> memref<1x128xi32, #tpu.memory_space<hbm>>
          %dma_wait3A_759 = tpu.memref_squeeze %dma_wait3A_758 : memref<1x128xi32, #tpu.memory_space<hbm>> -> memref<128xi32, #tpu.memory_space<hbm>>
          %dma_wait3A_760 = tpu.memref_slice %arg32[%dma_wait3A_756] : memref<6x!tpu.dma_semaphore, #tpu.memory_space<semaphore_mem>> -> memref<1x!tpu.dma_semaphore, #tpu.memory_space<semaphore_mem>>
          %dma_wait3A_761 = tpu.memref_squeeze %dma_wait3A_760 : memref<1x!tpu.dma_semaphore, #tpu.memory_space<semaphore_mem>> -> memref<!tpu.dma_semaphore, #tpu.memory_space<semaphore_mem>>
          %dma_wait3A_762 = arith.constant 0 : i32
          %dma_wait3A_763 = tpu.memref_slice %arg5[%add3A_755, %dma_wait3A_762] : memref<8000x128xi32, #tpu.memory_space<hbm>> -> memref<1x128xi32, #tpu.memory_space<hbm>>
          %dma_wait3A_764 = tpu.memref_squeeze %dma_wait3A_763 : memref<1x128xi32, #tpu.memory_space<hbm>> -> memref<128xi32, #tpu.memory_space<hbm>>
          tpu.wait_dma2 semaphore(%dma_wait3A_761 : memref<!tpu.dma_semaphore, #tpu.memory_space<semaphore_mem>>) src(%dma_wait3A_764 : memref<128xi32, #tpu.memory_space<hbm>>) dst(%arg14 : memref<128xi32, #tpu.memory_space<vmem>>)
          %dma_start3A_765 = arith.constant 2 : i32
          %dma_start3A_766 = arith.constant 0 : i32
          %dma_start3A_767 = tpu.memref_slice %arg14[%dma_start3A_766] : memref<128xi32, #tpu.memory_space<vmem>> -> memref<40xi32, #tpu.memory_space<vmem>>
          %dma_start3A_768 = arith.constant 0 : i32
          %dma_start3A_769 = arith.constant 0 : i32
          %dma_start3A_770 = tpu.memref_slice %arg2[%dma_start3A_768, %dma_start3A_769] : memref<10000x128xf32, #tpu.memory_space<hbm>> -> memref<10000x128xf32, #tpu.memory_space<hbm>>
          %dma_start3A_771 = tpu.memref_slice %arg33[%dma_start3A_765] : memref<3x!tpu.dma_semaphore, #tpu.memory_space<semaphore_mem>> -> memref<1x!tpu.dma_semaphore, #tpu.memory_space<semaphore_mem>>
          %dma_start3A_772 = tpu.memref_squeeze %dma_start3A_771 : memref<1x!tpu.dma_semaphore, #tpu.memory_space<semaphore_mem>> -> memref<!tpu.dma_semaphore, #tpu.memory_space<semaphore_mem>>
          tpu.enqueue_indirect_dma source(%dma_start3A_770 : memref<10000x128xf32, #tpu.memory_space<hbm>>) target(%arg20 : memref<40x128xf32, #tpu.memory_space<vmem>>) offsets(%dma_start3A_767 : memref<40xi32, #tpu.memory_space<vmem>>) semaphore(%dma_start3A_772 : memref<!tpu.dma_semaphore, #tpu.memory_space<semaphore_mem>>)
          %dma_start3A_773 = arith.constant 2 : i32
          %dma_start3A_774 = arith.constant 0 : i32
          %dma_start3A_775 = tpu.memref_slice %arg25[%dma_start3A_774] : memref<48xf32, #tpu.memory_space<vmem>> -> memref<40xf32, #tpu.memory_space<vmem>>
          %dma_start3A_776 = arith.constant 0 : i32
          %dma_start3A_777 = tpu.memref_slice %arg14[%dma_start3A_776] : memref<128xi32, #tpu.memory_space<vmem>> -> memref<40xi32, #tpu.memory_space<vmem>>
          %dma_start3A_778 = arith.constant 0 : i32
          %dma_start3A_779 = tpu.memref_slice %arg11[%dma_start3A_778] : memref<10240xf32, #tpu.memory_space<vmem_shared>> -> memref<10240xf32, #tpu.memory_space<vmem_shared>>
          %dma_start3A_780 = tpu.memref_slice %arg34[%dma_start3A_773] : memref<3x!tpu.dma_semaphore, #tpu.memory_space<semaphore_mem>> -> memref<1x!tpu.dma_semaphore, #tpu.memory_space<semaphore_mem>>
          %dma_start3A_781 = tpu.memref_squeeze %dma_start3A_780 : memref<1x!tpu.dma_semaphore, #tpu.memory_space<semaphore_mem>> -> memref<!tpu.dma_semaphore, #tpu.memory_space<semaphore_mem>>
          tpu.enqueue_indirect_dma source(%dma_start3A_779 : memref<10240xf32, #tpu.memory_space<vmem_shared>>) target(%dma_start3A_775 : memref<40xf32, #tpu.memory_space<vmem>>) offsets(%dma_start3A_777 : memref<40xi32, #tpu.memory_space<vmem>>) semaphore(%dma_start3A_781 : memref<!tpu.dma_semaphore, #tpu.memory_space<semaphore_mem>>)
        } else {
        }
      } else {
      }
      %add3A_649 = arith.constant 1 : i32
      %add3A_650 = arith.addi %add3A_644, %add3A_649 : i32
      %lt3A_651 = arith.constant 250 : i32
      %lt3A_652 = arith.cmpi slt, %add3A_650, %lt3A_651 : i32
      %convert_element_type3A_653 = arith.extui %lt3A_652 : i1 to i32
      %cond3A_654 = arith.constant 0 : i32
      %cond3A_655 = arith.cmpi ne, %convert_element_type3A_653, %cond3A_654 : i32
      scf.if %cond3A_655 {
        %dma_wait3A_684 = arith.constant 1 : i32
        %dma_wait3A_685 = arith.constant 0 : i32
        %dma_wait3A_686 = tpu.memref_slice %arg13[%dma_wait3A_685] : memref<128xi32, #tpu.memory_space<vmem>> -> memref<40xi32, #tpu.memory_space<vmem>>
        %dma_wait3A_687 = arith.constant 0 : i32
        %dma_wait3A_688 = arith.constant 0 : i32
        %dma_wait3A_689 = tpu.memref_slice %arg2[%dma_wait3A_687, %dma_wait3A_688] : memref<10000x128xf32, #tpu.memory_space<hbm>> -> memref<10000x128xf32, #tpu.memory_space<hbm>>
        %dma_wait3A_690 = tpu.memref_slice %arg33[%dma_wait3A_684] : memref<3x!tpu.dma_semaphore, #tpu.memory_space<semaphore_mem>> -> memref<1x!tpu.dma_semaphore, #tpu.memory_space<semaphore_mem>>
        %dma_wait3A_691 = tpu.memref_squeeze %dma_wait3A_690 : memref<1x!tpu.dma_semaphore, #tpu.memory_space<semaphore_mem>> -> memref<!tpu.dma_semaphore, #tpu.memory_space<semaphore_mem>>
        tpu.wait_indirect_dma semaphore(%dma_wait3A_691 : memref<!tpu.dma_semaphore, #tpu.memory_space<semaphore_mem>>) src(%dma_wait3A_689 : memref<10000x128xf32, #tpu.memory_space<hbm>>) dst(%arg19 : memref<40x128xf32, #tpu.memory_space<vmem>>)
        %dma_wait3A_692 = arith.constant 1 : i32
        %dma_wait3A_693 = arith.constant 0 : i32
        %dma_wait3A_694 = tpu.memref_slice %arg24[%dma_wait3A_693] : memref<48xf32, #tpu.memory_space<vmem>> -> memref<40xf32, #tpu.memory_space<vmem>>
        %dma_wait3A_695 = arith.constant 0 : i32
        %dma_wait3A_696 = tpu.memref_slice %arg13[%dma_wait3A_695] : memref<128xi32, #tpu.memory_space<vmem>> -> memref<40xi32, #tpu.memory_space<vmem>>
        %dma_wait3A_697 = arith.constant 0 : i32
        %dma_wait3A_698 = tpu.memref_slice %arg11[%dma_wait3A_697] : memref<10240xf32, #tpu.memory_space<vmem_shared>> -> memref<10240xf32, #tpu.memory_space<vmem_shared>>
        %dma_wait3A_699 = tpu.memref_slice %arg34[%dma_wait3A_692] : memref<3x!tpu.dma_semaphore, #tpu.memory_space<semaphore_mem>> -> memref<1x!tpu.dma_semaphore, #tpu.memory_space<semaphore_mem>>
        %dma_wait3A_700 = tpu.memref_squeeze %dma_wait3A_699 : memref<1x!tpu.dma_semaphore, #tpu.memory_space<semaphore_mem>> -> memref<!tpu.dma_semaphore, #tpu.memory_space<semaphore_mem>>
        tpu.wait_indirect_dma semaphore(%dma_wait3A_700 : memref<!tpu.dma_semaphore, #tpu.memory_space<semaphore_mem>>) src(%dma_wait3A_698 : memref<10240xf32, #tpu.memory_space<vmem_shared>>) dst(%dma_wait3A_694 : memref<40xf32, #tpu.memory_space<vmem>>)
        %ge3A = arith.constant 2 : i32
        %ge3A_701 = arith.cmpi sge, %add3A_650, %ge3A : i32
        %convert_element_type3A_702 = arith.extui %ge3A_701 : i1 to i32
        %cond3A_703 = arith.constant 0 : i32
        %cond3A_704 = arith.cmpi ne, %convert_element_type3A_702, %cond3A_703 : i32
        scf.if %cond3A_704 {
          %dma_wait3A_753 = arith.constant 1 : i32
          %dma_wait3A_754 = arith.constant 40 : i32
          %dma_wait3A_755 = tpu.memref_slice %arg17[%dma_wait3A_754] : memref<128xi32, #tpu.memory_space<vmem>> -> memref<40xi32, #tpu.memory_space<vmem>>
          %dma_wait3A_756 = arith.constant 0 : i32
          %dma_wait3A_757 = arith.constant 0 : i32
          %dma_wait3A_758 = tpu.memref_slice %arg8[%dma_wait3A_756, %dma_wait3A_757] : memref<10240x128xf32, #tpu.memory_space<vmem_shared>> -> memref<10240x128xf32, #tpu.memory_space<vmem_shared>>
          %dma_wait3A_759 = tpu.memref_slice %arg35[%dma_wait3A_753] : memref<2x!tpu.dma_semaphore, #tpu.memory_space<semaphore_mem>> -> memref<1x!tpu.dma_semaphore, #tpu.memory_space<semaphore_mem>>
          %dma_wait3A_760 = tpu.memref_squeeze %dma_wait3A_759 : memref<1x!tpu.dma_semaphore, #tpu.memory_space<semaphore_mem>> -> memref<!tpu.dma_semaphore, #tpu.memory_space<semaphore_mem>>
          tpu.wait_indirect_dma semaphore(%dma_wait3A_760 : memref<!tpu.dma_semaphore, #tpu.memory_space<semaphore_mem>>) src(%arg22 : memref<40x128xf32, #tpu.memory_space<vmem>>) dst(%dma_wait3A_758 : memref<10240x128xf32, #tpu.memory_space<vmem_shared>>)
        } else {
        }
        %get3A = arith.constant 80 : index
        %get3A_705 = tpu.vector_load %arg13[%get3A] {strides = array<i32>} : memref<128xi32, #tpu.memory_space<vmem>>, vector<16xi32>,
        %bitcast_convert_type3A = tpu.bitcast %get3A_705 : vector<16xi32> -> vector<16xf32>
        %get3A_706 = arith.constant 0 : index
        %get3A_707 = tpu.vector_load %arg24[%get3A_706] {strides = array<i32>} : memref<48xf32, #tpu.memory_space<vmem>>, vector<16xf32>,
        %mul3A_708 = arith.mulf %bitcast_convert_type3A, %get3A_707 : vector<16xf32>
        %swap3A = arith.constant 0 : index
        %swap3A_709 = tpu.vector_load %arg26[%swap3A] {strides = array<i32>} : memref<56xf32, #tpu.memory_space<vmem>>, vector<16xf32>,
        tpu.vector_store %arg26[%swap3A], %mul3A_708 {strides = array<i32>} : memref<56xf32, #tpu.memory_space<vmem>>, vector<16xf32>,
        %get3A_710 = arith.constant 96 : index
        %get3A_711 = tpu.vector_load %arg13[%get3A_710] {strides = array<i32>} : memref<128xi32, #tpu.memory_space<vmem>>, vector<16xi32>,
        %bitcast_convert_type3A_712 = tpu.bitcast %get3A_711 : vector<16xi32> -> vector<16xf32>
        %get3A_713 = arith.constant 16 : index
        %get3A_714 = tpu.vector_load %arg24[%get3A_713] {strides = array<i32>} : memref<48xf32, #tpu.memory_space<vmem>>, vector<16xf32>,
        %mul3A_715 = arith.mulf %bitcast_convert_type3A_712, %get3A_714 : vector<16xf32>
        %swap3A_716 = arith.constant 16 : index
        %swap3A_717 = tpu.vector_load %arg26[%swap3A_716] {strides = array<i32>} : memref<56xf32, #tpu.memory_space<vmem>>, vector<16xf32>,
        tpu.vector_store %arg26[%swap3A_716], %mul3A_715 {strides = array<i32>} : memref<56xf32, #tpu.memory_space<vmem>>, vector<16xf32>,
        %get3A_718 = arith.constant 112 : index
        %get3A_719 = tpu.vector_load %arg13[%get3A_718] {strides = array<i32>} : memref<128xi32, #tpu.memory_space<vmem>>, vector<16xi32>,
        %bitcast_convert_type3A_720 = tpu.bitcast %get3A_719 : vector<16xi32> -> vector<16xf32>
        %get3A_721 = arith.constant 32 : index
        %get3A_722 = tpu.vector_load %arg24[%get3A_721] {strides = array<i32>} : memref<48xf32, #tpu.memory_space<vmem>>, vector<16xf32>,
        %mul3A_723 = arith.mulf %bitcast_convert_type3A_720, %get3A_722 : vector<16xf32>
        %swap3A_724 = arith.constant 32 : index
        %swap3A_725 = tpu.vector_load %arg26[%swap3A_724] {strides = array<i32>} : memref<56xf32, #tpu.memory_space<vmem>>, vector<16xf32>,
        tpu.vector_store %arg26[%swap3A_724], %mul3A_723 {strides = array<i32>} : memref<56xf32, #tpu.memory_space<vmem>>, vector<16xf32>,
        %scan3A_726 = arith.constant 0 : i32
        %scan3A_727 = arith.constant 40 : i32
        %scan3A_728 = arith.addi %scan3A_726, %scan3A_727 : i32
        %scan3A_729 = arith.constant 1 : i32
        scf.for %scan3A_753 = %scan3A_726 to %scan3A_728 step %scan3A_729  : i32 {
          %mul3A_754 = arith.constant 1 : i32
          %mul3A_755 = arith.muli %scan3A_753, %mul3A_754 : i32
          %add3A_756 = arith.constant 0 : i32
          %add3A_757 = arith.addi %add3A_756, %mul3A_755 : i32
          %get3A_758 = arith.index_cast %add3A_757 : i32 to index
          %get3A_759 = tpu.vector_load %arg26[%get3A_758] {strides = array<i32>} : memref<56xf32, #tpu.memory_space<vmem>>, vector<16xf32>,
          %slice3A = vector.extract_strided_slice %get3A_759 {offsets = [0], sizes = [1], strides = [1]} : vector<16xf32> to vector<1xf32>
          %squeeze3A = vector.extract %slice3A[0] : f32 from vector<1xf32>
          %get3A_760 = arith.index_cast %add3A_757 : i32 to index
          %get3A_761 = arith.constant 0 : index
          %get3A_762 = tpu.vector_load %arg19[%get3A_760, %get3A_761] {strides = array<i32>} : memref<40x128xf32, #tpu.memory_space<vmem>>, vector<16xf32>,
          %get3A_763 = arith.index_cast %add3A_757 : i32 to index
          %get3A_764 = arith.constant 16 : index
          %get3A_765 = tpu.vector_load %arg19[%get3A_763, %get3A_764] {strides = array<i32>} : memref<40x128xf32, #tpu.memory_space<vmem>>, vector<16xf32>,
          %get3A_766 = arith.index_cast %add3A_757 : i32 to index
          %get3A_767 = arith.constant 32 : index
          %get3A_768 = tpu.vector_load %arg19[%get3A_766, %get3A_767] {strides = array<i32>} : memref<40x128xf32, #tpu.memory_space<vmem>>, vector<16xf32>,
          %get3A_769 = arith.index_cast %add3A_757 : i32 to index
          %get3A_770 = arith.constant 48 : index
          %get3A_771 = tpu.vector_load %arg19[%get3A_769, %get3A_770] {strides = array<i32>} : memref<40x128xf32, #tpu.memory_space<vmem>>, vector<16xf32>,
          %get3A_772 = arith.index_cast %add3A_757 : i32 to index
          %get3A_773 = arith.constant 64 : index
          %get3A_774 = tpu.vector_load %arg19[%get3A_772, %get3A_773] {strides = array<i32>} : memref<40x128xf32, #tpu.memory_space<vmem>>, vector<16xf32>,
          %get3A_775 = arith.index_cast %add3A_757 : i32 to index
          %get3A_776 = arith.constant 80 : index
          %get3A_777 = tpu.vector_load %arg19[%get3A_775, %get3A_776] {strides = array<i32>} : memref<40x128xf32, #tpu.memory_space<vmem>>, vector<16xf32>,
          %get3A_778 = arith.index_cast %add3A_757 : i32 to index
          %get3A_779 = arith.constant 96 : index
          %get3A_780 = tpu.vector_load %arg19[%get3A_778, %get3A_779] {strides = array<i32>} : memref<40x128xf32, #tpu.memory_space<vmem>>, vector<16xf32>,
          %get3A_781 = arith.index_cast %add3A_757 : i32 to index
          %get3A_782 = arith.constant 112 : index
          %get3A_783 = tpu.vector_load %arg19[%get3A_781, %get3A_782] {strides = array<i32>} : memref<40x128xf32, #tpu.memory_space<vmem>>, vector<16xf32>,
          %mul3A_784 = vector.broadcast %squeeze3A : f32 to vector<16xf32>
          %mul3A_785 = arith.mulf %get3A_762, %mul3A_784 : vector<16xf32>
          %swap3A_786 = arith.index_cast %add3A_757 : i32 to index
          %swap3A_787 = arith.constant 0 : index
          %swap3A_788 = tpu.vector_load %arg22[%swap3A_786, %swap3A_787] {strides = array<i32>} : memref<40x128xf32, #tpu.memory_space<vmem>>, vector<16xf32>,
          tpu.vector_store %arg22[%swap3A_786, %swap3A_787], %mul3A_785 {strides = array<i32>} : memref<40x128xf32, #tpu.memory_space<vmem>>, vector<16xf32>,
          %mul3A_789 = vector.broadcast %squeeze3A : f32 to vector<16xf32>
          %mul3A_790 = arith.mulf %get3A_765, %mul3A_789 : vector<16xf32>
          %swap3A_791 = arith.index_cast %add3A_757 : i32 to index
          %swap3A_792 = arith.constant 16 : index
          %swap3A_793 = tpu.vector_load %arg22[%swap3A_791, %swap3A_792] {strides = array<i32>} : memref<40x128xf32, #tpu.memory_space<vmem>>, vector<16xf32>,
          tpu.vector_store %arg22[%swap3A_791, %swap3A_792], %mul3A_790 {strides = array<i32>} : memref<40x128xf32, #tpu.memory_space<vmem>>, vector<16xf32>,
          %mul3A_794 = vector.broadcast %squeeze3A : f32 to vector<16xf32>
          %mul3A_795 = arith.mulf %get3A_768, %mul3A_794 : vector<16xf32>
          %swap3A_796 = arith.index_cast %add3A_757 : i32 to index
          %swap3A_797 = arith.constant 32 : index
          %swap3A_798 = tpu.vector_load %arg22[%swap3A_796, %swap3A_797] {strides = array<i32>} : memref<40x128xf32, #tpu.memory_space<vmem>>, vector<16xf32>,
          tpu.vector_store %arg22[%swap3A_796, %swap3A_797], %mul3A_795 {strides = array<i32>} : memref<40x128xf32, #tpu.memory_space<vmem>>, vector<16xf32>,
          %mul3A_799 = vector.broadcast %squeeze3A : f32 to vector<16xf32>
          %mul3A_800 = arith.mulf %get3A_771, %mul3A_799 : vector<16xf32>
          %swap3A_801 = arith.index_cast %add3A_757 : i32 to index
          %swap3A_802 = arith.constant 48 : index
          %swap3A_803 = tpu.vector_load %arg22[%swap3A_801, %swap3A_802] {strides = array<i32>} : memref<40x128xf32, #tpu.memory_space<vmem>>, vector<16xf32>,
          tpu.vector_store %arg22[%swap3A_801, %swap3A_802], %mul3A_800 {strides = array<i32>} : memref<40x128xf32, #tpu.memory_space<vmem>>, vector<16xf32>,
          %mul3A_804 = vector.broadcast %squeeze3A : f32 to vector<16xf32>
          %mul3A_805 = arith.mulf %get3A_774, %mul3A_804 : vector<16xf32>
          %swap3A_806 = arith.index_cast %add3A_757 : i32 to index
          %swap3A_807 = arith.constant 64 : index
          %swap3A_808 = tpu.vector_load %arg22[%swap3A_806, %swap3A_807] {strides = array<i32>} : memref<40x128xf32, #tpu.memory_space<vmem>>, vector<16xf32>,
          tpu.vector_store %arg22[%swap3A_806, %swap3A_807], %mul3A_805 {strides = array<i32>} : memref<40x128xf32, #tpu.memory_space<vmem>>, vector<16xf32>,
          %mul3A_809 = vector.broadcast %squeeze3A : f32 to vector<16xf32>
          %mul3A_810 = arith.mulf %get3A_777, %mul3A_809 : vector<16xf32>
          %swap3A_811 = arith.index_cast %add3A_757 : i32 to index
          %swap3A_812 = arith.constant 80 : index
          %swap3A_813 = tpu.vector_load %arg22[%swap3A_811, %swap3A_812] {strides = array<i32>} : memref<40x128xf32, #tpu.memory_space<vmem>>, vector<16xf32>,
          tpu.vector_store %arg22[%swap3A_811, %swap3A_812], %mul3A_810 {strides = array<i32>} : memref<40x128xf32, #tpu.memory_space<vmem>>, vector<16xf32>,
          %mul3A_814 = vector.broadcast %squeeze3A : f32 to vector<16xf32>
          %mul3A_815 = arith.mulf %get3A_780, %mul3A_814 : vector<16xf32>
          %swap3A_816 = arith.index_cast %add3A_757 : i32 to index
          %swap3A_817 = arith.constant 96 : index
          %swap3A_818 = tpu.vector_load %arg22[%swap3A_816, %swap3A_817] {strides = array<i32>} : memref<40x128xf32, #tpu.memory_space<vmem>>, vector<16xf32>,
          tpu.vector_store %arg22[%swap3A_816, %swap3A_817], %mul3A_815 {strides = array<i32>} : memref<40x128xf32, #tpu.memory_space<vmem>>, vector<16xf32>,
          %mul3A_819 = vector.broadcast %squeeze3A : f32 to vector<16xf32>
          %mul3A_820 = arith.mulf %get3A_783, %mul3A_819 : vector<16xf32>
          %swap3A_821 = arith.index_cast %add3A_757 : i32 to index
          %swap3A_822 = arith.constant 112 : index
          %swap3A_823 = tpu.vector_load %arg22[%swap3A_821, %swap3A_822] {strides = array<i32>} : memref<40x128xf32, #tpu.memory_space<vmem>>, vector<16xf32>,
          tpu.vector_store %arg22[%swap3A_821, %swap3A_822], %mul3A_820 {strides = array<i32>} : memref<40x128xf32, #tpu.memory_space<vmem>>, vector<16xf32>,
        }
        %scan3A_730 = arith.constant 40 : i32
        %dma_start3A_731 = arith.constant 1 : i32
        %dma_start3A_732 = arith.constant 40 : i32
        %dma_start3A_733 = tpu.memref_slice %arg13[%dma_start3A_732] : memref<128xi32, #tpu.memory_space<vmem>> -> memref<40xi32, #tpu.memory_space<vmem>>
        %dma_start3A_734 = arith.constant 0 : i32
        %dma_start3A_735 = arith.constant 0 : i32
        %dma_start3A_736 = tpu.memref_slice %arg8[%dma_start3A_734, %dma_start3A_735] : memref<10240x128xf32, #tpu.memory_space<vmem_shared>> -> memref<10240x128xf32, #tpu.memory_space<vmem_shared>>
        %dma_start3A_737 = tpu.memref_slice %arg35[%dma_start3A_731] : memref<2x!tpu.dma_semaphore, #tpu.memory_space<semaphore_mem>> -> memref<1x!tpu.dma_semaphore, #tpu.memory_space<semaphore_mem>>
        %dma_start3A_738 = tpu.memref_squeeze %dma_start3A_737 : memref<1x!tpu.dma_semaphore, #tpu.memory_space<semaphore_mem>> -> memref<!tpu.dma_semaphore, #tpu.memory_space<semaphore_mem>>
        tpu.enqueue_indirect_dma source(%arg22 : memref<40x128xf32, #tpu.memory_space<vmem>>) target(%dma_start3A_736 : memref<10240x128xf32, #tpu.memory_space<vmem_shared>>) offsets(%dma_start3A_733 : memref<40xi32, #tpu.memory_space<vmem>>) semaphore(%dma_start3A_738 : memref<!tpu.dma_semaphore, #tpu.memory_space<semaphore_mem>>) {add = true}
        %add3A_739 = arith.constant 4 : i32
        %add3A_740 = arith.addi %add3A_650, %add3A_739 : i32
        %lt3A_741 = arith.constant 250 : i32
        %lt3A_742 = arith.cmpi slt, %add3A_740, %lt3A_741 : i32
        %convert_element_type3A_743 = arith.extui %lt3A_742 : i1 to i32
        %cond3A_744 = arith.constant 0 : i32
        %cond3A_745 = arith.cmpi ne, %convert_element_type3A_743, %cond3A_744 : i32
        scf.if %cond3A_745 {
          %add3A_753 = arith.constant 4 : i32
          %add3A_754 = arith.addi %add3A_650, %add3A_753 : i32
          %add3A_755 = arith.addi %mul3A_517, %add3A_754 : i32
          %dma_start3A_756 = arith.constant 5 : i32
          %dma_start3A_757 = arith.constant 0 : i32
          %dma_start3A_758 = tpu.memref_slice %arg5[%add3A_755, %dma_start3A_757] : memref<8000x128xi32, #tpu.memory_space<hbm>> -> memref<1x128xi32, #tpu.memory_space<hbm>>
          %dma_start3A_759 = tpu.memref_squeeze %dma_start3A_758 : memref<1x128xi32, #tpu.memory_space<hbm>> -> memref<128xi32, #tpu.memory_space<hbm>>
          %dma_start3A_760 = tpu.memref_slice %arg32[%dma_start3A_756] : memref<6x!tpu.dma_semaphore, #tpu.memory_space<semaphore_mem>> -> memref<1x!tpu.dma_semaphore, #tpu.memory_space<semaphore_mem>>
          %dma_start3A_761 = tpu.memref_squeeze %dma_start3A_760 : memref<1x!tpu.dma_semaphore, #tpu.memory_space<semaphore_mem>> -> memref<!tpu.dma_semaphore, #tpu.memory_space<semaphore_mem>>
          %dma_start3A_762 = arith.constant 0 : i32
          %dma_start3A_763 = tpu.memref_slice %arg5[%add3A_755, %dma_start3A_762] : memref<8000x128xi32, #tpu.memory_space<hbm>> -> memref<1x128xi32, #tpu.memory_space<hbm>>
          %dma_start3A_764 = tpu.memref_squeeze %dma_start3A_763 : memref<1x128xi32, #tpu.memory_space<hbm>> -> memref<128xi32, #tpu.memory_space<hbm>>
          tpu.enqueue_dma source(%dma_start3A_764 : memref<128xi32, #tpu.memory_space<hbm>>) target(%arg17 : memref<128xi32, #tpu.memory_space<vmem>>) target_semaphore(%dma_start3A_761 : memref<!tpu.dma_semaphore, #tpu.memory_space<semaphore_mem>>)
        } else {
        }
        %add3A_746 = arith.constant 2 : i32
        %add3A_747 = arith.addi %add3A_650, %add3A_746 : i32
        %lt3A_748 = arith.constant 250 : i32
        %lt3A_749 = arith.cmpi slt, %add3A_747, %lt3A_748 : i32
        %convert_element_type3A_750 = arith.extui %lt3A_749 : i1 to i32
        %cond3A_751 = arith.constant 0 : i32
        %cond3A_752 = arith.cmpi ne, %convert_element_type3A_750, %cond3A_751 : i32
        scf.if %cond3A_752 {
          %add3A_753 = arith.constant 2 : i32
          %add3A_754 = arith.addi %add3A_650, %add3A_753 : i32
          %add3A_755 = arith.addi %mul3A_517, %add3A_754 : i32
          %dma_wait3A_756 = arith.constant 3 : i32
          %dma_wait3A_757 = arith.constant 0 : i32
          %dma_wait3A_758 = tpu.memref_slice %arg5[%add3A_755, %dma_wait3A_757] : memref<8000x128xi32, #tpu.memory_space<hbm>> -> memref<1x128xi32, #tpu.memory_space<hbm>>
          %dma_wait3A_759 = tpu.memref_squeeze %dma_wait3A_758 : memref<1x128xi32, #tpu.memory_space<hbm>> -> memref<128xi32, #tpu.memory_space<hbm>>
          %dma_wait3A_760 = tpu.memref_slice %arg32[%dma_wait3A_756] : memref<6x!tpu.dma_semaphore, #tpu.memory_space<semaphore_mem>> -> memref<1x!tpu.dma_semaphore, #tpu.memory_space<semaphore_mem>>
          %dma_wait3A_761 = tpu.memref_squeeze %dma_wait3A_760 : memref<1x!tpu.dma_semaphore, #tpu.memory_space<semaphore_mem>> -> memref<!tpu.dma_semaphore, #tpu.memory_space<semaphore_mem>>
          %dma_wait3A_762 = arith.constant 0 : i32
          %dma_wait3A_763 = tpu.memref_slice %arg5[%add3A_755, %dma_wait3A_762] : memref<8000x128xi32, #tpu.memory_space<hbm>> -> memref<1x128xi32, #tpu.memory_space<hbm>>
          %dma_wait3A_764 = tpu.memref_squeeze %dma_wait3A_763 : memref<1x128xi32, #tpu.memory_space<hbm>> -> memref<128xi32, #tpu.memory_space<hbm>>
          tpu.wait_dma2 semaphore(%dma_wait3A_761 : memref<!tpu.dma_semaphore, #tpu.memory_space<semaphore_mem>>) src(%dma_wait3A_764 : memref<128xi32, #tpu.memory_space<hbm>>) dst(%arg15 : memref<128xi32, #tpu.memory_space<vmem>>)
          %dma_start3A_765 = arith.constant 0 : i32
          %dma_start3A_766 = arith.constant 0 : i32
          %dma_start3A_767 = tpu.memref_slice %arg15[%dma_start3A_766] : memref<128xi32, #tpu.memory_space<vmem>> -> memref<40xi32, #tpu.memory_space<vmem>>
          %dma_start3A_768 = arith.constant 0 : i32
          %dma_start3A_769 = arith.constant 0 : i32
          %dma_start3A_770 = tpu.memref_slice %arg2[%dma_start3A_768, %dma_start3A_769] : memref<10000x128xf32, #tpu.memory_space<hbm>> -> memref<10000x128xf32, #tpu.memory_space<hbm>>
          %dma_start3A_771 = tpu.memref_slice %arg33[%dma_start3A_765] : memref<3x!tpu.dma_semaphore, #tpu.memory_space<semaphore_mem>> -> memref<1x!tpu.dma_semaphore, #tpu.memory_space<semaphore_mem>>
          %dma_start3A_772 = tpu.memref_squeeze %dma_start3A_771 : memref<1x!tpu.dma_semaphore, #tpu.memory_space<semaphore_mem>> -> memref<!tpu.dma_semaphore, #tpu.memory_space<semaphore_mem>>
          tpu.enqueue_indirect_dma source(%dma_start3A_770 : memref<10000x128xf32, #tpu.memory_space<hbm>>) target(%arg18 : memref<40x128xf32, #tpu.memory_space<vmem>>) offsets(%dma_start3A_767 : memref<40xi32, #tpu.memory_space<vmem>>) semaphore(%dma_start3A_772 : memref<!tpu.dma_semaphore, #tpu.memory_space<semaphore_mem>>)
          %dma_start3A_773 = arith.constant 0 : i32
          %dma_start3A_774 = arith.constant 0 : i32
          %dma_start3A_775 = tpu.memref_slice %arg23[%dma_start3A_774] : memref<48xf32, #tpu.memory_space<vmem>> -> memref<40xf32, #tpu.memory_space<vmem>>
          %dma_start3A_776 = arith.constant 0 : i32
          %dma_start3A_777 = tpu.memref_slice %arg15[%dma_start3A_776] : memref<128xi32, #tpu.memory_space<vmem>> -> memref<40xi32, #tpu.memory_space<vmem>>
          %dma_start3A_778 = arith.constant 0 : i32
          %dma_start3A_779 = tpu.memref_slice %arg11[%dma_start3A_778] : memref<10240xf32, #tpu.memory_space<vmem_shared>> -> memref<10240xf32, #tpu.memory_space<vmem_shared>>
          %dma_start3A_780 = tpu.memref_slice %arg34[%dma_start3A_773] : memref<3x!tpu.dma_semaphore, #tpu.memory_space<semaphore_mem>> -> memref<1x!tpu.dma_semaphore, #tpu.memory_space<semaphore_mem>>
          %dma_start3A_781 = tpu.memref_squeeze %dma_start3A_780 : memref<1x!tpu.dma_semaphore, #tpu.memory_space<semaphore_mem>> -> memref<!tpu.dma_semaphore, #tpu.memory_space<semaphore_mem>>
          tpu.enqueue_indirect_dma source(%dma_start3A_779 : memref<10240xf32, #tpu.memory_space<vmem_shared>>) target(%dma_start3A_775 : memref<40xf32, #tpu.memory_space<vmem>>) offsets(%dma_start3A_777 : memref<40xi32, #tpu.memory_space<vmem>>) semaphore(%dma_start3A_781 : memref<!tpu.dma_semaphore, #tpu.memory_space<semaphore_mem>>)
        } else {
        }
      } else {
      }
      %add3A_656 = arith.constant 2 : i32
      %add3A_657 = arith.addi %add3A_644, %add3A_656 : i32
      %lt3A_658 = arith.constant 250 : i32
      %lt3A_659 = arith.cmpi slt, %add3A_657, %lt3A_658 : i32
      %convert_element_type3A_660 = arith.extui %lt3A_659 : i1 to i32
      %cond3A_661 = arith.constant 0 : i32
      %cond3A_662 = arith.cmpi ne, %convert_element_type3A_660, %cond3A_661 : i32
      scf.if %cond3A_662 {
        %dma_wait3A_684 = arith.constant 2 : i32
        %dma_wait3A_685 = arith.constant 0 : i32
        %dma_wait3A_686 = tpu.memref_slice %arg14[%dma_wait3A_685] : memref<128xi32, #tpu.memory_space<vmem>> -> memref<40xi32, #tpu.memory_space<vmem>>
        %dma_wait3A_687 = arith.constant 0 : i32
        %dma_wait3A_688 = arith.constant 0 : i32
        %dma_wait3A_689 = tpu.memref_slice %arg2[%dma_wait3A_687, %dma_wait3A_688] : memref<10000x128xf32, #tpu.memory_space<hbm>> -> memref<10000x128xf32, #tpu.memory_space<hbm>>
        %dma_wait3A_690 = tpu.memref_slice %arg33[%dma_wait3A_684] : memref<3x!tpu.dma_semaphore, #tpu.memory_space<semaphore_mem>> -> memref<1x!tpu.dma_semaphore, #tpu.memory_space<semaphore_mem>>
        %dma_wait3A_691 = tpu.memref_squeeze %dma_wait3A_690 : memref<1x!tpu.dma_semaphore, #tpu.memory_space<semaphore_mem>> -> memref<!tpu.dma_semaphore, #tpu.memory_space<semaphore_mem>>
        tpu.wait_indirect_dma semaphore(%dma_wait3A_691 : memref<!tpu.dma_semaphore, #tpu.memory_space<semaphore_mem>>) src(%dma_wait3A_689 : memref<10000x128xf32, #tpu.memory_space<hbm>>) dst(%arg20 : memref<40x128xf32, #tpu.memory_space<vmem>>)
        %dma_wait3A_692 = arith.constant 2 : i32
        %dma_wait3A_693 = arith.constant 0 : i32
        %dma_wait3A_694 = tpu.memref_slice %arg25[%dma_wait3A_693] : memref<48xf32, #tpu.memory_space<vmem>> -> memref<40xf32, #tpu.memory_space<vmem>>
        %dma_wait3A_695 = arith.constant 0 : i32
        %dma_wait3A_696 = tpu.memref_slice %arg14[%dma_wait3A_695] : memref<128xi32, #tpu.memory_space<vmem>> -> memref<40xi32, #tpu.memory_space<vmem>>
        %dma_wait3A_697 = arith.constant 0 : i32
        %dma_wait3A_698 = tpu.memref_slice %arg11[%dma_wait3A_697] : memref<10240xf32, #tpu.memory_space<vmem_shared>> -> memref<10240xf32, #tpu.memory_space<vmem_shared>>
        %dma_wait3A_699 = tpu.memref_slice %arg34[%dma_wait3A_692] : memref<3x!tpu.dma_semaphore, #tpu.memory_space<semaphore_mem>> -> memref<1x!tpu.dma_semaphore, #tpu.memory_space<semaphore_mem>>
        %dma_wait3A_700 = tpu.memref_squeeze %dma_wait3A_699 : memref<1x!tpu.dma_semaphore, #tpu.memory_space<semaphore_mem>> -> memref<!tpu.dma_semaphore, #tpu.memory_space<semaphore_mem>>
        tpu.wait_indirect_dma semaphore(%dma_wait3A_700 : memref<!tpu.dma_semaphore, #tpu.memory_space<semaphore_mem>>) src(%dma_wait3A_698 : memref<10240xf32, #tpu.memory_space<vmem_shared>>) dst(%dma_wait3A_694 : memref<40xf32, #tpu.memory_space<vmem>>)
        %ge3A = arith.constant 2 : i32
        %ge3A_701 = arith.cmpi sge, %add3A_657, %ge3A : i32
        %convert_element_type3A_702 = arith.extui %ge3A_701 : i1 to i32
        %cond3A_703 = arith.constant 0 : i32
        %cond3A_704 = arith.cmpi ne, %convert_element_type3A_702, %cond3A_703 : i32
        scf.if %cond3A_704 {
          %dma_wait3A_753 = arith.constant 0 : i32
          %dma_wait3A_754 = arith.constant 40 : i32
          %dma_wait3A_755 = tpu.memref_slice %arg12[%dma_wait3A_754] : memref<128xi32, #tpu.memory_space<vmem>> -> memref<40xi32, #tpu.memory_space<vmem>>
          %dma_wait3A_756 = arith.constant 0 : i32
          %dma_wait3A_757 = arith.constant 0 : i32
          %dma_wait3A_758 = tpu.memref_slice %arg8[%dma_wait3A_756, %dma_wait3A_757] : memref<10240x128xf32, #tpu.memory_space<vmem_shared>> -> memref<10240x128xf32, #tpu.memory_space<vmem_shared>>
          %dma_wait3A_759 = tpu.memref_slice %arg35[%dma_wait3A_753] : memref<2x!tpu.dma_semaphore, #tpu.memory_space<semaphore_mem>> -> memref<1x!tpu.dma_semaphore, #tpu.memory_space<semaphore_mem>>
          %dma_wait3A_760 = tpu.memref_squeeze %dma_wait3A_759 : memref<1x!tpu.dma_semaphore, #tpu.memory_space<semaphore_mem>> -> memref<!tpu.dma_semaphore, #tpu.memory_space<semaphore_mem>>
          tpu.wait_indirect_dma semaphore(%dma_wait3A_760 : memref<!tpu.dma_semaphore, #tpu.memory_space<semaphore_mem>>) src(%arg21 : memref<40x128xf32, #tpu.memory_space<vmem>>) dst(%dma_wait3A_758 : memref<10240x128xf32, #tpu.memory_space<vmem_shared>>)
        } else {
        }
        %get3A = arith.constant 80 : index
        %get3A_705 = tpu.vector_load %arg14[%get3A] {strides = array<i32>} : memref<128xi32, #tpu.memory_space<vmem>>, vector<16xi32>,
        %bitcast_convert_type3A = tpu.bitcast %get3A_705 : vector<16xi32> -> vector<16xf32>
        %get3A_706 = arith.constant 0 : index
        %get3A_707 = tpu.vector_load %arg25[%get3A_706] {strides = array<i32>} : memref<48xf32, #tpu.memory_space<vmem>>, vector<16xf32>,
        %mul3A_708 = arith.mulf %bitcast_convert_type3A, %get3A_707 : vector<16xf32>
        %swap3A = arith.constant 0 : index
        %swap3A_709 = tpu.vector_load %arg26[%swap3A] {strides = array<i32>} : memref<56xf32, #tpu.memory_space<vmem>>, vector<16xf32>,
        tpu.vector_store %arg26[%swap3A], %mul3A_708 {strides = array<i32>} : memref<56xf32, #tpu.memory_space<vmem>>, vector<16xf32>,
        %get3A_710 = arith.constant 96 : index
        %get3A_711 = tpu.vector_load %arg14[%get3A_710] {strides = array<i32>} : memref<128xi32, #tpu.memory_space<vmem>>, vector<16xi32>,
        %bitcast_convert_type3A_712 = tpu.bitcast %get3A_711 : vector<16xi32> -> vector<16xf32>
        %get3A_713 = arith.constant 16 : index
        %get3A_714 = tpu.vector_load %arg25[%get3A_713] {strides = array<i32>} : memref<48xf32, #tpu.memory_space<vmem>>, vector<16xf32>,
        %mul3A_715 = arith.mulf %bitcast_convert_type3A_712, %get3A_714 : vector<16xf32>
        %swap3A_716 = arith.constant 16 : index
        %swap3A_717 = tpu.vector_load %arg26[%swap3A_716] {strides = array<i32>} : memref<56xf32, #tpu.memory_space<vmem>>, vector<16xf32>,
        tpu.vector_store %arg26[%swap3A_716], %mul3A_715 {strides = array<i32>} : memref<56xf32, #tpu.memory_space<vmem>>, vector<16xf32>,
        %get3A_718 = arith.constant 112 : index
        %get3A_719 = tpu.vector_load %arg14[%get3A_718] {strides = array<i32>} : memref<128xi32, #tpu.memory_space<vmem>>, vector<16xi32>,
        %bitcast_convert_type3A_720 = tpu.bitcast %get3A_719 : vector<16xi32> -> vector<16xf32>
        %get3A_721 = arith.constant 32 : index
        %get3A_722 = tpu.vector_load %arg25[%get3A_721] {strides = array<i32>} : memref<48xf32, #tpu.memory_space<vmem>>, vector<16xf32>,
        %mul3A_723 = arith.mulf %bitcast_convert_type3A_720, %get3A_722 : vector<16xf32>
        %swap3A_724 = arith.constant 32 : index
        %swap3A_725 = tpu.vector_load %arg26[%swap3A_724] {strides = array<i32>} : memref<56xf32, #tpu.memory_space<vmem>>, vector<16xf32>,
        tpu.vector_store %arg26[%swap3A_724], %mul3A_723 {strides = array<i32>} : memref<56xf32, #tpu.memory_space<vmem>>, vector<16xf32>,
        %scan3A_726 = arith.constant 0 : i32
        %scan3A_727 = arith.constant 40 : i32
        %scan3A_728 = arith.addi %scan3A_726, %scan3A_727 : i32
        %scan3A_729 = arith.constant 1 : i32
        scf.for %scan3A_753 = %scan3A_726 to %scan3A_728 step %scan3A_729  : i32 {
          %mul3A_754 = arith.constant 1 : i32
          %mul3A_755 = arith.muli %scan3A_753, %mul3A_754 : i32
          %add3A_756 = arith.constant 0 : i32
          %add3A_757 = arith.addi %add3A_756, %mul3A_755 : i32
          %get3A_758 = arith.index_cast %add3A_757 : i32 to index
          %get3A_759 = tpu.vector_load %arg26[%get3A_758] {strides = array<i32>} : memref<56xf32, #tpu.memory_space<vmem>>, vector<16xf32>,
          %slice3A = vector.extract_strided_slice %get3A_759 {offsets = [0], sizes = [1], strides = [1]} : vector<16xf32> to vector<1xf32>
          %squeeze3A = vector.extract %slice3A[0] : f32 from vector<1xf32>
          %get3A_760 = arith.index_cast %add3A_757 : i32 to index
          %get3A_761 = arith.constant 0 : index
          %get3A_762 = tpu.vector_load %arg20[%get3A_760, %get3A_761] {strides = array<i32>} : memref<40x128xf32, #tpu.memory_space<vmem>>, vector<16xf32>,
          %get3A_763 = arith.index_cast %add3A_757 : i32 to index
          %get3A_764 = arith.constant 16 : index
          %get3A_765 = tpu.vector_load %arg20[%get3A_763, %get3A_764] {strides = array<i32>} : memref<40x128xf32, #tpu.memory_space<vmem>>, vector<16xf32>,
          %get3A_766 = arith.index_cast %add3A_757 : i32 to index
          %get3A_767 = arith.constant 32 : index
          %get3A_768 = tpu.vector_load %arg20[%get3A_766, %get3A_767] {strides = array<i32>} : memref<40x128xf32, #tpu.memory_space<vmem>>, vector<16xf32>,
          %get3A_769 = arith.index_cast %add3A_757 : i32 to index
          %get3A_770 = arith.constant 48 : index
          %get3A_771 = tpu.vector_load %arg20[%get3A_769, %get3A_770] {strides = array<i32>} : memref<40x128xf32, #tpu.memory_space<vmem>>, vector<16xf32>,
          %get3A_772 = arith.index_cast %add3A_757 : i32 to index
          %get3A_773 = arith.constant 64 : index
          %get3A_774 = tpu.vector_load %arg20[%get3A_772, %get3A_773] {strides = array<i32>} : memref<40x128xf32, #tpu.memory_space<vmem>>, vector<16xf32>,
          %get3A_775 = arith.index_cast %add3A_757 : i32 to index
          %get3A_776 = arith.constant 80 : index
          %get3A_777 = tpu.vector_load %arg20[%get3A_775, %get3A_776] {strides = array<i32>} : memref<40x128xf32, #tpu.memory_space<vmem>>, vector<16xf32>,
          %get3A_778 = arith.index_cast %add3A_757 : i32 to index
          %get3A_779 = arith.constant 96 : index
          %get3A_780 = tpu.vector_load %arg20[%get3A_778, %get3A_779] {strides = array<i32>} : memref<40x128xf32, #tpu.memory_space<vmem>>, vector<16xf32>,
          %get3A_781 = arith.index_cast %add3A_757 : i32 to index
          %get3A_782 = arith.constant 112 : index
          %get3A_783 = tpu.vector_load %arg20[%get3A_781, %get3A_782] {strides = array<i32>} : memref<40x128xf32, #tpu.memory_space<vmem>>, vector<16xf32>,
          %mul3A_784 = vector.broadcast %squeeze3A : f32 to vector<16xf32>
          %mul3A_785 = arith.mulf %get3A_762, %mul3A_784 : vector<16xf32>
          %swap3A_786 = arith.index_cast %add3A_757 : i32 to index
          %swap3A_787 = arith.constant 0 : index
          %swap3A_788 = tpu.vector_load %arg21[%swap3A_786, %swap3A_787] {strides = array<i32>} : memref<40x128xf32, #tpu.memory_space<vmem>>, vector<16xf32>,
          tpu.vector_store %arg21[%swap3A_786, %swap3A_787], %mul3A_785 {strides = array<i32>} : memref<40x128xf32, #tpu.memory_space<vmem>>, vector<16xf32>,
          %mul3A_789 = vector.broadcast %squeeze3A : f32 to vector<16xf32>
          %mul3A_790 = arith.mulf %get3A_765, %mul3A_789 : vector<16xf32>
          %swap3A_791 = arith.index_cast %add3A_757 : i32 to index
          %swap3A_792 = arith.constant 16 : index
          %swap3A_793 = tpu.vector_load %arg21[%swap3A_791, %swap3A_792] {strides = array<i32>} : memref<40x128xf32, #tpu.memory_space<vmem>>, vector<16xf32>,
          tpu.vector_store %arg21[%swap3A_791, %swap3A_792], %mul3A_790 {strides = array<i32>} : memref<40x128xf32, #tpu.memory_space<vmem>>, vector<16xf32>,
          %mul3A_794 = vector.broadcast %squeeze3A : f32 to vector<16xf32>
          %mul3A_795 = arith.mulf %get3A_768, %mul3A_794 : vector<16xf32>
          %swap3A_796 = arith.index_cast %add3A_757 : i32 to index
          %swap3A_797 = arith.constant 32 : index
          %swap3A_798 = tpu.vector_load %arg21[%swap3A_796, %swap3A_797] {strides = array<i32>} : memref<40x128xf32, #tpu.memory_space<vmem>>, vector<16xf32>,
          tpu.vector_store %arg21[%swap3A_796, %swap3A_797], %mul3A_795 {strides = array<i32>} : memref<40x128xf32, #tpu.memory_space<vmem>>, vector<16xf32>,
          %mul3A_799 = vector.broadcast %squeeze3A : f32 to vector<16xf32>
          %mul3A_800 = arith.mulf %get3A_771, %mul3A_799 : vector<16xf32>
          %swap3A_801 = arith.index_cast %add3A_757 : i32 to index
          %swap3A_802 = arith.constant 48 : index
          %swap3A_803 = tpu.vector_load %arg21[%swap3A_801, %swap3A_802] {strides = array<i32>} : memref<40x128xf32, #tpu.memory_space<vmem>>, vector<16xf32>,
          tpu.vector_store %arg21[%swap3A_801, %swap3A_802], %mul3A_800 {strides = array<i32>} : memref<40x128xf32, #tpu.memory_space<vmem>>, vector<16xf32>,
          %mul3A_804 = vector.broadcast %squeeze3A : f32 to vector<16xf32>
          %mul3A_805 = arith.mulf %get3A_774, %mul3A_804 : vector<16xf32>
          %swap3A_806 = arith.index_cast %add3A_757 : i32 to index
          %swap3A_807 = arith.constant 64 : index
          %swap3A_808 = tpu.vector_load %arg21[%swap3A_806, %swap3A_807] {strides = array<i32>} : memref<40x128xf32, #tpu.memory_space<vmem>>, vector<16xf32>,
          tpu.vector_store %arg21[%swap3A_806, %swap3A_807], %mul3A_805 {strides = array<i32>} : memref<40x128xf32, #tpu.memory_space<vmem>>, vector<16xf32>,
          %mul3A_809 = vector.broadcast %squeeze3A : f32 to vector<16xf32>
          %mul3A_810 = arith.mulf %get3A_777, %mul3A_809 : vector<16xf32>
          %swap3A_811 = arith.index_cast %add3A_757 : i32 to index
          %swap3A_812 = arith.constant 80 : index
          %swap3A_813 = tpu.vector_load %arg21[%swap3A_811, %swap3A_812] {strides = array<i32>} : memref<40x128xf32, #tpu.memory_space<vmem>>, vector<16xf32>,
          tpu.vector_store %arg21[%swap3A_811, %swap3A_812], %mul3A_810 {strides = array<i32>} : memref<40x128xf32, #tpu.memory_space<vmem>>, vector<16xf32>,
          %mul3A_814 = vector.broadcast %squeeze3A : f32 to vector<16xf32>
          %mul3A_815 = arith.mulf %get3A_780, %mul3A_814 : vector<16xf32>
          %swap3A_816 = arith.index_cast %add3A_757 : i32 to index
          %swap3A_817 = arith.constant 96 : index
          %swap3A_818 = tpu.vector_load %arg21[%swap3A_816, %swap3A_817] {strides = array<i32>} : memref<40x128xf32, #tpu.memory_space<vmem>>, vector<16xf32>,
          tpu.vector_store %arg21[%swap3A_816, %swap3A_817], %mul3A_815 {strides = array<i32>} : memref<40x128xf32, #tpu.memory_space<vmem>>, vector<16xf32>,
          %mul3A_819 = vector.broadcast %squeeze3A : f32 to vector<16xf32>
          %mul3A_820 = arith.mulf %get3A_783, %mul3A_819 : vector<16xf32>
          %swap3A_821 = arith.index_cast %add3A_757 : i32 to index
          %swap3A_822 = arith.constant 112 : index
          %swap3A_823 = tpu.vector_load %arg21[%swap3A_821, %swap3A_822] {strides = array<i32>} : memref<40x128xf32, #tpu.memory_space<vmem>>, vector<16xf32>,
          tpu.vector_store %arg21[%swap3A_821, %swap3A_822], %mul3A_820 {strides = array<i32>} : memref<40x128xf32, #tpu.memory_space<vmem>>, vector<16xf32>,
        }
        %scan3A_730 = arith.constant 40 : i32
        %dma_start3A_731 = arith.constant 0 : i32
        %dma_start3A_732 = arith.constant 40 : i32
        %dma_start3A_733 = tpu.memref_slice %arg14[%dma_start3A_732] : memref<128xi32, #tpu.memory_space<vmem>> -> memref<40xi32, #tpu.memory_space<vmem>>
        %dma_start3A_734 = arith.constant 0 : i32
        %dma_start3A_735 = arith.constant 0 : i32
        %dma_start3A_736 = tpu.memref_slice %arg8[%dma_start3A_734, %dma_start3A_735] : memref<10240x128xf32, #tpu.memory_space<vmem_shared>> -> memref<10240x128xf32, #tpu.memory_space<vmem_shared>>
        %dma_start3A_737 = tpu.memref_slice %arg35[%dma_start3A_731] : memref<2x!tpu.dma_semaphore, #tpu.memory_space<semaphore_mem>> -> memref<1x!tpu.dma_semaphore, #tpu.memory_space<semaphore_mem>>
        %dma_start3A_738 = tpu.memref_squeeze %dma_start3A_737 : memref<1x!tpu.dma_semaphore, #tpu.memory_space<semaphore_mem>> -> memref<!tpu.dma_semaphore, #tpu.memory_space<semaphore_mem>>
        tpu.enqueue_indirect_dma source(%arg21 : memref<40x128xf32, #tpu.memory_space<vmem>>) target(%dma_start3A_736 : memref<10240x128xf32, #tpu.memory_space<vmem_shared>>) offsets(%dma_start3A_733 : memref<40xi32, #tpu.memory_space<vmem>>) semaphore(%dma_start3A_738 : memref<!tpu.dma_semaphore, #tpu.memory_space<semaphore_mem>>) {add = true}
        %add3A_739 = arith.constant 4 : i32
        %add3A_740 = arith.addi %add3A_657, %add3A_739 : i32
        %lt3A_741 = arith.constant 250 : i32
        %lt3A_742 = arith.cmpi slt, %add3A_740, %lt3A_741 : i32
        %convert_element_type3A_743 = arith.extui %lt3A_742 : i1 to i32
        %cond3A_744 = arith.constant 0 : i32
        %cond3A_745 = arith.cmpi ne, %convert_element_type3A_743, %cond3A_744 : i32
        scf.if %cond3A_745 {
          %add3A_753 = arith.constant 4 : i32
          %add3A_754 = arith.addi %add3A_657, %add3A_753 : i32
          %add3A_755 = arith.addi %mul3A_517, %add3A_754 : i32
          %dma_start3A_756 = arith.constant 0 : i32
          %dma_start3A_757 = arith.constant 0 : i32
          %dma_start3A_758 = tpu.memref_slice %arg5[%add3A_755, %dma_start3A_757] : memref<8000x128xi32, #tpu.memory_space<hbm>> -> memref<1x128xi32, #tpu.memory_space<hbm>>
          %dma_start3A_759 = tpu.memref_squeeze %dma_start3A_758 : memref<1x128xi32, #tpu.memory_space<hbm>> -> memref<128xi32, #tpu.memory_space<hbm>>
          %dma_start3A_760 = tpu.memref_slice %arg32[%dma_start3A_756] : memref<6x!tpu.dma_semaphore, #tpu.memory_space<semaphore_mem>> -> memref<1x!tpu.dma_semaphore, #tpu.memory_space<semaphore_mem>>
          %dma_start3A_761 = tpu.memref_squeeze %dma_start3A_760 : memref<1x!tpu.dma_semaphore, #tpu.memory_space<semaphore_mem>> -> memref<!tpu.dma_semaphore, #tpu.memory_space<semaphore_mem>>
          %dma_start3A_762 = arith.constant 0 : i32
          %dma_start3A_763 = tpu.memref_slice %arg5[%add3A_755, %dma_start3A_762] : memref<8000x128xi32, #tpu.memory_space<hbm>> -> memref<1x128xi32, #tpu.memory_space<hbm>>
          %dma_start3A_764 = tpu.memref_squeeze %dma_start3A_763 : memref<1x128xi32, #tpu.memory_space<hbm>> -> memref<128xi32, #tpu.memory_space<hbm>>
          tpu.enqueue_dma source(%dma_start3A_764 : memref<128xi32, #tpu.memory_space<hbm>>) target(%arg12 : memref<128xi32, #tpu.memory_space<vmem>>) target_semaphore(%dma_start3A_761 : memref<!tpu.dma_semaphore, #tpu.memory_space<semaphore_mem>>)
        } else {
        }
        %add3A_746 = arith.constant 2 : i32
        %add3A_747 = arith.addi %add3A_657, %add3A_746 : i32
        %lt3A_748 = arith.constant 250 : i32
        %lt3A_749 = arith.cmpi slt, %add3A_747, %lt3A_748 : i32
        %convert_element_type3A_750 = arith.extui %lt3A_749 : i1 to i32
        %cond3A_751 = arith.constant 0 : i32
        %cond3A_752 = arith.cmpi ne, %convert_element_type3A_750, %cond3A_751 : i32
        scf.if %cond3A_752 {
          %add3A_753 = arith.constant 2 : i32
          %add3A_754 = arith.addi %add3A_657, %add3A_753 : i32
          %add3A_755 = arith.addi %mul3A_517, %add3A_754 : i32
          %dma_wait3A_756 = arith.constant 4 : i32
          %dma_wait3A_757 = arith.constant 0 : i32
          %dma_wait3A_758 = tpu.memref_slice %arg5[%add3A_755, %dma_wait3A_757] : memref<8000x128xi32, #tpu.memory_space<hbm>> -> memref<1x128xi32, #tpu.memory_space<hbm>>
          %dma_wait3A_759 = tpu.memref_squeeze %dma_wait3A_758 : memref<1x128xi32, #tpu.memory_space<hbm>> -> memref<128xi32, #tpu.memory_space<hbm>>
          %dma_wait3A_760 = tpu.memref_slice %arg32[%dma_wait3A_756] : memref<6x!tpu.dma_semaphore, #tpu.memory_space<semaphore_mem>> -> memref<1x!tpu.dma_semaphore, #tpu.memory_space<semaphore_mem>>
          %dma_wait3A_761 = tpu.memref_squeeze %dma_wait3A_760 : memref<1x!tpu.dma_semaphore, #tpu.memory_space<semaphore_mem>> -> memref<!tpu.dma_semaphore, #tpu.memory_space<semaphore_mem>>
          %dma_wait3A_762 = arith.constant 0 : i32
          %dma_wait3A_763 = tpu.memref_slice %arg5[%add3A_755, %dma_wait3A_762] : memref<8000x128xi32, #tpu.memory_space<hbm>> -> memref<1x128xi32, #tpu.memory_space<hbm>>
          %dma_wait3A_764 = tpu.memref_squeeze %dma_wait3A_763 : memref<1x128xi32, #tpu.memory_space<hbm>> -> memref<128xi32, #tpu.memory_space<hbm>>
          tpu.wait_dma2 semaphore(%dma_wait3A_761 : memref<!tpu.dma_semaphore, #tpu.memory_space<semaphore_mem>>) src(%dma_wait3A_764 : memref<128xi32, #tpu.memory_space<hbm>>) dst(%arg16 : memref<128xi32, #tpu.memory_space<vmem>>)
          %dma_start3A_765 = arith.constant 1 : i32
          %dma_start3A_766 = arith.constant 0 : i32
          %dma_start3A_767 = tpu.memref_slice %arg16[%dma_start3A_766] : memref<128xi32, #tpu.memory_space<vmem>> -> memref<40xi32, #tpu.memory_space<vmem>>
          %dma_start3A_768 = arith.constant 0 : i32
          %dma_start3A_769 = arith.constant 0 : i32
          %dma_start3A_770 = tpu.memref_slice %arg2[%dma_start3A_768, %dma_start3A_769] : memref<10000x128xf32, #tpu.memory_space<hbm>> -> memref<10000x128xf32, #tpu.memory_space<hbm>>
          %dma_start3A_771 = tpu.memref_slice %arg33[%dma_start3A_765] : memref<3x!tpu.dma_semaphore, #tpu.memory_space<semaphore_mem>> -> memref<1x!tpu.dma_semaphore, #tpu.memory_space<semaphore_mem>>
          %dma_start3A_772 = tpu.memref_squeeze %dma_start3A_771 : memref<1x!tpu.dma_semaphore, #tpu.memory_space<semaphore_mem>> -> memref<!tpu.dma_semaphore, #tpu.memory_space<semaphore_mem>>
          tpu.enqueue_indirect_dma source(%dma_start3A_770 : memref<10000x128xf32, #tpu.memory_space<hbm>>) target(%arg19 : memref<40x128xf32, #tpu.memory_space<vmem>>) offsets(%dma_start3A_767 : memref<40xi32, #tpu.memory_space<vmem>>) semaphore(%dma_start3A_772 : memref<!tpu.dma_semaphore, #tpu.memory_space<semaphore_mem>>)
          %dma_start3A_773 = arith.constant 1 : i32
          %dma_start3A_774 = arith.constant 0 : i32
          %dma_start3A_775 = tpu.memref_slice %arg24[%dma_start3A_774] : memref<48xf32, #tpu.memory_space<vmem>> -> memref<40xf32, #tpu.memory_space<vmem>>
          %dma_start3A_776 = arith.constant 0 : i32
          %dma_start3A_777 = tpu.memref_slice %arg16[%dma_start3A_776] : memref<128xi32, #tpu.memory_space<vmem>> -> memref<40xi32, #tpu.memory_space<vmem>>
          %dma_start3A_778 = arith.constant 0 : i32
          %dma_start3A_779 = tpu.memref_slice %arg11[%dma_start3A_778] : memref<10240xf32, #tpu.memory_space<vmem_shared>> -> memref<10240xf32, #tpu.memory_space<vmem_shared>>
          %dma_start3A_780 = tpu.memref_slice %arg34[%dma_start3A_773] : memref<3x!tpu.dma_semaphore, #tpu.memory_space<semaphore_mem>> -> memref<1x!tpu.dma_semaphore, #tpu.memory_space<semaphore_mem>>
          %dma_start3A_781 = tpu.memref_squeeze %dma_start3A_780 : memref<1x!tpu.dma_semaphore, #tpu.memory_space<semaphore_mem>> -> memref<!tpu.dma_semaphore, #tpu.memory_space<semaphore_mem>>
          tpu.enqueue_indirect_dma source(%dma_start3A_779 : memref<10240xf32, #tpu.memory_space<vmem_shared>>) target(%dma_start3A_775 : memref<40xf32, #tpu.memory_space<vmem>>) offsets(%dma_start3A_777 : memref<40xi32, #tpu.memory_space<vmem>>) semaphore(%dma_start3A_781 : memref<!tpu.dma_semaphore, #tpu.memory_space<semaphore_mem>>)
        } else {
        }
      } else {
      }
      %add3A_663 = arith.constant 3 : i32
      %add3A_664 = arith.addi %add3A_644, %add3A_663 : i32
      %lt3A_665 = arith.constant 250 : i32
      %lt3A_666 = arith.cmpi slt, %add3A_664, %lt3A_665 : i32
      %convert_element_type3A_667 = arith.extui %lt3A_666 : i1 to i32
      %cond3A_668 = arith.constant 0 : i32
      %cond3A_669 = arith.cmpi ne, %convert_element_type3A_667, %cond3A_668 : i32
      scf.if %cond3A_669 {
        %dma_wait3A_684 = arith.constant 0 : i32
        %dma_wait3A_685 = arith.constant 0 : i32
        %dma_wait3A_686 = tpu.memref_slice %arg15[%dma_wait3A_685] : memref<128xi32, #tpu.memory_space<vmem>> -> memref<40xi32, #tpu.memory_space<vmem>>
        %dma_wait3A_687 = arith.constant 0 : i32
        %dma_wait3A_688 = arith.constant 0 : i32
        %dma_wait3A_689 = tpu.memref_slice %arg2[%dma_wait3A_687, %dma_wait3A_688] : memref<10000x128xf32, #tpu.memory_space<hbm>> -> memref<10000x128xf32, #tpu.memory_space<hbm>>
        %dma_wait3A_690 = tpu.memref_slice %arg33[%dma_wait3A_684] : memref<3x!tpu.dma_semaphore, #tpu.memory_space<semaphore_mem>> -> memref<1x!tpu.dma_semaphore, #tpu.memory_space<semaphore_mem>>
        %dma_wait3A_691 = tpu.memref_squeeze %dma_wait3A_690 : memref<1x!tpu.dma_semaphore, #tpu.memory_space<semaphore_mem>> -> memref<!tpu.dma_semaphore, #tpu.memory_space<semaphore_mem>>
        tpu.wait_indirect_dma semaphore(%dma_wait3A_691 : memref<!tpu.dma_semaphore, #tpu.memory_space<semaphore_mem>>) src(%dma_wait3A_689 : memref<10000x128xf32, #tpu.memory_space<hbm>>) dst(%arg18 : memref<40x128xf32, #tpu.memory_space<vmem>>)
        %dma_wait3A_692 = arith.constant 0 : i32
        %dma_wait3A_693 = arith.constant 0 : i32
        %dma_wait3A_694 = tpu.memref_slice %arg23[%dma_wait3A_693] : memref<48xf32, #tpu.memory_space<vmem>> -> memref<40xf32, #tpu.memory_space<vmem>>
        %dma_wait3A_695 = arith.constant 0 : i32
        %dma_wait3A_696 = tpu.memref_slice %arg15[%dma_wait3A_695] : memref<128xi32, #tpu.memory_space<vmem>> -> memref<40xi32, #tpu.memory_space<vmem>>
        %dma_wait3A_697 = arith.constant 0 : i32
        %dma_wait3A_698 = tpu.memref_slice %arg11[%dma_wait3A_697] : memref<10240xf32, #tpu.memory_space<vmem_shared>> -> memref<10240xf32, #tpu.memory_space<vmem_shared>>
        %dma_wait3A_699 = tpu.memref_slice %arg34[%dma_wait3A_692] : memref<3x!tpu.dma_semaphore, #tpu.memory_space<semaphore_mem>> -> memref<1x!tpu.dma_semaphore, #tpu.memory_space<semaphore_mem>>
        %dma_wait3A_700 = tpu.memref_squeeze %dma_wait3A_699 : memref<1x!tpu.dma_semaphore, #tpu.memory_space<semaphore_mem>> -> memref<!tpu.dma_semaphore, #tpu.memory_space<semaphore_mem>>
        tpu.wait_indirect_dma semaphore(%dma_wait3A_700 : memref<!tpu.dma_semaphore, #tpu.memory_space<semaphore_mem>>) src(%dma_wait3A_698 : memref<10240xf32, #tpu.memory_space<vmem_shared>>) dst(%dma_wait3A_694 : memref<40xf32, #tpu.memory_space<vmem>>)
        %ge3A = arith.constant 2 : i32
        %ge3A_701 = arith.cmpi sge, %add3A_664, %ge3A : i32
        %convert_element_type3A_702 = arith.extui %ge3A_701 : i1 to i32
        %cond3A_703 = arith.constant 0 : i32
        %cond3A_704 = arith.cmpi ne, %convert_element_type3A_702, %cond3A_703 : i32
        scf.if %cond3A_704 {
          %dma_wait3A_753 = arith.constant 1 : i32
          %dma_wait3A_754 = arith.constant 40 : i32
          %dma_wait3A_755 = tpu.memref_slice %arg13[%dma_wait3A_754] : memref<128xi32, #tpu.memory_space<vmem>> -> memref<40xi32, #tpu.memory_space<vmem>>
          %dma_wait3A_756 = arith.constant 0 : i32
          %dma_wait3A_757 = arith.constant 0 : i32
          %dma_wait3A_758 = tpu.memref_slice %arg8[%dma_wait3A_756, %dma_wait3A_757] : memref<10240x128xf32, #tpu.memory_space<vmem_shared>> -> memref<10240x128xf32, #tpu.memory_space<vmem_shared>>
          %dma_wait3A_759 = tpu.memref_slice %arg35[%dma_wait3A_753] : memref<2x!tpu.dma_semaphore, #tpu.memory_space<semaphore_mem>> -> memref<1x!tpu.dma_semaphore, #tpu.memory_space<semaphore_mem>>
          %dma_wait3A_760 = tpu.memref_squeeze %dma_wait3A_759 : memref<1x!tpu.dma_semaphore, #tpu.memory_space<semaphore_mem>> -> memref<!tpu.dma_semaphore, #tpu.memory_space<semaphore_mem>>
          tpu.wait_indirect_dma semaphore(%dma_wait3A_760 : memref<!tpu.dma_semaphore, #tpu.memory_space<semaphore_mem>>) src(%arg22 : memref<40x128xf32, #tpu.memory_space<vmem>>) dst(%dma_wait3A_758 : memref<10240x128xf32, #tpu.memory_space<vmem_shared>>)
        } else {
        }
        %get3A = arith.constant 80 : index
        %get3A_705 = tpu.vector_load %arg15[%get3A] {strides = array<i32>} : memref<128xi32, #tpu.memory_space<vmem>>, vector<16xi32>,
        %bitcast_convert_type3A = tpu.bitcast %get3A_705 : vector<16xi32> -> vector<16xf32>
        %get3A_706 = arith.constant 0 : index
        %get3A_707 = tpu.vector_load %arg23[%get3A_706] {strides = array<i32>} : memref<48xf32, #tpu.memory_space<vmem>>, vector<16xf32>,
        %mul3A_708 = arith.mulf %bitcast_convert_type3A, %get3A_707 : vector<16xf32>
        %swap3A = arith.constant 0 : index
        %swap3A_709 = tpu.vector_load %arg26[%swap3A] {strides = array<i32>} : memref<56xf32, #tpu.memory_space<vmem>>, vector<16xf32>,
        tpu.vector_store %arg26[%swap3A], %mul3A_708 {strides = array<i32>} : memref<56xf32, #tpu.memory_space<vmem>>, vector<16xf32>,
        %get3A_710 = arith.constant 96 : index
        %get3A_711 = tpu.vector_load %arg15[%get3A_710] {strides = array<i32>} : memref<128xi32, #tpu.memory_space<vmem>>, vector<16xi32>,
        %bitcast_convert_type3A_712 = tpu.bitcast %get3A_711 : vector<16xi32> -> vector<16xf32>
        %get3A_713 = arith.constant 16 : index
        %get3A_714 = tpu.vector_load %arg23[%get3A_713] {strides = array<i32>} : memref<48xf32, #tpu.memory_space<vmem>>, vector<16xf32>,
        %mul3A_715 = arith.mulf %bitcast_convert_type3A_712, %get3A_714 : vector<16xf32>
        %swap3A_716 = arith.constant 16 : index
        %swap3A_717 = tpu.vector_load %arg26[%swap3A_716] {strides = array<i32>} : memref<56xf32, #tpu.memory_space<vmem>>, vector<16xf32>,
        tpu.vector_store %arg26[%swap3A_716], %mul3A_715 {strides = array<i32>} : memref<56xf32, #tpu.memory_space<vmem>>, vector<16xf32>,
        %get3A_718 = arith.constant 112 : index
        %get3A_719 = tpu.vector_load %arg15[%get3A_718] {strides = array<i32>} : memref<128xi32, #tpu.memory_space<vmem>>, vector<16xi32>,
        %bitcast_convert_type3A_720 = tpu.bitcast %get3A_719 : vector<16xi32> -> vector<16xf32>
        %get3A_721 = arith.constant 32 : index
        %get3A_722 = tpu.vector_load %arg23[%get3A_721] {strides = array<i32>} : memref<48xf32, #tpu.memory_space<vmem>>, vector<16xf32>,
        %mul3A_723 = arith.mulf %bitcast_convert_type3A_720, %get3A_722 : vector<16xf32>
        %swap3A_724 = arith.constant 32 : index
        %swap3A_725 = tpu.vector_load %arg26[%swap3A_724] {strides = array<i32>} : memref<56xf32, #tpu.memory_space<vmem>>, vector<16xf32>,
        tpu.vector_store %arg26[%swap3A_724], %mul3A_723 {strides = array<i32>} : memref<56xf32, #tpu.memory_space<vmem>>, vector<16xf32>,
        %scan3A_726 = arith.constant 0 : i32
        %scan3A_727 = arith.constant 40 : i32
        %scan3A_728 = arith.addi %scan3A_726, %scan3A_727 : i32
        %scan3A_729 = arith.constant 1 : i32
        scf.for %scan3A_753 = %scan3A_726 to %scan3A_728 step %scan3A_729  : i32 {
          %mul3A_754 = arith.constant 1 : i32
          %mul3A_755 = arith.muli %scan3A_753, %mul3A_754 : i32
          %add3A_756 = arith.constant 0 : i32
          %add3A_757 = arith.addi %add3A_756, %mul3A_755 : i32
          %get3A_758 = arith.index_cast %add3A_757 : i32 to index
          %get3A_759 = tpu.vector_load %arg26[%get3A_758] {strides = array<i32>} : memref<56xf32, #tpu.memory_space<vmem>>, vector<16xf32>,
          %slice3A = vector.extract_strided_slice %get3A_759 {offsets = [0], sizes = [1], strides = [1]} : vector<16xf32> to vector<1xf32>
          %squeeze3A = vector.extract %slice3A[0] : f32 from vector<1xf32>
          %get3A_760 = arith.index_cast %add3A_757 : i32 to index
          %get3A_761 = arith.constant 0 : index
          %get3A_762 = tpu.vector_load %arg18[%get3A_760, %get3A_761] {strides = array<i32>} : memref<40x128xf32, #tpu.memory_space<vmem>>, vector<16xf32>,
          %get3A_763 = arith.index_cast %add3A_757 : i32 to index
          %get3A_764 = arith.constant 16 : index
          %get3A_765 = tpu.vector_load %arg18[%get3A_763, %get3A_764] {strides = array<i32>} : memref<40x128xf32, #tpu.memory_space<vmem>>, vector<16xf32>,
          %get3A_766 = arith.index_cast %add3A_757 : i32 to index
          %get3A_767 = arith.constant 32 : index
          %get3A_768 = tpu.vector_load %arg18[%get3A_766, %get3A_767] {strides = array<i32>} : memref<40x128xf32, #tpu.memory_space<vmem>>, vector<16xf32>,
          %get3A_769 = arith.index_cast %add3A_757 : i32 to index
          %get3A_770 = arith.constant 48 : index
          %get3A_771 = tpu.vector_load %arg18[%get3A_769, %get3A_770] {strides = array<i32>} : memref<40x128xf32, #tpu.memory_space<vmem>>, vector<16xf32>,
          %get3A_772 = arith.index_cast %add3A_757 : i32 to index
          %get3A_773 = arith.constant 64 : index
          %get3A_774 = tpu.vector_load %arg18[%get3A_772, %get3A_773] {strides = array<i32>} : memref<40x128xf32, #tpu.memory_space<vmem>>, vector<16xf32>,
          %get3A_775 = arith.index_cast %add3A_757 : i32 to index
          %get3A_776 = arith.constant 80 : index
          %get3A_777 = tpu.vector_load %arg18[%get3A_775, %get3A_776] {strides = array<i32>} : memref<40x128xf32, #tpu.memory_space<vmem>>, vector<16xf32>,
          %get3A_778 = arith.index_cast %add3A_757 : i32 to index
          %get3A_779 = arith.constant 96 : index
          %get3A_780 = tpu.vector_load %arg18[%get3A_778, %get3A_779] {strides = array<i32>} : memref<40x128xf32, #tpu.memory_space<vmem>>, vector<16xf32>,
          %get3A_781 = arith.index_cast %add3A_757 : i32 to index
          %get3A_782 = arith.constant 112 : index
          %get3A_783 = tpu.vector_load %arg18[%get3A_781, %get3A_782] {strides = array<i32>} : memref<40x128xf32, #tpu.memory_space<vmem>>, vector<16xf32>,
          %mul3A_784 = vector.broadcast %squeeze3A : f32 to vector<16xf32>
          %mul3A_785 = arith.mulf %get3A_762, %mul3A_784 : vector<16xf32>
          %swap3A_786 = arith.index_cast %add3A_757 : i32 to index
          %swap3A_787 = arith.constant 0 : index
          %swap3A_788 = tpu.vector_load %arg22[%swap3A_786, %swap3A_787] {strides = array<i32>} : memref<40x128xf32, #tpu.memory_space<vmem>>, vector<16xf32>,
          tpu.vector_store %arg22[%swap3A_786, %swap3A_787], %mul3A_785 {strides = array<i32>} : memref<40x128xf32, #tpu.memory_space<vmem>>, vector<16xf32>,
          %mul3A_789 = vector.broadcast %squeeze3A : f32 to vector<16xf32>
          %mul3A_790 = arith.mulf %get3A_765, %mul3A_789 : vector<16xf32>
          %swap3A_791 = arith.index_cast %add3A_757 : i32 to index
          %swap3A_792 = arith.constant 16 : index
          %swap3A_793 = tpu.vector_load %arg22[%swap3A_791, %swap3A_792] {strides = array<i32>} : memref<40x128xf32, #tpu.memory_space<vmem>>, vector<16xf32>,
          tpu.vector_store %arg22[%swap3A_791, %swap3A_792], %mul3A_790 {strides = array<i32>} : memref<40x128xf32, #tpu.memory_space<vmem>>, vector<16xf32>,
          %mul3A_794 = vector.broadcast %squeeze3A : f32 to vector<16xf32>
          %mul3A_795 = arith.mulf %get3A_768, %mul3A_794 : vector<16xf32>
          %swap3A_796 = arith.index_cast %add3A_757 : i32 to index
          %swap3A_797 = arith.constant 32 : index
          %swap3A_798 = tpu.vector_load %arg22[%swap3A_796, %swap3A_797] {strides = array<i32>} : memref<40x128xf32, #tpu.memory_space<vmem>>, vector<16xf32>,
          tpu.vector_store %arg22[%swap3A_796, %swap3A_797], %mul3A_795 {strides = array<i32>} : memref<40x128xf32, #tpu.memory_space<vmem>>, vector<16xf32>,
          %mul3A_799 = vector.broadcast %squeeze3A : f32 to vector<16xf32>
          %mul3A_800 = arith.mulf %get3A_771, %mul3A_799 : vector<16xf32>
          %swap3A_801 = arith.index_cast %add3A_757 : i32 to index
          %swap3A_802 = arith.constant 48 : index
          %swap3A_803 = tpu.vector_load %arg22[%swap3A_801, %swap3A_802] {strides = array<i32>} : memref<40x128xf32, #tpu.memory_space<vmem>>, vector<16xf32>,
          tpu.vector_store %arg22[%swap3A_801, %swap3A_802], %mul3A_800 {strides = array<i32>} : memref<40x128xf32, #tpu.memory_space<vmem>>, vector<16xf32>,
          %mul3A_804 = vector.broadcast %squeeze3A : f32 to vector<16xf32>
          %mul3A_805 = arith.mulf %get3A_774, %mul3A_804 : vector<16xf32>
          %swap3A_806 = arith.index_cast %add3A_757 : i32 to index
          %swap3A_807 = arith.constant 64 : index
          %swap3A_808 = tpu.vector_load %arg22[%swap3A_806, %swap3A_807] {strides = array<i32>} : memref<40x128xf32, #tpu.memory_space<vmem>>, vector<16xf32>,
          tpu.vector_store %arg22[%swap3A_806, %swap3A_807], %mul3A_805 {strides = array<i32>} : memref<40x128xf32, #tpu.memory_space<vmem>>, vector<16xf32>,
          %mul3A_809 = vector.broadcast %squeeze3A : f32 to vector<16xf32>
          %mul3A_810 = arith.mulf %get3A_777, %mul3A_809 : vector<16xf32>
          %swap3A_811 = arith.index_cast %add3A_757 : i32 to index
          %swap3A_812 = arith.constant 80 : index
          %swap3A_813 = tpu.vector_load %arg22[%swap3A_811, %swap3A_812] {strides = array<i32>} : memref<40x128xf32, #tpu.memory_space<vmem>>, vector<16xf32>,
          tpu.vector_store %arg22[%swap3A_811, %swap3A_812], %mul3A_810 {strides = array<i32>} : memref<40x128xf32, #tpu.memory_space<vmem>>, vector<16xf32>,
          %mul3A_814 = vector.broadcast %squeeze3A : f32 to vector<16xf32>
          %mul3A_815 = arith.mulf %get3A_780, %mul3A_814 : vector<16xf32>
          %swap3A_816 = arith.index_cast %add3A_757 : i32 to index
          %swap3A_817 = arith.constant 96 : index
          %swap3A_818 = tpu.vector_load %arg22[%swap3A_816, %swap3A_817] {strides = array<i32>} : memref<40x128xf32, #tpu.memory_space<vmem>>, vector<16xf32>,
          tpu.vector_store %arg22[%swap3A_816, %swap3A_817], %mul3A_815 {strides = array<i32>} : memref<40x128xf32, #tpu.memory_space<vmem>>, vector<16xf32>,
          %mul3A_819 = vector.broadcast %squeeze3A : f32 to vector<16xf32>
          %mul3A_820 = arith.mulf %get3A_783, %mul3A_819 : vector<16xf32>
          %swap3A_821 = arith.index_cast %add3A_757 : i32 to index
          %swap3A_822 = arith.constant 112 : index
          %swap3A_823 = tpu.vector_load %arg22[%swap3A_821, %swap3A_822] {strides = array<i32>} : memref<40x128xf32, #tpu.memory_space<vmem>>, vector<16xf32>,
          tpu.vector_store %arg22[%swap3A_821, %swap3A_822], %mul3A_820 {strides = array<i32>} : memref<40x128xf32, #tpu.memory_space<vmem>>, vector<16xf32>,
        }
        %scan3A_730 = arith.constant 40 : i32
        %dma_start3A_731 = arith.constant 1 : i32
        %dma_start3A_732 = arith.constant 40 : i32
        %dma_start3A_733 = tpu.memref_slice %arg15[%dma_start3A_732] : memref<128xi32, #tpu.memory_space<vmem>> -> memref<40xi32, #tpu.memory_space<vmem>>
        %dma_start3A_734 = arith.constant 0 : i32
        %dma_start3A_735 = arith.constant 0 : i32
        %dma_start3A_736 = tpu.memref_slice %arg8[%dma_start3A_734, %dma_start3A_735] : memref<10240x128xf32, #tpu.memory_space<vmem_shared>> -> memref<10240x128xf32, #tpu.memory_space<vmem_shared>>
        %dma_start3A_737 = tpu.memref_slice %arg35[%dma_start3A_731] : memref<2x!tpu.dma_semaphore, #tpu.memory_space<semaphore_mem>> -> memref<1x!tpu.dma_semaphore, #tpu.memory_space<semaphore_mem>>
        %dma_start3A_738 = tpu.memref_squeeze %dma_start3A_737 : memref<1x!tpu.dma_semaphore, #tpu.memory_space<semaphore_mem>> -> memref<!tpu.dma_semaphore, #tpu.memory_space<semaphore_mem>>
        tpu.enqueue_indirect_dma source(%arg22 : memref<40x128xf32, #tpu.memory_space<vmem>>) target(%dma_start3A_736 : memref<10240x128xf32, #tpu.memory_space<vmem_shared>>) offsets(%dma_start3A_733 : memref<40xi32, #tpu.memory_space<vmem>>) semaphore(%dma_start3A_738 : memref<!tpu.dma_semaphore, #tpu.memory_space<semaphore_mem>>) {add = true}
        %add3A_739 = arith.constant 4 : i32
        %add3A_740 = arith.addi %add3A_664, %add3A_739 : i32
        %lt3A_741 = arith.constant 250 : i32
        %lt3A_742 = arith.cmpi slt, %add3A_740, %lt3A_741 : i32
        %convert_element_type3A_743 = arith.extui %lt3A_742 : i1 to i32
        %cond3A_744 = arith.constant 0 : i32
        %cond3A_745 = arith.cmpi ne, %convert_element_type3A_743, %cond3A_744 : i32
        scf.if %cond3A_745 {
          %add3A_753 = arith.constant 4 : i32
          %add3A_754 = arith.addi %add3A_664, %add3A_753 : i32
          %add3A_755 = arith.addi %mul3A_517, %add3A_754 : i32
          %dma_start3A_756 = arith.constant 1 : i32
          %dma_start3A_757 = arith.constant 0 : i32
          %dma_start3A_758 = tpu.memref_slice %arg5[%add3A_755, %dma_start3A_757] : memref<8000x128xi32, #tpu.memory_space<hbm>> -> memref<1x128xi32, #tpu.memory_space<hbm>>
          %dma_start3A_759 = tpu.memref_squeeze %dma_start3A_758 : memref<1x128xi32, #tpu.memory_space<hbm>> -> memref<128xi32, #tpu.memory_space<hbm>>
          %dma_start3A_760 = tpu.memref_slice %arg32[%dma_start3A_756] : memref<6x!tpu.dma_semaphore, #tpu.memory_space<semaphore_mem>> -> memref<1x!tpu.dma_semaphore, #tpu.memory_space<semaphore_mem>>
          %dma_start3A_761 = tpu.memref_squeeze %dma_start3A_760 : memref<1x!tpu.dma_semaphore, #tpu.memory_space<semaphore_mem>> -> memref<!tpu.dma_semaphore, #tpu.memory_space<semaphore_mem>>
          %dma_start3A_762 = arith.constant 0 : i32
          %dma_start3A_763 = tpu.memref_slice %arg5[%add3A_755, %dma_start3A_762] : memref<8000x128xi32, #tpu.memory_space<hbm>> -> memref<1x128xi32, #tpu.memory_space<hbm>>
          %dma_start3A_764 = tpu.memref_squeeze %dma_start3A_763 : memref<1x128xi32, #tpu.memory_space<hbm>> -> memref<128xi32, #tpu.memory_space<hbm>>
          tpu.enqueue_dma source(%dma_start3A_764 : memref<128xi32, #tpu.memory_space<hbm>>) target(%arg13 : memref<128xi32, #tpu.memory_space<vmem>>) target_semaphore(%dma_start3A_761 : memref<!tpu.dma_semaphore, #tpu.memory_space<semaphore_mem>>)
        } else {
        }
        %add3A_746 = arith.constant 2 : i32
        %add3A_747 = arith.addi %add3A_664, %add3A_746 : i32
        %lt3A_748 = arith.constant 250 : i32
        %lt3A_749 = arith.cmpi slt, %add3A_747, %lt3A_748 : i32
        %convert_element_type3A_750 = arith.extui %lt3A_749 : i1 to i32
        %cond3A_751 = arith.constant 0 : i32
        %cond3A_752 = arith.cmpi ne, %convert_element_type3A_750, %cond3A_751 : i32
        scf.if %cond3A_752 {
          %add3A_753 = arith.constant 2 : i32
          %add3A_754 = arith.addi %add3A_664, %add3A_753 : i32
          %add3A_755 = arith.addi %mul3A_517, %add3A_754 : i32
          %dma_wait3A_756 = arith.constant 5 : i32
          %dma_wait3A_757 = arith.constant 0 : i32
          %dma_wait3A_758 = tpu.memref_slice %arg5[%add3A_755, %dma_wait3A_757] : memref<8000x128xi32, #tpu.memory_space<hbm>> -> memref<1x128xi32, #tpu.memory_space<hbm>>
          %dma_wait3A_759 = tpu.memref_squeeze %dma_wait3A_758 : memref<1x128xi32, #tpu.memory_space<hbm>> -> memref<128xi32, #tpu.memory_space<hbm>>
          %dma_wait3A_760 = tpu.memref_slice %arg32[%dma_wait3A_756] : memref<6x!tpu.dma_semaphore, #tpu.memory_space<semaphore_mem>> -> memref<1x!tpu.dma_semaphore, #tpu.memory_space<semaphore_mem>>
          %dma_wait3A_761 = tpu.memref_squeeze %dma_wait3A_760 : memref<1x!tpu.dma_semaphore, #tpu.memory_space<semaphore_mem>> -> memref<!tpu.dma_semaphore, #tpu.memory_space<semaphore_mem>>
          %dma_wait3A_762 = arith.constant 0 : i32
          %dma_wait3A_763 = tpu.memref_slice %arg5[%add3A_755, %dma_wait3A_762] : memref<8000x128xi32, #tpu.memory_space<hbm>> -> memref<1x128xi32, #tpu.memory_space<hbm>>
          %dma_wait3A_764 = tpu.memref_squeeze %dma_wait3A_763 : memref<1x128xi32, #tpu.memory_space<hbm>> -> memref<128xi32, #tpu.memory_space<hbm>>
          tpu.wait_dma2 semaphore(%dma_wait3A_761 : memref<!tpu.dma_semaphore, #tpu.memory_space<semaphore_mem>>) src(%dma_wait3A_764 : memref<128xi32, #tpu.memory_space<hbm>>) dst(%arg17 : memref<128xi32, #tpu.memory_space<vmem>>)
          %dma_start3A_765 = arith.constant 2 : i32
          %dma_start3A_766 = arith.constant 0 : i32
          %dma_start3A_767 = tpu.memref_slice %arg17[%dma_start3A_766] : memref<128xi32, #tpu.memory_space<vmem>> -> memref<40xi32, #tpu.memory_space<vmem>>
          %dma_start3A_768 = arith.constant 0 : i32
          %dma_start3A_769 = arith.constant 0 : i32
          %dma_start3A_770 = tpu.memref_slice %arg2[%dma_start3A_768, %dma_start3A_769] : memref<10000x128xf32, #tpu.memory_space<hbm>> -> memref<10000x128xf32, #tpu.memory_space<hbm>>
          %dma_start3A_771 = tpu.memref_slice %arg33[%dma_start3A_765] : memref<3x!tpu.dma_semaphore, #tpu.memory_space<semaphore_mem>> -> memref<1x!tpu.dma_semaphore, #tpu.memory_space<semaphore_mem>>
          %dma_start3A_772 = tpu.memref_squeeze %dma_start3A_771 : memref<1x!tpu.dma_semaphore, #tpu.memory_space<semaphore_mem>> -> memref<!tpu.dma_semaphore, #tpu.memory_space<semaphore_mem>>
          tpu.enqueue_indirect_dma source(%dma_start3A_770 : memref<10000x128xf32, #tpu.memory_space<hbm>>) target(%arg20 : memref<40x128xf32, #tpu.memory_space<vmem>>) offsets(%dma_start3A_767 : memref<40xi32, #tpu.memory_space<vmem>>) semaphore(%dma_start3A_772 : memref<!tpu.dma_semaphore, #tpu.memory_space<semaphore_mem>>)
          %dma_start3A_773 = arith.constant 2 : i32
          %dma_start3A_774 = arith.constant 0 : i32
          %dma_start3A_775 = tpu.memref_slice %arg25[%dma_start3A_774] : memref<48xf32, #tpu.memory_space<vmem>> -> memref<40xf32, #tpu.memory_space<vmem>>
          %dma_start3A_776 = arith.constant 0 : i32
          %dma_start3A_777 = tpu.memref_slice %arg17[%dma_start3A_776] : memref<128xi32, #tpu.memory_space<vmem>> -> memref<40xi32, #tpu.memory_space<vmem>>
          %dma_start3A_778 = arith.constant 0 : i32
          %dma_start3A_779 = tpu.memref_slice %arg11[%dma_start3A_778] : memref<10240xf32, #tpu.memory_space<vmem_shared>> -> memref<10240xf32, #tpu.memory_space<vmem_shared>>
          %dma_start3A_780 = tpu.memref_slice %arg34[%dma_start3A_773] : memref<3x!tpu.dma_semaphore, #tpu.memory_space<semaphore_mem>> -> memref<1x!tpu.dma_semaphore, #tpu.memory_space<semaphore_mem>>
          %dma_start3A_781 = tpu.memref_squeeze %dma_start3A_780 : memref<1x!tpu.dma_semaphore, #tpu.memory_space<semaphore_mem>> -> memref<!tpu.dma_semaphore, #tpu.memory_space<semaphore_mem>>
          tpu.enqueue_indirect_dma source(%dma_start3A_779 : memref<10240xf32, #tpu.memory_space<vmem_shared>>) target(%dma_start3A_775 : memref<40xf32, #tpu.memory_space<vmem>>) offsets(%dma_start3A_777 : memref<40xi32, #tpu.memory_space<vmem>>) semaphore(%dma_start3A_781 : memref<!tpu.dma_semaphore, #tpu.memory_space<semaphore_mem>>)
        } else {
        }
      } else {
      }
      %add3A_670 = arith.constant 4 : i32
      %add3A_671 = arith.addi %add3A_644, %add3A_670 : i32
      %lt3A_672 = arith.constant 250 : i32
      %lt3A_673 = arith.cmpi slt, %add3A_671, %lt3A_672 : i32
      %convert_element_type3A_674 = arith.extui %lt3A_673 : i1 to i32
      %cond3A_675 = arith.constant 0 : i32
      %cond3A_676 = arith.cmpi ne, %convert_element_type3A_674, %cond3A_675 : i32
      scf.if %cond3A_676 {
        %dma_wait3A_684 = arith.constant 1 : i32
        %dma_wait3A_685 = arith.constant 0 : i32
        %dma_wait3A_686 = tpu.memref_slice %arg16[%dma_wait3A_685] : memref<128xi32, #tpu.memory_space<vmem>> -> memref<40xi32, #tpu.memory_space<vmem>>
        %dma_wait3A_687 = arith.constant 0 : i32
        %dma_wait3A_688 = arith.constant 0 : i32
        %dma_wait3A_689 = tpu.memref_slice %arg2[%dma_wait3A_687, %dma_wait3A_688] : memref<10000x128xf32, #tpu.memory_space<hbm>> -> memref<10000x128xf32, #tpu.memory_space<hbm>>
        %dma_wait3A_690 = tpu.memref_slice %arg33[%dma_wait3A_684] : memref<3x!tpu.dma_semaphore, #tpu.memory_space<semaphore_mem>> -> memref<1x!tpu.dma_semaphore, #tpu.memory_space<semaphore_mem>>
        %dma_wait3A_691 = tpu.memref_squeeze %dma_wait3A_690 : memref<1x!tpu.dma_semaphore, #tpu.memory_space<semaphore_mem>> -> memref<!tpu.dma_semaphore, #tpu.memory_space<semaphore_mem>>
        tpu.wait_indirect_dma semaphore(%dma_wait3A_691 : memref<!tpu.dma_semaphore, #tpu.memory_space<semaphore_mem>>) src(%dma_wait3A_689 : memref<10000x128xf32, #tpu.memory_space<hbm>>) dst(%arg19 : memref<40x128xf32, #tpu.memory_space<vmem>>)
        %dma_wait3A_692 = arith.constant 1 : i32
        %dma_wait3A_693 = arith.constant 0 : i32
        %dma_wait3A_694 = tpu.memref_slice %arg24[%dma_wait3A_693] : memref<48xf32, #tpu.memory_space<vmem>> -> memref<40xf32, #tpu.memory_space<vmem>>
        %dma_wait3A_695 = arith.constant 0 : i32
        %dma_wait3A_696 = tpu.memref_slice %arg16[%dma_wait3A_695] : memref<128xi32, #tpu.memory_space<vmem>> -> memref<40xi32, #tpu.memory_space<vmem>>
        %dma_wait3A_697 = arith.constant 0 : i32
        %dma_wait3A_698 = tpu.memref_slice %arg11[%dma_wait3A_697] : memref<10240xf32, #tpu.memory_space<vmem_shared>> -> memref<10240xf32, #tpu.memory_space<vmem_shared>>
        %dma_wait3A_699 = tpu.memref_slice %arg34[%dma_wait3A_692] : memref<3x!tpu.dma_semaphore, #tpu.memory_space<semaphore_mem>> -> memref<1x!tpu.dma_semaphore, #tpu.memory_space<semaphore_mem>>
        %dma_wait3A_700 = tpu.memref_squeeze %dma_wait3A_699 : memref<1x!tpu.dma_semaphore, #tpu.memory_space<semaphore_mem>> -> memref<!tpu.dma_semaphore, #tpu.memory_space<semaphore_mem>>
        tpu.wait_indirect_dma semaphore(%dma_wait3A_700 : memref<!tpu.dma_semaphore, #tpu.memory_space<semaphore_mem>>) src(%dma_wait3A_698 : memref<10240xf32, #tpu.memory_space<vmem_shared>>) dst(%dma_wait3A_694 : memref<40xf32, #tpu.memory_space<vmem>>)
        %ge3A = arith.constant 2 : i32
        %ge3A_701 = arith.cmpi sge, %add3A_671, %ge3A : i32
        %convert_element_type3A_702 = arith.extui %ge3A_701 : i1 to i32
        %cond3A_703 = arith.constant 0 : i32
        %cond3A_704 = arith.cmpi ne, %convert_element_type3A_702, %cond3A_703 : i32
        scf.if %cond3A_704 {
          %dma_wait3A_753 = arith.constant 0 : i32
          %dma_wait3A_754 = arith.constant 40 : i32
          %dma_wait3A_755 = tpu.memref_slice %arg14[%dma_wait3A_754] : memref<128xi32, #tpu.memory_space<vmem>> -> memref<40xi32, #tpu.memory_space<vmem>>
          %dma_wait3A_756 = arith.constant 0 : i32
          %dma_wait3A_757 = arith.constant 0 : i32
          %dma_wait3A_758 = tpu.memref_slice %arg8[%dma_wait3A_756, %dma_wait3A_757] : memref<10240x128xf32, #tpu.memory_space<vmem_shared>> -> memref<10240x128xf32, #tpu.memory_space<vmem_shared>>
          %dma_wait3A_759 = tpu.memref_slice %arg35[%dma_wait3A_753] : memref<2x!tpu.dma_semaphore, #tpu.memory_space<semaphore_mem>> -> memref<1x!tpu.dma_semaphore, #tpu.memory_space<semaphore_mem>>
          %dma_wait3A_760 = tpu.memref_squeeze %dma_wait3A_759 : memref<1x!tpu.dma_semaphore, #tpu.memory_space<semaphore_mem>> -> memref<!tpu.dma_semaphore, #tpu.memory_space<semaphore_mem>>
          tpu.wait_indirect_dma semaphore(%dma_wait3A_760 : memref<!tpu.dma_semaphore, #tpu.memory_space<semaphore_mem>>) src(%arg21 : memref<40x128xf32, #tpu.memory_space<vmem>>) dst(%dma_wait3A_758 : memref<10240x128xf32, #tpu.memory_space<vmem_shared>>)
        } else {
        }
        %get3A = arith.constant 80 : index
        %get3A_705 = tpu.vector_load %arg16[%get3A] {strides = array<i32>} : memref<128xi32, #tpu.memory_space<vmem>>, vector<16xi32>,
        %bitcast_convert_type3A = tpu.bitcast %get3A_705 : vector<16xi32> -> vector<16xf32>
        %get3A_706 = arith.constant 0 : index
        %get3A_707 = tpu.vector_load %arg24[%get3A_706] {strides = array<i32>} : memref<48xf32, #tpu.memory_space<vmem>>, vector<16xf32>,
        %mul3A_708 = arith.mulf %bitcast_convert_type3A, %get3A_707 : vector<16xf32>
        %swap3A = arith.constant 0 : index
        %swap3A_709 = tpu.vector_load %arg26[%swap3A] {strides = array<i32>} : memref<56xf32, #tpu.memory_space<vmem>>, vector<16xf32>,
        tpu.vector_store %arg26[%swap3A], %mul3A_708 {strides = array<i32>} : memref<56xf32, #tpu.memory_space<vmem>>, vector<16xf32>,
        %get3A_710 = arith.constant 96 : index
        %get3A_711 = tpu.vector_load %arg16[%get3A_710] {strides = array<i32>} : memref<128xi32, #tpu.memory_space<vmem>>, vector<16xi32>,
        %bitcast_convert_type3A_712 = tpu.bitcast %get3A_711 : vector<16xi32> -> vector<16xf32>
        %get3A_713 = arith.constant 16 : index
        %get3A_714 = tpu.vector_load %arg24[%get3A_713] {strides = array<i32>} : memref<48xf32, #tpu.memory_space<vmem>>, vector<16xf32>,
        %mul3A_715 = arith.mulf %bitcast_convert_type3A_712, %get3A_714 : vector<16xf32>
        %swap3A_716 = arith.constant 16 : index
        %swap3A_717 = tpu.vector_load %arg26[%swap3A_716] {strides = array<i32>} : memref<56xf32, #tpu.memory_space<vmem>>, vector<16xf32>,
        tpu.vector_store %arg26[%swap3A_716], %mul3A_715 {strides = array<i32>} : memref<56xf32, #tpu.memory_space<vmem>>, vector<16xf32>,
        %get3A_718 = arith.constant 112 : index
        %get3A_719 = tpu.vector_load %arg16[%get3A_718] {strides = array<i32>} : memref<128xi32, #tpu.memory_space<vmem>>, vector<16xi32>,
        %bitcast_convert_type3A_720 = tpu.bitcast %get3A_719 : vector<16xi32> -> vector<16xf32>
        %get3A_721 = arith.constant 32 : index
        %get3A_722 = tpu.vector_load %arg24[%get3A_721] {strides = array<i32>} : memref<48xf32, #tpu.memory_space<vmem>>, vector<16xf32>,
        %mul3A_723 = arith.mulf %bitcast_convert_type3A_720, %get3A_722 : vector<16xf32>
        %swap3A_724 = arith.constant 32 : index
        %swap3A_725 = tpu.vector_load %arg26[%swap3A_724] {strides = array<i32>} : memref<56xf32, #tpu.memory_space<vmem>>, vector<16xf32>,
        tpu.vector_store %arg26[%swap3A_724], %mul3A_723 {strides = array<i32>} : memref<56xf32, #tpu.memory_space<vmem>>, vector<16xf32>,
        %scan3A_726 = arith.constant 0 : i32
        %scan3A_727 = arith.constant 40 : i32
        %scan3A_728 = arith.addi %scan3A_726, %scan3A_727 : i32
        %scan3A_729 = arith.constant 1 : i32
        scf.for %scan3A_753 = %scan3A_726 to %scan3A_728 step %scan3A_729  : i32 {
          %mul3A_754 = arith.constant 1 : i32
          %mul3A_755 = arith.muli %scan3A_753, %mul3A_754 : i32
          %add3A_756 = arith.constant 0 : i32
          %add3A_757 = arith.addi %add3A_756, %mul3A_755 : i32
          %get3A_758 = arith.index_cast %add3A_757 : i32 to index
          %get3A_759 = tpu.vector_load %arg26[%get3A_758] {strides = array<i32>} : memref<56xf32, #tpu.memory_space<vmem>>, vector<16xf32>,
          %slice3A = vector.extract_strided_slice %get3A_759 {offsets = [0], sizes = [1], strides = [1]} : vector<16xf32> to vector<1xf32>
          %squeeze3A = vector.extract %slice3A[0] : f32 from vector<1xf32>
          %get3A_760 = arith.index_cast %add3A_757 : i32 to index
          %get3A_761 = arith.constant 0 : index
          %get3A_762 = tpu.vector_load %arg19[%get3A_760, %get3A_761] {strides = array<i32>} : memref<40x128xf32, #tpu.memory_space<vmem>>, vector<16xf32>,
          %get3A_763 = arith.index_cast %add3A_757 : i32 to index
          %get3A_764 = arith.constant 16 : index
          %get3A_765 = tpu.vector_load %arg19[%get3A_763, %get3A_764] {strides = array<i32>} : memref<40x128xf32, #tpu.memory_space<vmem>>, vector<16xf32>,
          %get3A_766 = arith.index_cast %add3A_757 : i32 to index
          %get3A_767 = arith.constant 32 : index
          %get3A_768 = tpu.vector_load %arg19[%get3A_766, %get3A_767] {strides = array<i32>} : memref<40x128xf32, #tpu.memory_space<vmem>>, vector<16xf32>,
          %get3A_769 = arith.index_cast %add3A_757 : i32 to index
          %get3A_770 = arith.constant 48 : index
          %get3A_771 = tpu.vector_load %arg19[%get3A_769, %get3A_770] {strides = array<i32>} : memref<40x128xf32, #tpu.memory_space<vmem>>, vector<16xf32>,
          %get3A_772 = arith.index_cast %add3A_757 : i32 to index
          %get3A_773 = arith.constant 64 : index
          %get3A_774 = tpu.vector_load %arg19[%get3A_772, %get3A_773] {strides = array<i32>} : memref<40x128xf32, #tpu.memory_space<vmem>>, vector<16xf32>,
          %get3A_775 = arith.index_cast %add3A_757 : i32 to index
          %get3A_776 = arith.constant 80 : index
          %get3A_777 = tpu.vector_load %arg19[%get3A_775, %get3A_776] {strides = array<i32>} : memref<40x128xf32, #tpu.memory_space<vmem>>, vector<16xf32>,
          %get3A_778 = arith.index_cast %add3A_757 : i32 to index
          %get3A_779 = arith.constant 96 : index
          %get3A_780 = tpu.vector_load %arg19[%get3A_778, %get3A_779] {strides = array<i32>} : memref<40x128xf32, #tpu.memory_space<vmem>>, vector<16xf32>,
          %get3A_781 = arith.index_cast %add3A_757 : i32 to index
          %get3A_782 = arith.constant 112 : index
          %get3A_783 = tpu.vector_load %arg19[%get3A_781, %get3A_782] {strides = array<i32>} : memref<40x128xf32, #tpu.memory_space<vmem>>, vector<16xf32>,
          %mul3A_784 = vector.broadcast %squeeze3A : f32 to vector<16xf32>
          %mul3A_785 = arith.mulf %get3A_762, %mul3A_784 : vector<16xf32>
          %swap3A_786 = arith.index_cast %add3A_757 : i32 to index
          %swap3A_787 = arith.constant 0 : index
          %swap3A_788 = tpu.vector_load %arg21[%swap3A_786, %swap3A_787] {strides = array<i32>} : memref<40x128xf32, #tpu.memory_space<vmem>>, vector<16xf32>,
          tpu.vector_store %arg21[%swap3A_786, %swap3A_787], %mul3A_785 {strides = array<i32>} : memref<40x128xf32, #tpu.memory_space<vmem>>, vector<16xf32>,
          %mul3A_789 = vector.broadcast %squeeze3A : f32 to vector<16xf32>
          %mul3A_790 = arith.mulf %get3A_765, %mul3A_789 : vector<16xf32>
          %swap3A_791 = arith.index_cast %add3A_757 : i32 to index
          %swap3A_792 = arith.constant 16 : index
          %swap3A_793 = tpu.vector_load %arg21[%swap3A_791, %swap3A_792] {strides = array<i32>} : memref<40x128xf32, #tpu.memory_space<vmem>>, vector<16xf32>,
          tpu.vector_store %arg21[%swap3A_791, %swap3A_792], %mul3A_790 {strides = array<i32>} : memref<40x128xf32, #tpu.memory_space<vmem>>, vector<16xf32>,
          %mul3A_794 = vector.broadcast %squeeze3A : f32 to vector<16xf32>
          %mul3A_795 = arith.mulf %get3A_768, %mul3A_794 : vector<16xf32>
          %swap3A_796 = arith.index_cast %add3A_757 : i32 to index
          %swap3A_797 = arith.constant 32 : index
          %swap3A_798 = tpu.vector_load %arg21[%swap3A_796, %swap3A_797] {strides = array<i32>} : memref<40x128xf32, #tpu.memory_space<vmem>>, vector<16xf32>,
          tpu.vector_store %arg21[%swap3A_796, %swap3A_797], %mul3A_795 {strides = array<i32>} : memref<40x128xf32, #tpu.memory_space<vmem>>, vector<16xf32>,
          %mul3A_799 = vector.broadcast %squeeze3A : f32 to vector<16xf32>
          %mul3A_800 = arith.mulf %get3A_771, %mul3A_799 : vector<16xf32>
          %swap3A_801 = arith.index_cast %add3A_757 : i32 to index
          %swap3A_802 = arith.constant 48 : index
          %swap3A_803 = tpu.vector_load %arg21[%swap3A_801, %swap3A_802] {strides = array<i32>} : memref<40x128xf32, #tpu.memory_space<vmem>>, vector<16xf32>,
          tpu.vector_store %arg21[%swap3A_801, %swap3A_802], %mul3A_800 {strides = array<i32>} : memref<40x128xf32, #tpu.memory_space<vmem>>, vector<16xf32>,
          %mul3A_804 = vector.broadcast %squeeze3A : f32 to vector<16xf32>
          %mul3A_805 = arith.mulf %get3A_774, %mul3A_804 : vector<16xf32>
          %swap3A_806 = arith.index_cast %add3A_757 : i32 to index
          %swap3A_807 = arith.constant 64 : index
          %swap3A_808 = tpu.vector_load %arg21[%swap3A_806, %swap3A_807] {strides = array<i32>} : memref<40x128xf32, #tpu.memory_space<vmem>>, vector<16xf32>,
          tpu.vector_store %arg21[%swap3A_806, %swap3A_807], %mul3A_805 {strides = array<i32>} : memref<40x128xf32, #tpu.memory_space<vmem>>, vector<16xf32>,
          %mul3A_809 = vector.broadcast %squeeze3A : f32 to vector<16xf32>
          %mul3A_810 = arith.mulf %get3A_777, %mul3A_809 : vector<16xf32>
          %swap3A_811 = arith.index_cast %add3A_757 : i32 to index
          %swap3A_812 = arith.constant 80 : index
          %swap3A_813 = tpu.vector_load %arg21[%swap3A_811, %swap3A_812] {strides = array<i32>} : memref<40x128xf32, #tpu.memory_space<vmem>>, vector<16xf32>,
          tpu.vector_store %arg21[%swap3A_811, %swap3A_812], %mul3A_810 {strides = array<i32>} : memref<40x128xf32, #tpu.memory_space<vmem>>, vector<16xf32>,
          %mul3A_814 = vector.broadcast %squeeze3A : f32 to vector<16xf32>
          %mul3A_815 = arith.mulf %get3A_780, %mul3A_814 : vector<16xf32>
          %swap3A_816 = arith.index_cast %add3A_757 : i32 to index
          %swap3A_817 = arith.constant 96 : index
          %swap3A_818 = tpu.vector_load %arg21[%swap3A_816, %swap3A_817] {strides = array<i32>} : memref<40x128xf32, #tpu.memory_space<vmem>>, vector<16xf32>,
          tpu.vector_store %arg21[%swap3A_816, %swap3A_817], %mul3A_815 {strides = array<i32>} : memref<40x128xf32, #tpu.memory_space<vmem>>, vector<16xf32>,
          %mul3A_819 = vector.broadcast %squeeze3A : f32 to vector<16xf32>
          %mul3A_820 = arith.mulf %get3A_783, %mul3A_819 : vector<16xf32>
          %swap3A_821 = arith.index_cast %add3A_757 : i32 to index
          %swap3A_822 = arith.constant 112 : index
          %swap3A_823 = tpu.vector_load %arg21[%swap3A_821, %swap3A_822] {strides = array<i32>} : memref<40x128xf32, #tpu.memory_space<vmem>>, vector<16xf32>,
          tpu.vector_store %arg21[%swap3A_821, %swap3A_822], %mul3A_820 {strides = array<i32>} : memref<40x128xf32, #tpu.memory_space<vmem>>, vector<16xf32>,
        }
        %scan3A_730 = arith.constant 40 : i32
        %dma_start3A_731 = arith.constant 0 : i32
        %dma_start3A_732 = arith.constant 40 : i32
        %dma_start3A_733 = tpu.memref_slice %arg16[%dma_start3A_732] : memref<128xi32, #tpu.memory_space<vmem>> -> memref<40xi32, #tpu.memory_space<vmem>>
        %dma_start3A_734 = arith.constant 0 : i32
        %dma_start3A_735 = arith.constant 0 : i32
        %dma_start3A_736 = tpu.memref_slice %arg8[%dma_start3A_734, %dma_start3A_735] : memref<10240x128xf32, #tpu.memory_space<vmem_shared>> -> memref<10240x128xf32, #tpu.memory_space<vmem_shared>>
        %dma_start3A_737 = tpu.memref_slice %arg35[%dma_start3A_731] : memref<2x!tpu.dma_semaphore, #tpu.memory_space<semaphore_mem>> -> memref<1x!tpu.dma_semaphore, #tpu.memory_space<semaphore_mem>>
        %dma_start3A_738 = tpu.memref_squeeze %dma_start3A_737 : memref<1x!tpu.dma_semaphore, #tpu.memory_space<semaphore_mem>> -> memref<!tpu.dma_semaphore, #tpu.memory_space<semaphore_mem>>
        tpu.enqueue_indirect_dma source(%arg21 : memref<40x128xf32, #tpu.memory_space<vmem>>) target(%dma_start3A_736 : memref<10240x128xf32, #tpu.memory_space<vmem_shared>>) offsets(%dma_start3A_733 : memref<40xi32, #tpu.memory_space<vmem>>) semaphore(%dma_start3A_738 : memref<!tpu.dma_semaphore, #tpu.memory_space<semaphore_mem>>) {add = true}
        %add3A_739 = arith.constant 4 : i32
        %add3A_740 = arith.addi %add3A_671, %add3A_739 : i32
        %lt3A_741 = arith.constant 250 : i32
        %lt3A_742 = arith.cmpi slt, %add3A_740, %lt3A_741 : i32
        %convert_element_type3A_743 = arith.extui %lt3A_742 : i1 to i32
        %cond3A_744 = arith.constant 0 : i32
        %cond3A_745 = arith.cmpi ne, %convert_element_type3A_743, %cond3A_744 : i32
        scf.if %cond3A_745 {
          %add3A_753 = arith.constant 4 : i32
          %add3A_754 = arith.addi %add3A_671, %add3A_753 : i32
          %add3A_755 = arith.addi %mul3A_517, %add3A_754 : i32
          %dma_start3A_756 = arith.constant 2 : i32
          %dma_start3A_757 = arith.constant 0 : i32
          %dma_start3A_758 = tpu.memref_slice %arg5[%add3A_755, %dma_start3A_757] : memref<8000x128xi32, #tpu.memory_space<hbm>> -> memref<1x128xi32, #tpu.memory_space<hbm>>
          %dma_start3A_759 = tpu.memref_squeeze %dma_start3A_758 : memref<1x128xi32, #tpu.memory_space<hbm>> -> memref<128xi32, #tpu.memory_space<hbm>>
          %dma_start3A_760 = tpu.memref_slice %arg32[%dma_start3A_756] : memref<6x!tpu.dma_semaphore, #tpu.memory_space<semaphore_mem>> -> memref<1x!tpu.dma_semaphore, #tpu.memory_space<semaphore_mem>>
          %dma_start3A_761 = tpu.memref_squeeze %dma_start3A_760 : memref<1x!tpu.dma_semaphore, #tpu.memory_space<semaphore_mem>> -> memref<!tpu.dma_semaphore, #tpu.memory_space<semaphore_mem>>
          %dma_start3A_762 = arith.constant 0 : i32
          %dma_start3A_763 = tpu.memref_slice %arg5[%add3A_755, %dma_start3A_762] : memref<8000x128xi32, #tpu.memory_space<hbm>> -> memref<1x128xi32, #tpu.memory_space<hbm>>
          %dma_start3A_764 = tpu.memref_squeeze %dma_start3A_763 : memref<1x128xi32, #tpu.memory_space<hbm>> -> memref<128xi32, #tpu.memory_space<hbm>>
          tpu.enqueue_dma source(%dma_start3A_764 : memref<128xi32, #tpu.memory_space<hbm>>) target(%arg14 : memref<128xi32, #tpu.memory_space<vmem>>) target_semaphore(%dma_start3A_761 : memref<!tpu.dma_semaphore, #tpu.memory_space<semaphore_mem>>)
        } else {
        }
        %add3A_746 = arith.constant 2 : i32
        %add3A_747 = arith.addi %add3A_671, %add3A_746 : i32
        %lt3A_748 = arith.constant 250 : i32
        %lt3A_749 = arith.cmpi slt, %add3A_747, %lt3A_748 : i32
        %convert_element_type3A_750 = arith.extui %lt3A_749 : i1 to i32
        %cond3A_751 = arith.constant 0 : i32
        %cond3A_752 = arith.cmpi ne, %convert_element_type3A_750, %cond3A_751 : i32
        scf.if %cond3A_752 {
          %add3A_753 = arith.constant 2 : i32
          %add3A_754 = arith.addi %add3A_671, %add3A_753 : i32
          %add3A_755 = arith.addi %mul3A_517, %add3A_754 : i32
          %dma_wait3A_756 = arith.constant 0 : i32
          %dma_wait3A_757 = arith.constant 0 : i32
          %dma_wait3A_758 = tpu.memref_slice %arg5[%add3A_755, %dma_wait3A_757] : memref<8000x128xi32, #tpu.memory_space<hbm>> -> memref<1x128xi32, #tpu.memory_space<hbm>>
          %dma_wait3A_759 = tpu.memref_squeeze %dma_wait3A_758 : memref<1x128xi32, #tpu.memory_space<hbm>> -> memref<128xi32, #tpu.memory_space<hbm>>
          %dma_wait3A_760 = tpu.memref_slice %arg32[%dma_wait3A_756] : memref<6x!tpu.dma_semaphore, #tpu.memory_space<semaphore_mem>> -> memref<1x!tpu.dma_semaphore, #tpu.memory_space<semaphore_mem>>
          %dma_wait3A_761 = tpu.memref_squeeze %dma_wait3A_760 : memref<1x!tpu.dma_semaphore, #tpu.memory_space<semaphore_mem>> -> memref<!tpu.dma_semaphore, #tpu.memory_space<semaphore_mem>>
          %dma_wait3A_762 = arith.constant 0 : i32
          %dma_wait3A_763 = tpu.memref_slice %arg5[%add3A_755, %dma_wait3A_762] : memref<8000x128xi32, #tpu.memory_space<hbm>> -> memref<1x128xi32, #tpu.memory_space<hbm>>
          %dma_wait3A_764 = tpu.memref_squeeze %dma_wait3A_763 : memref<1x128xi32, #tpu.memory_space<hbm>> -> memref<128xi32, #tpu.memory_space<hbm>>
          tpu.wait_dma2 semaphore(%dma_wait3A_761 : memref<!tpu.dma_semaphore, #tpu.memory_space<semaphore_mem>>) src(%dma_wait3A_764 : memref<128xi32, #tpu.memory_space<hbm>>) dst(%arg12 : memref<128xi32, #tpu.memory_space<vmem>>)
          %dma_start3A_765 = arith.constant 0 : i32
          %dma_start3A_766 = arith.constant 0 : i32
          %dma_start3A_767 = tpu.memref_slice %arg12[%dma_start3A_766] : memref<128xi32, #tpu.memory_space<vmem>> -> memref<40xi32, #tpu.memory_space<vmem>>
          %dma_start3A_768 = arith.constant 0 : i32
          %dma_start3A_769 = arith.constant 0 : i32
          %dma_start3A_770 = tpu.memref_slice %arg2[%dma_start3A_768, %dma_start3A_769] : memref<10000x128xf32, #tpu.memory_space<hbm>> -> memref<10000x128xf32, #tpu.memory_space<hbm>>
          %dma_start3A_771 = tpu.memref_slice %arg33[%dma_start3A_765] : memref<3x!tpu.dma_semaphore, #tpu.memory_space<semaphore_mem>> -> memref<1x!tpu.dma_semaphore, #tpu.memory_space<semaphore_mem>>
          %dma_start3A_772 = tpu.memref_squeeze %dma_start3A_771 : memref<1x!tpu.dma_semaphore, #tpu.memory_space<semaphore_mem>> -> memref<!tpu.dma_semaphore, #tpu.memory_space<semaphore_mem>>
          tpu.enqueue_indirect_dma source(%dma_start3A_770 : memref<10000x128xf32, #tpu.memory_space<hbm>>) target(%arg18 : memref<40x128xf32, #tpu.memory_space<vmem>>) offsets(%dma_start3A_767 : memref<40xi32, #tpu.memory_space<vmem>>) semaphore(%dma_start3A_772 : memref<!tpu.dma_semaphore, #tpu.memory_space<semaphore_mem>>)
          %dma_start3A_773 = arith.constant 0 : i32
          %dma_start3A_774 = arith.constant 0 : i32
          %dma_start3A_775 = tpu.memref_slice %arg23[%dma_start3A_774] : memref<48xf32, #tpu.memory_space<vmem>> -> memref<40xf32, #tpu.memory_space<vmem>>
          %dma_start3A_776 = arith.constant 0 : i32
          %dma_start3A_777 = tpu.memref_slice %arg12[%dma_start3A_776] : memref<128xi32, #tpu.memory_space<vmem>> -> memref<40xi32, #tpu.memory_space<vmem>>
          %dma_start3A_778 = arith.constant 0 : i32
          %dma_start3A_779 = tpu.memref_slice %arg11[%dma_start3A_778] : memref<10240xf32, #tpu.memory_space<vmem_shared>> -> memref<10240xf32, #tpu.memory_space<vmem_shared>>
          %dma_start3A_780 = tpu.memref_slice %arg34[%dma_start3A_773] : memref<3x!tpu.dma_semaphore, #tpu.memory_space<semaphore_mem>> -> memref<1x!tpu.dma_semaphore, #tpu.memory_space<semaphore_mem>>
          %dma_start3A_781 = tpu.memref_squeeze %dma_start3A_780 : memref<1x!tpu.dma_semaphore, #tpu.memory_space<semaphore_mem>> -> memref<!tpu.dma_semaphore, #tpu.memory_space<semaphore_mem>>
          tpu.enqueue_indirect_dma source(%dma_start3A_779 : memref<10240xf32, #tpu.memory_space<vmem_shared>>) target(%dma_start3A_775 : memref<40xf32, #tpu.memory_space<vmem>>) offsets(%dma_start3A_777 : memref<40xi32, #tpu.memory_space<vmem>>) semaphore(%dma_start3A_781 : memref<!tpu.dma_semaphore, #tpu.memory_space<semaphore_mem>>)
        } else {
        }
      } else {
      }
      %add3A_677 = arith.constant 5 : i32
      %add3A_678 = arith.addi %add3A_644, %add3A_677 : i32
      %lt3A_679 = arith.constant 250 : i32
      %lt3A_680 = arith.cmpi slt, %add3A_678, %lt3A_679 : i32
      %convert_element_type3A_681 = arith.extui %lt3A_680 : i1 to i32
      %cond3A_682 = arith.constant 0 : i32
      %cond3A_683 = arith.cmpi ne, %convert_element_type3A_681, %cond3A_682 : i32
      scf.if %cond3A_683 {
        %dma_wait3A_684 = arith.constant 2 : i32
        %dma_wait3A_685 = arith.constant 0 : i32
        %dma_wait3A_686 = tpu.memref_slice %arg17[%dma_wait3A_685] : memref<128xi32, #tpu.memory_space<vmem>> -> memref<40xi32, #tpu.memory_space<vmem>>
        %dma_wait3A_687 = arith.constant 0 : i32
        %dma_wait3A_688 = arith.constant 0 : i32
        %dma_wait3A_689 = tpu.memref_slice %arg2[%dma_wait3A_687, %dma_wait3A_688] : memref<10000x128xf32, #tpu.memory_space<hbm>> -> memref<10000x128xf32, #tpu.memory_space<hbm>>
        %dma_wait3A_690 = tpu.memref_slice %arg33[%dma_wait3A_684] : memref<3x!tpu.dma_semaphore, #tpu.memory_space<semaphore_mem>> -> memref<1x!tpu.dma_semaphore, #tpu.memory_space<semaphore_mem>>
        %dma_wait3A_691 = tpu.memref_squeeze %dma_wait3A_690 : memref<1x!tpu.dma_semaphore, #tpu.memory_space<semaphore_mem>> -> memref<!tpu.dma_semaphore, #tpu.memory_space<semaphore_mem>>
        tpu.wait_indirect_dma semaphore(%dma_wait3A_691 : memref<!tpu.dma_semaphore, #tpu.memory_space<semaphore_mem>>) src(%dma_wait3A_689 : memref<10000x128xf32, #tpu.memory_space<hbm>>) dst(%arg20 : memref<40x128xf32, #tpu.memory_space<vmem>>)
        %dma_wait3A_692 = arith.constant 2 : i32
        %dma_wait3A_693 = arith.constant 0 : i32
        %dma_wait3A_694 = tpu.memref_slice %arg25[%dma_wait3A_693] : memref<48xf32, #tpu.memory_space<vmem>> -> memref<40xf32, #tpu.memory_space<vmem>>
        %dma_wait3A_695 = arith.constant 0 : i32
        %dma_wait3A_696 = tpu.memref_slice %arg17[%dma_wait3A_695] : memref<128xi32, #tpu.memory_space<vmem>> -> memref<40xi32, #tpu.memory_space<vmem>>
        %dma_wait3A_697 = arith.constant 0 : i32
        %dma_wait3A_698 = tpu.memref_slice %arg11[%dma_wait3A_697] : memref<10240xf32, #tpu.memory_space<vmem_shared>> -> memref<10240xf32, #tpu.memory_space<vmem_shared>>
        %dma_wait3A_699 = tpu.memref_slice %arg34[%dma_wait3A_692] : memref<3x!tpu.dma_semaphore, #tpu.memory_space<semaphore_mem>> -> memref<1x!tpu.dma_semaphore, #tpu.memory_space<semaphore_mem>>
        %dma_wait3A_700 = tpu.memref_squeeze %dma_wait3A_699 : memref<1x!tpu.dma_semaphore, #tpu.memory_space<semaphore_mem>> -> memref<!tpu.dma_semaphore, #tpu.memory_space<semaphore_mem>>
        tpu.wait_indirect_dma semaphore(%dma_wait3A_700 : memref<!tpu.dma_semaphore, #tpu.memory_space<semaphore_mem>>) src(%dma_wait3A_698 : memref<10240xf32, #tpu.memory_space<vmem_shared>>) dst(%dma_wait3A_694 : memref<40xf32, #tpu.memory_space<vmem>>)
        %ge3A = arith.constant 2 : i32
        %ge3A_701 = arith.cmpi sge, %add3A_678, %ge3A : i32
        %convert_element_type3A_702 = arith.extui %ge3A_701 : i1 to i32
        %cond3A_703 = arith.constant 0 : i32
        %cond3A_704 = arith.cmpi ne, %convert_element_type3A_702, %cond3A_703 : i32
        scf.if %cond3A_704 {
          %dma_wait3A_753 = arith.constant 1 : i32
          %dma_wait3A_754 = arith.constant 40 : i32
          %dma_wait3A_755 = tpu.memref_slice %arg15[%dma_wait3A_754] : memref<128xi32, #tpu.memory_space<vmem>> -> memref<40xi32, #tpu.memory_space<vmem>>
          %dma_wait3A_756 = arith.constant 0 : i32
          %dma_wait3A_757 = arith.constant 0 : i32
          %dma_wait3A_758 = tpu.memref_slice %arg8[%dma_wait3A_756, %dma_wait3A_757] : memref<10240x128xf32, #tpu.memory_space<vmem_shared>> -> memref<10240x128xf32, #tpu.memory_space<vmem_shared>>
          %dma_wait3A_759 = tpu.memref_slice %arg35[%dma_wait3A_753] : memref<2x!tpu.dma_semaphore, #tpu.memory_space<semaphore_mem>> -> memref<1x!tpu.dma_semaphore, #tpu.memory_space<semaphore_mem>>
          %dma_wait3A_760 = tpu.memref_squeeze %dma_wait3A_759 : memref<1x!tpu.dma_semaphore, #tpu.memory_space<semaphore_mem>> -> memref<!tpu.dma_semaphore, #tpu.memory_space<semaphore_mem>>
          tpu.wait_indirect_dma semaphore(%dma_wait3A_760 : memref<!tpu.dma_semaphore, #tpu.memory_space<semaphore_mem>>) src(%arg22 : memref<40x128xf32, #tpu.memory_space<vmem>>) dst(%dma_wait3A_758 : memref<10240x128xf32, #tpu.memory_space<vmem_shared>>)
        } else {
        }
        %get3A = arith.constant 80 : index
        %get3A_705 = tpu.vector_load %arg17[%get3A] {strides = array<i32>} : memref<128xi32, #tpu.memory_space<vmem>>, vector<16xi32>,
        %bitcast_convert_type3A = tpu.bitcast %get3A_705 : vector<16xi32> -> vector<16xf32>
        %get3A_706 = arith.constant 0 : index
        %get3A_707 = tpu.vector_load %arg25[%get3A_706] {strides = array<i32>} : memref<48xf32, #tpu.memory_space<vmem>>, vector<16xf32>,
        %mul3A_708 = arith.mulf %bitcast_convert_type3A, %get3A_707 : vector<16xf32>
        %swap3A = arith.constant 0 : index
        %swap3A_709 = tpu.vector_load %arg26[%swap3A] {strides = array<i32>} : memref<56xf32, #tpu.memory_space<vmem>>, vector<16xf32>,
        tpu.vector_store %arg26[%swap3A], %mul3A_708 {strides = array<i32>} : memref<56xf32, #tpu.memory_space<vmem>>, vector<16xf32>,
        %get3A_710 = arith.constant 96 : index
        %get3A_711 = tpu.vector_load %arg17[%get3A_710] {strides = array<i32>} : memref<128xi32, #tpu.memory_space<vmem>>, vector<16xi32>,
        %bitcast_convert_type3A_712 = tpu.bitcast %get3A_711 : vector<16xi32> -> vector<16xf32>
        %get3A_713 = arith.constant 16 : index
        %get3A_714 = tpu.vector_load %arg25[%get3A_713] {strides = array<i32>} : memref<48xf32, #tpu.memory_space<vmem>>, vector<16xf32>,
        %mul3A_715 = arith.mulf %bitcast_convert_type3A_712, %get3A_714 : vector<16xf32>
        %swap3A_716 = arith.constant 16 : index
        %swap3A_717 = tpu.vector_load %arg26[%swap3A_716] {strides = array<i32>} : memref<56xf32, #tpu.memory_space<vmem>>, vector<16xf32>,
        tpu.vector_store %arg26[%swap3A_716], %mul3A_715 {strides = array<i32>} : memref<56xf32, #tpu.memory_space<vmem>>, vector<16xf32>,
        %get3A_718 = arith.constant 112 : index
        %get3A_719 = tpu.vector_load %arg17[%get3A_718] {strides = array<i32>} : memref<128xi32, #tpu.memory_space<vmem>>, vector<16xi32>,
        %bitcast_convert_type3A_720 = tpu.bitcast %get3A_719 : vector<16xi32> -> vector<16xf32>
        %get3A_721 = arith.constant 32 : index
        %get3A_722 = tpu.vector_load %arg25[%get3A_721] {strides = array<i32>} : memref<48xf32, #tpu.memory_space<vmem>>, vector<16xf32>,
        %mul3A_723 = arith.mulf %bitcast_convert_type3A_720, %get3A_722 : vector<16xf32>
        %swap3A_724 = arith.constant 32 : index
        %swap3A_725 = tpu.vector_load %arg26[%swap3A_724] {strides = array<i32>} : memref<56xf32, #tpu.memory_space<vmem>>, vector<16xf32>,
        tpu.vector_store %arg26[%swap3A_724], %mul3A_723 {strides = array<i32>} : memref<56xf32, #tpu.memory_space<vmem>>, vector<16xf32>,
        %scan3A_726 = arith.constant 0 : i32
        %scan3A_727 = arith.constant 40 : i32
        %scan3A_728 = arith.addi %scan3A_726, %scan3A_727 : i32
        %scan3A_729 = arith.constant 1 : i32
        scf.for %scan3A_753 = %scan3A_726 to %scan3A_728 step %scan3A_729  : i32 {
          %mul3A_754 = arith.constant 1 : i32
          %mul3A_755 = arith.muli %scan3A_753, %mul3A_754 : i32
          %add3A_756 = arith.constant 0 : i32
          %add3A_757 = arith.addi %add3A_756, %mul3A_755 : i32
          %get3A_758 = arith.index_cast %add3A_757 : i32 to index
          %get3A_759 = tpu.vector_load %arg26[%get3A_758] {strides = array<i32>} : memref<56xf32, #tpu.memory_space<vmem>>, vector<16xf32>,
          %slice3A = vector.extract_strided_slice %get3A_759 {offsets = [0], sizes = [1], strides = [1]} : vector<16xf32> to vector<1xf32>
          %squeeze3A = vector.extract %slice3A[0] : f32 from vector<1xf32>
          %get3A_760 = arith.index_cast %add3A_757 : i32 to index
          %get3A_761 = arith.constant 0 : index
          %get3A_762 = tpu.vector_load %arg20[%get3A_760, %get3A_761] {strides = array<i32>} : memref<40x128xf32, #tpu.memory_space<vmem>>, vector<16xf32>,
          %get3A_763 = arith.index_cast %add3A_757 : i32 to index
          %get3A_764 = arith.constant 16 : index
          %get3A_765 = tpu.vector_load %arg20[%get3A_763, %get3A_764] {strides = array<i32>} : memref<40x128xf32, #tpu.memory_space<vmem>>, vector<16xf32>,
          %get3A_766 = arith.index_cast %add3A_757 : i32 to index
          %get3A_767 = arith.constant 32 : index
          %get3A_768 = tpu.vector_load %arg20[%get3A_766, %get3A_767] {strides = array<i32>} : memref<40x128xf32, #tpu.memory_space<vmem>>, vector<16xf32>,
          %get3A_769 = arith.index_cast %add3A_757 : i32 to index
          %get3A_770 = arith.constant 48 : index
          %get3A_771 = tpu.vector_load %arg20[%get3A_769, %get3A_770] {strides = array<i32>} : memref<40x128xf32, #tpu.memory_space<vmem>>, vector<16xf32>,
          %get3A_772 = arith.index_cast %add3A_757 : i32 to index
          %get3A_773 = arith.constant 64 : index
          %get3A_774 = tpu.vector_load %arg20[%get3A_772, %get3A_773] {strides = array<i32>} : memref<40x128xf32, #tpu.memory_space<vmem>>, vector<16xf32>,
          %get3A_775 = arith.index_cast %add3A_757 : i32 to index
          %get3A_776 = arith.constant 80 : index
          %get3A_777 = tpu.vector_load %arg20[%get3A_775, %get3A_776] {strides = array<i32>} : memref<40x128xf32, #tpu.memory_space<vmem>>, vector<16xf32>,
          %get3A_778 = arith.index_cast %add3A_757 : i32 to index
          %get3A_779 = arith.constant 96 : index
          %get3A_780 = tpu.vector_load %arg20[%get3A_778, %get3A_779] {strides = array<i32>} : memref<40x128xf32, #tpu.memory_space<vmem>>, vector<16xf32>,
          %get3A_781 = arith.index_cast %add3A_757 : i32 to index
          %get3A_782 = arith.constant 112 : index
          %get3A_783 = tpu.vector_load %arg20[%get3A_781, %get3A_782] {strides = array<i32>} : memref<40x128xf32, #tpu.memory_space<vmem>>, vector<16xf32>,
          %mul3A_784 = vector.broadcast %squeeze3A : f32 to vector<16xf32>
          %mul3A_785 = arith.mulf %get3A_762, %mul3A_784 : vector<16xf32>
          %swap3A_786 = arith.index_cast %add3A_757 : i32 to index
          %swap3A_787 = arith.constant 0 : index
          %swap3A_788 = tpu.vector_load %arg22[%swap3A_786, %swap3A_787] {strides = array<i32>} : memref<40x128xf32, #tpu.memory_space<vmem>>, vector<16xf32>,
          tpu.vector_store %arg22[%swap3A_786, %swap3A_787], %mul3A_785 {strides = array<i32>} : memref<40x128xf32, #tpu.memory_space<vmem>>, vector<16xf32>,
          %mul3A_789 = vector.broadcast %squeeze3A : f32 to vector<16xf32>
          %mul3A_790 = arith.mulf %get3A_765, %mul3A_789 : vector<16xf32>
          %swap3A_791 = arith.index_cast %add3A_757 : i32 to index
          %swap3A_792 = arith.constant 16 : index
          %swap3A_793 = tpu.vector_load %arg22[%swap3A_791, %swap3A_792] {strides = array<i32>} : memref<40x128xf32, #tpu.memory_space<vmem>>, vector<16xf32>,
          tpu.vector_store %arg22[%swap3A_791, %swap3A_792], %mul3A_790 {strides = array<i32>} : memref<40x128xf32, #tpu.memory_space<vmem>>, vector<16xf32>,
          %mul3A_794 = vector.broadcast %squeeze3A : f32 to vector<16xf32>
          %mul3A_795 = arith.mulf %get3A_768, %mul3A_794 : vector<16xf32>
          %swap3A_796 = arith.index_cast %add3A_757 : i32 to index
          %swap3A_797 = arith.constant 32 : index
          %swap3A_798 = tpu.vector_load %arg22[%swap3A_796, %swap3A_797] {strides = array<i32>} : memref<40x128xf32, #tpu.memory_space<vmem>>, vector<16xf32>,
          tpu.vector_store %arg22[%swap3A_796, %swap3A_797], %mul3A_795 {strides = array<i32>} : memref<40x128xf32, #tpu.memory_space<vmem>>, vector<16xf32>,
          %mul3A_799 = vector.broadcast %squeeze3A : f32 to vector<16xf32>
          %mul3A_800 = arith.mulf %get3A_771, %mul3A_799 : vector<16xf32>
          %swap3A_801 = arith.index_cast %add3A_757 : i32 to index
          %swap3A_802 = arith.constant 48 : index
          %swap3A_803 = tpu.vector_load %arg22[%swap3A_801, %swap3A_802] {strides = array<i32>} : memref<40x128xf32, #tpu.memory_space<vmem>>, vector<16xf32>,
          tpu.vector_store %arg22[%swap3A_801, %swap3A_802], %mul3A_800 {strides = array<i32>} : memref<40x128xf32, #tpu.memory_space<vmem>>, vector<16xf32>,
          %mul3A_804 = vector.broadcast %squeeze3A : f32 to vector<16xf32>
          %mul3A_805 = arith.mulf %get3A_774, %mul3A_804 : vector<16xf32>
          %swap3A_806 = arith.index_cast %add3A_757 : i32 to index
          %swap3A_807 = arith.constant 64 : index
          %swap3A_808 = tpu.vector_load %arg22[%swap3A_806, %swap3A_807] {strides = array<i32>} : memref<40x128xf32, #tpu.memory_space<vmem>>, vector<16xf32>,
          tpu.vector_store %arg22[%swap3A_806, %swap3A_807], %mul3A_805 {strides = array<i32>} : memref<40x128xf32, #tpu.memory_space<vmem>>, vector<16xf32>,
          %mul3A_809 = vector.broadcast %squeeze3A : f32 to vector<16xf32>
          %mul3A_810 = arith.mulf %get3A_777, %mul3A_809 : vector<16xf32>
          %swap3A_811 = arith.index_cast %add3A_757 : i32 to index
          %swap3A_812 = arith.constant 80 : index
          %swap3A_813 = tpu.vector_load %arg22[%swap3A_811, %swap3A_812] {strides = array<i32>} : memref<40x128xf32, #tpu.memory_space<vmem>>, vector<16xf32>,
          tpu.vector_store %arg22[%swap3A_811, %swap3A_812], %mul3A_810 {strides = array<i32>} : memref<40x128xf32, #tpu.memory_space<vmem>>, vector<16xf32>,
          %mul3A_814 = vector.broadcast %squeeze3A : f32 to vector<16xf32>
          %mul3A_815 = arith.mulf %get3A_780, %mul3A_814 : vector<16xf32>
          %swap3A_816 = arith.index_cast %add3A_757 : i32 to index
          %swap3A_817 = arith.constant 96 : index
          %swap3A_818 = tpu.vector_load %arg22[%swap3A_816, %swap3A_817] {strides = array<i32>} : memref<40x128xf32, #tpu.memory_space<vmem>>, vector<16xf32>,
          tpu.vector_store %arg22[%swap3A_816, %swap3A_817], %mul3A_815 {strides = array<i32>} : memref<40x128xf32, #tpu.memory_space<vmem>>, vector<16xf32>,
          %mul3A_819 = vector.broadcast %squeeze3A : f32 to vector<16xf32>
          %mul3A_820 = arith.mulf %get3A_783, %mul3A_819 : vector<16xf32>
          %swap3A_821 = arith.index_cast %add3A_757 : i32 to index
          %swap3A_822 = arith.constant 112 : index
          %swap3A_823 = tpu.vector_load %arg22[%swap3A_821, %swap3A_822] {strides = array<i32>} : memref<40x128xf32, #tpu.memory_space<vmem>>, vector<16xf32>,
          tpu.vector_store %arg22[%swap3A_821, %swap3A_822], %mul3A_820 {strides = array<i32>} : memref<40x128xf32, #tpu.memory_space<vmem>>, vector<16xf32>,
        }
        %scan3A_730 = arith.constant 40 : i32
        %dma_start3A_731 = arith.constant 1 : i32
        %dma_start3A_732 = arith.constant 40 : i32
        %dma_start3A_733 = tpu.memref_slice %arg17[%dma_start3A_732] : memref<128xi32, #tpu.memory_space<vmem>> -> memref<40xi32, #tpu.memory_space<vmem>>
        %dma_start3A_734 = arith.constant 0 : i32
        %dma_start3A_735 = arith.constant 0 : i32
        %dma_start3A_736 = tpu.memref_slice %arg8[%dma_start3A_734, %dma_start3A_735] : memref<10240x128xf32, #tpu.memory_space<vmem_shared>> -> memref<10240x128xf32, #tpu.memory_space<vmem_shared>>
        %dma_start3A_737 = tpu.memref_slice %arg35[%dma_start3A_731] : memref<2x!tpu.dma_semaphore, #tpu.memory_space<semaphore_mem>> -> memref<1x!tpu.dma_semaphore, #tpu.memory_space<semaphore_mem>>
        %dma_start3A_738 = tpu.memref_squeeze %dma_start3A_737 : memref<1x!tpu.dma_semaphore, #tpu.memory_space<semaphore_mem>> -> memref<!tpu.dma_semaphore, #tpu.memory_space<semaphore_mem>>
        tpu.enqueue_indirect_dma source(%arg22 : memref<40x128xf32, #tpu.memory_space<vmem>>) target(%dma_start3A_736 : memref<10240x128xf32, #tpu.memory_space<vmem_shared>>) offsets(%dma_start3A_733 : memref<40xi32, #tpu.memory_space<vmem>>) semaphore(%dma_start3A_738 : memref<!tpu.dma_semaphore, #tpu.memory_space<semaphore_mem>>) {add = true}
        %add3A_739 = arith.constant 4 : i32
        %add3A_740 = arith.addi %add3A_678, %add3A_739 : i32
        %lt3A_741 = arith.constant 250 : i32
        %lt3A_742 = arith.cmpi slt, %add3A_740, %lt3A_741 : i32
        %convert_element_type3A_743 = arith.extui %lt3A_742 : i1 to i32
        %cond3A_744 = arith.constant 0 : i32
        %cond3A_745 = arith.cmpi ne, %convert_element_type3A_743, %cond3A_744 : i32
        scf.if %cond3A_745 {
          %add3A_753 = arith.constant 4 : i32
          %add3A_754 = arith.addi %add3A_678, %add3A_753 : i32
          %add3A_755 = arith.addi %mul3A_517, %add3A_754 : i32
          %dma_start3A_756 = arith.constant 3 : i32
          %dma_start3A_757 = arith.constant 0 : i32
          %dma_start3A_758 = tpu.memref_slice %arg5[%add3A_755, %dma_start3A_757] : memref<8000x128xi32, #tpu.memory_space<hbm>> -> memref<1x128xi32, #tpu.memory_space<hbm>>
          %dma_start3A_759 = tpu.memref_squeeze %dma_start3A_758 : memref<1x128xi32, #tpu.memory_space<hbm>> -> memref<128xi32, #tpu.memory_space<hbm>>
          %dma_start3A_760 = tpu.memref_slice %arg32[%dma_start3A_756] : memref<6x!tpu.dma_semaphore, #tpu.memory_space<semaphore_mem>> -> memref<1x!tpu.dma_semaphore, #tpu.memory_space<semaphore_mem>>
          %dma_start3A_761 = tpu.memref_squeeze %dma_start3A_760 : memref<1x!tpu.dma_semaphore, #tpu.memory_space<semaphore_mem>> -> memref<!tpu.dma_semaphore, #tpu.memory_space<semaphore_mem>>
          %dma_start3A_762 = arith.constant 0 : i32
          %dma_start3A_763 = tpu.memref_slice %arg5[%add3A_755, %dma_start3A_762] : memref<8000x128xi32, #tpu.memory_space<hbm>> -> memref<1x128xi32, #tpu.memory_space<hbm>>
          %dma_start3A_764 = tpu.memref_squeeze %dma_start3A_763 : memref<1x128xi32, #tpu.memory_space<hbm>> -> memref<128xi32, #tpu.memory_space<hbm>>
          tpu.enqueue_dma source(%dma_start3A_764 : memref<128xi32, #tpu.memory_space<hbm>>) target(%arg15 : memref<128xi32, #tpu.memory_space<vmem>>) target_semaphore(%dma_start3A_761 : memref<!tpu.dma_semaphore, #tpu.memory_space<semaphore_mem>>)
        } else {
        }
        %add3A_746 = arith.constant 2 : i32
        %add3A_747 = arith.addi %add3A_678, %add3A_746 : i32
        %lt3A_748 = arith.constant 250 : i32
        %lt3A_749 = arith.cmpi slt, %add3A_747, %lt3A_748 : i32
        %convert_element_type3A_750 = arith.extui %lt3A_749 : i1 to i32
        %cond3A_751 = arith.constant 0 : i32
        %cond3A_752 = arith.cmpi ne, %convert_element_type3A_750, %cond3A_751 : i32
        scf.if %cond3A_752 {
          %add3A_753 = arith.constant 2 : i32
          %add3A_754 = arith.addi %add3A_678, %add3A_753 : i32
          %add3A_755 = arith.addi %mul3A_517, %add3A_754 : i32
          %dma_wait3A_756 = arith.constant 1 : i32
          %dma_wait3A_757 = arith.constant 0 : i32
          %dma_wait3A_758 = tpu.memref_slice %arg5[%add3A_755, %dma_wait3A_757] : memref<8000x128xi32, #tpu.memory_space<hbm>> -> memref<1x128xi32, #tpu.memory_space<hbm>>
          %dma_wait3A_759 = tpu.memref_squeeze %dma_wait3A_758 : memref<1x128xi32, #tpu.memory_space<hbm>> -> memref<128xi32, #tpu.memory_space<hbm>>
          %dma_wait3A_760 = tpu.memref_slice %arg32[%dma_wait3A_756] : memref<6x!tpu.dma_semaphore, #tpu.memory_space<semaphore_mem>> -> memref<1x!tpu.dma_semaphore, #tpu.memory_space<semaphore_mem>>
          %dma_wait3A_761 = tpu.memref_squeeze %dma_wait3A_760 : memref<1x!tpu.dma_semaphore, #tpu.memory_space<semaphore_mem>> -> memref<!tpu.dma_semaphore, #tpu.memory_space<semaphore_mem>>
          %dma_wait3A_762 = arith.constant 0 : i32
          %dma_wait3A_763 = tpu.memref_slice %arg5[%add3A_755, %dma_wait3A_762] : memref<8000x128xi32, #tpu.memory_space<hbm>> -> memref<1x128xi32, #tpu.memory_space<hbm>>
          %dma_wait3A_764 = tpu.memref_squeeze %dma_wait3A_763 : memref<1x128xi32, #tpu.memory_space<hbm>> -> memref<128xi32, #tpu.memory_space<hbm>>
          tpu.wait_dma2 semaphore(%dma_wait3A_761 : memref<!tpu.dma_semaphore, #tpu.memory_space<semaphore_mem>>) src(%dma_wait3A_764 : memref<128xi32, #tpu.memory_space<hbm>>) dst(%arg13 : memref<128xi32, #tpu.memory_space<vmem>>)
          %dma_start3A_765 = arith.constant 1 : i32
          %dma_start3A_766 = arith.constant 0 : i32
          %dma_start3A_767 = tpu.memref_slice %arg13[%dma_start3A_766] : memref<128xi32, #tpu.memory_space<vmem>> -> memref<40xi32, #tpu.memory_space<vmem>>
          %dma_start3A_768 = arith.constant 0 : i32
          %dma_start3A_769 = arith.constant 0 : i32
          %dma_start3A_770 = tpu.memref_slice %arg2[%dma_start3A_768, %dma_start3A_769] : memref<10000x128xf32, #tpu.memory_space<hbm>> -> memref<10000x128xf32, #tpu.memory_space<hbm>>
          %dma_start3A_771 = tpu.memref_slice %arg33[%dma_start3A_765] : memref<3x!tpu.dma_semaphore, #tpu.memory_space<semaphore_mem>> -> memref<1x!tpu.dma_semaphore, #tpu.memory_space<semaphore_mem>>
          %dma_start3A_772 = tpu.memref_squeeze %dma_start3A_771 : memref<1x!tpu.dma_semaphore, #tpu.memory_space<semaphore_mem>> -> memref<!tpu.dma_semaphore, #tpu.memory_space<semaphore_mem>>
          tpu.enqueue_indirect_dma source(%dma_start3A_770 : memref<10000x128xf32, #tpu.memory_space<hbm>>) target(%arg19 : memref<40x128xf32, #tpu.memory_space<vmem>>) offsets(%dma_start3A_767 : memref<40xi32, #tpu.memory_space<vmem>>) semaphore(%dma_start3A_772 : memref<!tpu.dma_semaphore, #tpu.memory_space<semaphore_mem>>)
          %dma_start3A_773 = arith.constant 1 : i32
          %dma_start3A_774 = arith.constant 0 : i32
          %dma_start3A_775 = tpu.memref_slice %arg24[%dma_start3A_774] : memref<48xf32, #tpu.memory_space<vmem>> -> memref<40xf32, #tpu.memory_space<vmem>>
          %dma_start3A_776 = arith.constant 0 : i32
          %dma_start3A_777 = tpu.memref_slice %arg13[%dma_start3A_776] : memref<128xi32, #tpu.memory_space<vmem>> -> memref<40xi32, #tpu.memory_space<vmem>>
          %dma_start3A_778 = arith.constant 0 : i32
          %dma_start3A_779 = tpu.memref_slice %arg11[%dma_start3A_778] : memref<10240xf32, #tpu.memory_space<vmem_shared>> -> memref<10240xf32, #tpu.memory_space<vmem_shared>>
          %dma_start3A_780 = tpu.memref_slice %arg34[%dma_start3A_773] : memref<3x!tpu.dma_semaphore, #tpu.memory_space<semaphore_mem>> -> memref<1x!tpu.dma_semaphore, #tpu.memory_space<semaphore_mem>>
          %dma_start3A_781 = tpu.memref_squeeze %dma_start3A_780 : memref<1x!tpu.dma_semaphore, #tpu.memory_space<semaphore_mem>> -> memref<!tpu.dma_semaphore, #tpu.memory_space<semaphore_mem>>
          tpu.enqueue_indirect_dma source(%dma_start3A_779 : memref<10240xf32, #tpu.memory_space<vmem_shared>>) target(%dma_start3A_775 : memref<40xf32, #tpu.memory_space<vmem>>) offsets(%dma_start3A_777 : memref<40xi32, #tpu.memory_space<vmem>>) semaphore(%dma_start3A_781 : memref<!tpu.dma_semaphore, #tpu.memory_space<semaphore_mem>>)
        } else {
        }
      } else {
      }
    }
    %scan3A_622 = arith.constant 43 : i32
    %dma_wait3A_623 = arith.constant 0 : i32
    %dma_wait3A_624 = arith.constant 40 : i32
    %dma_wait3A_625 = tpu.memref_slice %arg14[%dma_wait3A_624] : memref<128xi32, #tpu.memory_space<vmem>> -> memref<40xi32, #tpu.memory_space<vmem>>
    %dma_wait3A_626 = arith.constant 0 : i32
    %dma_wait3A_627 = arith.constant 0 : i32
    %dma_wait3A_628 = tpu.memref_slice %arg8[%dma_wait3A_626, %dma_wait3A_627] : memref<10240x128xf32, #tpu.memory_space<vmem_shared>> -> memref<10240x128xf32, #tpu.memory_space<vmem_shared>>
    %dma_wait3A_629 = tpu.memref_slice %arg35[%dma_wait3A_623] : memref<2x!tpu.dma_semaphore, #tpu.memory_space<semaphore_mem>> -> memref<1x!tpu.dma_semaphore, #tpu.memory_space<semaphore_mem>>
    %dma_wait3A_630 = tpu.memref_squeeze %dma_wait3A_629 : memref<1x!tpu.dma_semaphore, #tpu.memory_space<semaphore_mem>> -> memref<!tpu.dma_semaphore, #tpu.memory_space<semaphore_mem>>
    tpu.wait_indirect_dma semaphore(%dma_wait3A_630 : memref<!tpu.dma_semaphore, #tpu.memory_space<semaphore_mem>>) src(%arg21 : memref<40x128xf32, #tpu.memory_space<vmem>>) dst(%dma_wait3A_628 : memref<10240x128xf32, #tpu.memory_space<vmem_shared>>)
    %dma_wait3A_631 = arith.constant 1 : i32
    %dma_wait3A_632 = arith.constant 40 : i32
    %dma_wait3A_633 = tpu.memref_slice %arg15[%dma_wait3A_632] : memref<128xi32, #tpu.memory_space<vmem>> -> memref<40xi32, #tpu.memory_space<vmem>>
    %dma_wait3A_634 = arith.constant 0 : i32
    %dma_wait3A_635 = arith.constant 0 : i32
    %dma_wait3A_636 = tpu.memref_slice %arg8[%dma_wait3A_634, %dma_wait3A_635] : memref<10240x128xf32, #tpu.memory_space<vmem_shared>> -> memref<10240x128xf32, #tpu.memory_space<vmem_shared>>
    %dma_wait3A_637 = tpu.memref_slice %arg35[%dma_wait3A_631] : memref<2x!tpu.dma_semaphore, #tpu.memory_space<semaphore_mem>> -> memref<1x!tpu.dma_semaphore, #tpu.memory_space<semaphore_mem>>
    %dma_wait3A_638 = tpu.memref_squeeze %dma_wait3A_637 : memref<1x!tpu.dma_semaphore, #tpu.memory_space<semaphore_mem>> -> memref<!tpu.dma_semaphore, #tpu.memory_space<semaphore_mem>>
    tpu.wait_indirect_dma semaphore(%dma_wait3A_638 : memref<!tpu.dma_semaphore, #tpu.memory_space<semaphore_mem>>) src(%arg22 : memref<40x128xf32, #tpu.memory_space<vmem>>) dst(%dma_wait3A_636 : memref<10240x128xf32, #tpu.memory_space<vmem_shared>>)
    %barrier3A_639 = arith.constant 0 : index
    tpu.barrier barrier_id(%barrier3A_639)
    "tpu.region"() ({
      %run_scoped3A = tpu.sem_alloc : memref<!tpu.dma_semaphore, #tpu.memory_space<semaphore_mem>>
      %dma_start3A_640 = arith.constant 0 : i32
      %dma_start3A_641 = tpu.memref_slice %arg6[%arg0, %mul3A_18, %dma_start3A_640] : memref<2x10240x128xf32, #tpu.memory_space<hbm>> -> memref<1x640x128xf32, #tpu.memory_space<hbm>>
      %dma_start3A_642 = tpu.memref_squeeze %dma_start3A_641 : memref<1x640x128xf32, #tpu.memory_space<hbm>> -> memref<640x128xf32, #tpu.memory_space<hbm>>
      %dma_start3A_643 = arith.constant 0 : i32
      %dma_start3A_644 = tpu.memref_slice %arg8[%mul3A_18, %dma_start3A_643] : memref<10240x128xf32, #tpu.memory_space<vmem_shared>> -> memref<640x128xf32, #tpu.memory_space<vmem_shared>>
      tpu.enqueue_dma source(%dma_start3A_644 : memref<640x128xf32, #tpu.memory_space<vmem_shared>>) target(%dma_start3A_642 : memref<640x128xf32, #tpu.memory_space<hbm>>) target_semaphore(%run_scoped3A : memref<!tpu.dma_semaphore, #tpu.memory_space<semaphore_mem>>)
      %dma_wait3A_645 = arith.constant 0 : i32
      %dma_wait3A_646 = tpu.memref_slice %arg6[%arg0, %mul3A_18, %dma_wait3A_645] : memref<2x10240x128xf32, #tpu.memory_space<hbm>> -> memref<1x640x128xf32, #tpu.memory_space<hbm>>
      %dma_wait3A_647 = tpu.memref_squeeze %dma_wait3A_646 : memref<1x640x128xf32, #tpu.memory_space<hbm>> -> memref<640x128xf32, #tpu.memory_space<hbm>>
      %dma_wait3A_648 = arith.constant 0 : i32
      %dma_wait3A_649 = tpu.memref_slice %arg8[%mul3A_18, %dma_wait3A_648] : memref<10240x128xf32, #tpu.memory_space<vmem_shared>> -> memref<640x128xf32, #tpu.memory_space<vmem_shared>>
      tpu.wait_dma2 semaphore(%run_scoped3A : memref<!tpu.dma_semaphore, #tpu.memory_space<semaphore_mem>>) src(%dma_wait3A_649 : memref<640x128xf32, #tpu.memory_space<vmem_shared>>) dst(%dma_wait3A_647 : memref<640x128xf32, #tpu.memory_space<hbm>>)
      tpu.yield
    }) : () -> ()
    return
  }
}

module attributes {stable_mosaic.version = 14 : i64} {
  func.func @_tc_body(%arg0: i32, %arg1: memref<1000x128xf32, #tpu.memory_space<vmem>>, %arg2: memref<2x1000x128xf32, #tpu.memory_space<vmem>>, %arg3: memref<2x1000x1xf32, #tpu.memory_space<vmem>>, %arg4: memref<128x128xf32, #tpu.memory_space<vmem>>, %arg5: memref<128x128xf32, #tpu.memory_space<vmem>>, %arg6: memref<1x128xf32, #tpu.memory_space<vmem>>, %arg7: memref<1000x128xf32, #tpu.memory_space<vmem>>) attributes {dimension_semantics = [#tpu.dimension_semantics<arbitrary>], iteration_bounds = array<i64: 10>, scalar_prefetch = 0 : i64, scratch_operands = 0 : i64, tpu.core_type = #tpu.core_type<tc>, window_params = [{transform_indices = @transform_0, window_bounds = array<i64: 1000, 128>}, {transform_indices = @transform_1, window_bounds = array<i64: 2, 1000, 128>}, {transform_indices = @transform_2, window_bounds = array<i64: 2, 1000, 1>}, {pipeline_mode = #tpu.pipeline_mode<synchronous>, transform_indices = @transform_3, window_bounds = array<i64: 128, 128>}, {pipeline_mode = #tpu.pipeline_mode<synchronous>, transform_indices = @transform_4, window_bounds = array<i64: 128, 128>}, {pipeline_mode = #tpu.pipeline_mode<synchronous>, transform_indices = @transform_5, window_bounds = array<i64: 1, 128>}, {transform_indices = @transform_6, window_bounds = array<i64: 1000, 128>}]} {
    %get3A = arith.constant 0 : index
    %get3A_0 = arith.constant 0 : index
    %get3A_1 = arith.constant 0 : index
    %get3A_2 = vector.load %arg2[%get3A, %get3A_0, %get3A_1] : memref<2x1000x128xf32, #tpu.memory_space<vmem>>, vector<1x1000x128xf32>
    %get3A_3 = vector.shape_cast %get3A_2 : vector<1x1000x128xf32> to vector<1000x128xf32>
    %get3A_4 = arith.constant 1 : index
    %get3A_5 = arith.constant 0 : index
    %get3A_6 = arith.constant 0 : index
    %get3A_7 = vector.load %arg2[%get3A_4, %get3A_5, %get3A_6] : memref<2x1000x128xf32, #tpu.memory_space<vmem>>, vector<1x1000x128xf32>
    %get3A_8 = vector.shape_cast %get3A_7 : vector<1x1000x128xf32> to vector<1000x128xf32>
    %add3A = arith.addf %get3A_3, %get3A_8 : vector<1000x128xf32>
    %get3A_9 = arith.constant 0 : index
    %get3A_10 = arith.constant 0 : index
    %get3A_11 = vector.load %arg1[%get3A_9, %get3A_10] : memref<1000x128xf32, #tpu.memory_space<vmem>>, vector<1000x128xf32>
    %get3A_12 = arith.constant 0 : index
    %get3A_13 = arith.constant 0 : index
    %get3A_14 = vector.load %arg4[%get3A_12, %get3A_13] : memref<128x128xf32, #tpu.memory_space<vmem>>, vector<128x128xf32>
    %dot_general3A = arith.constant dense<0.000000e+00> : vector<1000x128xf32>
    %dot_general3A_15 = tpu.matmul %get3A_11, %get3A_14, %dot_general3A {dimension_numbers = #tpu.dot_dimension_numbers<[1], [0], [0], [1], [0, 0, 1, 1], [], []>, transpose_lhs_hint = false} : vector<1000x128xf32>, vector<128x128xf32>, vector<1000x128xf32> -> vector<1000x128xf32>
    %get3A_16 = arith.constant 0 : index
    %get3A_17 = arith.constant 0 : index
    %get3A_18 = vector.load %arg5[%get3A_16, %get3A_17] : memref<128x128xf32, #tpu.memory_space<vmem>>, vector<128x128xf32>
    %dot_general3A_19 = arith.constant dense<0.000000e+00> : vector<1000x128xf32>
    %dot_general3A_20 = tpu.matmul %add3A, %get3A_18, %dot_general3A_19 {dimension_numbers = #tpu.dot_dimension_numbers<[1], [0], [0], [1], [0, 0, 1, 1], [], []>, transpose_lhs_hint = false} : vector<1000x128xf32>, vector<128x128xf32>, vector<1000x128xf32> -> vector<1000x128xf32>
    %add3A_21 = arith.addf %dot_general3A_15, %dot_general3A_20 : vector<1000x128xf32>
    %get3A_22 = arith.constant 0 : index
    %get3A_23 = arith.constant 0 : index
    %get3A_24 = arith.constant 0 : index
    %get3A_25 = vector.load %arg3[%get3A_22, %get3A_23, %get3A_24] : memref<2x1000x1xf32, #tpu.memory_space<vmem>>, vector<1x1000x1xf32>
    %get3A_26 = vector.shape_cast %get3A_25 : vector<1x1000x1xf32> to vector<1000x1xf32>
    %get3A_27 = arith.constant 1 : index
    %get3A_28 = arith.constant 0 : index
    %get3A_29 = arith.constant 0 : index
    %get3A_30 = vector.load %arg3[%get3A_27, %get3A_28, %get3A_29] : memref<2x1000x1xf32, #tpu.memory_space<vmem>>, vector<1x1000x1xf32>
    %get3A_31 = vector.shape_cast %get3A_30 : vector<1x1000x1xf32> to vector<1000x1xf32>
    %add3A_32 = arith.addf %get3A_26, %get3A_31 : vector<1000x1xf32>
    %max3A = arith.constant 1.000000e+00 : f32
    %max3A_33 = vector.broadcast %max3A : f32 to vector<1000x1xf32>
    %max3A_34 = arith.maximumf %add3A_32, %max3A_33 : vector<1000x1xf32>
    %rsqrt3A = math.rsqrt %max3A_34 : vector<1000x1xf32>
    %mul3A = vector.broadcast %rsqrt3A : vector<1000x1xf32> to vector<1000x128xf32>
    %mul3A_35 = arith.mulf %add3A_21, %mul3A : vector<1000x128xf32>
    %get3A_36 = arith.constant 0 : index
    %get3A_37 = arith.constant 0 : index
    %get3A_38 = vector.load %arg6[%get3A_36, %get3A_37] : memref<1x128xf32, #tpu.memory_space<vmem>>, vector<1x128xf32>
    %add3A_39 = vector.broadcast %get3A_38 : vector<1x128xf32> to vector<1000x128xf32>
    %add3A_40 = arith.addf %mul3A_35, %add3A_39 : vector<1000x128xf32>
    %swap3A = arith.constant 0 : index
    %swap3A_41 = arith.constant 0 : index
    %swap3A_42 = vector.load %arg7[%swap3A, %swap3A_41] : memref<1000x128xf32, #tpu.memory_space<vmem>>, vector<1000x128xf32>
    tpu.vector_store %arg7[%swap3A, %swap3A_41], %add3A_40 {strides = array<i32>} : memref<1000x128xf32, #tpu.memory_space<vmem>>, vector<1000x128xf32>,
    return
  }
  func.func @transform_0(%arg0: i32) -> (i32, i32) {
    %c0_i32 = arith.constant 0 : i32
    %c0_i32_0 = arith.constant 0 : i32
    return %arg0, %c0_i32 : i32, i32
  }
  func.func @transform_1(%arg0: i32) -> (i32, i32, i32) {
    %c0_i32 = arith.constant 0 : i32
    %c0_i32_0 = arith.constant 0 : i32
    %c0_i32_1 = arith.constant 0 : i32
    return %c0_i32, %arg0, %c0_i32_0 : i32, i32, i32
  }
  func.func @transform_2(%arg0: i32) -> (i32, i32, i32) {
    %c0_i32 = arith.constant 0 : i32
    %c0_i32_0 = arith.constant 0 : i32
    %c0_i32_1 = arith.constant 0 : i32
    return %c0_i32, %arg0, %c0_i32_0 : i32, i32, i32
  }
  func.func @transform_3(%arg0: i32) -> (i32, i32) {
    %c0_i32 = arith.constant 0 : i32
    %c0_i32_0 = arith.constant 0 : i32
    %c0_i32_1 = arith.constant 0 : i32
    return %c0_i32, %c0_i32_0 : i32, i32
  }
  func.func @transform_4(%arg0: i32) -> (i32, i32) {
    %c0_i32 = arith.constant 0 : i32
    %c0_i32_0 = arith.constant 0 : i32
    %c0_i32_1 = arith.constant 0 : i32
    return %c0_i32, %c0_i32_0 : i32, i32
  }
  func.func @transform_5(%arg0: i32) -> (i32, i32) {
    %c0_i32 = arith.constant 0 : i32
    %c0_i32_0 = arith.constant 0 : i32
    %c0_i32_1 = arith.constant 0 : i32
    return %c0_i32, %c0_i32_0 : i32, i32
  }
  func.func @transform_6(%arg0: i32) -> (i32, i32) {
    %c0_i32 = arith.constant 0 : i32
    %c0_i32_0 = arith.constant 0 : i32
    return %arg0, %c0_i32 : i32, i32
  }
}

</mosaic_0001>

<sc_bundles>
// kernel: kernel.4.cloned.1.call-start
scs
__scs_entry_jumppad:
0x0: {  	(pc) =	sbr.rel $0x88, $3  }
0x1: {  	(tag) =	ssettag $0x0;
	lr =	simm.s32 $0x1  }
0x2: {  	[smem:$0x3F9C] =	sst lr;
	_ =	strace $0xD0000000  }
0x3: {  	_ = 	snop  }
0x4: {  	_ = 	snop  }
0x5: {  	_ = 	snop  }
0x6: {  	_ = 	snop  }
0x7: {  	_ = 	snop  }
__scs_overlays_trampoline_lowered:
0x8: {  	[smem:$0x3FAB] =	sst s0  }
0x9: {  	[smem:$0x3FAC] =	sst s1  }
0xa: {  	[smem:$0x3FAD] =	sst s2  }
0xb: {  	[smem:$0x3FAE] =	sst s3  }
0xc: {  	[smem:$0x3FAF] =	sst s4  }
0xd: {  	[smem:$0x3FB0] =	sst s5  }
0xe: {  	[smem:$0x3FB1] =	sst s6  }
0xf: {  	[smem:$0x3FB2] =	sst s7  }
0x10: {  	[smem:$0x3FB3] =	sst s8  }
0x11: {  	[smem:$0x3FB4] =	sst s9;
	s0 =	simm.s32 @!p0 $0x0  }
0x12: {  	s1 =	sld [smem:$0x3F9A];
	s0 =	simm.s32 @p0 $0x1  }
0x13: {  	[smem:$0x3FB5] =	sst s0;
	s0 =	simm.s32 @!p1 $0x0  }
0x14: {  	s2 =	sld [smem:$0x3F99];
	s0 =	simm.s32 @p1 $0x1  }
0x15: {  	[smem:$0x3FB6] =	sst s0;
	s0 =	simm.s32 @!p2 $0x0  }
0x16: {  	s3 =	sld [smem:$0x3FDB];
	s0 =	simm.s32 @p2 $0x1  }
0x17: {  	s4 =	simm.s32 $0x1BF5;
	[smem:$0x3FB8] =	sst s0  }
0x18: {  	s0 =	sld [smem:$0x3F9B];
	_ =	swait.ge [sflag:s4], $0x0  }
0x19: {  	s7 =	sld [smem:$0x3F9C]  }
0x1a: {  	s8 =	sadd.s32 $0xFFFFE003, lr  }
0x1b: {  	s9 =	sadd.s32 $0xFFFFFEF7, lr;
	s5 =	simm.s32 $0xFFFFFFFF;
	p2 =	slt.u32 s8, $0xFFFFF086  }
0x1c: {  	p1 =	slt.u32 s9, $0xF7A;
	s5 =	simm.s32 @!p2 $0x0  }
0x1d: {  	s5 =	simm.s32 @p1 $0x1;
	p0 =	seq.s32 s7, s2  }
0x1e: {  	s7 =	smul.u32 @!p0 $0xF7A, s2;
	p2 =	seq.s32 @!p0 s5, $0x0  }
0x1f: {  	s9 =	smul.u32 $0xF7A, s1;
	s8 =	simm.s32 @!p0 $0x1BF5;
	p2 =	por !p2, p0  }
0x20: {  	[sflag:s8] =	ssyncset.s32 @!p0 $0xFFFFF086;
	s6 =	sadd.s32 @!p0 s3, s7;
	s7 =	simm.s32 @!p0 $0x108  }
0x21: {  	s3 =	sadd.s32 s3, s9;
	s6 =	sadd.s32 @!p0 $0x88, s6;
	s7 =	simm.s32 @p2 $0x1082  }
0x22: {  	[simem:s7], [sflag:s8] =	dma.local @!p0 [hbm:s6], $0xF7A  }
0x23: {  	s9 =	sor.u32 $0xD0000000, s2;
	s6 =	simm.s32 $0x108;
	_ =	swait.ge @!p0 [sflag:s8], $0x0  }
0x24: {  	s3 =	sadd.s32 $0x88, s3;
	s6 =	simm.s32 @!p1 $0x1082;
	[sflag:s4] =	ssyncset.s32 $0xFFFFF086  }
0x25: {  	[simem:s6], [sflag:s4] =	dma.local [hbm:s3], $0xF7A  }
0x26: {  	[smem:$0x3F9C] =	sst s1;
	(tag) =	ssettag s2;
	_ =	strace s9  }
0x27: {  	s1 =	sld [smem:$0x3FAC]  }
0x28: {  	s2 =	sld [smem:$0x3FAD]  }
0x29: {  	s4 =	sld [smem:$0x3FAF]  }
0x2a: {  	p0 =	seq.s32 s5, $0x0;
	s5 =	sld [smem:$0x3FB0]  }
0x2b: {  	s6 =	sld [smem:$0x3FB1]  }
0x2c: {  	s7 =	sld [smem:$0x3FB2]  }
0x2d: {  	s3 =	simm.s32 $0x108;
	s8 =	sld [smem:$0x3FB3]  }
0x2e: {  	s3 =	simm.s32 @!p0 $0x1082;
	s9 =	sld [smem:$0x3FB4]  }
0x2f: {  	lr =	sadd.s32 s0, s3;
	s0 =	sld [smem:$0x3FAB]  }
0x30: {  	s3 =	sld [smem:$0x3FAE]  }
0x31: {  	[smem:$0x3FB7] =	sst s10  }
0x32: {  	s10 =	sld [smem:$0x3FB5];
	_ =	sdelay $0x3  }
0x33: {  	p0 =	seq.s32 s10, $0x1;
	s10 =	sld [smem:$0x3FB7];
	_ =	sdelay $0x3  }
0x34: {  	[smem:$0x3FB7] =	sst s10  }
0x35: {  	s10 =	sld [smem:$0x3FB6];
	_ =	sdelay $0x3  }
0x36: {  	p1 =	seq.s32 s10, $0x1;
	s10 =	sld [smem:$0x3FB7];
	_ =	sdelay $0x3  }
0x37: {  	[smem:$0x3FB7] =	sst s10  }
0x38: {  	s10 =	sld [smem:$0x3FB8]  }
0x39: {  	_ = 	snop;
	(pc) =	sbr.ind lr, $3  }
0x3a: {  	_ = 	snop  }
0x3b: {  	_ = 	snop  }
0x3c: {  	p2 =	seq.s32 s10, $0x1;
	s10 =	sld [smem:$0x3FB7]  }
0x3d: {  	_ =	shalt  }
0x3e: {  	_ =	shalt  }
0x3f: {  	_ =	shalt  }
0x40: {  	_ =	shalt  }
0x41: {  	_ =	shalt  }
0x42: {  	_ =	shalt  }
0x43: {  	_ =	shalt  }
0x44: {  	_ =	shalt  }
0x45: {  	_ =	shalt  }
0x46: {  	_ =	shalt  }
0x47: {  	_ =	shalt  }
0x48: {  	_ =	shalt  }
0x49: {  	_ =	shalt  }
0x4a: {  	_ =	shalt  }
0x4b: {  	_ =	shalt  }
0x4c: {  	_ =	shalt  }
0x4d: {  	_ =	shalt  }
0x4e: {  	_ =	shalt  }
0x4f: {  	_ =	shalt  }
0x50: {  	_ =	shalt  }
0x51: {  	_ =	shalt  }
0x52: {  	_ =	shalt  }
0x53: {  	_ =	shalt  }
0x54: {  	_ =	shalt  }
0x55: {  	_ =	shalt  }
0x56: {  	_ =	shalt  }
0x57: {  	_ =	shalt  }
0x58: {  	_ =	shalt  }
0x59: {  	_ =	shalt  }
0x5a: {  	_ =	shalt  }
0x5b: {  	_ =	shalt  }
0x5c: {  	_ =	shalt  }
0x5d: {  	_ =	shalt  }
0x5e: {  	_ =	shalt  }
0x5f: {  	_ =	shalt  }
0x60: {  	_ =	shalt  }
0x61: {  	_ =	shalt  }
0x62: {  	_ =	shalt  }
0x63: {  	_ =	shalt  }
0x64: {  	_ =	shalt  }
0x65: {  	_ =	shalt  }
0x66: {  	_ =	shalt  }
0x67: {  	_ =	shalt  }
0x68: {  	_ =	shalt  }
0x69: {  	_ =	shalt  }
0x6a: {  	_ =	shalt  }
0x6b: {  	_ =	shalt  }
0x6c: {  	_ =	shalt  }
0x6d: {  	_ =	shalt  }
0x6e: {  	_ =	shalt  }
0x6f: {  	_ =	shalt  }
0x70: {  	_ =	shalt  }
0x71: {  	_ =	shalt  }
0x72: {  	_ =	shalt  }
0x73: {  	_ =	shalt  }
0x74: {  	_ =	shalt  }
0x75: {  	_ =	shalt  }
0x76: {  	_ =	shalt  }
0x77: {  	_ =	shalt  }
0x78: {  	_ =	shalt  }
0x79: {  	_ =	shalt  }
0x7a: {  	_ =	shalt  }
0x7b: {  	_ =	shalt  }
0x7c: {  	_ =	shalt  }
0x7d: {  	_ =	shalt  }
0x7e: {  	_ =	shalt  }
0x7f: {  	_ =	shalt  }
0x80: {  	_ =	shalt  }
0x81: {  	_ =	shalt  }
0x82: {  	_ =	shalt  }
0x83: {  	_ =	shalt  }
0x84: {  	_ =	shalt  }
0x85: {  	_ =	shalt  }
0x86: {  	_ =	shalt  }
0x87: {  	_ =	shalt  }
.Lfunc_end0:
.L_simem_size_0:
called_computation_lowered:
.L_overlay_start_0:
0x88: {  	s2 =	sld [smem:$0x3FD9]  }
0x89: {  	s3 =	sld [smem:$0x3FFE];
	_ =	sdelay $0x1  }
0x8a: {  	s1 =	srdreg.scid  }
0x8b: {  	s0 =	sand.u32 $0x1, s1  }
0x8c: {  	s17 =	sshll.u32 s0, $0xA;
	s2 =	sadd.s32 s3, s2  }
0x8d: {  	s2 =	sadd.s32 s2, s17  }
0x8e: {  	[smem:$0x3FC3] =	sst s2  }
0x8f: {  	_ = 	snop  }
0x90: {  	s2 =	sld [smem:$0x3FC9]  }
0x91: {  	s18 =	sld [smem:$0x3FD0];
	(tm) =	ssettm $0x1  }
0x92: {  	s4 =	sld [smem:$0x3FFB];
	_ =	sdelay $0x3  }
0x93: {  	_ =	strace s4  }
0x94: {  	s4 =	sld [smem:$0x3FFC];
	_ =	sdelay $0x3  }
0x95: {  	_ =	strace s4  }
0x96: {  	s4 =	sld [smem:$0x3FFD];
	_ =	sdelay $0x3  }
0x97: {  	_ =	strace s4  }
0x98: {  	_ =	strace $0x8FFFFFFF  }
0x99: {  	s19 =	sld [smem:$0x3FDB];
	_ =	sdelay $0x1  }
0x9a: {  	s5 =	simm.s32 $_scs_section_size  }
0x9b: {  	s6 =	simm.s32 $_size__tile_overlayer_lowered;
	s7 =	simm.s32 $_tile_overlayer_lowered  }
0x9c: {  	s22 =	simm.s32 $0x1BFF;
	s21 =	sshll.u32 s7, $0x1;
	s4 =	sadd.s32 s5, s19  }
0x9d: {  	s8 =	simm.s32 $0x0;
	s20 =	sshll.u32 s6, $0x1;
	s6 =	sadd.s32 s21, s4  }
0x9e: {  	[timem:s8], [sflag:s22] =	dma.local [hbm:s6], s20  }
0x9f: {  	_ =	swait.ge [sflag:s22], s20  }
0xa0: {  	s5 =	ssub.s32 $0x0, s20;
	[sflag:s22] =	ssyncset.done $0x0  }
0xa1: {  	[sflag:s22] =	ssyncadd.s32 s5;
	_ =	sdelay $0x1  }
0xa2: {  	s23 =	simm.s32 $0x1B8B  }
0xa3: {  	_ =	swait.ge [sflag:s23], $0x1  }
0xa4: {  	[sflag:s23] =	ssyncset.done $0x0  }
0xa5: {  	s25 =	simm.s32 $0x1B8E;
	s24 =	sld [smem:$0x3FFE];
	[sflag:s23] =	ssyncadd.s32 $0xFFFFFFFF  }
0xa6: {  	s26 =	simm.s32 $execute0_lowered;
	[smem:$0x3FD2] =	sst s25  }
0xa7: {  	s6 =	sshll.u32 s26, $0x1;
	_ =	strace $0x80000046;
	[dreg:$0x1] =	wrdreg $0xFFFFFFFF  }
0xa8: {  	s28 =	simm.s32 $_size_execute0_lowered;
	s4 =	sadd.s32 s4, s6;
	[dreg:$0x0] =	wrdreg $0x0  }
0xa9: {  	s6 =	sshll.u32 s28, $0x1;
	[dreg:$0x2] =	wrdreg s4  }
0xaa: {  	[dreg:$0x3] =	wrdreg s6  }
0xab: {  	[dreg:$0x4] =	wrdreg $0xC0  }
0xac: {  	_ =	task [dreg:s8], $0x5FFFF  }
0xad: {  	[dreg:$0x1] =	wrdreg $0xFFFFFFFF  }
0xae: {  	[dreg:$0x0] =	wrdreg $0x60  }
0xaf: {  	[dreg:$0x2] =	wrdreg s2  }
0xb0: {  	[dreg:$0x3] =	wrdreg s24  }
0xb1: {  	[dreg:$0x4] =	wrdreg s18  }
0xb2: {  	[dreg:$0x5] =	wrdreg $0x0  }
0xb3: {  	[dreg:$0x6] =	wrdreg $0x140000  }
0xb4: {  	[dreg:$0x7] =	wrdreg $0x142800  }
0xb5: {  	[dreg:$0x8] =	wrdreg $0x145000  }
0xb6: {  	[dreg:$0x9] =	wrdreg $0x9  }
0xb7: {  	_ =	task.clear_ibuf [dreg:s8], $0xAFFFF;
	_ =	strace $0x90000046  }
0xb8: {  	s29 =	simm.s32 $0x9;
	_ =	strace $0x80000048  }
0xb9: {  	_ =	swait.ge [sflag:s29], $0x1  }
0xba: {  	[sflag:s29] =	ssyncadd.s32 $0xFFFFFFFF  }
0xbb: {  	_ =	strace $0x90000048  }
0xbc: {  	_ =	sfence  }
0xbd: {  	s30 =	sld [smem:$0x0];
	_ =	sdelay $0x2  }
0xbe: {  	s31 =	sshll.u32 s1, $0xD;
	s1 =	sshrl.u32 s1, $0x2  }
0xbf: {  	s3 =	sand.u32 $0x4000, s31;
	s1 =	sadd.s32 s1, s30  }
0xc0: {  	s0 =	sor.u32 s3, s0;
	s1 =	sshll.u32 s1, $0x11  }
0xc1: {  	s0 =	sor.u32 s1, s0  }
0xc2: {  	s0 =	sadd.s32 $0x8F2B, s0  }
0xc3: {  	[sflag:s0] =	ssyncadd.remote.s32 $0x1  }
0xc4: {  	_ =	sfence.sel $0xFFFF  }
0xc5: {  	[dreg:$0x0] =	wrdreg $0xFFFFFFFF;
	(pc) =	sbr.abs _section_cstart, $3  }
0xc6: {  	[dreg:$0x1] =	wrdreg $0xFFFFFFFF  }
0xc7: {  	_ =	task.clear_ibuf [dreg:s8], $0x2FFFF;
	_ =	strace $0x9FFFFFFF  }
0xc8: {  	(tm) =	ssettm $0x7FFFFFFF  }
0xc9: {  	_ =	shalt  }
tec
execute0_lowered:
.L_overlay_start_1:
0x0: {  	(tag) =	ssettag $0x1  }
0x1: {  	s0 =	rddreg [dreg:$0x0]  }
0x2: {  	s2 =	rddreg [dreg:$0x1]  }
0x3: {  	s1 =	rddreg [dreg:$0x2];
	s4 =	srdreg.scid  }
0x4: {  	s3 =	rddreg [dreg:$0x3];
	s15 =	stileid.u32  }
0x5: {  	s6 =	rddreg [dreg:$0x5];
	s12 =	simm.s32 $0x0;
	s8 =	smul.u32 $0x4E20, s15  }
0x6: {  	s5 =	sand.u32 $0x1, s4;
	s4 =	rddreg [dreg:$0x4];
	s14 =	smul.u32 $0x14000, s15  }
0x7: {  	[smem:$0x7FF] =	sst s12;
	s17 =	smul.u32 $0x50000, s15  }
0x8: {  	s16 =	smul.u32 $0x500, s15;
	s25 =	sshll.u32 s15, $0x8;
	s7 =	sshll.u32 s5, $0x4  }
0x9: {  	s9 =	sor.u32 s15, s7;
	s8 =	sshrl.u32 s8, $0x3;
	s18 =	sshrl.u32 s17, $0x2  }
0xa: {  	s7 =	rddreg [dreg:$0x6];
	s8 =	sadd.s32 s8, s2;
	s26 =	sadd.s32 s18, s3  }
0xb: {  	_ =	strace $0x80000047;
	s19 =	sadd.s32 $0xAE00, s8;
	[dreg:$0x8] =	wrdreg s26  }
0xc: {  	s11 =	smul.u32 $0x140000, s5;
	s20 =	sadd.s32 $0xAEFA, s8;
	[dreg:$0x9] =	wrdreg s19  }
0xd: {  	s13 =	sshll.u32 s5, $0x7;
	s21 =	sadd.s32 $0xAFF4, s8;
	[dreg:$0xa] =	wrdreg s20  }
0xe: {  	s5 =	ssub.s32 $0x2, s5;
	s22 =	sadd.s32 $0xB0EE, s8;
	[dreg:$0xb] =	wrdreg s21  }
0xf: {  	s12 =	sor.u32 s13, s16;
	s23 =	sadd.s32 $0xB1E8, s8;
	[dreg:$0xc] =	wrdreg s22  }
0x10: {  	s13 =	sand.u32 $0x300, s25;
	s24 =	sadd.s32 $0xB2E2, s8;
	[dreg:$0xd] =	wrdreg s23  }
0x11: {  	s10 =	smul.u32 $0x2710, s9;
	s16 =	sadd.s32 $0xB3DC, s8;
	[dreg:$0xe] =	wrdreg s24  }
0x12: {  	s11 =	sadd.s32 s14, s11;
	s18 =	sadd.s32 $0xB4D6, s8;
	[dreg:$0xf] =	wrdreg s16  }
0x13: {  	s10 =	sshrl.u32 s10, $0x3;
	[dreg:$0x10] =	wrdreg s18;
	s19 =	sadd.s32 $0xB5D0, s8  }
0x14: {  	s8 =	sadd.s32 $0xB6CA, s8;
	s10 =	sadd.s32 s10, s2;
	[dreg:$0x11] =	wrdreg s19  }
0x15: {  	s12 =	sshrl.u32 s12, $0x3;
	[dreg:$0x12] =	wrdreg s8;
	s21 =	sadd.s32 $0x1000, s10  }
0x16: {  	s14 =	sshrl.u32 s5, $0x1;
	s22 =	sadd.s32 $0x10FA, s10;
	[dreg:$0x13] =	wrdreg s21  }
0x17: {  	s11 =	sshrl.u32 s11, $0x3;
	s23 =	sadd.s32 $0x11F4, s10;
	[dreg:$0x14] =	wrdreg s22  }
0x18: {  	s20 =	smul.u32 $0x280, s15;
	s24 =	sadd.s32 $0x12EE, s10;
	[dreg:$0x15] =	wrdreg s23  }
0x19: {  	s5 =	ssub.s32 s5, s14;
	s10 =	sadd.s32 $0x13E8, s10;
	[dreg:$0x16] =	wrdreg s24  }
0x1a: {  	s11 =	sadd.s32 s11, s2;
	s25 =	sadd.s32 s20, s4;
	[dreg:$0x17] =	wrdreg s10  }
0x1b: {  	s16 =	smul.u32 $0xFA, s9;
	s14 =	sadd.s32 s20, s6;
	[dreg:$0x18] =	wrdreg s25  }
0x1c: {  	s2 =	sadd.s32 s12, s2;
	s8 =	sadd.s32 s20, s7;
	[dreg:$0x19] =	wrdreg s14  }
0x1d: {  	s2 =	sadd.s32 $0x14C00, s2;
	[dreg:$0x1a] =	wrdreg s8  }
0x1e: {  	s19 =	sadd.s32 $0x4, s16;
	[dreg:$0x1b] =	wrdreg s2  }
0x1f: {  	s20 =	sadd.s32 $0x5, s16;
	[dreg:$0x1f] =	wrdreg s19  }
0x20: {  	[smem:$0x7E7] =	sst s20;
	s21 =	sadd.s32 $0x6, s16  }
0x21: {  	s22 =	sadd.s32 $0x7, s16;
	[smem:$0x7E8] =	sst s21  }
0x22: {  	s23 =	sadd.s32 $0x8, s16;
	[smem:$0x7E9] =	sst s22  }
0x23: {  	s24 =	sadd.s32 $0x9, s16;
	[smem:$0x7EA] =	sst s23  }
0x24: {  	s28 =	simm.s32 $0x1C300;
	s25 =	sadd.s32 $0x15600, s11;
	[smem:$0x7EB] =	sst s24  }
0x25: {  	s12 =	smul.u32 $0x7D00, s9;
	s8 =	smax.u32 s5, $0x1;
	[smem:$0x7EC] =	sst s25  }
0x26: {  	s29 =	simm.s32 $0x11;
	s10 =	sadd.s32 $0x1400, s26;
	[smem:$0x7ED] =	sst s8  }
0x27: {  	s17 =	sand.u32 $0xFFC00, s12;
	s11 =	sadd.s32 $0x2800, s26;
	[smem:$0x7EE] =	sst s10  }
0x28: {  	s15 =	sshrl.u32 s12, $0x3;
	s12 =	sadd.s32 $0x3C00, s26;
	[smem:$0x7EF] =	sst s11  }
0x29: {  	s30 =	simm.s32 $0x28;
	s14 =	sadd.s32 $0x6400, s26;
	[smem:$0x7F0] =	sst s12  }
0x2a: {  	s31 =	simm.s32 $0x8;
	s16 =	sadd.s32 $0x8C00, s26;
	[smem:$0x7F2] =	sst s14  }
0x2b: {  	s19 =	sadd.s32 $0xC800, s26;
	s20 =	sadd.s32 $0xDC00, s26;
	[smem:$0x7F4] =	sst s16  }
0x2c: {  	s5 =	simm.s32 $0x0;
	s13 =	sor.u32 s13, s17;
	[smem:$0x7F7] =	sst s19  }
0x2d: {  	s2 =	sadd.s32 s1, s15;
	s15 =	sadd.s32 $0x7800, s26;
	[smem:$0x7F8] =	sst s20  }
0x2e: {  	s21 =	sadd.s32 $0xF000, s26;
	s22 =	sadd.s32 $0x10400, s26;
	[smem:$0x7F3] =	sst s15  }
0x2f: {  	s23 =	sadd.s32 $0x11800, s26;
	s24 =	sadd.s32 $0x12C00, s26;
	[smem:$0x7F9] =	sst s21  }
0x30: {  	s19 =	simm.s32 $0x12;
	s20 =	simm.s32 $0x14A80;
	[smem:$0x7FA] =	sst s22  }
0x31: {  	s8 =	simm.s32 $0xE;
	s12 =	simm.s32 $0xA;
	[smem:$0x7FB] =	sst s23  }
0x32: {  	s16 =	simm.s32 $0xC;
	s18 =	sadd.s32 $0x20, s2;
	[smem:$0x7FC] =	sst s24  }
0x33: {  	s17 =	sshrl.u32 s13, $0x3;
	s2 =	sadd.s32 $0x30, s2;
	[dreg:$0x1d] =	wrdreg s18  }
0x34: {  	s13 =	sadd.s32 $0x5000, s26;
	s24 =	simm.s32 $0x50;
	[dreg:$0x1e] =	wrdreg s2  }
0x35: {  	s9 =	sadd.s32 s1, s17;
	[smem:$0x7F1] =	sst s13;
	s17 =	sadd.s32 $0xA000, s26  }
.Ltmp0:
0x36: {  	s18 =	sadd.s32 $0xB400, s26;
	[smem:$0x7F5] =	sst s17;
	(pc) =	sbr.rel .LBB2_1-.Ltmp0, $4  }
0x37: {  	s23 =	simm.s32 $0x7;
	s21 =	simm.s32 $0x3;
	[smem:$0x7F6] =	sst s18  }
0x38: {  	s22 =	simm.s32 $0xB;
	s15 =	simm.s32 $0x4;
	[dreg:$0x1c] =	wrdreg s9  }
0x39: {  	s25 =	sadd.s32 $0x10, s9;
	s17 =	simm.s32 $0x14880;
	s18 =	simm.s32 $0x14900  }
0x3a: {  	v0 =	vimm.f32 $0.0e+00;
	v1 =	vimm.f32 $1.000000000e+00;
	s9 =	simm.s32 $0xD;
	[smem:$0x7FD] =	sst s25;
	s25 =	simm.s32 $0x9  }
.LBB2_22:
0x3b: {  	_ =	swait.ge [sflag:s9], $0x1400  }
0x3c: {  	[sflag:s9] =	ssyncset.done $0x0  }
0x3d: {  	[sflag:s9] =	ssyncadd.s32 $0xFFFFEC00  }
0x3e: {  	_ =	swait.ge [sflag:s8], $0x1400  }
0x3f: {  	[sflag:s8] =	ssyncset.done $0x0  }
0x40: {  	[sflag:s8] =	ssyncadd.s32 $0xFFFFEC00  }
0x41: {  	[bflag:$0x0] =	sbarrier.arrive $0xFFFF  }
0x42: {  	s5 =	sld [smem:$0x7EC]  }
0x43: {  	s10 =	sld [smem:$0x7E5]  }
0x44: {  	s26 =	rddreg [dreg:$0x8]  }
0x45: {  	s2 =	sshrl.u32 s26, $0x3  }
0x46: {  	[hbm:s5], [sflag:s10] =	dma.local [spmem:s2], $0x2800  }
0x47: {  	_ =	swait.ge [sflag:s19], $0x2800  }
0x48: {  	s13 =	sld [smem:$0x7E6]  }
0x49: {  	s14 =	sld [smem:$0x7ED];
	_ =	sdelay $0x1  }
0x4a: {  	s5 =	sadd.s32 $0x1, s13  }
0x4b: {  	p0 =	sne.s32 s5, s14  }
.Ltmp1:
0x4c: {  	_ = 	snop;
	(pc) =	sbr.rel @!p0 .LBB2_23-.Ltmp1, $3  }
0x4d: {  	_ =	sdelay $0x1  }
0x4e: {  	[sflag:s19] =	ssyncset.done $0x0  }
0x4f: {  	[sflag:s19] =	ssyncadd.s32 $0xFFFFD800  }
.LBB2_1:
0x50: {  	[tilespmem:$0x1C080] =	vst v0  }
0x51: {  	[tilespmem:$0x1C090] =	vst v0  }
0x52: {  	[tilespmem:$0x1C0A0] =	vst v0  }
0x53: {  	[tilespmem:$0x1C0B0] =	vst v0  }
0x54: {  	[tilespmem:$0x1C0C0] =	vst v0  }
0x55: {  	[tilespmem:$0x1C0D0] =	vst v0  }
0x56: {  	[tilespmem:$0x1C0E0] =	vst v0  }
0x57: {  	[tilespmem:$0x1C0F0] =	vst v0  }
0x58: {  	[tilespmem:$0x1C100] =	vst v0  }
0x59: {  	[tilespmem:$0x1C110] =	vst v0  }
0x5a: {  	[tilespmem:$0x1C120] =	vst v0  }
0x5b: {  	[tilespmem:$0x1C130] =	vst v0  }
0x5c: {  	[tilespmem:$0x1C140] =	vst v0  }
0x5d: {  	[tilespmem:$0x1C150] =	vst v0  }
0x5e: {  	[tilespmem:$0x1C160] =	vst v0  }
0x5f: {  	[tilespmem:$0x1C170] =	vst v0  }
0x60: {  	[tilespmem:$0x1C180] =	vst v0  }
0x61: {  	[tilespmem:$0x1C190] =	vst v0  }
0x62: {  	[tilespmem:$0x1C1A0] =	vst v0  }
0x63: {  	[tilespmem:$0x1C1B0] =	vst v0  }
0x64: {  	[tilespmem:$0x1C1C0] =	vst v0  }
0x65: {  	[tilespmem:$0x1C1D0] =	vst v0  }
0x66: {  	[tilespmem:$0x1C1E0] =	vst v0  }
0x67: {  	[tilespmem:$0x1C1F0] =	vst v0  }
0x68: {  	[tilespmem:$0x1C200] =	vst v0  }
0x69: {  	[tilespmem:$0x1C210] =	vst v0  }
0x6a: {  	[tilespmem:$0x1C220] =	vst v0  }
0x6b: {  	[tilespmem:$0x1C230] =	vst v0  }
0x6c: {  	[tilespmem:$0x1C240] =	vst v0  }
0x6d: {  	[tilespmem:$0x1C250] =	vst v0  }
0x6e: {  	[tilespmem:$0x1C260] =	vst v0  }
0x6f: {  	[tilespmem:$0x1C270] =	vst v0  }
0x70: {  	[tilespmem:$0x1C280] =	vst v0  }
0x71: {  	[tilespmem:$0x1C290] =	vst v0  }
0x72: {  	[tilespmem:$0x1C2A0] =	vst v0  }
0x73: {  	[tilespmem:$0x1C2B0] =	vst v0  }
0x74: {  	[tilespmem:$0x1C2C0] =	vst v0  }
0x75: {  	[tilespmem:$0x1C2D0] =	vst v0  }
0x76: {  	[tilespmem:$0x1C2E0] =	vst v0  }
0x77: {  	[smem:$0x7E6] =	sst s5;
	[tilespmem:$0x1C2F0] =	vst v0;
	s2 =	simm.s32 $0x0;
	s5 =	simm.s32 $0x200  }
.LBB2_2:
0x78: {  	p0 =	sne.s32 s5, $0x4E00;
	[tilespmem:s2+$0x14AF0] =	vst v0  }
0x79: {  	[tilespmem:s2+$0x14A80] =	vst v0  }
0x7a: {  	[tilespmem:s2+$0x14A90] =	vst v0  }
.Ltmp2:
0x7b: {  	[tilespmem:s2+$0x14AA0] =	vst v0;
	(pc) =	sbr.rel @p0 .LBB2_2-.Ltmp2, $4  }
0x7c: {  	[tilespmem:s2+$0x14AB0] =	vst v0  }
0x7d: {  	[tilespmem:s2+$0x14AC0] =	vst v0  }
0x7e: {  	[tilespmem:s2+$0x14AD0] =	vst v0  }
0x7f: {  	[tilespmem:s2+$0x14AE0] =	vst v0;
	s2 =	sshra.s32 s5, $0x2;
	s5 =	sadd.s32 $0x200, s5  }
0x80: {  	[tilespmem:s2+$0x14AF0] =	vst v0  }
0x81: {  	[tilespmem:s2+$0x14A80] =	vst v0  }
0x82: {  	[tilespmem:s2+$0x14A90] =	vst v0  }
0x83: {  	[tilespmem:s2+$0x14AA0] =	vst v0  }
0x84: {  	[tilespmem:s2+$0x14AB0] =	vst v0  }
0x85: {  	[tilespmem:s2+$0x14AC0] =	vst v0  }
0x86: {  	[tilespmem:s2+$0x14AD0] =	vst v0  }
0x87: {  	[tilespmem:s2+$0x14AE0] =	vst v0  }
0x88: {  	[tilespmem:$0x1C300] =	vst v1  }
0x89: {  	[tilespmem:$0x1C310] =	vst v1  }
0x8a: {  	[tilespmem:$0x1C320] =	vst v1  }
0x8b: {  	[tilespmem:$0x1C330] =	vst v1  }
0x8c: {  	s5 =	rddreg [dreg:$0x18];
	s10 =	simm.s32 $0x1C080;
	[tilespmem:$0x1C340] =	vst v1  }
0x8d: {  	[spmem:s5] =	stream.linear.scatter [tilespmem:s10], [sflag:$0x12], $0x280, $0x38;
	[tilespmem:$0x1C600] =	vst v63  }
0x8e: {  	_ =	swait.ge [sflag:s19], $0x280  }
0x8f: {  	[sflag:s19] =	ssyncset.done $0x0  }
0x90: {  	s11 =	rddreg [dreg:$0x19];
	[sflag:s19] =	ssyncadd.s32 $0xFFFFFD80  }
0x91: {  	[spmem:s11] =	stream.linear.scatter [tilespmem:s10], [sflag:$0x12], $0x280, $0x38;
	[tilespmem:$0x1C600] =	vst v63  }
0x92: {  	_ =	swait.ge [sflag:s19], $0x280  }
0x93: {  	[sflag:s19] =	ssyncset.done $0x0  }
0x94: {  	[sflag:s19] =	ssyncadd.s32 $0xFFFFFD80  }
0x95: {  	[spmem:s26] =	stream.linear.scatter [tilespmem:s20], [sflag:$0x12], $0x1400, $0x38;
	[tilespmem:$0x1C600] =	vst v63  }
0x96: {  	_ =	swait.ge [sflag:s19], $0x1400  }
0x97: {  	s13 =	sld [smem:$0x7EE]  }
0x98: {  	[sflag:s19] =	ssyncset.done $0x0  }
0x99: {  	[sflag:s19] =	ssyncadd.s32 $0xFFFFEC00  }
0x9a: {  	[spmem:s13] =	stream.linear.scatter [tilespmem:s20], [sflag:$0x12], $0x1400, $0x38;
	[tilespmem:$0x1C600] =	vst v63  }
0x9b: {  	_ =	swait.ge [sflag:s19], $0x1400  }
0x9c: {  	s14 =	sld [smem:$0x7EF]  }
0x9d: {  	[sflag:s19] =	ssyncset.done $0x0  }
0x9e: {  	[sflag:s19] =	ssyncadd.s32 $0xFFFFEC00  }
0x9f: {  	[spmem:s14] =	stream.linear.scatter [tilespmem:s20], [sflag:$0x12], $0x1400, $0x38;
	[tilespmem:$0x1C600] =	vst v63  }
0xa0: {  	_ =	swait.ge [sflag:s19], $0x1400  }
0xa1: {  	s26 =	sld [smem:$0x7F0]  }
0xa2: {  	[sflag:s19] =	ssyncset.done $0x0  }
0xa3: {  	[sflag:s19] =	ssyncadd.s32 $0xFFFFEC00  }
0xa4: {  	[spmem:s26] =	stream.linear.scatter [tilespmem:s20], [sflag:$0x12], $0x1400, $0x38;
	[tilespmem:$0x1C600] =	vst v63  }
0xa5: {  	_ =	swait.ge [sflag:s19], $0x1400  }
0xa6: {  	s5 =	sld [smem:$0x7F1]  }
0xa7: {  	[sflag:s19] =	ssyncset.done $0x0  }
0xa8: {  	[sflag:s19] =	ssyncadd.s32 $0xFFFFEC00  }
0xa9: {  	[spmem:s5] =	stream.linear.scatter [tilespmem:s20], [sflag:$0x12], $0x1400, $0x38;
	[tilespmem:$0x1C600] =	vst v63  }
0xaa: {  	_ =	swait.ge [sflag:s19], $0x1400  }
0xab: {  	s10 =	sld [smem:$0x7F2]  }
0xac: {  	[sflag:s19] =	ssyncset.done $0x0  }
0xad: {  	[sflag:s19] =	ssyncadd.s32 $0xFFFFEC00  }
0xae: {  	[spmem:s10] =	stream.linear.scatter [tilespmem:s20], [sflag:$0x12], $0x1400, $0x38;
	[tilespmem:$0x1C600] =	vst v63  }
0xaf: {  	_ =	swait.ge [sflag:s19], $0x1400  }
0xb0: {  	s11 =	sld [smem:$0x7F3]  }
0xb1: {  	[sflag:s19] =	ssyncset.done $0x0  }
0xb2: {  	[sflag:s19] =	ssyncadd.s32 $0xFFFFEC00  }
0xb3: {  	[spmem:s11] =	stream.linear.scatter [tilespmem:s20], [sflag:$0x12], $0x1400, $0x38;
	[tilespmem:$0x1C600] =	vst v63  }
0xb4: {  	_ =	swait.ge [sflag:s19], $0x1400  }
0xb5: {  	s13 =	sld [smem:$0x7F4]  }
0xb6: {  	[sflag:s19] =	ssyncset.done $0x0  }
0xb7: {  	[sflag:s19] =	ssyncadd.s32 $0xFFFFEC00  }
0xb8: {  	[spmem:s13] =	stream.linear.scatter [tilespmem:s20], [sflag:$0x12], $0x1400, $0x38;
	[tilespmem:$0x1C600] =	vst v63  }
0xb9: {  	_ =	swait.ge [sflag:s19], $0x1400  }
0xba: {  	s14 =	sld [smem:$0x7F5]  }
0xbb: {  	[sflag:s19] =	ssyncset.done $0x0  }
0xbc: {  	[sflag:s19] =	ssyncadd.s32 $0xFFFFEC00  }
0xbd: {  	[spmem:s14] =	stream.linear.scatter [tilespmem:s20], [sflag:$0x12], $0x1400, $0x38;
	[tilespmem:$0x1C600] =	vst v63  }
0xbe: {  	_ =	swait.ge [sflag:s19], $0x1400  }
0xbf: {  	s26 =	sld [smem:$0x7F6]  }
0xc0: {  	[sflag:s19] =	ssyncset.done $0x0  }
0xc1: {  	[sflag:s19] =	ssyncadd.s32 $0xFFFFEC00  }
0xc2: {  	[spmem:s26] =	stream.linear.scatter [tilespmem:s20], [sflag:$0x12], $0x1400, $0x38;
	[tilespmem:$0x1C600] =	vst v63  }
0xc3: {  	_ =	swait.ge [sflag:s19], $0x1400  }
0xc4: {  	s5 =	sld [smem:$0x7F7]  }
0xc5: {  	[sflag:s19] =	ssyncset.done $0x0  }
0xc6: {  	[sflag:s19] =	ssyncadd.s32 $0xFFFFEC00  }
0xc7: {  	[spmem:s5] =	stream.linear.scatter [tilespmem:s20], [sflag:$0x12], $0x1400, $0x38;
	[tilespmem:$0x1C600] =	vst v63  }
0xc8: {  	_ =	swait.ge [sflag:s19], $0x1400  }
0xc9: {  	s10 =	sld [smem:$0x7F8]  }
0xca: {  	[sflag:s19] =	ssyncset.done $0x0  }
0xcb: {  	[sflag:s19] =	ssyncadd.s32 $0xFFFFEC00  }
0xcc: {  	[spmem:s10] =	stream.linear.scatter [tilespmem:s20], [sflag:$0x12], $0x1400, $0x38;
	[tilespmem:$0x1C600] =	vst v63  }
0xcd: {  	_ =	swait.ge [sflag:s19], $0x1400  }
0xce: {  	s11 =	sld [smem:$0x7F9]  }
0xcf: {  	[sflag:s19] =	ssyncset.done $0x0  }
0xd0: {  	[sflag:s19] =	ssyncadd.s32 $0xFFFFEC00  }
0xd1: {  	[spmem:s11] =	stream.linear.scatter [tilespmem:s20], [sflag:$0x12], $0x1400, $0x38;
	[tilespmem:$0x1C600] =	vst v63  }
0xd2: {  	_ =	swait.ge [sflag:s19], $0x1400  }
0xd3: {  	s13 =	sld [smem:$0x7FA]  }
0xd4: {  	[sflag:s19] =	ssyncset.done $0x0  }
0xd5: {  	[sflag:s19] =	ssyncadd.s32 $0xFFFFEC00  }
0xd6: {  	[spmem:s13] =	stream.linear.scatter [tilespmem:s20], [sflag:$0x12], $0x1400, $0x38;
	[tilespmem:$0x1C600] =	vst v63  }
0xd7: {  	_ =	swait.ge [sflag:s19], $0x1400  }
0xd8: {  	s14 =	sld [smem:$0x7FB]  }
0xd9: {  	[sflag:s19] =	ssyncset.done $0x0  }
0xda: {  	[sflag:s19] =	ssyncadd.s32 $0xFFFFEC00  }
0xdb: {  	[spmem:s14] =	stream.linear.scatter [tilespmem:s20], [sflag:$0x12], $0x1400, $0x38;
	[tilespmem:$0x1C600] =	vst v63  }
0xdc: {  	_ =	swait.ge [sflag:s19], $0x1400  }
0xdd: {  	s26 =	sld [smem:$0x7FC]  }
0xde: {  	[sflag:s19] =	ssyncset.done $0x0  }
0xdf: {  	[sflag:s19] =	ssyncadd.s32 $0xFFFFEC00  }
0xe0: {  	[spmem:s26] =	stream.linear.scatter [tilespmem:s20], [sflag:$0x12], $0x1400, $0x38;
	[tilespmem:$0x1C600] =	vst v63  }
0xe1: {  	_ =	swait.ge [sflag:s19], $0x1400  }
0xe2: {  	[sflag:s19] =	ssyncset.done $0x0  }
0xe3: {  	[sflag:s19] =	ssyncadd.s32 $0xFFFFEC00  }
0xe4: {  	s11 =	simm.s32 $0x1B080;
	[bflag:$0x0] =	sbarrier.arrive $0xFFFF  }
0xe5: {  	s14 =	simm.s32 $0xF;
	s26 =	simm.s32 $0x0;
	s5 =	rddreg [dreg:$0x9]  }
0xe6: {  	[tilespmem:s11], [sflag:$0xF] =	stream.linear.gather [hbm4b:s5+s26], $0x7D0, $0x38;
	[tilespmem:$0x1C600] =	vst v63  }
0xe7: {  	_ =	swait.ge [sflag:s14], $0x7D0  }
0xe8: {  	[sflag:s14] =	ssyncset.done $0x0  }
0xe9: {  	s5 =	simm.s32 $0x1B880;
	s10 =	rddreg [dreg:$0xa];
	[sflag:s14] =	ssyncadd.s32 $0xFFFFF830  }
0xea: {  	[tilespmem:s5], [sflag:$0x10] =	stream.linear.gather [hbm4b:s10+s26], $0x7D0, $0x38;
	[tilespmem:$0x1C600] =	vst v63  }
0xeb: {  	_ = 	snop  }
0xec: {  	[spmem:s4] =	stream.indirect.scatter.add.f32 [tilespmem:s28], [sflag:$0x11], $0x1, s11, s24, $0xb8;
	[tilespmem:$0x1C600] =	vst v63  }
0xed: {  	s13 =	simm.s32 $0x1B0D0  }
0xee: {  	[spmem:s4] =	stream.indirect.scatter.add.f32 [tilespmem:s28], [sflag:$0x11], $0x1, s13, s24, $0xb8;
	[tilespmem:$0x1C600] =	vst v63  }
0xef: {  	s10 =	simm.s32 $0x1B120  }
0xf0: {  	[spmem:s4] =	stream.indirect.scatter.add.f32 [tilespmem:s28], [sflag:$0x11], $0x1, s10, s24, $0xb8;
	[tilespmem:$0x1C600] =	vst v63  }
0xf1: {  	s13 =	simm.s32 $0x1B170  }
0xf2: {  	[spmem:s4] =	stream.indirect.scatter.add.f32 [tilespmem:s28], [sflag:$0x11], $0x1, s13, s24, $0xb8;
	[tilespmem:$0x1C600] =	vst v63  }
0xf3: {  	s10 =	simm.s32 $0x1B1C0  }
0xf4: {  	[spmem:s4] =	stream.indirect.scatter.add.f32 [tilespmem:s28], [sflag:$0x11], $0x1, s10, s24, $0xb8;
	[tilespmem:$0x1C600] =	vst v63  }
0xf5: {  	s13 =	simm.s32 $0x1B210  }
0xf6: {  	[spmem:s4] =	stream.indirect.scatter.add.f32 [tilespmem:s28], [sflag:$0x11], $0x1, s13, s24, $0xb8;
	[tilespmem:$0x1C600] =	vst v63  }
0xf7: {  	s10 =	simm.s32 $0x1B260  }
0xf8: {  	[spmem:s4] =	stream.indirect.scatter.add.f32 [tilespmem:s28], [sflag:$0x11], $0x1, s10, s24, $0xb8;
	[tilespmem:$0x1C600] =	vst v63  }
0xf9: {  	s13 =	simm.s32 $0x1B2B0  }
0xfa: {  	[spmem:s4] =	stream.indirect.scatter.add.f32 [tilespmem:s28], [sflag:$0x11], $0x1, s13, s24, $0xb8;
	[tilespmem:$0x1C600] =	vst v63  }
0xfb: {  	s10 =	simm.s32 $0x1B300  }
0xfc: {  	[spmem:s4] =	stream.indirect.scatter.add.f32 [tilespmem:s28], [sflag:$0x11], $0x1, s10, s24, $0xb8;
	[tilespmem:$0x1C600] =	vst v63  }
0xfd: {  	s13 =	simm.s32 $0x1B350  }
0xfe: {  	[spmem:s4] =	stream.indirect.scatter.add.f32 [tilespmem:s28], [sflag:$0x11], $0x1, s13, s24, $0xb8;
	[tilespmem:$0x1C600] =	vst v63  }
0xff: {  	s10 =	simm.s32 $0x1B3A0  }
0x100: {  	[spmem:s4] =	stream.indirect.scatter.add.f32 [tilespmem:s28], [sflag:$0x11], $0x1, s10, s24, $0xb8;
	[tilespmem:$0x1C600] =	vst v63  }
0x101: {  	s13 =	simm.s32 $0x1B3F0  }
0x102: {  	[spmem:s4] =	stream.indirect.scatter.add.f32 [tilespmem:s28], [sflag:$0x11], $0x1, s13, s24, $0xb8;
	[tilespmem:$0x1C600] =	vst v63  }
0x103: {  	s10 =	simm.s32 $0x1B440  }
0x104: {  	[spmem:s4] =	stream.indirect.scatter.add.f32 [tilespmem:s28], [sflag:$0x11], $0x1, s10, s24, $0xb8;
	[tilespmem:$0x1C600] =	vst v63  }
0x105: {  	s13 =	simm.s32 $0x1B490  }
0x106: {  	[spmem:s4] =	stream.indirect.scatter.add.f32 [tilespmem:s28], [sflag:$0x11], $0x1, s13, s24, $0xb8;
	[tilespmem:$0x1C600] =	vst v63  }
0x107: {  	s10 =	simm.s32 $0x1B4E0  }
0x108: {  	[spmem:s4] =	stream.indirect.scatter.add.f32 [tilespmem:s28], [sflag:$0x11], $0x1, s10, s24, $0xb8;
	[tilespmem:$0x1C600] =	vst v63  }
0x109: {  	s13 =	simm.s32 $0x1B530  }
0x10a: {  	[spmem:s4] =	stream.indirect.scatter.add.f32 [tilespmem:s28], [sflag:$0x11], $0x1, s13, s24, $0xb8;
	[tilespmem:$0x1C600] =	vst v63  }
0x10b: {  	s10 =	simm.s32 $0x1B580  }
0x10c: {  	[spmem:s4] =	stream.indirect.scatter.add.f32 [tilespmem:s28], [sflag:$0x11], $0x1, s10, s24, $0xb8;
	[tilespmem:$0x1C600] =	vst v63  }
0x10d: {  	s13 =	simm.s32 $0x1B5D0  }
0x10e: {  	[spmem:s4] =	stream.indirect.scatter.add.f32 [tilespmem:s28], [sflag:$0x11], $0x1, s13, s24, $0xb8;
	[tilespmem:$0x1C600] =	vst v63  }
0x10f: {  	s10 =	simm.s32 $0x1B620  }
0x110: {  	[spmem:s4] =	stream.indirect.scatter.add.f32 [tilespmem:s28], [sflag:$0x11], $0x1, s10, s24, $0xb8;
	[tilespmem:$0x1C600] =	vst v63  }
0x111: {  	s13 =	simm.s32 $0x1B670  }
0x112: {  	[spmem:s4] =	stream.indirect.scatter.add.f32 [tilespmem:s28], [sflag:$0x11], $0x1, s13, s24, $0xb8;
	[tilespmem:$0x1C600] =	vst v63  }
0x113: {  	s10 =	simm.s32 $0x1B6C0  }
0x114: {  	[spmem:s4] =	stream.indirect.scatter.add.f32 [tilespmem:s28], [sflag:$0x11], $0x1, s10, s24, $0xb8;
	[tilespmem:$0x1C600] =	vst v63  }
0x115: {  	s13 =	simm.s32 $0x1B710  }
0x116: {  	[spmem:s4] =	stream.indirect.scatter.add.f32 [tilespmem:s28], [sflag:$0x11], $0x1, s13, s24, $0xb8;
	[tilespmem:$0x1C600] =	vst v63  }
0x117: {  	s10 =	simm.s32 $0x1B760  }
0x118: {  	[spmem:s4] =	stream.indirect.scatter.add.f32 [tilespmem:s28], [sflag:$0x11], $0x1, s10, s24, $0xb8;
	[tilespmem:$0x1C600] =	vst v63  }
0x119: {  	s13 =	simm.s32 $0x1B7B0  }
0x11a: {  	[spmem:s4] =	stream.indirect.scatter.add.f32 [tilespmem:s28], [sflag:$0x11], $0x1, s13, s24, $0xb8;
	[tilespmem:$0x1C600] =	vst v63  }
0x11b: {  	s10 =	simm.s32 $0x1B800  }
0x11c: {  	[spmem:s4] =	stream.indirect.scatter.add.f32 [tilespmem:s28], [sflag:$0x11], $0x1, s10, s24, $0xb8;
	[tilespmem:$0x1C600] =	vst v63  }
0x11d: {  	_ =	swait.ge [sflag:s29], $0x50  }
0x11e: {  	[sflag:s29] =	ssyncset.done $0x0  }
0x11f: {  	[sflag:s29] =	ssyncadd.s32 $0xFFFFFFB0  }
0x120: {  	_ =	swait.ge [sflag:s29], $0x50  }
0x121: {  	[sflag:s29] =	ssyncset.done $0x0  }
0x122: {  	[sflag:s29] =	ssyncadd.s32 $0xFFFFFFB0  }
0x123: {  	_ =	swait.ge [sflag:s29], $0x50  }
0x124: {  	[sflag:s29] =	ssyncset.done $0x0  }
0x125: {  	[sflag:s29] =	ssyncadd.s32 $0xFFFFFFB0  }
0x126: {  	_ =	swait.ge [sflag:s29], $0x50  }
0x127: {  	[sflag:s29] =	ssyncset.done $0x0  }
0x128: {  	[sflag:s29] =	ssyncadd.s32 $0xFFFFFFB0  }
0x129: {  	_ =	swait.ge [sflag:s29], $0x50  }
0x12a: {  	[sflag:s29] =	ssyncset.done $0x0  }
0x12b: {  	[sflag:s29] =	ssyncadd.s32 $0xFFFFFFB0  }
0x12c: {  	_ =	swait.ge [sflag:s29], $0x50  }
0x12d: {  	[sflag:s29] =	ssyncset.done $0x0  }
0x12e: {  	[sflag:s29] =	ssyncadd.s32 $0xFFFFFFB0  }
0x12f: {  	_ =	swait.ge [sflag:s29], $0x50  }
0x130: {  	[sflag:s29] =	ssyncset.done $0x0  }
0x131: {  	[sflag:s29] =	ssyncadd.s32 $0xFFFFFFB0  }
0x132: {  	_ =	swait.ge [sflag:s29], $0x50  }
0x133: {  	[sflag:s29] =	ssyncset.done $0x0  }
0x134: {  	[sflag:s29] =	ssyncadd.s32 $0xFFFFFFB0  }
0x135: {  	_ =	swait.ge [sflag:s29], $0x50  }
0x136: {  	[sflag:s29] =	ssyncset.done $0x0  }
0x137: {  	[sflag:s29] =	ssyncadd.s32 $0xFFFFFFB0  }
0x138: {  	_ =	swait.ge [sflag:s29], $0x50  }
0x139: {  	[sflag:s29] =	ssyncset.done $0x0  }
0x13a: {  	[sflag:s29] =	ssyncadd.s32 $0xFFFFFFB0  }
0x13b: {  	_ =	swait.ge [sflag:s29], $0x50  }
0x13c: {  	[sflag:s29] =	ssyncset.done $0x0  }
0x13d: {  	[sflag:s29] =	ssyncadd.s32 $0xFFFFFFB0  }
0x13e: {  	_ =	swait.ge [sflag:s29], $0x50  }
0x13f: {  	[sflag:s29] =	ssyncset.done $0x0  }
0x140: {  	[sflag:s29] =	ssyncadd.s32 $0xFFFFFFB0  }
0x141: {  	_ =	swait.ge [sflag:s29], $0x50  }
0x142: {  	[sflag:s29] =	ssyncset.done $0x0  }
0x143: {  	[sflag:s29] =	ssyncadd.s32 $0xFFFFFFB0  }
0x144: {  	_ =	swait.ge [sflag:s29], $0x50  }
0x145: {  	[sflag:s29] =	ssyncset.done $0x0  }
0x146: {  	[sflag:s29] =	ssyncadd.s32 $0xFFFFFFB0  }
0x147: {  	_ =	swait.ge [sflag:s29], $0x50  }
0x148: {  	[sflag:s29] =	ssyncset.done $0x0  }
0x149: {  	[sflag:s29] =	ssyncadd.s32 $0xFFFFFFB0  }
0x14a: {  	_ =	swait.ge [sflag:s29], $0x50  }
0x14b: {  	[sflag:s29] =	ssyncset.done $0x0  }
0x14c: {  	[sflag:s29] =	ssyncadd.s32 $0xFFFFFFB0  }
0x14d: {  	_ =	swait.ge [sflag:s29], $0x50  }
0x14e: {  	[sflag:s29] =	ssyncset.done $0x0  }
0x14f: {  	[sflag:s29] =	ssyncadd.s32 $0xFFFFFFB0  }
0x150: {  	_ =	swait.ge [sflag:s29], $0x50  }
0x151: {  	[sflag:s29] =	ssyncset.done $0x0  }
0x152: {  	[sflag:s29] =	ssyncadd.s32 $0xFFFFFFB0  }
0x153: {  	_ =	swait.ge [sflag:s29], $0x50  }
0x154: {  	[sflag:s29] =	ssyncset.done $0x0  }
0x155: {  	[sflag:s29] =	ssyncadd.s32 $0xFFFFFFB0  }
0x156: {  	_ =	swait.ge [sflag:s29], $0x50  }
0x157: {  	[sflag:s29] =	ssyncset.done $0x0  }
0x158: {  	[sflag:s29] =	ssyncadd.s32 $0xFFFFFFB0  }
0x159: {  	_ =	swait.ge [sflag:s29], $0x50  }
0x15a: {  	[sflag:s29] =	ssyncset.done $0x0  }
0x15b: {  	[sflag:s29] =	ssyncadd.s32 $0xFFFFFFB0  }
0x15c: {  	_ =	swait.ge [sflag:s29], $0x50  }
0x15d: {  	[sflag:s29] =	ssyncset.done $0x0  }
0x15e: {  	[sflag:s29] =	ssyncadd.s32 $0xFFFFFFB0  }
0x15f: {  	_ =	swait.ge [sflag:s29], $0x50  }
0x160: {  	[sflag:s29] =	ssyncset.done $0x0  }
0x161: {  	[sflag:s29] =	ssyncadd.s32 $0xFFFFFFB0  }
0x162: {  	_ =	swait.ge [sflag:s29], $0x50  }
0x163: {  	[sflag:s29] =	ssyncset.done $0x0  }
0x164: {  	[sflag:s29] =	ssyncadd.s32 $0xFFFFFFB0  }
0x165: {  	_ =	swait.ge [sflag:s29], $0x50  }
0x166: {  	[sflag:s29] =	ssyncset.done $0x0  }
0x167: {  	s10 =	simm.s32 $0x10;
	[sflag:s29] =	ssyncadd.s32 $0xFFFFFFB0  }
0x168: {  	_ =	swait.ge [sflag:s10], $0x7D0  }
0x169: {  	[sflag:s10] =	ssyncset.done $0x0  }
0x16a: {  	s2 =	rddreg [dreg:$0xb];
	[sflag:s10] =	ssyncadd.s32 $0xFFFFF830  }
0x16b: {  	[tilespmem:s11], [sflag:$0xF] =	stream.linear.gather [hbm4b:s2+s26], $0x7D0, $0x38;
	[tilespmem:$0x1C600] =	vst v63  }
0x16c: {  	_ = 	snop  }
0x16d: {  	[spmem:s4] =	stream.indirect.scatter.add.f32 [tilespmem:s28], [sflag:$0x11], $0x1, s5, s24, $0xb8;
	[tilespmem:$0x1C600] =	vst v63  }
0x16e: {  	s2 =	simm.s32 $0x1B8D0  }
0x16f: {  	[spmem:s4] =	stream.indirect.scatter.add.f32 [tilespmem:s28], [sflag:$0x11], $0x1, s2, s24, $0xb8;
	[tilespmem:$0x1C600] =	vst v63  }
0x170: {  	s2 =	simm.s32 $0x1B920  }
0x171: {  	[spmem:s4] =	stream.indirect.scatter.add.f32 [tilespmem:s28], [sflag:$0x11], $0x1, s2, s24, $0xb8;
	[tilespmem:$0x1C600] =	vst v63  }
0x172: {  	s2 =	simm.s32 $0x1B970  }
0x173: {  	[spmem:s4] =	stream.indirect.scatter.add.f32 [tilespmem:s28], [sflag:$0x11], $0x1, s2, s24, $0xb8;
	[tilespmem:$0x1C600] =	vst v63  }
0x174: {  	s2 =	simm.s32 $0x1B9C0  }
0x175: {  	[spmem:s4] =	stream.indirect.scatter.add.f32 [tilespmem:s28], [sflag:$0x11], $0x1, s2, s24, $0xb8;
	[tilespmem:$0x1C600] =	vst v63  }
0x176: {  	s2 =	simm.s32 $0x1BA10  }
0x177: {  	[spmem:s4] =	stream.indirect.scatter.add.f32 [tilespmem:s28], [sflag:$0x11], $0x1, s2, s24, $0xb8;
	[tilespmem:$0x1C600] =	vst v63  }
0x178: {  	s2 =	simm.s32 $0x1BA60  }
0x179: {  	[spmem:s4] =	stream.indirect.scatter.add.f32 [tilespmem:s28], [sflag:$0x11], $0x1, s2, s24, $0xb8;
	[tilespmem:$0x1C600] =	vst v63  }
0x17a: {  	s2 =	simm.s32 $0x1BAB0  }
0x17b: {  	[spmem:s4] =	stream.indirect.scatter.add.f32 [tilespmem:s28], [sflag:$0x11], $0x1, s2, s24, $0xb8;
	[tilespmem:$0x1C600] =	vst v63  }
0x17c: {  	s2 =	simm.s32 $0x1BB00  }
0x17d: {  	[spmem:s4] =	stream.indirect.scatter.add.f32 [tilespmem:s28], [sflag:$0x11], $0x1, s2, s24, $0xb8;
	[tilespmem:$0x1C600] =	vst v63  }
0x17e: {  	s2 =	simm.s32 $0x1BB50  }
0x17f: {  	[spmem:s4] =	stream.indirect.scatter.add.f32 [tilespmem:s28], [sflag:$0x11], $0x1, s2, s24, $0xb8;
	[tilespmem:$0x1C600] =	vst v63  }
0x180: {  	s2 =	simm.s32 $0x1BBA0  }
0x181: {  	[spmem:s4] =	stream.indirect.scatter.add.f32 [tilespmem:s28], [sflag:$0x11], $0x1, s2, s24, $0xb8;
	[tilespmem:$0x1C600] =	vst v63  }
0x182: {  	s2 =	simm.s32 $0x1BBF0  }
0x183: {  	[spmem:s4] =	stream.indirect.scatter.add.f32 [tilespmem:s28], [sflag:$0x11], $0x1, s2, s24, $0xb8;
	[tilespmem:$0x1C600] =	vst v63  }
0x184: {  	s2 =	simm.s32 $0x1BC40  }
0x185: {  	[spmem:s4] =	stream.indirect.scatter.add.f32 [tilespmem:s28], [sflag:$0x11], $0x1, s2, s24, $0xb8;
	[tilespmem:$0x1C600] =	vst v63  }
0x186: {  	s2 =	simm.s32 $0x1BC90  }
0x187: {  	[spmem:s4] =	stream.indirect.scatter.add.f32 [tilespmem:s28], [sflag:$0x11], $0x1, s2, s24, $0xb8;
	[tilespmem:$0x1C600] =	vst v63  }
0x188: {  	s2 =	simm.s32 $0x1BCE0  }
0x189: {  	[spmem:s4] =	stream.indirect.scatter.add.f32 [tilespmem:s28], [sflag:$0x11], $0x1, s2, s24, $0xb8;
	[tilespmem:$0x1C600] =	vst v63  }
0x18a: {  	s2 =	simm.s32 $0x1BD30  }
0x18b: {  	[spmem:s4] =	stream.indirect.scatter.add.f32 [tilespmem:s28], [sflag:$0x11], $0x1, s2, s24, $0xb8;
	[tilespmem:$0x1C600] =	vst v63  }
0x18c: {  	s2 =	simm.s32 $0x1BD80  }
0x18d: {  	[spmem:s4] =	stream.indirect.scatter.add.f32 [tilespmem:s28], [sflag:$0x11], $0x1, s2, s24, $0xb8;
	[tilespmem:$0x1C600] =	vst v63  }
0x18e: {  	s2 =	simm.s32 $0x1BDD0  }
0x18f: {  	[spmem:s4] =	stream.indirect.scatter.add.f32 [tilespmem:s28], [sflag:$0x11], $0x1, s2, s24, $0xb8;
	[tilespmem:$0x1C600] =	vst v63  }
0x190: {  	s2 =	simm.s32 $0x1BE20  }
0x191: {  	[spmem:s4] =	stream.indirect.scatter.add.f32 [tilespmem:s28], [sflag:$0x11], $0x1, s2, s24, $0xb8;
	[tilespmem:$0x1C600] =	vst v63  }
0x192: {  	s2 =	simm.s32 $0x1BE70  }
0x193: {  	[spmem:s4] =	stream.indirect.scatter.add.f32 [tilespmem:s28], [sflag:$0x11], $0x1, s2, s24, $0xb8;
	[tilespmem:$0x1C600] =	vst v63  }
0x194: {  	s2 =	simm.s32 $0x1BEC0  }
0x195: {  	[spmem:s4] =	stream.indirect.scatter.add.f32 [tilespmem:s28], [sflag:$0x11], $0x1, s2, s24, $0xb8;
	[tilespmem:$0x1C600] =	vst v63  }
0x196: {  	s2 =	simm.s32 $0x1BF10  }
0x197: {  	[spmem:s4] =	stream.indirect.scatter.add.f32 [tilespmem:s28], [sflag:$0x11], $0x1, s2, s24, $0xb8;
	[tilespmem:$0x1C600] =	vst v63  }
0x198: {  	s2 =	simm.s32 $0x1BF60  }
0x199: {  	[spmem:s4] =	stream.indirect.scatter.add.f32 [tilespmem:s28], [sflag:$0x11], $0x1, s2, s24, $0xb8;
	[tilespmem:$0x1C600] =	vst v63  }
0x19a: {  	s2 =	simm.s32 $0x1BFB0  }
0x19b: {  	[spmem:s4] =	stream.indirect.scatter.add.f32 [tilespmem:s28], [sflag:$0x11], $0x1, s2, s24, $0xb8;
	[tilespmem:$0x1C600] =	vst v63  }
0x19c: {  	s2 =	simm.s32 $0x1C000  }
0x19d: {  	[spmem:s4] =	stream.indirect.scatter.add.f32 [tilespmem:s28], [sflag:$0x11], $0x1, s2, s24, $0xb8;
	[tilespmem:$0x1C600] =	vst v63  }
0x19e: {  	_ =	swait.ge [sflag:s29], $0x50  }
0x19f: {  	[sflag:s29] =	ssyncset.done $0x0  }
0x1a0: {  	[sflag:s29] =	ssyncadd.s32 $0xFFFFFFB0  }
0x1a1: {  	_ =	swait.ge [sflag:s29], $0x50  }
0x1a2: {  	[sflag:s29] =	ssyncset.done $0x0  }
0x1a3: {  	[sflag:s29] =	ssyncadd.s32 $0xFFFFFFB0  }
0x1a4: {  	_ =	swait.ge [sflag:s29], $0x50  }
0x1a5: {  	[sflag:s29] =	ssyncset.done $0x0  }
0x1a6: {  	[sflag:s29] =	ssyncadd.s32 $0xFFFFFFB0  }
0x1a7: {  	_ =	swait.ge [sflag:s29], $0x50  }
0x1a8: {  	[sflag:s29] =	ssyncset.done $0x0  }
0x1a9: {  	[sflag:s29] =	ssyncadd.s32 $0xFFFFFFB0  }
0x1aa: {  	_ =	swait.ge [sflag:s29], $0x50  }
0x1ab: {  	[sflag:s29] =	ssyncset.done $0x0  }
0x1ac: {  	[sflag:s29] =	ssyncadd.s32 $0xFFFFFFB0  }
0x1ad: {  	_ =	swait.ge [sflag:s29], $0x50  }
0x1ae: {  	[sflag:s29] =	ssyncset.done $0x0  }
0x1af: {  	[sflag:s29] =	ssyncadd.s32 $0xFFFFFFB0  }
0x1b0: {  	_ =	swait.ge [sflag:s29], $0x50  }
0x1b1: {  	[sflag:s29] =	ssyncset.done $0x0  }
0x1b2: {  	[sflag:s29] =	ssyncadd.s32 $0xFFFFFFB0  }
0x1b3: {  	_ =	swait.ge [sflag:s29], $0x50  }
0x1b4: {  	[sflag:s29] =	ssyncset.done $0x0  }
0x1b5: {  	[sflag:s29] =	ssyncadd.s32 $0xFFFFFFB0  }
0x1b6: {  	_ =	swait.ge [sflag:s29], $0x50  }
0x1b7: {  	[sflag:s29] =	ssyncset.done $0x0  }
0x1b8: {  	[sflag:s29] =	ssyncadd.s32 $0xFFFFFFB0  }
0x1b9: {  	_ =	swait.ge [sflag:s29], $0x50  }
0x1ba: {  	[sflag:s29] =	ssyncset.done $0x0  }
0x1bb: {  	[sflag:s29] =	ssyncadd.s32 $0xFFFFFFB0  }
0x1bc: {  	_ =	swait.ge [sflag:s29], $0x50  }
0x1bd: {  	[sflag:s29] =	ssyncset.done $0x0  }
0x1be: {  	[sflag:s29] =	ssyncadd.s32 $0xFFFFFFB0  }
0x1bf: {  	_ =	swait.ge [sflag:s29], $0x50  }
0x1c0: {  	[sflag:s29] =	ssyncset.done $0x0  }
0x1c1: {  	[sflag:s29] =	ssyncadd.s32 $0xFFFFFFB0  }
0x1c2: {  	_ =	swait.ge [sflag:s29], $0x50  }
0x1c3: {  	[sflag:s29] =	ssyncset.done $0x0  }
0x1c4: {  	[sflag:s29] =	ssyncadd.s32 $0xFFFFFFB0  }
0x1c5: {  	_ =	swait.ge [sflag:s29], $0x50  }
0x1c6: {  	[sflag:s29] =	ssyncset.done $0x0  }
0x1c7: {  	[sflag:s29] =	ssyncadd.s32 $0xFFFFFFB0  }
0x1c8: {  	_ =	swait.ge [sflag:s29], $0x50  }
0x1c9: {  	[sflag:s29] =	ssyncset.done $0x0  }
0x1ca: {  	[sflag:s29] =	ssyncadd.s32 $0xFFFFFFB0  }
0x1cb: {  	_ =	swait.ge [sflag:s29], $0x50  }
0x1cc: {  	[sflag:s29] =	ssyncset.done $0x0  }
0x1cd: {  	[sflag:s29] =	ssyncadd.s32 $0xFFFFFFB0  }
0x1ce: {  	_ =	swait.ge [sflag:s29], $0x50  }
0x1cf: {  	[sflag:s29] =	ssyncset.done $0x0  }
0x1d0: {  	[sflag:s29] =	ssyncadd.s32 $0xFFFFFFB0  }
0x1d1: {  	_ =	swait.ge [sflag:s29], $0x50  }
0x1d2: {  	[sflag:s29] =	ssyncset.done $0x0  }
0x1d3: {  	[sflag:s29] =	ssyncadd.s32 $0xFFFFFFB0  }
0x1d4: {  	_ =	swait.ge [sflag:s29], $0x50  }
0x1d5: {  	[sflag:s29] =	ssyncset.done $0x0  }
0x1d6: {  	[sflag:s29] =	ssyncadd.s32 $0xFFFFFFB0  }
0x1d7: {  	_ =	swait.ge [sflag:s29], $0x50  }
0x1d8: {  	[sflag:s29] =	ssyncset.done $0x0  }
0x1d9: {  	[sflag:s29] =	ssyncadd.s32 $0xFFFFFFB0  }
0x1da: {  	_ =	swait.ge [sflag:s29], $0x50  }
0x1db: {  	[sflag:s29] =	ssyncset.done $0x0  }
0x1dc: {  	[sflag:s29] =	ssyncadd.s32 $0xFFFFFFB0  }
0x1dd: {  	_ =	swait.ge [sflag:s29], $0x50  }
0x1de: {  	[sflag:s29] =	ssyncset.done $0x0  }
0x1df: {  	[sflag:s29] =	ssyncadd.s32 $0xFFFFFFB0  }
0x1e0: {  	_ =	swait.ge [sflag:s29], $0x50  }
0x1e1: {  	[sflag:s29] =	ssyncset.done $0x0  }
0x1e2: {  	[sflag:s29] =	ssyncadd.s32 $0xFFFFFFB0  }
0x1e3: {  	_ =	swait.ge [sflag:s29], $0x50  }
0x1e4: {  	[sflag:s29] =	ssyncset.done $0x0  }
0x1e5: {  	[sflag:s29] =	ssyncadd.s32 $0xFFFFFFB0  }
0x1e6: {  	_ =	swait.ge [sflag:s29], $0x50  }
0x1e7: {  	[sflag:s29] =	ssyncset.done $0x0  }
0x1e8: {  	[sflag:s29] =	ssyncadd.s32 $0xFFFFFFB0  }
0x1e9: {  	_ =	swait.ge [sflag:s14], $0x7D0  }
0x1ea: {  	[sflag:s14] =	ssyncset.done $0x0  }
0x1eb: {  	s2 =	rddreg [dreg:$0xc];
	[sflag:s14] =	ssyncadd.s32 $0xFFFFF830  }
0x1ec: {  	[tilespmem:s5], [sflag:$0x10] =	stream.linear.gather [hbm4b:s2+s26], $0x7D0, $0x38;
	[tilespmem:$0x1C600] =	vst v63  }
0x1ed: {  	_ = 	snop  }
0x1ee: {  	[spmem:s4] =	stream.indirect.scatter.add.f32 [tilespmem:s28], [sflag:$0x11], $0x1, s11, s24, $0xb8;
	[tilespmem:$0x1C600] =	vst v63  }
0x1ef: {  	s2 =	simm.s32 $0x1B0D0  }
0x1f0: {  	[spmem:s4] =	stream.indirect.scatter.add.f32 [tilespmem:s28], [sflag:$0x11], $0x1, s2, s24, $0xb8;
	[tilespmem:$0x1C600] =	vst v63  }
0x1f1: {  	s2 =	simm.s32 $0x1B120  }
0x1f2: {  	[spmem:s4] =	stream.indirect.scatter.add.f32 [tilespmem:s28], [sflag:$0x11], $0x1, s2, s24, $0xb8;
	[tilespmem:$0x1C600] =	vst v63  }
0x1f3: {  	s2 =	simm.s32 $0x1B170  }
0x1f4: {  	[spmem:s4] =	stream.indirect.scatter.add.f32 [tilespmem:s28], [sflag:$0x11], $0x1, s2, s24, $0xb8;
	[tilespmem:$0x1C600] =	vst v63  }
0x1f5: {  	s2 =	simm.s32 $0x1B1C0  }
0x1f6: {  	[spmem:s4] =	stream.indirect.scatter.add.f32 [tilespmem:s28], [sflag:$0x11], $0x1, s2, s24, $0xb8;
	[tilespmem:$0x1C600] =	vst v63  }
0x1f7: {  	s2 =	simm.s32 $0x1B210  }
0x1f8: {  	[spmem:s4] =	stream.indirect.scatter.add.f32 [tilespmem:s28], [sflag:$0x11], $0x1, s2, s24, $0xb8;
	[tilespmem:$0x1C600] =	vst v63  }
0x1f9: {  	s2 =	simm.s32 $0x1B260  }
0x1fa: {  	[spmem:s4] =	stream.indirect.scatter.add.f32 [tilespmem:s28], [sflag:$0x11], $0x1, s2, s24, $0xb8;
	[tilespmem:$0x1C600] =	vst v63  }
0x1fb: {  	s2 =	simm.s32 $0x1B2B0  }
0x1fc: {  	[spmem:s4] =	stream.indirect.scatter.add.f32 [tilespmem:s28], [sflag:$0x11], $0x1, s2, s24, $0xb8;
	[tilespmem:$0x1C600] =	vst v63  }
0x1fd: {  	s2 =	simm.s32 $0x1B300  }
0x1fe: {  	[spmem:s4] =	stream.indirect.scatter.add.f32 [tilespmem:s28], [sflag:$0x11], $0x1, s2, s24, $0xb8;
	[tilespmem:$0x1C600] =	vst v63  }
0x1ff: {  	s2 =	simm.s32 $0x1B350  }
0x200: {  	[spmem:s4] =	stream.indirect.scatter.add.f32 [tilespmem:s28], [sflag:$0x11], $0x1, s2, s24, $0xb8;
	[tilespmem:$0x1C600] =	vst v63  }
0x201: {  	s2 =	simm.s32 $0x1B3A0  }
0x202: {  	[spmem:s4] =	stream.indirect.scatter.add.f32 [tilespmem:s28], [sflag:$0x11], $0x1, s2, s24, $0xb8;
	[tilespmem:$0x1C600] =	vst v63  }
0x203: {  	s2 =	simm.s32 $0x1B3F0  }
0x204: {  	[spmem:s4] =	stream.indirect.scatter.add.f32 [tilespmem:s28], [sflag:$0x11], $0x1, s2, s24, $0xb8;
	[tilespmem:$0x1C600] =	vst v63  }
0x205: {  	s2 =	simm.s32 $0x1B440  }
0x206: {  	[spmem:s4] =	stream.indirect.scatter.add.f32 [tilespmem:s28], [sflag:$0x11], $0x1, s2, s24, $0xb8;
	[tilespmem:$0x1C600] =	vst v63  }
0x207: {  	s2 =	simm.s32 $0x1B490  }
0x208: {  	[spmem:s4] =	stream.indirect.scatter.add.f32 [tilespmem:s28], [sflag:$0x11], $0x1, s2, s24, $0xb8;
	[tilespmem:$0x1C600] =	vst v63  }
0x209: {  	s2 =	simm.s32 $0x1B4E0  }
0x20a: {  	[spmem:s4] =	stream.indirect.scatter.add.f32 [tilespmem:s28], [sflag:$0x11], $0x1, s2, s24, $0xb8;
	[tilespmem:$0x1C600] =	vst v63  }
0x20b: {  	s2 =	simm.s32 $0x1B530  }
0x20c: {  	[spmem:s4] =	stream.indirect.scatter.add.f32 [tilespmem:s28], [sflag:$0x11], $0x1, s2, s24, $0xb8;
	[tilespmem:$0x1C600] =	vst v63  }
0x20d: {  	s2 =	simm.s32 $0x1B580  }
0x20e: {  	[spmem:s4] =	stream.indirect.scatter.add.f32 [tilespmem:s28], [sflag:$0x11], $0x1, s2, s24, $0xb8;
	[tilespmem:$0x1C600] =	vst v63  }
0x20f: {  	s2 =	simm.s32 $0x1B5D0  }
0x210: {  	[spmem:s4] =	stream.indirect.scatter.add.f32 [tilespmem:s28], [sflag:$0x11], $0x1, s2, s24, $0xb8;
	[tilespmem:$0x1C600] =	vst v63  }
0x211: {  	s2 =	simm.s32 $0x1B620  }
0x212: {  	[spmem:s4] =	stream.indirect.scatter.add.f32 [tilespmem:s28], [sflag:$0x11], $0x1, s2, s24, $0xb8;
	[tilespmem:$0x1C600] =	vst v63  }
0x213: {  	s2 =	simm.s32 $0x1B670  }
0x214: {  	[spmem:s4] =	stream.indirect.scatter.add.f32 [tilespmem:s28], [sflag:$0x11], $0x1, s2, s24, $0xb8;
	[tilespmem:$0x1C600] =	vst v63  }
0x215: {  	s2 =	simm.s32 $0x1B6C0  }
0x216: {  	[spmem:s4] =	stream.indirect.scatter.add.f32 [tilespmem:s28], [sflag:$0x11], $0x1, s2, s24, $0xb8;
	[tilespmem:$0x1C600] =	vst v63  }
0x217: {  	s2 =	simm.s32 $0x1B710  }
0x218: {  	[spmem:s4] =	stream.indirect.scatter.add.f32 [tilespmem:s28], [sflag:$0x11], $0x1, s2, s24, $0xb8;
	[tilespmem:$0x1C600] =	vst v63  }
0x219: {  	s2 =	simm.s32 $0x1B760  }
0x21a: {  	[spmem:s4] =	stream.indirect.scatter.add.f32 [tilespmem:s28], [sflag:$0x11], $0x1, s2, s24, $0xb8;
	[tilespmem:$0x1C600] =	vst v63  }
0x21b: {  	s2 =	simm.s32 $0x1B7B0  }
0x21c: {  	[spmem:s4] =	stream.indirect.scatter.add.f32 [tilespmem:s28], [sflag:$0x11], $0x1, s2, s24, $0xb8;
	[tilespmem:$0x1C600] =	vst v63  }
0x21d: {  	s13 =	simm.s32 $0x1B800  }
0x21e: {  	[spmem:s4] =	stream.indirect.scatter.add.f32 [tilespmem:s28], [sflag:$0x11], $0x1, s13, s24, $0xb8;
	[tilespmem:$0x1C600] =	vst v63  }
0x21f: {  	_ =	swait.ge [sflag:s29], $0x50  }
0x220: {  	[sflag:s29] =	ssyncset.done $0x0  }
0x221: {  	[sflag:s29] =	ssyncadd.s32 $0xFFFFFFB0  }
0x222: {  	_ =	swait.ge [sflag:s29], $0x50  }
0x223: {  	[sflag:s29] =	ssyncset.done $0x0  }
0x224: {  	[sflag:s29] =	ssyncadd.s32 $0xFFFFFFB0  }
0x225: {  	_ =	swait.ge [sflag:s29], $0x50  }
0x226: {  	[sflag:s29] =	ssyncset.done $0x0  }
0x227: {  	[sflag:s29] =	ssyncadd.s32 $0xFFFFFFB0  }
0x228: {  	_ =	swait.ge [sflag:s29], $0x50  }
0x229: {  	[sflag:s29] =	ssyncset.done $0x0  }
0x22a: {  	[sflag:s29] =	ssyncadd.s32 $0xFFFFFFB0  }
0x22b: {  	_ =	swait.ge [sflag:s29], $0x50  }
0x22c: {  	[sflag:s29] =	ssyncset.done $0x0  }
0x22d: {  	[sflag:s29] =	ssyncadd.s32 $0xFFFFFFB0  }
0x22e: {  	_ =	swait.ge [sflag:s29], $0x50  }
0x22f: {  	[sflag:s29] =	ssyncset.done $0x0  }
0x230: {  	[sflag:s29] =	ssyncadd.s32 $0xFFFFFFB0  }
0x231: {  	_ =	swait.ge [sflag:s29], $0x50  }
0x232: {  	[sflag:s29] =	ssyncset.done $0x0  }
0x233: {  	[sflag:s29] =	ssyncadd.s32 $0xFFFFFFB0  }
0x234: {  	_ =	swait.ge [sflag:s29], $0x50  }
0x235: {  	[sflag:s29] =	ssyncset.done $0x0  }
0x236: {  	[sflag:s29] =	ssyncadd.s32 $0xFFFFFFB0  }
0x237: {  	_ =	swait.ge [sflag:s29], $0x50  }
0x238: {  	[sflag:s29] =	ssyncset.done $0x0  }
0x239: {  	[sflag:s29] =	ssyncadd.s32 $0xFFFFFFB0  }
0x23a: {  	_ =	swait.ge [sflag:s29], $0x50  }
0x23b: {  	[sflag:s29] =	ssyncset.done $0x0  }
0x23c: {  	[sflag:s29] =	ssyncadd.s32 $0xFFFFFFB0  }
0x23d: {  	_ =	swait.ge [sflag:s29], $0x50  }
0x23e: {  	[sflag:s29] =	ssyncset.done $0x0  }
0x23f: {  	[sflag:s29] =	ssyncadd.s32 $0xFFFFFFB0  }
0x240: {  	_ =	swait.ge [sflag:s29], $0x50  }
0x241: {  	[sflag:s29] =	ssyncset.done $0x0  }
0x242: {  	[sflag:s29] =	ssyncadd.s32 $0xFFFFFFB0  }
0x243: {  	_ =	swait.ge [sflag:s29], $0x50  }
0x244: {  	[sflag:s29] =	ssyncset.done $0x0  }
0x245: {  	[sflag:s29] =	ssyncadd.s32 $0xFFFFFFB0  }
0x246: {  	_ =	swait.ge [sflag:s29], $0x50  }
0x247: {  	[sflag:s29] =	ssyncset.done $0x0  }
0x248: {  	[sflag:s29] =	ssyncadd.s32 $0xFFFFFFB0  }
0x249: {  	_ =	swait.ge [sflag:s29], $0x50  }
0x24a: {  	[sflag:s29] =	ssyncset.done $0x0  }
0x24b: {  	[sflag:s29] =	ssyncadd.s32 $0xFFFFFFB0  }
0x24c: {  	_ =	swait.ge [sflag:s29], $0x50  }
0x24d: {  	[sflag:s29] =	ssyncset.done $0x0  }
0x24e: {  	[sflag:s29] =	ssyncadd.s32 $0xFFFFFFB0  }
0x24f: {  	_ =	swait.ge [sflag:s29], $0x50  }
0x250: {  	[sflag:s29] =	ssyncset.done $0x0  }
0x251: {  	[sflag:s29] =	ssyncadd.s32 $0xFFFFFFB0  }
0x252: {  	_ =	swait.ge [sflag:s29], $0x50  }
0x253: {  	[sflag:s29] =	ssyncset.done $0x0  }
0x254: {  	[sflag:s29] =	ssyncadd.s32 $0xFFFFFFB0  }
0x255: {  	_ =	swait.ge [sflag:s29], $0x50  }
0x256: {  	[sflag:s29] =	ssyncset.done $0x0  }
0x257: {  	[sflag:s29] =	ssyncadd.s32 $0xFFFFFFB0  }
0x258: {  	_ =	swait.ge [sflag:s29], $0x50  }
0x259: {  	[sflag:s29] =	ssyncset.done $0x0  }
0x25a: {  	[sflag:s29] =	ssyncadd.s32 $0xFFFFFFB0  }
0x25b: {  	_ =	swait.ge [sflag:s29], $0x50  }
0x25c: {  	[sflag:s29] =	ssyncset.done $0x0  }
0x25d: {  	[sflag:s29] =	ssyncadd.s32 $0xFFFFFFB0  }
0x25e: {  	_ =	swait.ge [sflag:s29], $0x50  }
0x25f: {  	[sflag:s29] =	ssyncset.done $0x0  }
0x260: {  	[sflag:s29] =	ssyncadd.s32 $0xFFFFFFB0  }
0x261: {  	_ =	swait.ge [sflag:s29], $0x50  }
0x262: {  	[sflag:s29] =	ssyncset.done $0x0  }
0x263: {  	[sflag:s29] =	ssyncadd.s32 $0xFFFFFFB0  }
0x264: {  	_ =	swait.ge [sflag:s29], $0x50  }
0x265: {  	[sflag:s29] =	ssyncset.done $0x0  }
0x266: {  	[sflag:s29] =	ssyncadd.s32 $0xFFFFFFB0  }
0x267: {  	_ =	swait.ge [sflag:s29], $0x50  }
0x268: {  	[sflag:s29] =	ssyncset.done $0x0  }
0x269: {  	[sflag:s29] =	ssyncadd.s32 $0xFFFFFFB0  }
0x26a: {  	_ =	swait.ge [sflag:s10], $0x7D0  }
0x26b: {  	[sflag:s10] =	ssyncset.done $0x0  }
0x26c: {  	s2 =	rddreg [dreg:$0xd];
	[sflag:s10] =	ssyncadd.s32 $0xFFFFF830  }
0x26d: {  	[tilespmem:s11], [sflag:$0xF] =	stream.linear.gather [hbm4b:s2+s26], $0x7D0, $0x38;
	[tilespmem:$0x1C600] =	vst v63  }
0x26e: {  	_ = 	snop  }
0x26f: {  	[spmem:s4] =	stream.indirect.scatter.add.f32 [tilespmem:s28], [sflag:$0x11], $0x1, s5, s24, $0xb8;
	[tilespmem:$0x1C600] =	vst v63  }
0x270: {  	s2 =	simm.s32 $0x1B8D0  }
0x271: {  	[spmem:s4] =	stream.indirect.scatter.add.f32 [tilespmem:s28], [sflag:$0x11], $0x1, s2, s24, $0xb8;
	[tilespmem:$0x1C600] =	vst v63  }
0x272: {  	s2 =	simm.s32 $0x1B920  }
0x273: {  	[spmem:s4] =	stream.indirect.scatter.add.f32 [tilespmem:s28], [sflag:$0x11], $0x1, s2, s24, $0xb8;
	[tilespmem:$0x1C600] =	vst v63  }
0x274: {  	s2 =	simm.s32 $0x1B970  }
0x275: {  	[spmem:s4] =	stream.indirect.scatter.add.f32 [tilespmem:s28], [sflag:$0x11], $0x1, s2, s24, $0xb8;
	[tilespmem:$0x1C600] =	vst v63  }
0x276: {  	s2 =	simm.s32 $0x1B9C0  }
0x277: {  	[spmem:s4] =	stream.indirect.scatter.add.f32 [tilespmem:s28], [sflag:$0x11], $0x1, s2, s24, $0xb8;
	[tilespmem:$0x1C600] =	vst v63  }
0x278: {  	s2 =	simm.s32 $0x1BA10  }
0x279: {  	[spmem:s4] =	stream.indirect.scatter.add.f32 [tilespmem:s28], [sflag:$0x11], $0x1, s2, s24, $0xb8;
	[tilespmem:$0x1C600] =	vst v63  }
0x27a: {  	s2 =	simm.s32 $0x1BA60  }
0x27b: {  	[spmem:s4] =	stream.indirect.scatter.add.f32 [tilespmem:s28], [sflag:$0x11], $0x1, s2, s24, $0xb8;
	[tilespmem:$0x1C600] =	vst v63  }
0x27c: {  	s2 =	simm.s32 $0x1BAB0  }
0x27d: {  	[spmem:s4] =	stream.indirect.scatter.add.f32 [tilespmem:s28], [sflag:$0x11], $0x1, s2, s24, $0xb8;
	[tilespmem:$0x1C600] =	vst v63  }
0x27e: {  	s2 =	simm.s32 $0x1BB00  }
0x27f: {  	[spmem:s4] =	stream.indirect.scatter.add.f32 [tilespmem:s28], [sflag:$0x11], $0x1, s2, s24, $0xb8;
	[tilespmem:$0x1C600] =	vst v63  }
0x280: {  	s2 =	simm.s32 $0x1BB50  }
0x281: {  	[spmem:s4] =	stream.indirect.scatter.add.f32 [tilespmem:s28], [sflag:$0x11], $0x1, s2, s24, $0xb8;
	[tilespmem:$0x1C600] =	vst v63  }
0x282: {  	s2 =	simm.s32 $0x1BBA0  }
0x283: {  	[spmem:s4] =	stream.indirect.scatter.add.f32 [tilespmem:s28], [sflag:$0x11], $0x1, s2, s24, $0xb8;
	[tilespmem:$0x1C600] =	vst v63  }
0x284: {  	s2 =	simm.s32 $0x1BBF0  }
0x285: {  	[spmem:s4] =	stream.indirect.scatter.add.f32 [tilespmem:s28], [sflag:$0x11], $0x1, s2, s24, $0xb8;
	[tilespmem:$0x1C600] =	vst v63  }
0x286: {  	s2 =	simm.s32 $0x1BC40  }
0x287: {  	[spmem:s4] =	stream.indirect.scatter.add.f32 [tilespmem:s28], [sflag:$0x11], $0x1, s2, s24, $0xb8;
	[tilespmem:$0x1C600] =	vst v63  }
0x288: {  	s2 =	simm.s32 $0x1BC90  }
0x289: {  	[spmem:s4] =	stream.indirect.scatter.add.f32 [tilespmem:s28], [sflag:$0x11], $0x1, s2, s24, $0xb8;
	[tilespmem:$0x1C600] =	vst v63  }
0x28a: {  	s2 =	simm.s32 $0x1BCE0  }
0x28b: {  	[spmem:s4] =	stream.indirect.scatter.add.f32 [tilespmem:s28], [sflag:$0x11], $0x1, s2, s24, $0xb8;
	[tilespmem:$0x1C600] =	vst v63  }
0x28c: {  	s2 =	simm.s32 $0x1BD30  }
0x28d: {  	[spmem:s4] =	stream.indirect.scatter.add.f32 [tilespmem:s28], [sflag:$0x11], $0x1, s2, s24, $0xb8;
	[tilespmem:$0x1C600] =	vst v63  }
0x28e: {  	s2 =	simm.s32 $0x1BD80  }
0x28f: {  	[spmem:s4] =	stream.indirect.scatter.add.f32 [tilespmem:s28], [sflag:$0x11], $0x1, s2, s24, $0xb8;
	[tilespmem:$0x1C600] =	vst v63  }
0x290: {  	s2 =	simm.s32 $0x1BDD0  }
0x291: {  	[spmem:s4] =	stream.indirect.scatter.add.f32 [tilespmem:s28], [sflag:$0x11], $0x1, s2, s24, $0xb8;
	[tilespmem:$0x1C600] =	vst v63  }
0x292: {  	s2 =	simm.s32 $0x1BE20  }
0x293: {  	[spmem:s4] =	stream.indirect.scatter.add.f32 [tilespmem:s28], [sflag:$0x11], $0x1, s2, s24, $0xb8;
	[tilespmem:$0x1C600] =	vst v63  }
0x294: {  	s2 =	simm.s32 $0x1BE70  }
0x295: {  	[spmem:s4] =	stream.indirect.scatter.add.f32 [tilespmem:s28], [sflag:$0x11], $0x1, s2, s24, $0xb8;
	[tilespmem:$0x1C600] =	vst v63  }
0x296: {  	s2 =	simm.s32 $0x1BEC0  }
0x297: {  	[spmem:s4] =	stream.indirect.scatter.add.f32 [tilespmem:s28], [sflag:$0x11], $0x1, s2, s24, $0xb8;
	[tilespmem:$0x1C600] =	vst v63  }
0x298: {  	s2 =	simm.s32 $0x1BF10  }
0x299: {  	[spmem:s4] =	stream.indirect.scatter.add.f32 [tilespmem:s28], [sflag:$0x11], $0x1, s2, s24, $0xb8;
	[tilespmem:$0x1C600] =	vst v63  }
0x29a: {  	s2 =	simm.s32 $0x1BF60  }
0x29b: {  	[spmem:s4] =	stream.indirect.scatter.add.f32 [tilespmem:s28], [sflag:$0x11], $0x1, s2, s24, $0xb8;
	[tilespmem:$0x1C600] =	vst v63  }
0x29c: {  	s2 =	simm.s32 $0x1BFB0  }
0x29d: {  	[spmem:s4] =	stream.indirect.scatter.add.f32 [tilespmem:s28], [sflag:$0x11], $0x1, s2, s24, $0xb8;
	[tilespmem:$0x1C600] =	vst v63  }
0x29e: {  	s2 =	simm.s32 $0x1C000  }
0x29f: {  	[spmem:s4] =	stream.indirect.scatter.add.f32 [tilespmem:s28], [sflag:$0x11], $0x1, s2, s24, $0xb8;
	[tilespmem:$0x1C600] =	vst v63  }
0x2a0: {  	_ =	swait.ge [sflag:s29], $0x50  }
0x2a1: {  	[sflag:s29] =	ssyncset.done $0x0  }
0x2a2: {  	[sflag:s29] =	ssyncadd.s32 $0xFFFFFFB0  }
0x2a3: {  	_ =	swait.ge [sflag:s29], $0x50  }
0x2a4: {  	[sflag:s29] =	ssyncset.done $0x0  }
0x2a5: {  	[sflag:s29] =	ssyncadd.s32 $0xFFFFFFB0  }
0x2a6: {  	_ =	swait.ge [sflag:s29], $0x50  }
0x2a7: {  	[sflag:s29] =	ssyncset.done $0x0  }
0x2a8: {  	[sflag:s29] =	ssyncadd.s32 $0xFFFFFFB0  }
0x2a9: {  	_ =	swait.ge [sflag:s29], $0x50  }
0x2aa: {  	[sflag:s29] =	ssyncset.done $0x0  }
0x2ab: {  	[sflag:s29] =	ssyncadd.s32 $0xFFFFFFB0  }
0x2ac: {  	_ =	swait.ge [sflag:s29], $0x50  }
0x2ad: {  	[sflag:s29] =	ssyncset.done $0x0  }
0x2ae: {  	[sflag:s29] =	ssyncadd.s32 $0xFFFFFFB0  }
0x2af: {  	_ =	swait.ge [sflag:s29], $0x50  }
0x2b0: {  	[sflag:s29] =	ssyncset.done $0x0  }
0x2b1: {  	[sflag:s29] =	ssyncadd.s32 $0xFFFFFFB0  }
0x2b2: {  	_ =	swait.ge [sflag:s29], $0x50  }
0x2b3: {  	[sflag:s29] =	ssyncset.done $0x0  }
0x2b4: {  	[sflag:s29] =	ssyncadd.s32 $0xFFFFFFB0  }
0x2b5: {  	_ =	swait.ge [sflag:s29], $0x50  }
0x2b6: {  	[sflag:s29] =	ssyncset.done $0x0  }
0x2b7: {  	[sflag:s29] =	ssyncadd.s32 $0xFFFFFFB0  }
0x2b8: {  	_ =	swait.ge [sflag:s29], $0x50  }
0x2b9: {  	[sflag:s29] =	ssyncset.done $0x0  }
0x2ba: {  	[sflag:s29] =	ssyncadd.s32 $0xFFFFFFB0  }
0x2bb: {  	_ =	swait.ge [sflag:s29], $0x50  }
0x2bc: {  	[sflag:s29] =	ssyncset.done $0x0  }
0x2bd: {  	[sflag:s29] =	ssyncadd.s32 $0xFFFFFFB0  }
0x2be: {  	_ =	swait.ge [sflag:s29], $0x50  }
0x2bf: {  	[sflag:s29] =	ssyncset.done $0x0  }
0x2c0: {  	[sflag:s29] =	ssyncadd.s32 $0xFFFFFFB0  }
0x2c1: {  	_ =	swait.ge [sflag:s29], $0x50  }
0x2c2: {  	[sflag:s29] =	ssyncset.done $0x0  }
0x2c3: {  	[sflag:s29] =	ssyncadd.s32 $0xFFFFFFB0  }
0x2c4: {  	_ =	swait.ge [sflag:s29], $0x50  }
0x2c5: {  	[sflag:s29] =	ssyncset.done $0x0  }
0x2c6: {  	[sflag:s29] =	ssyncadd.s32 $0xFFFFFFB0  }
0x2c7: {  	_ =	swait.ge [sflag:s29], $0x50  }
0x2c8: {  	[sflag:s29] =	ssyncset.done $0x0  }
0x2c9: {  	[sflag:s29] =	ssyncadd.s32 $0xFFFFFFB0  }
0x2ca: {  	_ =	swait.ge [sflag:s29], $0x50  }
0x2cb: {  	[sflag:s29] =	ssyncset.done $0x0  }
0x2cc: {  	[sflag:s29] =	ssyncadd.s32 $0xFFFFFFB0  }
0x2cd: {  	_ =	swait.ge [sflag:s29], $0x50  }
0x2ce: {  	[sflag:s29] =	ssyncset.done $0x0  }
0x2cf: {  	[sflag:s29] =	ssyncadd.s32 $0xFFFFFFB0  }
0x2d0: {  	_ =	swait.ge [sflag:s29], $0x50  }
0x2d1: {  	[sflag:s29] =	ssyncset.done $0x0  }
0x2d2: {  	[sflag:s29] =	ssyncadd.s32 $0xFFFFFFB0  }
0x2d3: {  	_ =	swait.ge [sflag:s29], $0x50  }
0x2d4: {  	[sflag:s29] =	ssyncset.done $0x0  }
0x2d5: {  	[sflag:s29] =	ssyncadd.s32 $0xFFFFFFB0  }
0x2d6: {  	_ =	swait.ge [sflag:s29], $0x50  }
0x2d7: {  	[sflag:s29] =	ssyncset.done $0x0  }
0x2d8: {  	[sflag:s29] =	ssyncadd.s32 $0xFFFFFFB0  }
0x2d9: {  	_ =	swait.ge [sflag:s29], $0x50  }
0x2da: {  	[sflag:s29] =	ssyncset.done $0x0  }
0x2db: {  	[sflag:s29] =	ssyncadd.s32 $0xFFFFFFB0  }
0x2dc: {  	_ =	swait.ge [sflag:s29], $0x50  }
0x2dd: {  	[sflag:s29] =	ssyncset.done $0x0  }
0x2de: {  	[sflag:s29] =	ssyncadd.s32 $0xFFFFFFB0  }
0x2df: {  	_ =	swait.ge [sflag:s29], $0x50  }
0x2e0: {  	[sflag:s29] =	ssyncset.done $0x0  }
0x2e1: {  	[sflag:s29] =	ssyncadd.s32 $0xFFFFFFB0  }
0x2e2: {  	_ =	swait.ge [sflag:s29], $0x50  }
0x2e3: {  	[sflag:s29] =	ssyncset.done $0x0  }
0x2e4: {  	[sflag:s29] =	ssyncadd.s32 $0xFFFFFFB0  }
0x2e5: {  	_ =	swait.ge [sflag:s29], $0x50  }
0x2e6: {  	[sflag:s29] =	ssyncset.done $0x0  }
0x2e7: {  	[sflag:s29] =	ssyncadd.s32 $0xFFFFFFB0  }
0x2e8: {  	_ =	swait.ge [sflag:s29], $0x50  }
0x2e9: {  	[sflag:s29] =	ssyncset.done $0x0  }
0x2ea: {  	[sflag:s29] =	ssyncadd.s32 $0xFFFFFFB0  }
0x2eb: {  	_ =	swait.ge [sflag:s14], $0x7D0  }
0x2ec: {  	[sflag:s14] =	ssyncset.done $0x0  }
0x2ed: {  	s2 =	rddreg [dreg:$0xe];
	[sflag:s14] =	ssyncadd.s32 $0xFFFFF830  }
0x2ee: {  	[tilespmem:s5], [sflag:$0x10] =	stream.linear.gather [hbm4b:s2+s26], $0x7D0, $0x38;
	[tilespmem:$0x1C600] =	vst v63  }
0x2ef: {  	_ = 	snop  }
0x2f0: {  	[spmem:s4] =	stream.indirect.scatter.add.f32 [tilespmem:s28], [sflag:$0x11], $0x1, s11, s24, $0xb8;
	[tilespmem:$0x1C600] =	vst v63  }
0x2f1: {  	s2 =	simm.s32 $0x1B0D0  }
0x2f2: {  	[spmem:s4] =	stream.indirect.scatter.add.f32 [tilespmem:s28], [sflag:$0x11], $0x1, s2, s24, $0xb8;
	[tilespmem:$0x1C600] =	vst v63  }
0x2f3: {  	s2 =	simm.s32 $0x1B120  }
0x2f4: {  	[spmem:s4] =	stream.indirect.scatter.add.f32 [tilespmem:s28], [sflag:$0x11], $0x1, s2, s24, $0xb8;
	[tilespmem:$0x1C600] =	vst v63  }
0x2f5: {  	s2 =	simm.s32 $0x1B170  }
0x2f6: {  	[spmem:s4] =	stream.indirect.scatter.add.f32 [tilespmem:s28], [sflag:$0x11], $0x1, s2, s24, $0xb8;
	[tilespmem:$0x1C600] =	vst v63  }
0x2f7: {  	s2 =	simm.s32 $0x1B1C0  }
0x2f8: {  	[spmem:s4] =	stream.indirect.scatter.add.f32 [tilespmem:s28], [sflag:$0x11], $0x1, s2, s24, $0xb8;
	[tilespmem:$0x1C600] =	vst v63  }
0x2f9: {  	s2 =	simm.s32 $0x1B210  }
0x2fa: {  	[spmem:s4] =	stream.indirect.scatter.add.f32 [tilespmem:s28], [sflag:$0x11], $0x1, s2, s24, $0xb8;
	[tilespmem:$0x1C600] =	vst v63  }
0x2fb: {  	s2 =	simm.s32 $0x1B260  }
0x2fc: {  	[spmem:s4] =	stream.indirect.scatter.add.f32 [tilespmem:s28], [sflag:$0x11], $0x1, s2, s24, $0xb8;
	[tilespmem:$0x1C600] =	vst v63  }
0x2fd: {  	s2 =	simm.s32 $0x1B2B0  }
0x2fe: {  	[spmem:s4] =	stream.indirect.scatter.add.f32 [tilespmem:s28], [sflag:$0x11], $0x1, s2, s24, $0xb8;
	[tilespmem:$0x1C600] =	vst v63  }
0x2ff: {  	s2 =	simm.s32 $0x1B300  }
0x300: {  	[spmem:s4] =	stream.indirect.scatter.add.f32 [tilespmem:s28], [sflag:$0x11], $0x1, s2, s24, $0xb8;
	[tilespmem:$0x1C600] =	vst v63  }
0x301: {  	s2 =	simm.s32 $0x1B350  }
0x302: {  	[spmem:s4] =	stream.indirect.scatter.add.f32 [tilespmem:s28], [sflag:$0x11], $0x1, s2, s24, $0xb8;
	[tilespmem:$0x1C600] =	vst v63  }
0x303: {  	s2 =	simm.s32 $0x1B3A0  }
0x304: {  	[spmem:s4] =	stream.indirect.scatter.add.f32 [tilespmem:s28], [sflag:$0x11], $0x1, s2, s24, $0xb8;
	[tilespmem:$0x1C600] =	vst v63  }
0x305: {  	s2 =	simm.s32 $0x1B3F0  }
0x306: {  	[spmem:s4] =	stream.indirect.scatter.add.f32 [tilespmem:s28], [sflag:$0x11], $0x1, s2, s24, $0xb8;
	[tilespmem:$0x1C600] =	vst v63  }
0x307: {  	s2 =	simm.s32 $0x1B440  }
0x308: {  	[spmem:s4] =	stream.indirect.scatter.add.f32 [tilespmem:s28], [sflag:$0x11], $0x1, s2, s24, $0xb8;
	[tilespmem:$0x1C600] =	vst v63  }
0x309: {  	s2 =	simm.s32 $0x1B490  }
0x30a: {  	[spmem:s4] =	stream.indirect.scatter.add.f32 [tilespmem:s28], [sflag:$0x11], $0x1, s2, s24, $0xb8;
	[tilespmem:$0x1C600] =	vst v63  }
0x30b: {  	s2 =	simm.s32 $0x1B4E0  }
0x30c: {  	[spmem:s4] =	stream.indirect.scatter.add.f32 [tilespmem:s28], [sflag:$0x11], $0x1, s2, s24, $0xb8;
	[tilespmem:$0x1C600] =	vst v63  }
0x30d: {  	s2 =	simm.s32 $0x1B530  }
0x30e: {  	[spmem:s4] =	stream.indirect.scatter.add.f32 [tilespmem:s28], [sflag:$0x11], $0x1, s2, s24, $0xb8;
	[tilespmem:$0x1C600] =	vst v63  }
0x30f: {  	s2 =	simm.s32 $0x1B580  }
0x310: {  	[spmem:s4] =	stream.indirect.scatter.add.f32 [tilespmem:s28], [sflag:$0x11], $0x1, s2, s24, $0xb8;
	[tilespmem:$0x1C600] =	vst v63  }
0x311: {  	s2 =	simm.s32 $0x1B5D0  }
0x312: {  	[spmem:s4] =	stream.indirect.scatter.add.f32 [tilespmem:s28], [sflag:$0x11], $0x1, s2, s24, $0xb8;
	[tilespmem:$0x1C600] =	vst v63  }
0x313: {  	s2 =	simm.s32 $0x1B620  }
0x314: {  	[spmem:s4] =	stream.indirect.scatter.add.f32 [tilespmem:s28], [sflag:$0x11], $0x1, s2, s24, $0xb8;
	[tilespmem:$0x1C600] =	vst v63  }
0x315: {  	s2 =	simm.s32 $0x1B670  }
0x316: {  	[spmem:s4] =	stream.indirect.scatter.add.f32 [tilespmem:s28], [sflag:$0x11], $0x1, s2, s24, $0xb8;
	[tilespmem:$0x1C600] =	vst v63  }
0x317: {  	s2 =	simm.s32 $0x1B6C0  }
0x318: {  	[spmem:s4] =	stream.indirect.scatter.add.f32 [tilespmem:s28], [sflag:$0x11], $0x1, s2, s24, $0xb8;
	[tilespmem:$0x1C600] =	vst v63  }
0x319: {  	s2 =	simm.s32 $0x1B710  }
0x31a: {  	[spmem:s4] =	stream.indirect.scatter.add.f32 [tilespmem:s28], [sflag:$0x11], $0x1, s2, s24, $0xb8;
	[tilespmem:$0x1C600] =	vst v63  }
0x31b: {  	s2 =	simm.s32 $0x1B760  }
0x31c: {  	[spmem:s4] =	stream.indirect.scatter.add.f32 [tilespmem:s28], [sflag:$0x11], $0x1, s2, s24, $0xb8;
	[tilespmem:$0x1C600] =	vst v63  }
0x31d: {  	s2 =	simm.s32 $0x1B7B0  }
0x31e: {  	[spmem:s4] =	stream.indirect.scatter.add.f32 [tilespmem:s28], [sflag:$0x11], $0x1, s2, s24, $0xb8;
	[tilespmem:$0x1C600] =	vst v63  }
0x31f: {  	s13 =	simm.s32 $0x1B800  }
0x320: {  	[spmem:s4] =	stream.indirect.scatter.add.f32 [tilespmem:s28], [sflag:$0x11], $0x1, s13, s24, $0xb8;
	[tilespmem:$0x1C600] =	vst v63  }
0x321: {  	_ =	swait.ge [sflag:s29], $0x50  }
0x322: {  	[sflag:s29] =	ssyncset.done $0x0  }
0x323: {  	[sflag:s29] =	ssyncadd.s32 $0xFFFFFFB0  }
0x324: {  	_ =	swait.ge [sflag:s29], $0x50  }
0x325: {  	[sflag:s29] =	ssyncset.done $0x0  }
0x326: {  	[sflag:s29] =	ssyncadd.s32 $0xFFFFFFB0  }
0x327: {  	_ =	swait.ge [sflag:s29], $0x50  }
0x328: {  	[sflag:s29] =	ssyncset.done $0x0  }
0x329: {  	[sflag:s29] =	ssyncadd.s32 $0xFFFFFFB0  }
0x32a: {  	_ =	swait.ge [sflag:s29], $0x50  }
0x32b: {  	[sflag:s29] =	ssyncset.done $0x0  }
0x32c: {  	[sflag:s29] =	ssyncadd.s32 $0xFFFFFFB0  }
0x32d: {  	_ =	swait.ge [sflag:s29], $0x50  }
0x32e: {  	[sflag:s29] =	ssyncset.done $0x0  }
0x32f: {  	[sflag:s29] =	ssyncadd.s32 $0xFFFFFFB0  }
0x330: {  	_ =	swait.ge [sflag:s29], $0x50  }
0x331: {  	[sflag:s29] =	ssyncset.done $0x0  }
0x332: {  	[sflag:s29] =	ssyncadd.s32 $0xFFFFFFB0  }
0x333: {  	_ =	swait.ge [sflag:s29], $0x50  }
0x334: {  	[sflag:s29] =	ssyncset.done $0x0  }
0x335: {  	[sflag:s29] =	ssyncadd.s32 $0xFFFFFFB0  }
0x336: {  	_ =	swait.ge [sflag:s29], $0x50  }
0x337: {  	[sflag:s29] =	ssyncset.done $0x0  }
0x338: {  	[sflag:s29] =	ssyncadd.s32 $0xFFFFFFB0  }
0x339: {  	_ =	swait.ge [sflag:s29], $0x50  }
0x33a: {  	[sflag:s29] =	ssyncset.done $0x0  }
0x33b: {  	[sflag:s29] =	ssyncadd.s32 $0xFFFFFFB0  }
0x33c: {  	_ =	swait.ge [sflag:s29], $0x50  }
0x33d: {  	[sflag:s29] =	ssyncset.done $0x0  }
0x33e: {  	[sflag:s29] =	ssyncadd.s32 $0xFFFFFFB0  }
0x33f: {  	_ =	swait.ge [sflag:s29], $0x50  }
0x340: {  	[sflag:s29] =	ssyncset.done $0x0  }
0x341: {  	[sflag:s29] =	ssyncadd.s32 $0xFFFFFFB0  }
0x342: {  	_ =	swait.ge [sflag:s29], $0x50  }
0x343: {  	[sflag:s29] =	ssyncset.done $0x0  }
0x344: {  	[sflag:s29] =	ssyncadd.s32 $0xFFFFFFB0  }
0x345: {  	_ =	swait.ge [sflag:s29], $0x50  }
0x346: {  	[sflag:s29] =	ssyncset.done $0x0  }
0x347: {  	[sflag:s29] =	ssyncadd.s32 $0xFFFFFFB0  }
0x348: {  	_ =	swait.ge [sflag:s29], $0x50  }
0x349: {  	[sflag:s29] =	ssyncset.done $0x0  }
0x34a: {  	[sflag:s29] =	ssyncadd.s32 $0xFFFFFFB0  }
0x34b: {  	_ =	swait.ge [sflag:s29], $0x50  }
0x34c: {  	[sflag:s29] =	ssyncset.done $0x0  }
0x34d: {  	[sflag:s29] =	ssyncadd.s32 $0xFFFFFFB0  }
0x34e: {  	_ =	swait.ge [sflag:s29], $0x50  }
0x34f: {  	[sflag:s29] =	ssyncset.done $0x0  }
0x350: {  	[sflag:s29] =	ssyncadd.s32 $0xFFFFFFB0  }
0x351: {  	_ =	swait.ge [sflag:s29], $0x50  }
0x352: {  	[sflag:s29] =	ssyncset.done $0x0  }
0x353: {  	[sflag:s29] =	ssyncadd.s32 $0xFFFFFFB0  }
0x354: {  	_ =	swait.ge [sflag:s29], $0x50  }
0x355: {  	[sflag:s29] =	ssyncset.done $0x0  }
0x356: {  	[sflag:s29] =	ssyncadd.s32 $0xFFFFFFB0  }
0x357: {  	_ =	swait.ge [sflag:s29], $0x50  }
0x358: {  	[sflag:s29] =	ssyncset.done $0x0  }
0x359: {  	[sflag:s29] =	ssyncadd.s32 $0xFFFFFFB0  }
0x35a: {  	_ =	swait.ge [sflag:s29], $0x50  }
0x35b: {  	[sflag:s29] =	ssyncset.done $0x0  }
0x35c: {  	[sflag:s29] =	ssyncadd.s32 $0xFFFFFFB0  }
0x35d: {  	_ =	swait.ge [sflag:s29], $0x50  }
0x35e: {  	[sflag:s29] =	ssyncset.done $0x0  }
0x35f: {  	[sflag:s29] =	ssyncadd.s32 $0xFFFFFFB0  }
0x360: {  	_ =	swait.ge [sflag:s29], $0x50  }
0x361: {  	[sflag:s29] =	ssyncset.done $0x0  }
0x362: {  	[sflag:s29] =	ssyncadd.s32 $0xFFFFFFB0  }
0x363: {  	_ =	swait.ge [sflag:s29], $0x50  }
0x364: {  	[sflag:s29] =	ssyncset.done $0x0  }
0x365: {  	[sflag:s29] =	ssyncadd.s32 $0xFFFFFFB0  }
0x366: {  	_ =	swait.ge [sflag:s29], $0x50  }
0x367: {  	[sflag:s29] =	ssyncset.done $0x0  }
0x368: {  	[sflag:s29] =	ssyncadd.s32 $0xFFFFFFB0  }
0x369: {  	_ =	swait.ge [sflag:s29], $0x50  }
0x36a: {  	[sflag:s29] =	ssyncset.done $0x0  }
0x36b: {  	[sflag:s29] =	ssyncadd.s32 $0xFFFFFFB0  }
0x36c: {  	_ =	swait.ge [sflag:s10], $0x7D0  }
0x36d: {  	[sflag:s10] =	ssyncset.done $0x0  }
0x36e: {  	s2 =	rddreg [dreg:$0xf];
	[sflag:s10] =	ssyncadd.s32 $0xFFFFF830  }
0x36f: {  	[tilespmem:s11], [sflag:$0xF] =	stream.linear.gather [hbm4b:s2+s26], $0x7D0, $0x38;
	[tilespmem:$0x1C600] =	vst v63  }
0x370: {  	_ = 	snop  }
0x371: {  	[spmem:s4] =	stream.indirect.scatter.add.f32 [tilespmem:s28], [sflag:$0x11], $0x1, s5, s24, $0xb8;
	[tilespmem:$0x1C600] =	vst v63  }
0x372: {  	s2 =	simm.s32 $0x1B8D0  }
0x373: {  	[spmem:s4] =	stream.indirect.scatter.add.f32 [tilespmem:s28], [sflag:$0x11], $0x1, s2, s24, $0xb8;
	[tilespmem:$0x1C600] =	vst v63  }
0x374: {  	s2 =	simm.s32 $0x1B920  }
0x375: {  	[spmem:s4] =	stream.indirect.scatter.add.f32 [tilespmem:s28], [sflag:$0x11], $0x1, s2, s24, $0xb8;
	[tilespmem:$0x1C600] =	vst v63  }
0x376: {  	s2 =	simm.s32 $0x1B970  }
0x377: {  	[spmem:s4] =	stream.indirect.scatter.add.f32 [tilespmem:s28], [sflag:$0x11], $0x1, s2, s24, $0xb8;
	[tilespmem:$0x1C600] =	vst v63  }
0x378: {  	s2 =	simm.s32 $0x1B9C0  }
0x379: {  	[spmem:s4] =	stream.indirect.scatter.add.f32 [tilespmem:s28], [sflag:$0x11], $0x1, s2, s24, $0xb8;
	[tilespmem:$0x1C600] =	vst v63  }
0x37a: {  	s2 =	simm.s32 $0x1BA10  }
0x37b: {  	[spmem:s4] =	stream.indirect.scatter.add.f32 [tilespmem:s28], [sflag:$0x11], $0x1, s2, s24, $0xb8;
	[tilespmem:$0x1C600] =	vst v63  }
0x37c: {  	s2 =	simm.s32 $0x1BA60  }
0x37d: {  	[spmem:s4] =	stream.indirect.scatter.add.f32 [tilespmem:s28], [sflag:$0x11], $0x1, s2, s24, $0xb8;
	[tilespmem:$0x1C600] =	vst v63  }
0x37e: {  	s2 =	simm.s32 $0x1BAB0  }
0x37f: {  	[spmem:s4] =	stream.indirect.scatter.add.f32 [tilespmem:s28], [sflag:$0x11], $0x1, s2, s24, $0xb8;
	[tilespmem:$0x1C600] =	vst v63  }
0x380: {  	s2 =	simm.s32 $0x1BB00  }
0x381: {  	[spmem:s4] =	stream.indirect.scatter.add.f32 [tilespmem:s28], [sflag:$0x11], $0x1, s2, s24, $0xb8;
	[tilespmem:$0x1C600] =	vst v63  }
0x382: {  	s2 =	simm.s32 $0x1BB50  }
0x383: {  	[spmem:s4] =	stream.indirect.scatter.add.f32 [tilespmem:s28], [sflag:$0x11], $0x1, s2, s24, $0xb8;
	[tilespmem:$0x1C600] =	vst v63  }
0x384: {  	s2 =	simm.s32 $0x1BBA0  }
0x385: {  	[spmem:s4] =	stream.indirect.scatter.add.f32 [tilespmem:s28], [sflag:$0x11], $0x1, s2, s24, $0xb8;
	[tilespmem:$0x1C600] =	vst v63  }
0x386: {  	s2 =	simm.s32 $0x1BBF0  }
0x387: {  	[spmem:s4] =	stream.indirect.scatter.add.f32 [tilespmem:s28], [sflag:$0x11], $0x1, s2, s24, $0xb8;
	[tilespmem:$0x1C600] =	vst v63  }
0x388: {  	s2 =	simm.s32 $0x1BC40  }
0x389: {  	[spmem:s4] =	stream.indirect.scatter.add.f32 [tilespmem:s28], [sflag:$0x11], $0x1, s2, s24, $0xb8;
	[tilespmem:$0x1C600] =	vst v63  }
0x38a: {  	s2 =	simm.s32 $0x1BC90  }
0x38b: {  	[spmem:s4] =	stream.indirect.scatter.add.f32 [tilespmem:s28], [sflag:$0x11], $0x1, s2, s24, $0xb8;
	[tilespmem:$0x1C600] =	vst v63  }
0x38c: {  	s2 =	simm.s32 $0x1BCE0  }
0x38d: {  	[spmem:s4] =	stream.indirect.scatter.add.f32 [tilespmem:s28], [sflag:$0x11], $0x1, s2, s24, $0xb8;
	[tilespmem:$0x1C600] =	vst v63  }
0x38e: {  	s2 =	simm.s32 $0x1BD30  }
0x38f: {  	[spmem:s4] =	stream.indirect.scatter.add.f32 [tilespmem:s28], [sflag:$0x11], $0x1, s2, s24, $0xb8;
	[tilespmem:$0x1C600] =	vst v63  }
0x390: {  	s2 =	simm.s32 $0x1BD80  }
0x391: {  	[spmem:s4] =	stream.indirect.scatter.add.f32 [tilespmem:s28], [sflag:$0x11], $0x1, s2, s24, $0xb8;
	[tilespmem:$0x1C600] =	vst v63  }
0x392: {  	s2 =	simm.s32 $0x1BDD0  }
0x393: {  	[spmem:s4] =	stream.indirect.scatter.add.f32 [tilespmem:s28], [sflag:$0x11], $0x1, s2, s24, $0xb8;
	[tilespmem:$0x1C600] =	vst v63  }
0x394: {  	s2 =	simm.s32 $0x1BE20  }
0x395: {  	[spmem:s4] =	stream.indirect.scatter.add.f32 [tilespmem:s28], [sflag:$0x11], $0x1, s2, s24, $0xb8;
	[tilespmem:$0x1C600] =	vst v63  }
0x396: {  	s2 =	simm.s32 $0x1BE70  }
0x397: {  	[spmem:s4] =	stream.indirect.scatter.add.f32 [tilespmem:s28], [sflag:$0x11], $0x1, s2, s24, $0xb8;
	[tilespmem:$0x1C600] =	vst v63  }
0x398: {  	s2 =	simm.s32 $0x1BEC0  }
0x399: {  	[spmem:s4] =	stream.indirect.scatter.add.f32 [tilespmem:s28], [sflag:$0x11], $0x1, s2, s24, $0xb8;
	[tilespmem:$0x1C600] =	vst v63  }
0x39a: {  	s2 =	simm.s32 $0x1BF10  }
0x39b: {  	[spmem:s4] =	stream.indirect.scatter.add.f32 [tilespmem:s28], [sflag:$0x11], $0x1, s2, s24, $0xb8;
	[tilespmem:$0x1C600] =	vst v63  }
0x39c: {  	s2 =	simm.s32 $0x1BF60  }
0x39d: {  	[spmem:s4] =	stream.indirect.scatter.add.f32 [tilespmem:s28], [sflag:$0x11], $0x1, s2, s24, $0xb8;
	[tilespmem:$0x1C600] =	vst v63  }
0x39e: {  	s2 =	simm.s32 $0x1BFB0  }
0x39f: {  	[spmem:s4] =	stream.indirect.scatter.add.f32 [tilespmem:s28], [sflag:$0x11], $0x1, s2, s24, $0xb8;
	[tilespmem:$0x1C600] =	vst v63  }
0x3a0: {  	s2 =	simm.s32 $0x1C000  }
0x3a1: {  	[spmem:s4] =	stream.indirect.scatter.add.f32 [tilespmem:s28], [sflag:$0x11], $0x1, s2, s24, $0xb8;
	[tilespmem:$0x1C600] =	vst v63  }
0x3a2: {  	_ =	swait.ge [sflag:s29], $0x50  }
0x3a3: {  	[sflag:s29] =	ssyncset.done $0x0  }
0x3a4: {  	[sflag:s29] =	ssyncadd.s32 $0xFFFFFFB0  }
0x3a5: {  	_ =	swait.ge [sflag:s29], $0x50  }
0x3a6: {  	[sflag:s29] =	ssyncset.done $0x0  }
0x3a7: {  	[sflag:s29] =	ssyncadd.s32 $0xFFFFFFB0  }
0x3a8: {  	_ =	swait.ge [sflag:s29], $0x50  }
0x3a9: {  	[sflag:s29] =	ssyncset.done $0x0  }
0x3aa: {  	[sflag:s29] =	ssyncadd.s32 $0xFFFFFFB0  }
0x3ab: {  	_ =	swait.ge [sflag:s29], $0x50  }
0x3ac: {  	[sflag:s29] =	ssyncset.done $0x0  }
0x3ad: {  	[sflag:s29] =	ssyncadd.s32 $0xFFFFFFB0  }
0x3ae: {  	_ =	swait.ge [sflag:s29], $0x50  }
0x3af: {  	[sflag:s29] =	ssyncset.done $0x0  }
0x3b0: {  	[sflag:s29] =	ssyncadd.s32 $0xFFFFFFB0  }
0x3b1: {  	_ =	swait.ge [sflag:s29], $0x50  }
0x3b2: {  	[sflag:s29] =	ssyncset.done $0x0  }
0x3b3: {  	[sflag:s29] =	ssyncadd.s32 $0xFFFFFFB0  }
0x3b4: {  	_ =	swait.ge [sflag:s29], $0x50  }
0x3b5: {  	[sflag:s29] =	ssyncset.done $0x0  }
0x3b6: {  	[sflag:s29] =	ssyncadd.s32 $0xFFFFFFB0  }
0x3b7: {  	_ =	swait.ge [sflag:s29], $0x50  }
0x3b8: {  	[sflag:s29] =	ssyncset.done $0x0  }
0x3b9: {  	[sflag:s29] =	ssyncadd.s32 $0xFFFFFFB0  }
0x3ba: {  	_ =	swait.ge [sflag:s29], $0x50  }
0x3bb: {  	[sflag:s29] =	ssyncset.done $0x0  }
0x3bc: {  	[sflag:s29] =	ssyncadd.s32 $0xFFFFFFB0  }
0x3bd: {  	_ =	swait.ge [sflag:s29], $0x50  }
0x3be: {  	[sflag:s29] =	ssyncset.done $0x0  }
0x3bf: {  	[sflag:s29] =	ssyncadd.s32 $0xFFFFFFB0  }
0x3c0: {  	_ =	swait.ge [sflag:s29], $0x50  }
0x3c1: {  	[sflag:s29] =	ssyncset.done $0x0  }
0x3c2: {  	[sflag:s29] =	ssyncadd.s32 $0xFFFFFFB0  }
0x3c3: {  	_ =	swait.ge [sflag:s29], $0x50  }
0x3c4: {  	[sflag:s29] =	ssyncset.done $0x0  }
0x3c5: {  	[sflag:s29] =	ssyncadd.s32 $0xFFFFFFB0  }
0x3c6: {  	_ =	swait.ge [sflag:s29], $0x50  }
0x3c7: {  	[sflag:s29] =	ssyncset.done $0x0  }
0x3c8: {  	[sflag:s29] =	ssyncadd.s32 $0xFFFFFFB0  }
0x3c9: {  	_ =	swait.ge [sflag:s29], $0x50  }
0x3ca: {  	[sflag:s29] =	ssyncset.done $0x0  }
0x3cb: {  	[sflag:s29] =	ssyncadd.s32 $0xFFFFFFB0  }
0x3cc: {  	_ =	swait.ge [sflag:s29], $0x50  }
0x3cd: {  	[sflag:s29] =	ssyncset.done $0x0  }
0x3ce: {  	[sflag:s29] =	ssyncadd.s32 $0xFFFFFFB0  }
0x3cf: {  	_ =	swait.ge [sflag:s29], $0x50  }
0x3d0: {  	[sflag:s29] =	ssyncset.done $0x0  }
0x3d1: {  	[sflag:s29] =	ssyncadd.s32 $0xFFFFFFB0  }
0x3d2: {  	_ =	swait.ge [sflag:s29], $0x50  }
0x3d3: {  	[sflag:s29] =	ssyncset.done $0x0  }
0x3d4: {  	[sflag:s29] =	ssyncadd.s32 $0xFFFFFFB0  }
0x3d5: {  	_ =	swait.ge [sflag:s29], $0x50  }
0x3d6: {  	[sflag:s29] =	ssyncset.done $0x0  }
0x3d7: {  	[sflag:s29] =	ssyncadd.s32 $0xFFFFFFB0  }
0x3d8: {  	_ =	swait.ge [sflag:s29], $0x50  }
0x3d9: {  	[sflag:s29] =	ssyncset.done $0x0  }
0x3da: {  	[sflag:s29] =	ssyncadd.s32 $0xFFFFFFB0  }
0x3db: {  	_ =	swait.ge [sflag:s29], $0x50  }
0x3dc: {  	[sflag:s29] =	ssyncset.done $0x0  }
0x3dd: {  	[sflag:s29] =	ssyncadd.s32 $0xFFFFFFB0  }
0x3de: {  	_ =	swait.ge [sflag:s29], $0x50  }
0x3df: {  	[sflag:s29] =	ssyncset.done $0x0  }
0x3e0: {  	[sflag:s29] =	ssyncadd.s32 $0xFFFFFFB0  }
0x3e1: {  	_ =	swait.ge [sflag:s29], $0x50  }
0x3e2: {  	[sflag:s29] =	ssyncset.done $0x0  }
0x3e3: {  	[sflag:s29] =	ssyncadd.s32 $0xFFFFFFB0  }
0x3e4: {  	_ =	swait.ge [sflag:s29], $0x50  }
0x3e5: {  	[sflag:s29] =	ssyncset.done $0x0  }
0x3e6: {  	[sflag:s29] =	ssyncadd.s32 $0xFFFFFFB0  }
0x3e7: {  	_ =	swait.ge [sflag:s29], $0x50  }
0x3e8: {  	[sflag:s29] =	ssyncset.done $0x0  }
0x3e9: {  	[sflag:s29] =	ssyncadd.s32 $0xFFFFFFB0  }
0x3ea: {  	_ =	swait.ge [sflag:s29], $0x50  }
0x3eb: {  	[sflag:s29] =	ssyncset.done $0x0  }
0x3ec: {  	[sflag:s29] =	ssyncadd.s32 $0xFFFFFFB0  }
0x3ed: {  	_ =	swait.ge [sflag:s14], $0x7D0  }
0x3ee: {  	[sflag:s14] =	ssyncset.done $0x0  }
0x3ef: {  	s2 =	rddreg [dreg:$0x10];
	[sflag:s14] =	ssyncadd.s32 $0xFFFFF830  }
0x3f0: {  	[tilespmem:s5], [sflag:$0x10] =	stream.linear.gather [hbm4b:s2+s26], $0x7D0, $0x38;
	[tilespmem:$0x1C600] =	vst v63  }
0x3f1: {  	_ = 	snop  }
0x3f2: {  	[spmem:s4] =	stream.indirect.scatter.add.f32 [tilespmem:s28], [sflag:$0x11], $0x1, s11, s24, $0xb8;
	[tilespmem:$0x1C600] =	vst v63  }
0x3f3: {  	s2 =	simm.s32 $0x1B0D0  }
0x3f4: {  	[spmem:s4] =	stream.indirect.scatter.add.f32 [tilespmem:s28], [sflag:$0x11], $0x1, s2, s24, $0xb8;
	[tilespmem:$0x1C600] =	vst v63  }
0x3f5: {  	s2 =	simm.s32 $0x1B120  }
0x3f6: {  	[spmem:s4] =	stream.indirect.scatter.add.f32 [tilespmem:s28], [sflag:$0x11], $0x1, s2, s24, $0xb8;
	[tilespmem:$0x1C600] =	vst v63  }
0x3f7: {  	s2 =	simm.s32 $0x1B170  }
0x3f8: {  	[spmem:s4] =	stream.indirect.scatter.add.f32 [tilespmem:s28], [sflag:$0x11], $0x1, s2, s24, $0xb8;
	[tilespmem:$0x1C600] =	vst v63  }
0x3f9: {  	s2 =	simm.s32 $0x1B1C0  }
0x3fa: {  	[spmem:s4] =	stream.indirect.scatter.add.f32 [tilespmem:s28], [sflag:$0x11], $0x1, s2, s24, $0xb8;
	[tilespmem:$0x1C600] =	vst v63  }
0x3fb: {  	s2 =	simm.s32 $0x1B210  }
0x3fc: {  	[spmem:s4] =	stream.indirect.scatter.add.f32 [tilespmem:s28], [sflag:$0x11], $0x1, s2, s24, $0xb8;
	[tilespmem:$0x1C600] =	vst v63  }
0x3fd: {  	s2 =	simm.s32 $0x1B260  }
0x3fe: {  	[spmem:s4] =	stream.indirect.scatter.add.f32 [tilespmem:s28], [sflag:$0x11], $0x1, s2, s24, $0xb8;
	[tilespmem:$0x1C600] =	vst v63  }
0x3ff: {  	s2 =	simm.s32 $0x1B2B0  }
0x400: {  	[spmem:s4] =	stream.indirect.scatter.add.f32 [tilespmem:s28], [sflag:$0x11], $0x1, s2, s24, $0xb8;
	[tilespmem:$0x1C600] =	vst v63  }
0x401: {  	s2 =	simm.s32 $0x1B300  }
0x402: {  	[spmem:s4] =	stream.indirect.scatter.add.f32 [tilespmem:s28], [sflag:$0x11], $0x1, s2, s24, $0xb8;
	[tilespmem:$0x1C600] =	vst v63  }
0x403: {  	s2 =	simm.s32 $0x1B350  }
0x404: {  	[spmem:s4] =	stream.indirect.scatter.add.f32 [tilespmem:s28], [sflag:$0x11], $0x1, s2, s24, $0xb8;
	[tilespmem:$0x1C600] =	vst v63  }
0x405: {  	s2 =	simm.s32 $0x1B3A0  }
0x406: {  	[spmem:s4] =	stream.indirect.scatter.add.f32 [tilespmem:s28], [sflag:$0x11], $0x1, s2, s24, $0xb8;
	[tilespmem:$0x1C600] =	vst v63  }
0x407: {  	s2 =	simm.s32 $0x1B3F0  }
0x408: {  	[spmem:s4] =	stream.indirect.scatter.add.f32 [tilespmem:s28], [sflag:$0x11], $0x1, s2, s24, $0xb8;
	[tilespmem:$0x1C600] =	vst v63  }
0x409: {  	s2 =	simm.s32 $0x1B440  }
0x40a: {  	[spmem:s4] =	stream.indirect.scatter.add.f32 [tilespmem:s28], [sflag:$0x11], $0x1, s2, s24, $0xb8;
	[tilespmem:$0x1C600] =	vst v63  }
0x40b: {  	s2 =	simm.s32 $0x1B490  }
0x40c: {  	[spmem:s4] =	stream.indirect.scatter.add.f32 [tilespmem:s28], [sflag:$0x11], $0x1, s2, s24, $0xb8;
	[tilespmem:$0x1C600] =	vst v63  }
0x40d: {  	s2 =	simm.s32 $0x1B4E0  }
0x40e: {  	[spmem:s4] =	stream.indirect.scatter.add.f32 [tilespmem:s28], [sflag:$0x11], $0x1, s2, s24, $0xb8;
	[tilespmem:$0x1C600] =	vst v63  }
0x40f: {  	s2 =	simm.s32 $0x1B530  }
0x410: {  	[spmem:s4] =	stream.indirect.scatter.add.f32 [tilespmem:s28], [sflag:$0x11], $0x1, s2, s24, $0xb8;
	[tilespmem:$0x1C600] =	vst v63  }
0x411: {  	s2 =	simm.s32 $0x1B580  }
0x412: {  	[spmem:s4] =	stream.indirect.scatter.add.f32 [tilespmem:s28], [sflag:$0x11], $0x1, s2, s24, $0xb8;
	[tilespmem:$0x1C600] =	vst v63  }
0x413: {  	s2 =	simm.s32 $0x1B5D0  }
0x414: {  	[spmem:s4] =	stream.indirect.scatter.add.f32 [tilespmem:s28], [sflag:$0x11], $0x1, s2, s24, $0xb8;
	[tilespmem:$0x1C600] =	vst v63  }
0x415: {  	s2 =	simm.s32 $0x1B620  }
0x416: {  	[spmem:s4] =	stream.indirect.scatter.add.f32 [tilespmem:s28], [sflag:$0x11], $0x1, s2, s24, $0xb8;
	[tilespmem:$0x1C600] =	vst v63  }
0x417: {  	s2 =	simm.s32 $0x1B670  }
0x418: {  	[spmem:s4] =	stream.indirect.scatter.add.f32 [tilespmem:s28], [sflag:$0x11], $0x1, s2, s24, $0xb8;
	[tilespmem:$0x1C600] =	vst v63  }
0x419: {  	s2 =	simm.s32 $0x1B6C0  }
0x41a: {  	[spmem:s4] =	stream.indirect.scatter.add.f32 [tilespmem:s28], [sflag:$0x11], $0x1, s2, s24, $0xb8;
	[tilespmem:$0x1C600] =	vst v63  }
0x41b: {  	s2 =	simm.s32 $0x1B710  }
0x41c: {  	[spmem:s4] =	stream.indirect.scatter.add.f32 [tilespmem:s28], [sflag:$0x11], $0x1, s2, s24, $0xb8;
	[tilespmem:$0x1C600] =	vst v63  }
0x41d: {  	s2 =	simm.s32 $0x1B760  }
0x41e: {  	[spmem:s4] =	stream.indirect.scatter.add.f32 [tilespmem:s28], [sflag:$0x11], $0x1, s2, s24, $0xb8;
	[tilespmem:$0x1C600] =	vst v63  }
0x41f: {  	s2 =	simm.s32 $0x1B7B0  }
0x420: {  	[spmem:s4] =	stream.indirect.scatter.add.f32 [tilespmem:s28], [sflag:$0x11], $0x1, s2, s24, $0xb8;
	[tilespmem:$0x1C600] =	vst v63  }
0x421: {  	s13 =	simm.s32 $0x1B800  }
0x422: {  	[spmem:s4] =	stream.indirect.scatter.add.f32 [tilespmem:s28], [sflag:$0x11], $0x1, s13, s24, $0xb8;
	[tilespmem:$0x1C600] =	vst v63  }
0x423: {  	_ =	swait.ge [sflag:s29], $0x50  }
0x424: {  	[sflag:s29] =	ssyncset.done $0x0  }
0x425: {  	[sflag:s29] =	ssyncadd.s32 $0xFFFFFFB0  }
0x426: {  	_ =	swait.ge [sflag:s29], $0x50  }
0x427: {  	[sflag:s29] =	ssyncset.done $0x0  }
0x428: {  	[sflag:s29] =	ssyncadd.s32 $0xFFFFFFB0  }
0x429: {  	_ =	swait.ge [sflag:s29], $0x50  }
0x42a: {  	[sflag:s29] =	ssyncset.done $0x0  }
0x42b: {  	[sflag:s29] =	ssyncadd.s32 $0xFFFFFFB0  }
0x42c: {  	_ =	swait.ge [sflag:s29], $0x50  }
0x42d: {  	[sflag:s29] =	ssyncset.done $0x0  }
0x42e: {  	[sflag:s29] =	ssyncadd.s32 $0xFFFFFFB0  }
0x42f: {  	_ =	swait.ge [sflag:s29], $0x50  }
0x430: {  	[sflag:s29] =	ssyncset.done $0x0  }
0x431: {  	[sflag:s29] =	ssyncadd.s32 $0xFFFFFFB0  }
0x432: {  	_ =	swait.ge [sflag:s29], $0x50  }
0x433: {  	[sflag:s29] =	ssyncset.done $0x0  }
0x434: {  	[sflag:s29] =	ssyncadd.s32 $0xFFFFFFB0  }
0x435: {  	_ =	swait.ge [sflag:s29], $0x50  }
0x436: {  	[sflag:s29] =	ssyncset.done $0x0  }
0x437: {  	[sflag:s29] =	ssyncadd.s32 $0xFFFFFFB0  }
0x438: {  	_ =	swait.ge [sflag:s29], $0x50  }
0x439: {  	[sflag:s29] =	ssyncset.done $0x0  }
0x43a: {  	[sflag:s29] =	ssyncadd.s32 $0xFFFFFFB0  }
0x43b: {  	_ =	swait.ge [sflag:s29], $0x50  }
0x43c: {  	[sflag:s29] =	ssyncset.done $0x0  }
0x43d: {  	[sflag:s29] =	ssyncadd.s32 $0xFFFFFFB0  }
0x43e: {  	_ =	swait.ge [sflag:s29], $0x50  }
0x43f: {  	[sflag:s29] =	ssyncset.done $0x0  }
0x440: {  	[sflag:s29] =	ssyncadd.s32 $0xFFFFFFB0  }
0x441: {  	_ =	swait.ge [sflag:s29], $0x50  }
0x442: {  	[sflag:s29] =	ssyncset.done $0x0  }
0x443: {  	[sflag:s29] =	ssyncadd.s32 $0xFFFFFFB0  }
0x444: {  	_ =	swait.ge [sflag:s29], $0x50  }
0x445: {  	[sflag:s29] =	ssyncset.done $0x0  }
0x446: {  	[sflag:s29] =	ssyncadd.s32 $0xFFFFFFB0  }
0x447: {  	_ =	swait.ge [sflag:s29], $0x50  }
0x448: {  	[sflag:s29] =	ssyncset.done $0x0  }
0x449: {  	[sflag:s29] =	ssyncadd.s32 $0xFFFFFFB0  }
0x44a: {  	_ =	swait.ge [sflag:s29], $0x50  }
0x44b: {  	[sflag:s29] =	ssyncset.done $0x0  }
0x44c: {  	[sflag:s29] =	ssyncadd.s32 $0xFFFFFFB0  }
0x44d: {  	_ =	swait.ge [sflag:s29], $0x50  }
0x44e: {  	[sflag:s29] =	ssyncset.done $0x0  }
0x44f: {  	[sflag:s29] =	ssyncadd.s32 $0xFFFFFFB0  }
0x450: {  	_ =	swait.ge [sflag:s29], $0x50  }
0x451: {  	[sflag:s29] =	ssyncset.done $0x0  }
0x452: {  	[sflag:s29] =	ssyncadd.s32 $0xFFFFFFB0  }
0x453: {  	_ =	swait.ge [sflag:s29], $0x50  }
0x454: {  	[sflag:s29] =	ssyncset.done $0x0  }
0x455: {  	[sflag:s29] =	ssyncadd.s32 $0xFFFFFFB0  }
0x456: {  	_ =	swait.ge [sflag:s29], $0x50  }
0x457: {  	[sflag:s29] =	ssyncset.done $0x0  }
0x458: {  	[sflag:s29] =	ssyncadd.s32 $0xFFFFFFB0  }
0x459: {  	_ =	swait.ge [sflag:s29], $0x50  }
0x45a: {  	[sflag:s29] =	ssyncset.done $0x0  }
0x45b: {  	[sflag:s29] =	ssyncadd.s32 $0xFFFFFFB0  }
0x45c: {  	_ =	swait.ge [sflag:s29], $0x50  }
0x45d: {  	[sflag:s29] =	ssyncset.done $0x0  }
0x45e: {  	[sflag:s29] =	ssyncadd.s32 $0xFFFFFFB0  }
0x45f: {  	_ =	swait.ge [sflag:s29], $0x50  }
0x460: {  	[sflag:s29] =	ssyncset.done $0x0  }
0x461: {  	[sflag:s29] =	ssyncadd.s32 $0xFFFFFFB0  }
0x462: {  	_ =	swait.ge [sflag:s29], $0x50  }
0x463: {  	[sflag:s29] =	ssyncset.done $0x0  }
0x464: {  	[sflag:s29] =	ssyncadd.s32 $0xFFFFFFB0  }
0x465: {  	_ =	swait.ge [sflag:s29], $0x50  }
0x466: {  	[sflag:s29] =	ssyncset.done $0x0  }
0x467: {  	[sflag:s29] =	ssyncadd.s32 $0xFFFFFFB0  }
0x468: {  	_ =	swait.ge [sflag:s29], $0x50  }
0x469: {  	[sflag:s29] =	ssyncset.done $0x0  }
0x46a: {  	[sflag:s29] =	ssyncadd.s32 $0xFFFFFFB0  }
0x46b: {  	_ =	swait.ge [sflag:s29], $0x50  }
0x46c: {  	[sflag:s29] =	ssyncset.done $0x0  }
0x46d: {  	[sflag:s29] =	ssyncadd.s32 $0xFFFFFFB0  }
0x46e: {  	_ =	swait.ge [sflag:s10], $0x7D0  }
0x46f: {  	[sflag:s10] =	ssyncset.done $0x0  }
0x470: {  	s2 =	rddreg [dreg:$0x11];
	[sflag:s10] =	ssyncadd.s32 $0xFFFFF830  }
0x471: {  	[tilespmem:s11], [sflag:$0xF] =	stream.linear.gather [hbm4b:s2+s26], $0x7D0, $0x38;
	[tilespmem:$0x1C600] =	vst v63  }
0x472: {  	_ = 	snop  }
0x473: {  	[spmem:s4] =	stream.indirect.scatter.add.f32 [tilespmem:s28], [sflag:$0x11], $0x1, s5, s24, $0xb8;
	[tilespmem:$0x1C600] =	vst v63  }
0x474: {  	s2 =	simm.s32 $0x1B8D0  }
0x475: {  	[spmem:s4] =	stream.indirect.scatter.add.f32 [tilespmem:s28], [sflag:$0x11], $0x1, s2, s24, $0xb8;
	[tilespmem:$0x1C600] =	vst v63  }
0x476: {  	s2 =	simm.s32 $0x1B920  }
0x477: {  	[spmem:s4] =	stream.indirect.scatter.add.f32 [tilespmem:s28], [sflag:$0x11], $0x1, s2, s24, $0xb8;
	[tilespmem:$0x1C600] =	vst v63  }
0x478: {  	s2 =	simm.s32 $0x1B970  }
0x479: {  	[spmem:s4] =	stream.indirect.scatter.add.f32 [tilespmem:s28], [sflag:$0x11], $0x1, s2, s24, $0xb8;
	[tilespmem:$0x1C600] =	vst v63  }
0x47a: {  	s2 =	simm.s32 $0x1B9C0  }
0x47b: {  	[spmem:s4] =	stream.indirect.scatter.add.f32 [tilespmem:s28], [sflag:$0x11], $0x1, s2, s24, $0xb8;
	[tilespmem:$0x1C600] =	vst v63  }
0x47c: {  	s2 =	simm.s32 $0x1BA10  }
0x47d: {  	[spmem:s4] =	stream.indirect.scatter.add.f32 [tilespmem:s28], [sflag:$0x11], $0x1, s2, s24, $0xb8;
	[tilespmem:$0x1C600] =	vst v63  }
0x47e: {  	s2 =	simm.s32 $0x1BA60  }
0x47f: {  	[spmem:s4] =	stream.indirect.scatter.add.f32 [tilespmem:s28], [sflag:$0x11], $0x1, s2, s24, $0xb8;
	[tilespmem:$0x1C600] =	vst v63  }
0x480: {  	s2 =	simm.s32 $0x1BAB0  }
0x481: {  	[spmem:s4] =	stream.indirect.scatter.add.f32 [tilespmem:s28], [sflag:$0x11], $0x1, s2, s24, $0xb8;
	[tilespmem:$0x1C600] =	vst v63  }
0x482: {  	s2 =	simm.s32 $0x1BB00  }
0x483: {  	[spmem:s4] =	stream.indirect.scatter.add.f32 [tilespmem:s28], [sflag:$0x11], $0x1, s2, s24, $0xb8;
	[tilespmem:$0x1C600] =	vst v63  }
0x484: {  	s2 =	simm.s32 $0x1BB50  }
0x485: {  	[spmem:s4] =	stream.indirect.scatter.add.f32 [tilespmem:s28], [sflag:$0x11], $0x1, s2, s24, $0xb8;
	[tilespmem:$0x1C600] =	vst v63  }
0x486: {  	s2 =	simm.s32 $0x1BBA0  }
0x487: {  	[spmem:s4] =	stream.indirect.scatter.add.f32 [tilespmem:s28], [sflag:$0x11], $0x1, s2, s24, $0xb8;
	[tilespmem:$0x1C600] =	vst v63  }
0x488: {  	s2 =	simm.s32 $0x1BBF0  }
0x489: {  	[spmem:s4] =	stream.indirect.scatter.add.f32 [tilespmem:s28], [sflag:$0x11], $0x1, s2, s24, $0xb8;
	[tilespmem:$0x1C600] =	vst v63  }
0x48a: {  	s2 =	simm.s32 $0x1BC40  }
0x48b: {  	[spmem:s4] =	stream.indirect.scatter.add.f32 [tilespmem:s28], [sflag:$0x11], $0x1, s2, s24, $0xb8;
	[tilespmem:$0x1C600] =	vst v63  }
0x48c: {  	s2 =	simm.s32 $0x1BC90  }
0x48d: {  	[spmem:s4] =	stream.indirect.scatter.add.f32 [tilespmem:s28], [sflag:$0x11], $0x1, s2, s24, $0xb8;
	[tilespmem:$0x1C600] =	vst v63  }
0x48e: {  	s2 =	simm.s32 $0x1BCE0  }
0x48f: {  	[spmem:s4] =	stream.indirect.scatter.add.f32 [tilespmem:s28], [sflag:$0x11], $0x1, s2, s24, $0xb8;
	[tilespmem:$0x1C600] =	vst v63  }
0x490: {  	s2 =	simm.s32 $0x1BD30  }
0x491: {  	[spmem:s4] =	stream.indirect.scatter.add.f32 [tilespmem:s28], [sflag:$0x11], $0x1, s2, s24, $0xb8;
	[tilespmem:$0x1C600] =	vst v63  }
0x492: {  	s2 =	simm.s32 $0x1BD80  }
0x493: {  	[spmem:s4] =	stream.indirect.scatter.add.f32 [tilespmem:s28], [sflag:$0x11], $0x1, s2, s24, $0xb8;
	[tilespmem:$0x1C600] =	vst v63  }
0x494: {  	s2 =	simm.s32 $0x1BDD0  }
0x495: {  	[spmem:s4] =	stream.indirect.scatter.add.f32 [tilespmem:s28], [sflag:$0x11], $0x1, s2, s24, $0xb8;
	[tilespmem:$0x1C600] =	vst v63  }
0x496: {  	s2 =	simm.s32 $0x1BE20  }
0x497: {  	[spmem:s4] =	stream.indirect.scatter.add.f32 [tilespmem:s28], [sflag:$0x11], $0x1, s2, s24, $0xb8;
	[tilespmem:$0x1C600] =	vst v63  }
0x498: {  	s2 =	simm.s32 $0x1BE70  }
0x499: {  	[spmem:s4] =	stream.indirect.scatter.add.f32 [tilespmem:s28], [sflag:$0x11], $0x1, s2, s24, $0xb8;
	[tilespmem:$0x1C600] =	vst v63  }
0x49a: {  	s2 =	simm.s32 $0x1BEC0  }
0x49b: {  	[spmem:s4] =	stream.indirect.scatter.add.f32 [tilespmem:s28], [sflag:$0x11], $0x1, s2, s24, $0xb8;
	[tilespmem:$0x1C600] =	vst v63  }
0x49c: {  	s2 =	simm.s32 $0x1BF10  }
0x49d: {  	[spmem:s4] =	stream.indirect.scatter.add.f32 [tilespmem:s28], [sflag:$0x11], $0x1, s2, s24, $0xb8;
	[tilespmem:$0x1C600] =	vst v63  }
0x49e: {  	s2 =	simm.s32 $0x1BF60  }
0x49f: {  	[spmem:s4] =	stream.indirect.scatter.add.f32 [tilespmem:s28], [sflag:$0x11], $0x1, s2, s24, $0xb8;
	[tilespmem:$0x1C600] =	vst v63  }
0x4a0: {  	s2 =	simm.s32 $0x1BFB0  }
0x4a1: {  	[spmem:s4] =	stream.indirect.scatter.add.f32 [tilespmem:s28], [sflag:$0x11], $0x1, s2, s24, $0xb8;
	[tilespmem:$0x1C600] =	vst v63  }
0x4a2: {  	s2 =	simm.s32 $0x1C000  }
0x4a3: {  	[spmem:s4] =	stream.indirect.scatter.add.f32 [tilespmem:s28], [sflag:$0x11], $0x1, s2, s24, $0xb8;
	[tilespmem:$0x1C600] =	vst v63  }
0x4a4: {  	_ =	swait.ge [sflag:s29], $0x50  }
0x4a5: {  	[sflag:s29] =	ssyncset.done $0x0  }
0x4a6: {  	[sflag:s29] =	ssyncadd.s32 $0xFFFFFFB0  }
0x4a7: {  	_ =	swait.ge [sflag:s29], $0x50  }
0x4a8: {  	[sflag:s29] =	ssyncset.done $0x0  }
0x4a9: {  	[sflag:s29] =	ssyncadd.s32 $0xFFFFFFB0  }
0x4aa: {  	_ =	swait.ge [sflag:s29], $0x50  }
0x4ab: {  	[sflag:s29] =	ssyncset.done $0x0  }
0x4ac: {  	[sflag:s29] =	ssyncadd.s32 $0xFFFFFFB0  }
0x4ad: {  	_ =	swait.ge [sflag:s29], $0x50  }
0x4ae: {  	[sflag:s29] =	ssyncset.done $0x0  }
0x4af: {  	[sflag:s29] =	ssyncadd.s32 $0xFFFFFFB0  }
0x4b0: {  	_ =	swait.ge [sflag:s29], $0x50  }
0x4b1: {  	[sflag:s29] =	ssyncset.done $0x0  }
0x4b2: {  	[sflag:s29] =	ssyncadd.s32 $0xFFFFFFB0  }
0x4b3: {  	_ =	swait.ge [sflag:s29], $0x50  }
0x4b4: {  	[sflag:s29] =	ssyncset.done $0x0  }
0x4b5: {  	[sflag:s29] =	ssyncadd.s32 $0xFFFFFFB0  }
0x4b6: {  	_ =	swait.ge [sflag:s29], $0x50  }
0x4b7: {  	[sflag:s29] =	ssyncset.done $0x0  }
0x4b8: {  	[sflag:s29] =	ssyncadd.s32 $0xFFFFFFB0  }
0x4b9: {  	_ =	swait.ge [sflag:s29], $0x50  }
0x4ba: {  	[sflag:s29] =	ssyncset.done $0x0  }
0x4bb: {  	[sflag:s29] =	ssyncadd.s32 $0xFFFFFFB0  }
0x4bc: {  	_ =	swait.ge [sflag:s29], $0x50  }
0x4bd: {  	[sflag:s29] =	ssyncset.done $0x0  }
0x4be: {  	[sflag:s29] =	ssyncadd.s32 $0xFFFFFFB0  }
0x4bf: {  	_ =	swait.ge [sflag:s29], $0x50  }
0x4c0: {  	[sflag:s29] =	ssyncset.done $0x0  }
0x4c1: {  	[sflag:s29] =	ssyncadd.s32 $0xFFFFFFB0  }
0x4c2: {  	_ =	swait.ge [sflag:s29], $0x50  }
0x4c3: {  	[sflag:s29] =	ssyncset.done $0x0  }
0x4c4: {  	[sflag:s29] =	ssyncadd.s32 $0xFFFFFFB0  }
0x4c5: {  	_ =	swait.ge [sflag:s29], $0x50  }
0x4c6: {  	[sflag:s29] =	ssyncset.done $0x0  }
0x4c7: {  	[sflag:s29] =	ssyncadd.s32 $0xFFFFFFB0  }
0x4c8: {  	_ =	swait.ge [sflag:s29], $0x50  }
0x4c9: {  	[sflag:s29] =	ssyncset.done $0x0  }
0x4ca: {  	[sflag:s29] =	ssyncadd.s32 $0xFFFFFFB0  }
0x4cb: {  	_ =	swait.ge [sflag:s29], $0x50  }
0x4cc: {  	[sflag:s29] =	ssyncset.done $0x0  }
0x4cd: {  	[sflag:s29] =	ssyncadd.s32 $0xFFFFFFB0  }
0x4ce: {  	_ =	swait.ge [sflag:s29], $0x50  }
0x4cf: {  	[sflag:s29] =	ssyncset.done $0x0  }
0x4d0: {  	[sflag:s29] =	ssyncadd.s32 $0xFFFFFFB0  }
0x4d1: {  	_ =	swait.ge [sflag:s29], $0x50  }
0x4d2: {  	[sflag:s29] =	ssyncset.done $0x0  }
0x4d3: {  	[sflag:s29] =	ssyncadd.s32 $0xFFFFFFB0  }
0x4d4: {  	_ =	swait.ge [sflag:s29], $0x50  }
0x4d5: {  	[sflag:s29] =	ssyncset.done $0x0  }
0x4d6: {  	[sflag:s29] =	ssyncadd.s32 $0xFFFFFFB0  }
0x4d7: {  	_ =	swait.ge [sflag:s29], $0x50  }
0x4d8: {  	[sflag:s29] =	ssyncset.done $0x0  }
0x4d9: {  	[sflag:s29] =	ssyncadd.s32 $0xFFFFFFB0  }
0x4da: {  	_ =	swait.ge [sflag:s29], $0x50  }
0x4db: {  	[sflag:s29] =	ssyncset.done $0x0  }
0x4dc: {  	[sflag:s29] =	ssyncadd.s32 $0xFFFFFFB0  }
0x4dd: {  	_ =	swait.ge [sflag:s29], $0x50  }
0x4de: {  	[sflag:s29] =	ssyncset.done $0x0  }
0x4df: {  	[sflag:s29] =	ssyncadd.s32 $0xFFFFFFB0  }
0x4e0: {  	_ =	swait.ge [sflag:s29], $0x50  }
0x4e1: {  	[sflag:s29] =	ssyncset.done $0x0  }
0x4e2: {  	[sflag:s29] =	ssyncadd.s32 $0xFFFFFFB0  }
0x4e3: {  	_ =	swait.ge [sflag:s29], $0x50  }
0x4e4: {  	[sflag:s29] =	ssyncset.done $0x0  }
0x4e5: {  	[sflag:s29] =	ssyncadd.s32 $0xFFFFFFB0  }
0x4e6: {  	_ =	swait.ge [sflag:s29], $0x50  }
0x4e7: {  	[sflag:s29] =	ssyncset.done $0x0  }
0x4e8: {  	[sflag:s29] =	ssyncadd.s32 $0xFFFFFFB0  }
0x4e9: {  	_ =	swait.ge [sflag:s29], $0x50  }
0x4ea: {  	[sflag:s29] =	ssyncset.done $0x0  }
0x4eb: {  	[sflag:s29] =	ssyncadd.s32 $0xFFFFFFB0  }
0x4ec: {  	_ =	swait.ge [sflag:s29], $0x50  }
0x4ed: {  	[sflag:s29] =	ssyncset.done $0x0  }
0x4ee: {  	[sflag:s29] =	ssyncadd.s32 $0xFFFFFFB0  }
0x4ef: {  	_ =	swait.ge [sflag:s14], $0x7D0  }
0x4f0: {  	[sflag:s14] =	ssyncset.done $0x0  }
0x4f1: {  	s2 =	rddreg [dreg:$0x12];
	[sflag:s14] =	ssyncadd.s32 $0xFFFFF830  }
0x4f2: {  	[tilespmem:s5], [sflag:$0x10] =	stream.linear.gather [hbm4b:s2+s26], $0x7D0, $0x38;
	[tilespmem:$0x1C600] =	vst v63  }
0x4f3: {  	_ = 	snop  }
0x4f4: {  	[spmem:s4] =	stream.indirect.scatter.add.f32 [tilespmem:s28], [sflag:$0x11], $0x1, s11, s24, $0xb8;
	[tilespmem:$0x1C600] =	vst v63  }
0x4f5: {  	s2 =	simm.s32 $0x1B0D0  }
0x4f6: {  	[spmem:s4] =	stream.indirect.scatter.add.f32 [tilespmem:s28], [sflag:$0x11], $0x1, s2, s24, $0xb8;
	[tilespmem:$0x1C600] =	vst v63  }
0x4f7: {  	s2 =	simm.s32 $0x1B120  }
0x4f8: {  	[spmem:s4] =	stream.indirect.scatter.add.f32 [tilespmem:s28], [sflag:$0x11], $0x1, s2, s24, $0xb8;
	[tilespmem:$0x1C600] =	vst v63  }
0x4f9: {  	s2 =	simm.s32 $0x1B170  }
0x4fa: {  	[spmem:s4] =	stream.indirect.scatter.add.f32 [tilespmem:s28], [sflag:$0x11], $0x1, s2, s24, $0xb8;
	[tilespmem:$0x1C600] =	vst v63  }
0x4fb: {  	s2 =	simm.s32 $0x1B1C0  }
0x4fc: {  	[spmem:s4] =	stream.indirect.scatter.add.f32 [tilespmem:s28], [sflag:$0x11], $0x1, s2, s24, $0xb8;
	[tilespmem:$0x1C600] =	vst v63  }
0x4fd: {  	s2 =	simm.s32 $0x1B210  }
0x4fe: {  	[spmem:s4] =	stream.indirect.scatter.add.f32 [tilespmem:s28], [sflag:$0x11], $0x1, s2, s24, $0xb8;
	[tilespmem:$0x1C600] =	vst v63  }
0x4ff: {  	s2 =	simm.s32 $0x1B260  }
0x500: {  	[spmem:s4] =	stream.indirect.scatter.add.f32 [tilespmem:s28], [sflag:$0x11], $0x1, s2, s24, $0xb8;
	[tilespmem:$0x1C600] =	vst v63  }
0x501: {  	s2 =	simm.s32 $0x1B2B0  }
0x502: {  	[spmem:s4] =	stream.indirect.scatter.add.f32 [tilespmem:s28], [sflag:$0x11], $0x1, s2, s24, $0xb8;
	[tilespmem:$0x1C600] =	vst v63  }
0x503: {  	s2 =	simm.s32 $0x1B300  }
0x504: {  	[spmem:s4] =	stream.indirect.scatter.add.f32 [tilespmem:s28], [sflag:$0x11], $0x1, s2, s24, $0xb8;
	[tilespmem:$0x1C600] =	vst v63  }
0x505: {  	s2 =	simm.s32 $0x1B350  }
0x506: {  	[spmem:s4] =	stream.indirect.scatter.add.f32 [tilespmem:s28], [sflag:$0x11], $0x1, s2, s24, $0xb8;
	[tilespmem:$0x1C600] =	vst v63  }
0x507: {  	s2 =	simm.s32 $0x1B3A0  }
0x508: {  	[spmem:s4] =	stream.indirect.scatter.add.f32 [tilespmem:s28], [sflag:$0x11], $0x1, s2, s24, $0xb8;
	[tilespmem:$0x1C600] =	vst v63  }
0x509: {  	s2 =	simm.s32 $0x1B3F0  }
0x50a: {  	[spmem:s4] =	stream.indirect.scatter.add.f32 [tilespmem:s28], [sflag:$0x11], $0x1, s2, s24, $0xb8;
	[tilespmem:$0x1C600] =	vst v63  }
0x50b: {  	s2 =	simm.s32 $0x1B440  }
0x50c: {  	[spmem:s4] =	stream.indirect.scatter.add.f32 [tilespmem:s28], [sflag:$0x11], $0x1, s2, s24, $0xb8;
	[tilespmem:$0x1C600] =	vst v63  }
0x50d: {  	s2 =	simm.s32 $0x1B490  }
0x50e: {  	[spmem:s4] =	stream.indirect.scatter.add.f32 [tilespmem:s28], [sflag:$0x11], $0x1, s2, s24, $0xb8;
	[tilespmem:$0x1C600] =	vst v63  }
0x50f: {  	s2 =	simm.s32 $0x1B4E0  }
0x510: {  	[spmem:s4] =	stream.indirect.scatter.add.f32 [tilespmem:s28], [sflag:$0x11], $0x1, s2, s24, $0xb8;
	[tilespmem:$0x1C600] =	vst v63  }
0x511: {  	s2 =	simm.s32 $0x1B530  }
0x512: {  	[spmem:s4] =	stream.indirect.scatter.add.f32 [tilespmem:s28], [sflag:$0x11], $0x1, s2, s24, $0xb8;
	[tilespmem:$0x1C600] =	vst v63  }
0x513: {  	s2 =	simm.s32 $0x1B580  }
0x514: {  	[spmem:s4] =	stream.indirect.scatter.add.f32 [tilespmem:s28], [sflag:$0x11], $0x1, s2, s24, $0xb8;
	[tilespmem:$0x1C600] =	vst v63  }
0x515: {  	s2 =	simm.s32 $0x1B5D0  }
0x516: {  	[spmem:s4] =	stream.indirect.scatter.add.f32 [tilespmem:s28], [sflag:$0x11], $0x1, s2, s24, $0xb8;
	[tilespmem:$0x1C600] =	vst v63  }
0x517: {  	s2 =	simm.s32 $0x1B620  }
0x518: {  	[spmem:s4] =	stream.indirect.scatter.add.f32 [tilespmem:s28], [sflag:$0x11], $0x1, s2, s24, $0xb8;
	[tilespmem:$0x1C600] =	vst v63  }
0x519: {  	s2 =	simm.s32 $0x1B670  }
0x51a: {  	[spmem:s4] =	stream.indirect.scatter.add.f32 [tilespmem:s28], [sflag:$0x11], $0x1, s2, s24, $0xb8;
	[tilespmem:$0x1C600] =	vst v63  }
0x51b: {  	s2 =	simm.s32 $0x1B6C0  }
0x51c: {  	[spmem:s4] =	stream.indirect.scatter.add.f32 [tilespmem:s28], [sflag:$0x11], $0x1, s2, s24, $0xb8;
	[tilespmem:$0x1C600] =	vst v63  }
0x51d: {  	s2 =	simm.s32 $0x1B710  }
0x51e: {  	[spmem:s4] =	stream.indirect.scatter.add.f32 [tilespmem:s28], [sflag:$0x11], $0x1, s2, s24, $0xb8;
	[tilespmem:$0x1C600] =	vst v63  }
0x51f: {  	s2 =	simm.s32 $0x1B760  }
0x520: {  	[spmem:s4] =	stream.indirect.scatter.add.f32 [tilespmem:s28], [sflag:$0x11], $0x1, s2, s24, $0xb8;
	[tilespmem:$0x1C600] =	vst v63  }
0x521: {  	s2 =	simm.s32 $0x1B7B0  }
0x522: {  	[spmem:s4] =	stream.indirect.scatter.add.f32 [tilespmem:s28], [sflag:$0x11], $0x1, s2, s24, $0xb8;
	[tilespmem:$0x1C600] =	vst v63  }
0x523: {  	s13 =	simm.s32 $0x1B800  }
0x524: {  	[spmem:s4] =	stream.indirect.scatter.add.f32 [tilespmem:s28], [sflag:$0x11], $0x1, s13, s24, $0xb8;
	[tilespmem:$0x1C600] =	vst v63  }
0x525: {  	_ =	swait.ge [sflag:s29], $0x50  }
0x526: {  	[sflag:s29] =	ssyncset.done $0x0  }
0x527: {  	[sflag:s29] =	ssyncadd.s32 $0xFFFFFFB0  }
0x528: {  	_ =	swait.ge [sflag:s29], $0x50  }
0x529: {  	[sflag:s29] =	ssyncset.done $0x0  }
0x52a: {  	[sflag:s29] =	ssyncadd.s32 $0xFFFFFFB0  }
0x52b: {  	_ =	swait.ge [sflag:s29], $0x50  }
0x52c: {  	[sflag:s29] =	ssyncset.done $0x0  }
0x52d: {  	[sflag:s29] =	ssyncadd.s32 $0xFFFFFFB0  }
0x52e: {  	_ =	swait.ge [sflag:s29], $0x50  }
0x52f: {  	[sflag:s29] =	ssyncset.done $0x0  }
0x530: {  	[sflag:s29] =	ssyncadd.s32 $0xFFFFFFB0  }
0x531: {  	_ =	swait.ge [sflag:s29], $0x50  }
0x532: {  	[sflag:s29] =	ssyncset.done $0x0  }
0x533: {  	[sflag:s29] =	ssyncadd.s32 $0xFFFFFFB0  }
0x534: {  	_ =	swait.ge [sflag:s29], $0x50  }
0x535: {  	[sflag:s29] =	ssyncset.done $0x0  }
0x536: {  	[sflag:s29] =	ssyncadd.s32 $0xFFFFFFB0  }
0x537: {  	_ =	swait.ge [sflag:s29], $0x50  }
0x538: {  	[sflag:s29] =	ssyncset.done $0x0  }
0x539: {  	[sflag:s29] =	ssyncadd.s32 $0xFFFFFFB0  }
0x53a: {  	_ =	swait.ge [sflag:s29], $0x50  }
0x53b: {  	[sflag:s29] =	ssyncset.done $0x0  }
0x53c: {  	[sflag:s29] =	ssyncadd.s32 $0xFFFFFFB0  }
0x53d: {  	_ =	swait.ge [sflag:s29], $0x50  }
0x53e: {  	[sflag:s29] =	ssyncset.done $0x0  }
0x53f: {  	[sflag:s29] =	ssyncadd.s32 $0xFFFFFFB0  }
0x540: {  	_ =	swait.ge [sflag:s29], $0x50  }
0x541: {  	[sflag:s29] =	ssyncset.done $0x0  }
0x542: {  	[sflag:s29] =	ssyncadd.s32 $0xFFFFFFB0  }
0x543: {  	_ =	swait.ge [sflag:s29], $0x50  }
0x544: {  	[sflag:s29] =	ssyncset.done $0x0  }
0x545: {  	[sflag:s29] =	ssyncadd.s32 $0xFFFFFFB0  }
0x546: {  	_ =	swait.ge [sflag:s29], $0x50  }
0x547: {  	[sflag:s29] =	ssyncset.done $0x0  }
0x548: {  	[sflag:s29] =	ssyncadd.s32 $0xFFFFFFB0  }
0x549: {  	_ =	swait.ge [sflag:s29], $0x50  }
0x54a: {  	[sflag:s29] =	ssyncset.done $0x0  }
0x54b: {  	[sflag:s29] =	ssyncadd.s32 $0xFFFFFFB0  }
0x54c: {  	_ =	swait.ge [sflag:s29], $0x50  }
0x54d: {  	[sflag:s29] =	ssyncset.done $0x0  }
0x54e: {  	[sflag:s29] =	ssyncadd.s32 $0xFFFFFFB0  }
0x54f: {  	_ =	swait.ge [sflag:s29], $0x50  }
0x550: {  	[sflag:s29] =	ssyncset.done $0x0  }
0x551: {  	[sflag:s29] =	ssyncadd.s32 $0xFFFFFFB0  }
0x552: {  	_ =	swait.ge [sflag:s29], $0x50  }
0x553: {  	[sflag:s29] =	ssyncset.done $0x0  }
0x554: {  	[sflag:s29] =	ssyncadd.s32 $0xFFFFFFB0  }
0x555: {  	_ =	swait.ge [sflag:s29], $0x50  }
0x556: {  	[sflag:s29] =	ssyncset.done $0x0  }
0x557: {  	[sflag:s29] =	ssyncadd.s32 $0xFFFFFFB0  }
0x558: {  	_ =	swait.ge [sflag:s29], $0x50  }
0x559: {  	[sflag:s29] =	ssyncset.done $0x0  }
0x55a: {  	[sflag:s29] =	ssyncadd.s32 $0xFFFFFFB0  }
0x55b: {  	_ =	swait.ge [sflag:s29], $0x50  }
0x55c: {  	[sflag:s29] =	ssyncset.done $0x0  }
0x55d: {  	[sflag:s29] =	ssyncadd.s32 $0xFFFFFFB0  }
0x55e: {  	_ =	swait.ge [sflag:s29], $0x50  }
0x55f: {  	[sflag:s29] =	ssyncset.done $0x0  }
0x560: {  	[sflag:s29] =	ssyncadd.s32 $0xFFFFFFB0  }
0x561: {  	_ =	swait.ge [sflag:s29], $0x50  }
0x562: {  	[sflag:s29] =	ssyncset.done $0x0  }
0x563: {  	[sflag:s29] =	ssyncadd.s32 $0xFFFFFFB0  }
0x564: {  	_ =	swait.ge [sflag:s29], $0x50  }
0x565: {  	[sflag:s29] =	ssyncset.done $0x0  }
0x566: {  	[sflag:s29] =	ssyncadd.s32 $0xFFFFFFB0  }
0x567: {  	_ =	swait.ge [sflag:s29], $0x50  }
0x568: {  	[sflag:s29] =	ssyncset.done $0x0  }
0x569: {  	[sflag:s29] =	ssyncadd.s32 $0xFFFFFFB0  }
0x56a: {  	_ =	swait.ge [sflag:s29], $0x50  }
0x56b: {  	[sflag:s29] =	ssyncset.done $0x0  }
0x56c: {  	[sflag:s29] =	ssyncadd.s32 $0xFFFFFFB0  }
0x56d: {  	_ =	swait.ge [sflag:s29], $0x50  }
0x56e: {  	[sflag:s29] =	ssyncset.done $0x0  }
0x56f: {  	[sflag:s29] =	ssyncadd.s32 $0xFFFFFFB0  }
0x570: {  	_ =	swait.ge [sflag:s10], $0x7D0  }
0x571: {  	[sflag:s10] =	ssyncset.done $0x0  }
0x572: {  	s2 =	rddreg [dreg:$0x13];
	[sflag:s10] =	ssyncadd.s32 $0xFFFFF830  }
0x573: {  	[tilespmem:s11], [sflag:$0xF] =	stream.linear.gather [hbm4b:s2+s26], $0x7D0, $0x38;
	[tilespmem:$0x1C600] =	vst v63  }
0x574: {  	_ = 	snop  }
0x575: {  	[spmem:s4] =	stream.indirect.scatter.add.f32 [tilespmem:s28], [sflag:$0x11], $0x1, s5, s24, $0xb8;
	[tilespmem:$0x1C600] =	vst v63  }
0x576: {  	s2 =	simm.s32 $0x1B8D0  }
0x577: {  	[spmem:s4] =	stream.indirect.scatter.add.f32 [tilespmem:s28], [sflag:$0x11], $0x1, s2, s24, $0xb8;
	[tilespmem:$0x1C600] =	vst v63  }
0x578: {  	s2 =	simm.s32 $0x1B920  }
0x579: {  	[spmem:s4] =	stream.indirect.scatter.add.f32 [tilespmem:s28], [sflag:$0x11], $0x1, s2, s24, $0xb8;
	[tilespmem:$0x1C600] =	vst v63  }
0x57a: {  	s2 =	simm.s32 $0x1B970  }
0x57b: {  	[spmem:s4] =	stream.indirect.scatter.add.f32 [tilespmem:s28], [sflag:$0x11], $0x1, s2, s24, $0xb8;
	[tilespmem:$0x1C600] =	vst v63  }
0x57c: {  	s2 =	simm.s32 $0x1B9C0  }
0x57d: {  	[spmem:s4] =	stream.indirect.scatter.add.f32 [tilespmem:s28], [sflag:$0x11], $0x1, s2, s24, $0xb8;
	[tilespmem:$0x1C600] =	vst v63  }
0x57e: {  	s2 =	simm.s32 $0x1BA10  }
0x57f: {  	[spmem:s4] =	stream.indirect.scatter.add.f32 [tilespmem:s28], [sflag:$0x11], $0x1, s2, s24, $0xb8;
	[tilespmem:$0x1C600] =	vst v63  }
0x580: {  	s2 =	simm.s32 $0x1BA60  }
0x581: {  	[spmem:s4] =	stream.indirect.scatter.add.f32 [tilespmem:s28], [sflag:$0x11], $0x1, s2, s24, $0xb8;
	[tilespmem:$0x1C600] =	vst v63  }
0x582: {  	s2 =	simm.s32 $0x1BAB0  }
0x583: {  	[spmem:s4] =	stream.indirect.scatter.add.f32 [tilespmem:s28], [sflag:$0x11], $0x1, s2, s24, $0xb8;
	[tilespmem:$0x1C600] =	vst v63  }
0x584: {  	s2 =	simm.s32 $0x1BB00  }
0x585: {  	[spmem:s4] =	stream.indirect.scatter.add.f32 [tilespmem:s28], [sflag:$0x11], $0x1, s2, s24, $0xb8;
	[tilespmem:$0x1C600] =	vst v63  }
0x586: {  	s2 =	simm.s32 $0x1BB50  }
0x587: {  	[spmem:s4] =	stream.indirect.scatter.add.f32 [tilespmem:s28], [sflag:$0x11], $0x1, s2, s24, $0xb8;
	[tilespmem:$0x1C600] =	vst v63  }
0x588: {  	s2 =	simm.s32 $0x1BBA0  }
0x589: {  	[spmem:s4] =	stream.indirect.scatter.add.f32 [tilespmem:s28], [sflag:$0x11], $0x1, s2, s24, $0xb8;
	[tilespmem:$0x1C600] =	vst v63  }
0x58a: {  	s2 =	simm.s32 $0x1BBF0  }
0x58b: {  	[spmem:s4] =	stream.indirect.scatter.add.f32 [tilespmem:s28], [sflag:$0x11], $0x1, s2, s24, $0xb8;
	[tilespmem:$0x1C600] =	vst v63  }
0x58c: {  	s2 =	simm.s32 $0x1BC40  }
0x58d: {  	[spmem:s4] =	stream.indirect.scatter.add.f32 [tilespmem:s28], [sflag:$0x11], $0x1, s2, s24, $0xb8;
	[tilespmem:$0x1C600] =	vst v63  }
0x58e: {  	s2 =	simm.s32 $0x1BC90  }
0x58f: {  	[spmem:s4] =	stream.indirect.scatter.add.f32 [tilespmem:s28], [sflag:$0x11], $0x1, s2, s24, $0xb8;
	[tilespmem:$0x1C600] =	vst v63  }
0x590: {  	s2 =	simm.s32 $0x1BCE0  }
0x591: {  	[spmem:s4] =	stream.indirect.scatter.add.f32 [tilespmem:s28], [sflag:$0x11], $0x1, s2, s24, $0xb8;
	[tilespmem:$0x1C600] =	vst v63  }
0x592: {  	s2 =	simm.s32 $0x1BD30  }
0x593: {  	[spmem:s4] =	stream.indirect.scatter.add.f32 [tilespmem:s28], [sflag:$0x11], $0x1, s2, s24, $0xb8;
	[tilespmem:$0x1C600] =	vst v63  }
0x594: {  	s2 =	simm.s32 $0x1BD80  }
0x595: {  	[spmem:s4] =	stream.indirect.scatter.add.f32 [tilespmem:s28], [sflag:$0x11], $0x1, s2, s24, $0xb8;
	[tilespmem:$0x1C600] =	vst v63  }
0x596: {  	s2 =	simm.s32 $0x1BDD0  }
0x597: {  	[spmem:s4] =	stream.indirect.scatter.add.f32 [tilespmem:s28], [sflag:$0x11], $0x1, s2, s24, $0xb8;
	[tilespmem:$0x1C600] =	vst v63  }
0x598: {  	s2 =	simm.s32 $0x1BE20  }
0x599: {  	[spmem:s4] =	stream.indirect.scatter.add.f32 [tilespmem:s28], [sflag:$0x11], $0x1, s2, s24, $0xb8;
	[tilespmem:$0x1C600] =	vst v63  }
0x59a: {  	s2 =	simm.s32 $0x1BE70  }
0x59b: {  	[spmem:s4] =	stream.indirect.scatter.add.f32 [tilespmem:s28], [sflag:$0x11], $0x1, s2, s24, $0xb8;
	[tilespmem:$0x1C600] =	vst v63  }
0x59c: {  	s2 =	simm.s32 $0x1BEC0  }
0x59d: {  	[spmem:s4] =	stream.indirect.scatter.add.f32 [tilespmem:s28], [sflag:$0x11], $0x1, s2, s24, $0xb8;
	[tilespmem:$0x1C600] =	vst v63  }
0x59e: {  	s2 =	simm.s32 $0x1BF10  }
0x59f: {  	[spmem:s4] =	stream.indirect.scatter.add.f32 [tilespmem:s28], [sflag:$0x11], $0x1, s2, s24, $0xb8;
	[tilespmem:$0x1C600] =	vst v63  }
0x5a0: {  	s2 =	simm.s32 $0x1BF60  }
0x5a1: {  	[spmem:s4] =	stream.indirect.scatter.add.f32 [tilespmem:s28], [sflag:$0x11], $0x1, s2, s24, $0xb8;
	[tilespmem:$0x1C600] =	vst v63  }
0x5a2: {  	s2 =	simm.s32 $0x1BFB0  }
0x5a3: {  	[spmem:s4] =	stream.indirect.scatter.add.f32 [tilespmem:s28], [sflag:$0x11], $0x1, s2, s24, $0xb8;
	[tilespmem:$0x1C600] =	vst v63  }
0x5a4: {  	s2 =	simm.s32 $0x1C000  }
0x5a5: {  	[spmem:s4] =	stream.indirect.scatter.add.f32 [tilespmem:s28], [sflag:$0x11], $0x1, s2, s24, $0xb8;
	[tilespmem:$0x1C600] =	vst v63  }
0x5a6: {  	_ =	swait.ge [sflag:s29], $0x50  }
0x5a7: {  	[sflag:s29] =	ssyncset.done $0x0  }
0x5a8: {  	[sflag:s29] =	ssyncadd.s32 $0xFFFFFFB0  }
0x5a9: {  	_ =	swait.ge [sflag:s29], $0x50  }
0x5aa: {  	[sflag:s29] =	ssyncset.done $0x0  }
0x5ab: {  	[sflag:s29] =	ssyncadd.s32 $0xFFFFFFB0  }
0x5ac: {  	_ =	swait.ge [sflag:s29], $0x50  }
0x5ad: {  	[sflag:s29] =	ssyncset.done $0x0  }
0x5ae: {  	[sflag:s29] =	ssyncadd.s32 $0xFFFFFFB0  }
0x5af: {  	_ =	swait.ge [sflag:s29], $0x50  }
0x5b0: {  	[sflag:s29] =	ssyncset.done $0x0  }
0x5b1: {  	[sflag:s29] =	ssyncadd.s32 $0xFFFFFFB0  }
0x5b2: {  	_ =	swait.ge [sflag:s29], $0x50  }
0x5b3: {  	[sflag:s29] =	ssyncset.done $0x0  }
0x5b4: {  	[sflag:s29] =	ssyncadd.s32 $0xFFFFFFB0  }
0x5b5: {  	_ =	swait.ge [sflag:s29], $0x50  }
0x5b6: {  	[sflag:s29] =	ssyncset.done $0x0  }
0x5b7: {  	[sflag:s29] =	ssyncadd.s32 $0xFFFFFFB0  }
0x5b8: {  	_ =	swait.ge [sflag:s29], $0x50  }
0x5b9: {  	[sflag:s29] =	ssyncset.done $0x0  }
0x5ba: {  	[sflag:s29] =	ssyncadd.s32 $0xFFFFFFB0  }
0x5bb: {  	_ =	swait.ge [sflag:s29], $0x50  }
0x5bc: {  	[sflag:s29] =	ssyncset.done $0x0  }
0x5bd: {  	[sflag:s29] =	ssyncadd.s32 $0xFFFFFFB0  }
0x5be: {  	_ =	swait.ge [sflag:s29], $0x50  }
0x5bf: {  	[sflag:s29] =	ssyncset.done $0x0  }
0x5c0: {  	[sflag:s29] =	ssyncadd.s32 $0xFFFFFFB0  }
0x5c1: {  	_ =	swait.ge [sflag:s29], $0x50  }
0x5c2: {  	[sflag:s29] =	ssyncset.done $0x0  }
0x5c3: {  	[sflag:s29] =	ssyncadd.s32 $0xFFFFFFB0  }
0x5c4: {  	_ =	swait.ge [sflag:s29], $0x50  }
0x5c5: {  	[sflag:s29] =	ssyncset.done $0x0  }
0x5c6: {  	[sflag:s29] =	ssyncadd.s32 $0xFFFFFFB0  }
0x5c7: {  	_ =	swait.ge [sflag:s29], $0x50  }
0x5c8: {  	[sflag:s29] =	ssyncset.done $0x0  }
0x5c9: {  	[sflag:s29] =	ssyncadd.s32 $0xFFFFFFB0  }
0x5ca: {  	_ =	swait.ge [sflag:s29], $0x50  }
0x5cb: {  	[sflag:s29] =	ssyncset.done $0x0  }
0x5cc: {  	[sflag:s29] =	ssyncadd.s32 $0xFFFFFFB0  }
0x5cd: {  	_ =	swait.ge [sflag:s29], $0x50  }
0x5ce: {  	[sflag:s29] =	ssyncset.done $0x0  }
0x5cf: {  	[sflag:s29] =	ssyncadd.s32 $0xFFFFFFB0  }
0x5d0: {  	_ =	swait.ge [sflag:s29], $0x50  }
0x5d1: {  	[sflag:s29] =	ssyncset.done $0x0  }
0x5d2: {  	[sflag:s29] =	ssyncadd.s32 $0xFFFFFFB0  }
0x5d3: {  	_ =	swait.ge [sflag:s29], $0x50  }
0x5d4: {  	[sflag:s29] =	ssyncset.done $0x0  }
0x5d5: {  	[sflag:s29] =	ssyncadd.s32 $0xFFFFFFB0  }
0x5d6: {  	_ =	swait.ge [sflag:s29], $0x50  }
0x5d7: {  	[sflag:s29] =	ssyncset.done $0x0  }
0x5d8: {  	[sflag:s29] =	ssyncadd.s32 $0xFFFFFFB0  }
0x5d9: {  	_ =	swait.ge [sflag:s29], $0x50  }
0x5da: {  	[sflag:s29] =	ssyncset.done $0x0  }
0x5db: {  	[sflag:s29] =	ssyncadd.s32 $0xFFFFFFB0  }
0x5dc: {  	_ =	swait.ge [sflag:s29], $0x50  }
0x5dd: {  	[sflag:s29] =	ssyncset.done $0x0  }
0x5de: {  	[sflag:s29] =	ssyncadd.s32 $0xFFFFFFB0  }
0x5df: {  	_ =	swait.ge [sflag:s29], $0x50  }
0x5e0: {  	[sflag:s29] =	ssyncset.done $0x0  }
0x5e1: {  	[sflag:s29] =	ssyncadd.s32 $0xFFFFFFB0  }
0x5e2: {  	_ =	swait.ge [sflag:s29], $0x50  }
0x5e3: {  	[sflag:s29] =	ssyncset.done $0x0  }
0x5e4: {  	[sflag:s29] =	ssyncadd.s32 $0xFFFFFFB0  }
0x5e5: {  	_ =	swait.ge [sflag:s29], $0x50  }
0x5e6: {  	[sflag:s29] =	ssyncset.done $0x0  }
0x5e7: {  	[sflag:s29] =	ssyncadd.s32 $0xFFFFFFB0  }
0x5e8: {  	_ =	swait.ge [sflag:s29], $0x50  }
0x5e9: {  	[sflag:s29] =	ssyncset.done $0x0  }
0x5ea: {  	[sflag:s29] =	ssyncadd.s32 $0xFFFFFFB0  }
0x5eb: {  	_ =	swait.ge [sflag:s29], $0x50  }
0x5ec: {  	[sflag:s29] =	ssyncset.done $0x0  }
0x5ed: {  	[sflag:s29] =	ssyncadd.s32 $0xFFFFFFB0  }
0x5ee: {  	_ =	swait.ge [sflag:s29], $0x50  }
0x5ef: {  	[sflag:s29] =	ssyncset.done $0x0  }
0x5f0: {  	[sflag:s29] =	ssyncadd.s32 $0xFFFFFFB0  }
0x5f1: {  	_ =	swait.ge [sflag:s14], $0x7D0  }
0x5f2: {  	[sflag:s14] =	ssyncset.done $0x0  }
0x5f3: {  	s2 =	rddreg [dreg:$0x14];
	[sflag:s14] =	ssyncadd.s32 $0xFFFFF830  }
0x5f4: {  	[tilespmem:s5], [sflag:$0x10] =	stream.linear.gather [hbm4b:s2+s26], $0x7D0, $0x38;
	[tilespmem:$0x1C600] =	vst v63  }
0x5f5: {  	_ = 	snop  }
0x5f6: {  	[spmem:s6] =	stream.indirect.scatter.add.f32 [tilespmem:s28], [sflag:$0x11], $0x1, s11, s24, $0xb8;
	[tilespmem:$0x1C600] =	vst v63  }
0x5f7: {  	s2 =	simm.s32 $0x1B0D0  }
0x5f8: {  	[spmem:s6] =	stream.indirect.scatter.add.f32 [tilespmem:s28], [sflag:$0x11], $0x1, s2, s24, $0xb8;
	[tilespmem:$0x1C600] =	vst v63  }
0x5f9: {  	s2 =	simm.s32 $0x1B120  }
0x5fa: {  	[spmem:s6] =	stream.indirect.scatter.add.f32 [tilespmem:s28], [sflag:$0x11], $0x1, s2, s24, $0xb8;
	[tilespmem:$0x1C600] =	vst v63  }
0x5fb: {  	s2 =	simm.s32 $0x1B170  }
0x5fc: {  	[spmem:s6] =	stream.indirect.scatter.add.f32 [tilespmem:s28], [sflag:$0x11], $0x1, s2, s24, $0xb8;
	[tilespmem:$0x1C600] =	vst v63  }
0x5fd: {  	s2 =	simm.s32 $0x1B1C0  }
0x5fe: {  	[spmem:s6] =	stream.indirect.scatter.add.f32 [tilespmem:s28], [sflag:$0x11], $0x1, s2, s24, $0xb8;
	[tilespmem:$0x1C600] =	vst v63  }
0x5ff: {  	s2 =	simm.s32 $0x1B210  }
0x600: {  	[spmem:s6] =	stream.indirect.scatter.add.f32 [tilespmem:s28], [sflag:$0x11], $0x1, s2, s24, $0xb8;
	[tilespmem:$0x1C600] =	vst v63  }
0x601: {  	s2 =	simm.s32 $0x1B260  }
0x602: {  	[spmem:s6] =	stream.indirect.scatter.add.f32 [tilespmem:s28], [sflag:$0x11], $0x1, s2, s24, $0xb8;
	[tilespmem:$0x1C600] =	vst v63  }
0x603: {  	s2 =	simm.s32 $0x1B2B0  }
0x604: {  	[spmem:s6] =	stream.indirect.scatter.add.f32 [tilespmem:s28], [sflag:$0x11], $0x1, s2, s24, $0xb8;
	[tilespmem:$0x1C600] =	vst v63  }
0x605: {  	s2 =	simm.s32 $0x1B300  }
0x606: {  	[spmem:s6] =	stream.indirect.scatter.add.f32 [tilespmem:s28], [sflag:$0x11], $0x1, s2, s24, $0xb8;
	[tilespmem:$0x1C600] =	vst v63  }
0x607: {  	s2 =	simm.s32 $0x1B350  }
0x608: {  	[spmem:s6] =	stream.indirect.scatter.add.f32 [tilespmem:s28], [sflag:$0x11], $0x1, s2, s24, $0xb8;
	[tilespmem:$0x1C600] =	vst v63  }
0x609: {  	s2 =	simm.s32 $0x1B3A0  }
0x60a: {  	[spmem:s6] =	stream.indirect.scatter.add.f32 [tilespmem:s28], [sflag:$0x11], $0x1, s2, s24, $0xb8;
	[tilespmem:$0x1C600] =	vst v63  }
0x60b: {  	s2 =	simm.s32 $0x1B3F0  }
0x60c: {  	[spmem:s6] =	stream.indirect.scatter.add.f32 [tilespmem:s28], [sflag:$0x11], $0x1, s2, s24, $0xb8;
	[tilespmem:$0x1C600] =	vst v63  }
0x60d: {  	s2 =	simm.s32 $0x1B440  }
0x60e: {  	[spmem:s6] =	stream.indirect.scatter.add.f32 [tilespmem:s28], [sflag:$0x11], $0x1, s2, s24, $0xb8;
	[tilespmem:$0x1C600] =	vst v63  }
0x60f: {  	s2 =	simm.s32 $0x1B490  }
0x610: {  	[spmem:s6] =	stream.indirect.scatter.add.f32 [tilespmem:s28], [sflag:$0x11], $0x1, s2, s24, $0xb8;
	[tilespmem:$0x1C600] =	vst v63  }
0x611: {  	s2 =	simm.s32 $0x1B4E0  }
0x612: {  	[spmem:s6] =	stream.indirect.scatter.add.f32 [tilespmem:s28], [sflag:$0x11], $0x1, s2, s24, $0xb8;
	[tilespmem:$0x1C600] =	vst v63  }
0x613: {  	s2 =	simm.s32 $0x1B530  }
0x614: {  	[spmem:s6] =	stream.indirect.scatter.add.f32 [tilespmem:s28], [sflag:$0x11], $0x1, s2, s24, $0xb8;
	[tilespmem:$0x1C600] =	vst v63  }
0x615: {  	s2 =	simm.s32 $0x1B580  }
0x616: {  	[spmem:s6] =	stream.indirect.scatter.add.f32 [tilespmem:s28], [sflag:$0x11], $0x1, s2, s24, $0xb8;
	[tilespmem:$0x1C600] =	vst v63  }
0x617: {  	s2 =	simm.s32 $0x1B5D0  }
0x618: {  	[spmem:s6] =	stream.indirect.scatter.add.f32 [tilespmem:s28], [sflag:$0x11], $0x1, s2, s24, $0xb8;
	[tilespmem:$0x1C600] =	vst v63  }
0x619: {  	s2 =	simm.s32 $0x1B620  }
0x61a: {  	[spmem:s6] =	stream.indirect.scatter.add.f32 [tilespmem:s28], [sflag:$0x11], $0x1, s2, s24, $0xb8;
	[tilespmem:$0x1C600] =	vst v63  }
0x61b: {  	s2 =	simm.s32 $0x1B670  }
0x61c: {  	[spmem:s6] =	stream.indirect.scatter.add.f32 [tilespmem:s28], [sflag:$0x11], $0x1, s2, s24, $0xb8;
	[tilespmem:$0x1C600] =	vst v63  }
0x61d: {  	s2 =	simm.s32 $0x1B6C0  }
0x61e: {  	[spmem:s6] =	stream.indirect.scatter.add.f32 [tilespmem:s28], [sflag:$0x11], $0x1, s2, s24, $0xb8;
	[tilespmem:$0x1C600] =	vst v63  }
0x61f: {  	s2 =	simm.s32 $0x1B710  }
0x620: {  	[spmem:s6] =	stream.indirect.scatter.add.f32 [tilespmem:s28], [sflag:$0x11], $0x1, s2, s24, $0xb8;
	[tilespmem:$0x1C600] =	vst v63  }
0x621: {  	s2 =	simm.s32 $0x1B760  }
0x622: {  	[spmem:s6] =	stream.indirect.scatter.add.f32 [tilespmem:s28], [sflag:$0x11], $0x1, s2, s24, $0xb8;
	[tilespmem:$0x1C600] =	vst v63  }
0x623: {  	s2 =	simm.s32 $0x1B7B0  }
0x624: {  	[spmem:s6] =	stream.indirect.scatter.add.f32 [tilespmem:s28], [sflag:$0x11], $0x1, s2, s24, $0xb8;
	[tilespmem:$0x1C600] =	vst v63  }
0x625: {  	s13 =	simm.s32 $0x1B800  }
0x626: {  	[spmem:s6] =	stream.indirect.scatter.add.f32 [tilespmem:s28], [sflag:$0x11], $0x1, s13, s24, $0xb8;
	[tilespmem:$0x1C600] =	vst v63  }
0x627: {  	_ =	swait.ge [sflag:s29], $0x50  }
0x628: {  	[sflag:s29] =	ssyncset.done $0x0  }
0x629: {  	[sflag:s29] =	ssyncadd.s32 $0xFFFFFFB0  }
0x62a: {  	_ =	swait.ge [sflag:s29], $0x50  }
0x62b: {  	[sflag:s29] =	ssyncset.done $0x0  }
0x62c: {  	[sflag:s29] =	ssyncadd.s32 $0xFFFFFFB0  }
0x62d: {  	_ =	swait.ge [sflag:s29], $0x50  }
0x62e: {  	[sflag:s29] =	ssyncset.done $0x0  }
0x62f: {  	[sflag:s29] =	ssyncadd.s32 $0xFFFFFFB0  }
0x630: {  	_ =	swait.ge [sflag:s29], $0x50  }
0x631: {  	[sflag:s29] =	ssyncset.done $0x0  }
0x632: {  	[sflag:s29] =	ssyncadd.s32 $0xFFFFFFB0  }
0x633: {  	_ =	swait.ge [sflag:s29], $0x50  }
0x634: {  	[sflag:s29] =	ssyncset.done $0x0  }
0x635: {  	[sflag:s29] =	ssyncadd.s32 $0xFFFFFFB0  }
0x636: {  	_ =	swait.ge [sflag:s29], $0x50  }
0x637: {  	[sflag:s29] =	ssyncset.done $0x0  }
0x638: {  	[sflag:s29] =	ssyncadd.s32 $0xFFFFFFB0  }
0x639: {  	_ =	swait.ge [sflag:s29], $0x50  }
0x63a: {  	[sflag:s29] =	ssyncset.done $0x0  }
0x63b: {  	[sflag:s29] =	ssyncadd.s32 $0xFFFFFFB0  }
0x63c: {  	_ =	swait.ge [sflag:s29], $0x50  }
0x63d: {  	[sflag:s29] =	ssyncset.done $0x0  }
0x63e: {  	[sflag:s29] =	ssyncadd.s32 $0xFFFFFFB0  }
0x63f: {  	_ =	swait.ge [sflag:s29], $0x50  }
0x640: {  	[sflag:s29] =	ssyncset.done $0x0  }
0x641: {  	[sflag:s29] =	ssyncadd.s32 $0xFFFFFFB0  }
0x642: {  	_ =	swait.ge [sflag:s29], $0x50  }
0x643: {  	[sflag:s29] =	ssyncset.done $0x0  }
0x644: {  	[sflag:s29] =	ssyncadd.s32 $0xFFFFFFB0  }
0x645: {  	_ =	swait.ge [sflag:s29], $0x50  }
0x646: {  	[sflag:s29] =	ssyncset.done $0x0  }
0x647: {  	[sflag:s29] =	ssyncadd.s32 $0xFFFFFFB0  }
0x648: {  	_ =	swait.ge [sflag:s29], $0x50  }
0x649: {  	[sflag:s29] =	ssyncset.done $0x0  }
0x64a: {  	[sflag:s29] =	ssyncadd.s32 $0xFFFFFFB0  }
0x64b: {  	_ =	swait.ge [sflag:s29], $0x50  }
0x64c: {  	[sflag:s29] =	ssyncset.done $0x0  }
0x64d: {  	[sflag:s29] =	ssyncadd.s32 $0xFFFFFFB0  }
0x64e: {  	_ =	swait.ge [sflag:s29], $0x50  }
0x64f: {  	[sflag:s29] =	ssyncset.done $0x0  }
0x650: {  	[sflag:s29] =	ssyncadd.s32 $0xFFFFFFB0  }
0x651: {  	_ =	swait.ge [sflag:s29], $0x50  }
0x652: {  	[sflag:s29] =	ssyncset.done $0x0  }
0x653: {  	[sflag:s29] =	ssyncadd.s32 $0xFFFFFFB0  }
0x654: {  	_ =	swait.ge [sflag:s29], $0x50  }
0x655: {  	[sflag:s29] =	ssyncset.done $0x0  }
0x656: {  	[sflag:s29] =	ssyncadd.s32 $0xFFFFFFB0  }
0x657: {  	_ =	swait.ge [sflag:s29], $0x50  }
0x658: {  	[sflag:s29] =	ssyncset.done $0x0  }
0x659: {  	[sflag:s29] =	ssyncadd.s32 $0xFFFFFFB0  }
0x65a: {  	_ =	swait.ge [sflag:s29], $0x50  }
0x65b: {  	[sflag:s29] =	ssyncset.done $0x0  }
0x65c: {  	[sflag:s29] =	ssyncadd.s32 $0xFFFFFFB0  }
0x65d: {  	_ =	swait.ge [sflag:s29], $0x50  }
0x65e: {  	[sflag:s29] =	ssyncset.done $0x0  }
0x65f: {  	[sflag:s29] =	ssyncadd.s32 $0xFFFFFFB0  }
0x660: {  	_ =	swait.ge [sflag:s29], $0x50  }
0x661: {  	[sflag:s29] =	ssyncset.done $0x0  }
0x662: {  	[sflag:s29] =	ssyncadd.s32 $0xFFFFFFB0  }
0x663: {  	_ =	swait.ge [sflag:s29], $0x50  }
0x664: {  	[sflag:s29] =	ssyncset.done $0x0  }
0x665: {  	[sflag:s29] =	ssyncadd.s32 $0xFFFFFFB0  }
0x666: {  	_ =	swait.ge [sflag:s29], $0x50  }
0x667: {  	[sflag:s29] =	ssyncset.done $0x0  }
0x668: {  	[sflag:s29] =	ssyncadd.s32 $0xFFFFFFB0  }
0x669: {  	_ =	swait.ge [sflag:s29], $0x50  }
0x66a: {  	[sflag:s29] =	ssyncset.done $0x0  }
0x66b: {  	[sflag:s29] =	ssyncadd.s32 $0xFFFFFFB0  }
0x66c: {  	_ =	swait.ge [sflag:s29], $0x50  }
0x66d: {  	[sflag:s29] =	ssyncset.done $0x0  }
0x66e: {  	[sflag:s29] =	ssyncadd.s32 $0xFFFFFFB0  }
0x66f: {  	_ =	swait.ge [sflag:s29], $0x50  }
0x670: {  	[sflag:s29] =	ssyncset.done $0x0  }
0x671: {  	[sflag:s29] =	ssyncadd.s32 $0xFFFFFFB0  }
0x672: {  	_ =	swait.ge [sflag:s10], $0x7D0  }
0x673: {  	[sflag:s10] =	ssyncset.done $0x0  }
0x674: {  	s13 =	rddreg [dreg:$0x15];
	[sflag:s10] =	ssyncadd.s32 $0xFFFFF830  }
0x675: {  	[tilespmem:s11], [sflag:$0xF] =	stream.linear.gather [hbm4b:s13+s26], $0x7D0, $0x38;
	[tilespmem:$0x1C600] =	vst v63  }
0x676: {  	_ = 	snop  }
0x677: {  	[spmem:s6] =	stream.indirect.scatter.add.f32 [tilespmem:s28], [sflag:$0x11], $0x1, s5, s24, $0xb8;
	[tilespmem:$0x1C600] =	vst v63  }
0x678: {  	s13 =	simm.s32 $0x1B8D0  }
0x679: {  	[spmem:s6] =	stream.indirect.scatter.add.f32 [tilespmem:s28], [sflag:$0x11], $0x1, s13, s24, $0xb8;
	[tilespmem:$0x1C600] =	vst v63  }
0x67a: {  	s13 =	simm.s32 $0x1B920  }
0x67b: {  	[spmem:s6] =	stream.indirect.scatter.add.f32 [tilespmem:s28], [sflag:$0x11], $0x1, s13, s24, $0xb8;
	[tilespmem:$0x1C600] =	vst v63  }
0x67c: {  	s13 =	simm.s32 $0x1B970  }
0x67d: {  	[spmem:s6] =	stream.indirect.scatter.add.f32 [tilespmem:s28], [sflag:$0x11], $0x1, s13, s24, $0xb8;
	[tilespmem:$0x1C600] =	vst v63  }
0x67e: {  	s13 =	simm.s32 $0x1B9C0  }
0x67f: {  	[spmem:s6] =	stream.indirect.scatter.add.f32 [tilespmem:s28], [sflag:$0x11], $0x1, s13, s24, $0xb8;
	[tilespmem:$0x1C600] =	vst v63  }
0x680: {  	s13 =	simm.s32 $0x1BA10  }
0x681: {  	[spmem:s6] =	stream.indirect.scatter.add.f32 [tilespmem:s28], [sflag:$0x11], $0x1, s13, s24, $0xb8;
	[tilespmem:$0x1C600] =	vst v63  }
0x682: {  	s13 =	simm.s32 $0x1BA60  }
0x683: {  	[spmem:s6] =	stream.indirect.scatter.add.f32 [tilespmem:s28], [sflag:$0x11], $0x1, s13, s24, $0xb8;
	[tilespmem:$0x1C600] =	vst v63  }
0x684: {  	s13 =	simm.s32 $0x1BAB0  }
0x685: {  	[spmem:s6] =	stream.indirect.scatter.add.f32 [tilespmem:s28], [sflag:$0x11], $0x1, s13, s24, $0xb8;
	[tilespmem:$0x1C600] =	vst v63  }
0x686: {  	s13 =	simm.s32 $0x1BB00  }
0x687: {  	[spmem:s6] =	stream.indirect.scatter.add.f32 [tilespmem:s28], [sflag:$0x11], $0x1, s13, s24, $0xb8;
	[tilespmem:$0x1C600] =	vst v63  }
0x688: {  	s13 =	simm.s32 $0x1BB50  }
0x689: {  	[spmem:s6] =	stream.indirect.scatter.add.f32 [tilespmem:s28], [sflag:$0x11], $0x1, s13, s24, $0xb8;
	[tilespmem:$0x1C600] =	vst v63  }
0x68a: {  	s13 =	simm.s32 $0x1BBA0  }
0x68b: {  	[spmem:s6] =	stream.indirect.scatter.add.f32 [tilespmem:s28], [sflag:$0x11], $0x1, s13, s24, $0xb8;
	[tilespmem:$0x1C600] =	vst v63  }
0x68c: {  	s13 =	simm.s32 $0x1BBF0  }
0x68d: {  	[spmem:s6] =	stream.indirect.scatter.add.f32 [tilespmem:s28], [sflag:$0x11], $0x1, s13, s24, $0xb8;
	[tilespmem:$0x1C600] =	vst v63  }
0x68e: {  	s13 =	simm.s32 $0x1BC40  }
0x68f: {  	[spmem:s6] =	stream.indirect.scatter.add.f32 [tilespmem:s28], [sflag:$0x11], $0x1, s13, s24, $0xb8;
	[tilespmem:$0x1C600] =	vst v63  }
0x690: {  	s13 =	simm.s32 $0x1BC90  }
0x691: {  	[spmem:s6] =	stream.indirect.scatter.add.f32 [tilespmem:s28], [sflag:$0x11], $0x1, s13, s24, $0xb8;
	[tilespmem:$0x1C600] =	vst v63  }
0x692: {  	s13 =	simm.s32 $0x1BCE0  }
0x693: {  	[spmem:s6] =	stream.indirect.scatter.add.f32 [tilespmem:s28], [sflag:$0x11], $0x1, s13, s24, $0xb8;
	[tilespmem:$0x1C600] =	vst v63  }
0x694: {  	s13 =	simm.s32 $0x1BD30  }
0x695: {  	[spmem:s6] =	stream.indirect.scatter.add.f32 [tilespmem:s28], [sflag:$0x11], $0x1, s13, s24, $0xb8;
	[tilespmem:$0x1C600] =	vst v63  }
0x696: {  	s13 =	simm.s32 $0x1BD80  }
0x697: {  	[spmem:s6] =	stream.indirect.scatter.add.f32 [tilespmem:s28], [sflag:$0x11], $0x1, s13, s24, $0xb8;
	[tilespmem:$0x1C600] =	vst v63  }
0x698: {  	s13 =	simm.s32 $0x1BDD0  }
0x699: {  	[spmem:s6] =	stream.indirect.scatter.add.f32 [tilespmem:s28], [sflag:$0x11], $0x1, s13, s24, $0xb8;
	[tilespmem:$0x1C600] =	vst v63  }
0x69a: {  	s13 =	simm.s32 $0x1BE20  }
0x69b: {  	[spmem:s6] =	stream.indirect.scatter.add.f32 [tilespmem:s28], [sflag:$0x11], $0x1, s13, s24, $0xb8;
	[tilespmem:$0x1C600] =	vst v63  }
0x69c: {  	s13 =	simm.s32 $0x1BE70  }
0x69d: {  	[spmem:s6] =	stream.indirect.scatter.add.f32 [tilespmem:s28], [sflag:$0x11], $0x1, s13, s24, $0xb8;
	[tilespmem:$0x1C600] =	vst v63  }
0x69e: {  	s13 =	simm.s32 $0x1BEC0  }
0x69f: {  	[spmem:s6] =	stream.indirect.scatter.add.f32 [tilespmem:s28], [sflag:$0x11], $0x1, s13, s24, $0xb8;
	[tilespmem:$0x1C600] =	vst v63  }
0x6a0: {  	s13 =	simm.s32 $0x1BF10  }
0x6a1: {  	[spmem:s6] =	stream.indirect.scatter.add.f32 [tilespmem:s28], [sflag:$0x11], $0x1, s13, s24, $0xb8;
	[tilespmem:$0x1C600] =	vst v63  }
0x6a2: {  	s13 =	simm.s32 $0x1BF60  }
0x6a3: {  	[spmem:s6] =	stream.indirect.scatter.add.f32 [tilespmem:s28], [sflag:$0x11], $0x1, s13, s24, $0xb8;
	[tilespmem:$0x1C600] =	vst v63  }
0x6a4: {  	s13 =	simm.s32 $0x1BFB0  }
0x6a5: {  	[spmem:s6] =	stream.indirect.scatter.add.f32 [tilespmem:s28], [sflag:$0x11], $0x1, s13, s24, $0xb8;
	[tilespmem:$0x1C600] =	vst v63  }
0x6a6: {  	s13 =	simm.s32 $0x1C000  }
0x6a7: {  	[spmem:s6] =	stream.indirect.scatter.add.f32 [tilespmem:s28], [sflag:$0x11], $0x1, s13, s24, $0xb8;
	[tilespmem:$0x1C600] =	vst v63  }
0x6a8: {  	_ =	swait.ge [sflag:s29], $0x50  }
0x6a9: {  	[sflag:s29] =	ssyncset.done $0x0  }
0x6aa: {  	[sflag:s29] =	ssyncadd.s32 $0xFFFFFFB0  }
0x6ab: {  	_ =	swait.ge [sflag:s29], $0x50  }
0x6ac: {  	[sflag:s29] =	ssyncset.done $0x0  }
0x6ad: {  	[sflag:s29] =	ssyncadd.s32 $0xFFFFFFB0  }
0x6ae: {  	_ =	swait.ge [sflag:s29], $0x50  }
0x6af: {  	[sflag:s29] =	ssyncset.done $0x0  }
0x6b0: {  	[sflag:s29] =	ssyncadd.s32 $0xFFFFFFB0  }
0x6b1: {  	_ =	swait.ge [sflag:s29], $0x50  }
0x6b2: {  	[sflag:s29] =	ssyncset.done $0x0  }
0x6b3: {  	[sflag:s29] =	ssyncadd.s32 $0xFFFFFFB0  }
0x6b4: {  	_ =	swait.ge [sflag:s29], $0x50  }
0x6b5: {  	[sflag:s29] =	ssyncset.done $0x0  }
0x6b6: {  	[sflag:s29] =	ssyncadd.s32 $0xFFFFFFB0  }
0x6b7: {  	_ =	swait.ge [sflag:s29], $0x50  }
0x6b8: {  	[sflag:s29] =	ssyncset.done $0x0  }
0x6b9: {  	[sflag:s29] =	ssyncadd.s32 $0xFFFFFFB0  }
0x6ba: {  	_ =	swait.ge [sflag:s29], $0x50  }
0x6bb: {  	[sflag:s29] =	ssyncset.done $0x0  }
0x6bc: {  	[sflag:s29] =	ssyncadd.s32 $0xFFFFFFB0  }
0x6bd: {  	_ =	swait.ge [sflag:s29], $0x50  }
0x6be: {  	[sflag:s29] =	ssyncset.done $0x0  }
0x6bf: {  	[sflag:s29] =	ssyncadd.s32 $0xFFFFFFB0  }
0x6c0: {  	_ =	swait.ge [sflag:s29], $0x50  }
0x6c1: {  	[sflag:s29] =	ssyncset.done $0x0  }
0x6c2: {  	[sflag:s29] =	ssyncadd.s32 $0xFFFFFFB0  }
0x6c3: {  	_ =	swait.ge [sflag:s29], $0x50  }
0x6c4: {  	[sflag:s29] =	ssyncset.done $0x0  }
0x6c5: {  	[sflag:s29] =	ssyncadd.s32 $0xFFFFFFB0  }
0x6c6: {  	_ =	swait.ge [sflag:s29], $0x50  }
0x6c7: {  	[sflag:s29] =	ssyncset.done $0x0  }
0x6c8: {  	[sflag:s29] =	ssyncadd.s32 $0xFFFFFFB0  }
0x6c9: {  	_ =	swait.ge [sflag:s29], $0x50  }
0x6ca: {  	[sflag:s29] =	ssyncset.done $0x0  }
0x6cb: {  	[sflag:s29] =	ssyncadd.s32 $0xFFFFFFB0  }
0x6cc: {  	_ =	swait.ge [sflag:s29], $0x50  }
0x6cd: {  	[sflag:s29] =	ssyncset.done $0x0  }
0x6ce: {  	[sflag:s29] =	ssyncadd.s32 $0xFFFFFFB0  }
0x6cf: {  	_ =	swait.ge [sflag:s29], $0x50  }
0x6d0: {  	[sflag:s29] =	ssyncset.done $0x0  }
0x6d1: {  	[sflag:s29] =	ssyncadd.s32 $0xFFFFFFB0  }
0x6d2: {  	_ =	swait.ge [sflag:s29], $0x50  }
0x6d3: {  	[sflag:s29] =	ssyncset.done $0x0  }
0x6d4: {  	[sflag:s29] =	ssyncadd.s32 $0xFFFFFFB0  }
0x6d5: {  	_ =	swait.ge [sflag:s29], $0x50  }
0x6d6: {  	[sflag:s29] =	ssyncset.done $0x0  }
0x6d7: {  	[sflag:s29] =	ssyncadd.s32 $0xFFFFFFB0  }
0x6d8: {  	_ =	swait.ge [sflag:s29], $0x50  }
0x6d9: {  	[sflag:s29] =	ssyncset.done $0x0  }
0x6da: {  	[sflag:s29] =	ssyncadd.s32 $0xFFFFFFB0  }
0x6db: {  	_ =	swait.ge [sflag:s29], $0x50  }
0x6dc: {  	[sflag:s29] =	ssyncset.done $0x0  }
0x6dd: {  	[sflag:s29] =	ssyncadd.s32 $0xFFFFFFB0  }
0x6de: {  	_ =	swait.ge [sflag:s29], $0x50  }
0x6df: {  	[sflag:s29] =	ssyncset.done $0x0  }
0x6e0: {  	[sflag:s29] =	ssyncadd.s32 $0xFFFFFFB0  }
0x6e1: {  	_ =	swait.ge [sflag:s29], $0x50  }
0x6e2: {  	[sflag:s29] =	ssyncset.done $0x0  }
0x6e3: {  	[sflag:s29] =	ssyncadd.s32 $0xFFFFFFB0  }
0x6e4: {  	_ =	swait.ge [sflag:s29], $0x50  }
0x6e5: {  	[sflag:s29] =	ssyncset.done $0x0  }
0x6e6: {  	[sflag:s29] =	ssyncadd.s32 $0xFFFFFFB0  }
0x6e7: {  	_ =	swait.ge [sflag:s29], $0x50  }
0x6e8: {  	[sflag:s29] =	ssyncset.done $0x0  }
0x6e9: {  	[sflag:s29] =	ssyncadd.s32 $0xFFFFFFB0  }
0x6ea: {  	_ =	swait.ge [sflag:s29], $0x50  }
0x6eb: {  	[sflag:s29] =	ssyncset.done $0x0  }
0x6ec: {  	[sflag:s29] =	ssyncadd.s32 $0xFFFFFFB0  }
0x6ed: {  	_ =	swait.ge [sflag:s29], $0x50  }
0x6ee: {  	[sflag:s29] =	ssyncset.done $0x0  }
0x6ef: {  	[sflag:s29] =	ssyncadd.s32 $0xFFFFFFB0  }
0x6f0: {  	_ =	swait.ge [sflag:s29], $0x50  }
0x6f1: {  	[sflag:s29] =	ssyncset.done $0x0  }
0x6f2: {  	[sflag:s29] =	ssyncadd.s32 $0xFFFFFFB0  }
0x6f3: {  	_ =	swait.ge [sflag:s14], $0x7D0  }
0x6f4: {  	[sflag:s14] =	ssyncset.done $0x0  }
0x6f5: {  	s13 =	rddreg [dreg:$0x16];
	[sflag:s14] =	ssyncadd.s32 $0xFFFFF830  }
0x6f6: {  	[tilespmem:s5], [sflag:$0x10] =	stream.linear.gather [hbm4b:s13+s26], $0x7D0, $0x38;
	[tilespmem:$0x1C600] =	vst v63  }
0x6f7: {  	_ = 	snop  }
0x6f8: {  	[spmem:s6] =	stream.indirect.scatter.add.f32 [tilespmem:s28], [sflag:$0x11], $0x1, s11, s24, $0xb8;
	[tilespmem:$0x1C600] =	vst v63  }
0x6f9: {  	s13 =	simm.s32 $0x1B0D0  }
0x6fa: {  	[spmem:s6] =	stream.indirect.scatter.add.f32 [tilespmem:s28], [sflag:$0x11], $0x1, s13, s24, $0xb8;
	[tilespmem:$0x1C600] =	vst v63  }
0x6fb: {  	s2 =	simm.s32 $0x1B120  }
0x6fc: {  	[spmem:s6] =	stream.indirect.scatter.add.f32 [tilespmem:s28], [sflag:$0x11], $0x1, s2, s24, $0xb8;
	[tilespmem:$0x1C600] =	vst v63  }
0x6fd: {  	s2 =	simm.s32 $0x1B170  }
0x6fe: {  	[spmem:s6] =	stream.indirect.scatter.add.f32 [tilespmem:s28], [sflag:$0x11], $0x1, s2, s24, $0xb8;
	[tilespmem:$0x1C600] =	vst v63  }
0x6ff: {  	s2 =	simm.s32 $0x1B1C0  }
0x700: {  	[spmem:s6] =	stream.indirect.scatter.add.f32 [tilespmem:s28], [sflag:$0x11], $0x1, s2, s24, $0xb8;
	[tilespmem:$0x1C600] =	vst v63  }
0x701: {  	s2 =	simm.s32 $0x1B210  }
0x702: {  	[spmem:s6] =	stream.indirect.scatter.add.f32 [tilespmem:s28], [sflag:$0x11], $0x1, s2, s24, $0xb8;
	[tilespmem:$0x1C600] =	vst v63  }
0x703: {  	s2 =	simm.s32 $0x1B260  }
0x704: {  	[spmem:s6] =	stream.indirect.scatter.add.f32 [tilespmem:s28], [sflag:$0x11], $0x1, s2, s24, $0xb8;
	[tilespmem:$0x1C600] =	vst v63  }
0x705: {  	s2 =	simm.s32 $0x1B2B0  }
0x706: {  	[spmem:s6] =	stream.indirect.scatter.add.f32 [tilespmem:s28], [sflag:$0x11], $0x1, s2, s24, $0xb8;
	[tilespmem:$0x1C600] =	vst v63  }
0x707: {  	s2 =	simm.s32 $0x1B300  }
0x708: {  	[spmem:s6] =	stream.indirect.scatter.add.f32 [tilespmem:s28], [sflag:$0x11], $0x1, s2, s24, $0xb8;
	[tilespmem:$0x1C600] =	vst v63  }
0x709: {  	s2 =	simm.s32 $0x1B350  }
0x70a: {  	[spmem:s6] =	stream.indirect.scatter.add.f32 [tilespmem:s28], [sflag:$0x11], $0x1, s2, s24, $0xb8;
	[tilespmem:$0x1C600] =	vst v63  }
0x70b: {  	s2 =	simm.s32 $0x1B3A0  }
0x70c: {  	[spmem:s6] =	stream.indirect.scatter.add.f32 [tilespmem:s28], [sflag:$0x11], $0x1, s2, s24, $0xb8;
	[tilespmem:$0x1C600] =	vst v63  }
0x70d: {  	s2 =	simm.s32 $0x1B3F0  }
0x70e: {  	[spmem:s6] =	stream.indirect.scatter.add.f32 [tilespmem:s28], [sflag:$0x11], $0x1, s2, s24, $0xb8;
	[tilespmem:$0x1C600] =	vst v63  }
0x70f: {  	s2 =	simm.s32 $0x1B440  }
0x710: {  	[spmem:s6] =	stream.indirect.scatter.add.f32 [tilespmem:s28], [sflag:$0x11], $0x1, s2, s24, $0xb8;
	[tilespmem:$0x1C600] =	vst v63  }
0x711: {  	s2 =	simm.s32 $0x1B490  }
0x712: {  	[spmem:s6] =	stream.indirect.scatter.add.f32 [tilespmem:s28], [sflag:$0x11], $0x1, s2, s24, $0xb8;
	[tilespmem:$0x1C600] =	vst v63  }
0x713: {  	s2 =	simm.s32 $0x1B4E0  }
0x714: {  	[spmem:s6] =	stream.indirect.scatter.add.f32 [tilespmem:s28], [sflag:$0x11], $0x1, s2, s24, $0xb8;
	[tilespmem:$0x1C600] =	vst v63  }
0x715: {  	s2 =	simm.s32 $0x1B530  }
0x716: {  	[spmem:s6] =	stream.indirect.scatter.add.f32 [tilespmem:s28], [sflag:$0x11], $0x1, s2, s24, $0xb8;
	[tilespmem:$0x1C600] =	vst v63  }
0x717: {  	s2 =	simm.s32 $0x1B580  }
0x718: {  	[spmem:s6] =	stream.indirect.scatter.add.f32 [tilespmem:s28], [sflag:$0x11], $0x1, s2, s24, $0xb8;
	[tilespmem:$0x1C600] =	vst v63  }
0x719: {  	s2 =	simm.s32 $0x1B5D0  }
0x71a: {  	[spmem:s6] =	stream.indirect.scatter.add.f32 [tilespmem:s28], [sflag:$0x11], $0x1, s2, s24, $0xb8;
	[tilespmem:$0x1C600] =	vst v63  }
0x71b: {  	s2 =	simm.s32 $0x1B620  }
0x71c: {  	[spmem:s6] =	stream.indirect.scatter.add.f32 [tilespmem:s28], [sflag:$0x11], $0x1, s2, s24, $0xb8;
	[tilespmem:$0x1C600] =	vst v63  }
0x71d: {  	s2 =	simm.s32 $0x1B670  }
0x71e: {  	[spmem:s6] =	stream.indirect.scatter.add.f32 [tilespmem:s28], [sflag:$0x11], $0x1, s2, s24, $0xb8;
	[tilespmem:$0x1C600] =	vst v63  }
0x71f: {  	s2 =	simm.s32 $0x1B6C0  }
0x720: {  	[spmem:s6] =	stream.indirect.scatter.add.f32 [tilespmem:s28], [sflag:$0x11], $0x1, s2, s24, $0xb8;
	[tilespmem:$0x1C600] =	vst v63  }
0x721: {  	s2 =	simm.s32 $0x1B710  }
0x722: {  	[spmem:s6] =	stream.indirect.scatter.add.f32 [tilespmem:s28], [sflag:$0x11], $0x1, s2, s24, $0xb8;
	[tilespmem:$0x1C600] =	vst v63  }
0x723: {  	s2 =	simm.s32 $0x1B760  }
0x724: {  	[spmem:s6] =	stream.indirect.scatter.add.f32 [tilespmem:s28], [sflag:$0x11], $0x1, s2, s24, $0xb8;
	[tilespmem:$0x1C600] =	vst v63  }
0x725: {  	s2 =	simm.s32 $0x1B7B0  }
0x726: {  	[spmem:s6] =	stream.indirect.scatter.add.f32 [tilespmem:s28], [sflag:$0x11], $0x1, s2, s24, $0xb8;
	[tilespmem:$0x1C600] =	vst v63  }
0x727: {  	s2 =	simm.s32 $0x1B800  }
0x728: {  	[spmem:s6] =	stream.indirect.scatter.add.f32 [tilespmem:s28], [sflag:$0x11], $0x1, s2, s24, $0xb8;
	[tilespmem:$0x1C600] =	vst v63  }
0x729: {  	_ =	swait.ge [sflag:s29], $0x50  }
0x72a: {  	[sflag:s29] =	ssyncset.done $0x0  }
0x72b: {  	[sflag:s29] =	ssyncadd.s32 $0xFFFFFFB0  }
0x72c: {  	_ =	swait.ge [sflag:s29], $0x50  }
0x72d: {  	[sflag:s29] =	ssyncset.done $0x0  }
0x72e: {  	[sflag:s29] =	ssyncadd.s32 $0xFFFFFFB0  }
0x72f: {  	_ =	swait.ge [sflag:s29], $0x50  }
0x730: {  	[sflag:s29] =	ssyncset.done $0x0  }
0x731: {  	[sflag:s29] =	ssyncadd.s32 $0xFFFFFFB0  }
0x732: {  	_ =	swait.ge [sflag:s29], $0x50  }
0x733: {  	[sflag:s29] =	ssyncset.done $0x0  }
0x734: {  	[sflag:s29] =	ssyncadd.s32 $0xFFFFFFB0  }
0x735: {  	_ =	swait.ge [sflag:s29], $0x50  }
0x736: {  	[sflag:s29] =	ssyncset.done $0x0  }
0x737: {  	[sflag:s29] =	ssyncadd.s32 $0xFFFFFFB0  }
0x738: {  	_ =	swait.ge [sflag:s29], $0x50  }
0x739: {  	[sflag:s29] =	ssyncset.done $0x0  }
0x73a: {  	[sflag:s29] =	ssyncadd.s32 $0xFFFFFFB0  }
0x73b: {  	_ =	swait.ge [sflag:s29], $0x50  }
0x73c: {  	[sflag:s29] =	ssyncset.done $0x0  }
0x73d: {  	[sflag:s29] =	ssyncadd.s32 $0xFFFFFFB0  }
0x73e: {  	_ =	swait.ge [sflag:s29], $0x50  }
0x73f: {  	[sflag:s29] =	ssyncset.done $0x0  }
0x740: {  	[sflag:s29] =	ssyncadd.s32 $0xFFFFFFB0  }
0x741: {  	_ =	swait.ge [sflag:s29], $0x50  }
0x742: {  	[sflag:s29] =	ssyncset.done $0x0  }
0x743: {  	[sflag:s29] =	ssyncadd.s32 $0xFFFFFFB0  }
0x744: {  	_ =	swait.ge [sflag:s29], $0x50  }
0x745: {  	[sflag:s29] =	ssyncset.done $0x0  }
0x746: {  	[sflag:s29] =	ssyncadd.s32 $0xFFFFFFB0  }
0x747: {  	_ =	swait.ge [sflag:s29], $0x50  }
0x748: {  	[sflag:s29] =	ssyncset.done $0x0  }
0x749: {  	[sflag:s29] =	ssyncadd.s32 $0xFFFFFFB0  }
0x74a: {  	_ =	swait.ge [sflag:s29], $0x50  }
0x74b: {  	[sflag:s29] =	ssyncset.done $0x0  }
0x74c: {  	[sflag:s29] =	ssyncadd.s32 $0xFFFFFFB0  }
0x74d: {  	_ =	swait.ge [sflag:s29], $0x50  }
0x74e: {  	[sflag:s29] =	ssyncset.done $0x0  }
0x74f: {  	[sflag:s29] =	ssyncadd.s32 $0xFFFFFFB0  }
0x750: {  	_ =	swait.ge [sflag:s29], $0x50  }
0x751: {  	[sflag:s29] =	ssyncset.done $0x0  }
0x752: {  	[sflag:s29] =	ssyncadd.s32 $0xFFFFFFB0  }
0x753: {  	_ =	swait.ge [sflag:s29], $0x50  }
0x754: {  	[sflag:s29] =	ssyncset.done $0x0  }
0x755: {  	[sflag:s29] =	ssyncadd.s32 $0xFFFFFFB0  }
0x756: {  	_ =	swait.ge [sflag:s29], $0x50  }
0x757: {  	[sflag:s29] =	ssyncset.done $0x0  }
0x758: {  	[sflag:s29] =	ssyncadd.s32 $0xFFFFFFB0  }
0x759: {  	_ =	swait.ge [sflag:s29], $0x50  }
0x75a: {  	[sflag:s29] =	ssyncset.done $0x0  }
0x75b: {  	[sflag:s29] =	ssyncadd.s32 $0xFFFFFFB0  }
0x75c: {  	_ =	swait.ge [sflag:s29], $0x50  }
0x75d: {  	[sflag:s29] =	ssyncset.done $0x0  }
0x75e: {  	[sflag:s29] =	ssyncadd.s32 $0xFFFFFFB0  }
0x75f: {  	_ =	swait.ge [sflag:s29], $0x50  }
0x760: {  	[sflag:s29] =	ssyncset.done $0x0  }
0x761: {  	[sflag:s29] =	ssyncadd.s32 $0xFFFFFFB0  }
0x762: {  	_ =	swait.ge [sflag:s29], $0x50  }
0x763: {  	[sflag:s29] =	ssyncset.done $0x0  }
0x764: {  	[sflag:s29] =	ssyncadd.s32 $0xFFFFFFB0  }
0x765: {  	_ =	swait.ge [sflag:s29], $0x50  }
0x766: {  	[sflag:s29] =	ssyncset.done $0x0  }
0x767: {  	[sflag:s29] =	ssyncadd.s32 $0xFFFFFFB0  }
0x768: {  	_ =	swait.ge [sflag:s29], $0x50  }
0x769: {  	[sflag:s29] =	ssyncset.done $0x0  }
0x76a: {  	[sflag:s29] =	ssyncadd.s32 $0xFFFFFFB0  }
0x76b: {  	_ =	swait.ge [sflag:s29], $0x50  }
0x76c: {  	[sflag:s29] =	ssyncset.done $0x0  }
0x76d: {  	[sflag:s29] =	ssyncadd.s32 $0xFFFFFFB0  }
0x76e: {  	_ =	swait.ge [sflag:s29], $0x50  }
0x76f: {  	[sflag:s29] =	ssyncset.done $0x0  }
0x770: {  	[sflag:s29] =	ssyncadd.s32 $0xFFFFFFB0  }
0x771: {  	_ =	swait.ge [sflag:s29], $0x50  }
0x772: {  	[sflag:s29] =	ssyncset.done $0x0  }
0x773: {  	[sflag:s29] =	ssyncadd.s32 $0xFFFFFFB0  }
0x774: {  	_ =	swait.ge [sflag:s10], $0x7D0  }
0x775: {  	[sflag:s10] =	ssyncset.done $0x0  }
0x776: {  	[sflag:s10] =	ssyncadd.s32 $0xFFFFF830;
	s10 =	rddreg [dreg:$0x17]  }
0x777: {  	[tilespmem:s11], [sflag:$0xF] =	stream.linear.gather [hbm4b:s10+s26], $0x7D0, $0x38;
	[tilespmem:$0x1C600] =	vst v63  }
0x778: {  	_ = 	snop  }
0x779: {  	[spmem:s6] =	stream.indirect.scatter.add.f32 [tilespmem:s28], [sflag:$0x11], $0x1, s5, s24, $0xb8;
	[tilespmem:$0x1C600] =	vst v63  }
0x77a: {  	s26 =	simm.s32 $0x1B8D0  }
0x77b: {  	[spmem:s6] =	stream.indirect.scatter.add.f32 [tilespmem:s28], [sflag:$0x11], $0x1, s26, s24, $0xb8;
	[tilespmem:$0x1C600] =	vst v63  }
0x77c: {  	s5 =	simm.s32 $0x1B920  }
0x77d: {  	[spmem:s6] =	stream.indirect.scatter.add.f32 [tilespmem:s28], [sflag:$0x11], $0x1, s5, s24, $0xb8;
	[tilespmem:$0x1C600] =	vst v63  }
0x77e: {  	s10 =	simm.s32 $0x1B970  }
0x77f: {  	[spmem:s6] =	stream.indirect.scatter.add.f32 [tilespmem:s28], [sflag:$0x11], $0x1, s10, s24, $0xb8;
	[tilespmem:$0x1C600] =	vst v63  }
0x780: {  	s26 =	simm.s32 $0x1B9C0  }
0x781: {  	[spmem:s6] =	stream.indirect.scatter.add.f32 [tilespmem:s28], [sflag:$0x11], $0x1, s26, s24, $0xb8;
	[tilespmem:$0x1C600] =	vst v63  }
0x782: {  	s5 =	simm.s32 $0x1BA10  }
0x783: {  	[spmem:s6] =	stream.indirect.scatter.add.f32 [tilespmem:s28], [sflag:$0x11], $0x1, s5, s24, $0xb8;
	[tilespmem:$0x1C600] =	vst v63  }
0x784: {  	s10 =	simm.s32 $0x1BA60  }
0x785: {  	[spmem:s6] =	stream.indirect.scatter.add.f32 [tilespmem:s28], [sflag:$0x11], $0x1, s10, s24, $0xb8;
	[tilespmem:$0x1C600] =	vst v63  }
0x786: {  	s26 =	simm.s32 $0x1BAB0  }
0x787: {  	[spmem:s6] =	stream.indirect.scatter.add.f32 [tilespmem:s28], [sflag:$0x11], $0x1, s26, s24, $0xb8;
	[tilespmem:$0x1C600] =	vst v63  }
0x788: {  	s5 =	simm.s32 $0x1BB00  }
0x789: {  	[spmem:s6] =	stream.indirect.scatter.add.f32 [tilespmem:s28], [sflag:$0x11], $0x1, s5, s24, $0xb8;
	[tilespmem:$0x1C600] =	vst v63  }
0x78a: {  	s10 =	simm.s32 $0x1BB50  }
0x78b: {  	[spmem:s6] =	stream.indirect.scatter.add.f32 [tilespmem:s28], [sflag:$0x11], $0x1, s10, s24, $0xb8;
	[tilespmem:$0x1C600] =	vst v63  }
0x78c: {  	s26 =	simm.s32 $0x1BBA0  }
0x78d: {  	[spmem:s6] =	stream.indirect.scatter.add.f32 [tilespmem:s28], [sflag:$0x11], $0x1, s26, s24, $0xb8;
	[tilespmem:$0x1C600] =	vst v63  }
0x78e: {  	s5 =	simm.s32 $0x1BBF0  }
0x78f: {  	[spmem:s6] =	stream.indirect.scatter.add.f32 [tilespmem:s28], [sflag:$0x11], $0x1, s5, s24, $0xb8;
	[tilespmem:$0x1C600] =	vst v63  }
0x790: {  	s10 =	simm.s32 $0x1BC40  }
0x791: {  	[spmem:s6] =	stream.indirect.scatter.add.f32 [tilespmem:s28], [sflag:$0x11], $0x1, s10, s24, $0xb8;
	[tilespmem:$0x1C600] =	vst v63  }
0x792: {  	s26 =	simm.s32 $0x1BC90  }
0x793: {  	[spmem:s6] =	stream.indirect.scatter.add.f32 [tilespmem:s28], [sflag:$0x11], $0x1, s26, s24, $0xb8;
	[tilespmem:$0x1C600] =	vst v63  }
0x794: {  	s5 =	simm.s32 $0x1BCE0  }
0x795: {  	[spmem:s6] =	stream.indirect.scatter.add.f32 [tilespmem:s28], [sflag:$0x11], $0x1, s5, s24, $0xb8;
	[tilespmem:$0x1C600] =	vst v63  }
0x796: {  	s10 =	simm.s32 $0x1BD30  }
0x797: {  	[spmem:s6] =	stream.indirect.scatter.add.f32 [tilespmem:s28], [sflag:$0x11], $0x1, s10, s24, $0xb8;
	[tilespmem:$0x1C600] =	vst v63  }
0x798: {  	s26 =	simm.s32 $0x1BD80  }
0x799: {  	[spmem:s6] =	stream.indirect.scatter.add.f32 [tilespmem:s28], [sflag:$0x11], $0x1, s26, s24, $0xb8;
	[tilespmem:$0x1C600] =	vst v63  }
0x79a: {  	s5 =	simm.s32 $0x1BDD0  }
0x79b: {  	[spmem:s6] =	stream.indirect.scatter.add.f32 [tilespmem:s28], [sflag:$0x11], $0x1, s5, s24, $0xb8;
	[tilespmem:$0x1C600] =	vst v63  }
0x79c: {  	s10 =	simm.s32 $0x1BE20  }
0x79d: {  	[spmem:s6] =	stream.indirect.scatter.add.f32 [tilespmem:s28], [sflag:$0x11], $0x1, s10, s24, $0xb8;
	[tilespmem:$0x1C600] =	vst v63  }
0x79e: {  	s26 =	simm.s32 $0x1BE70  }
0x79f: {  	[spmem:s6] =	stream.indirect.scatter.add.f32 [tilespmem:s28], [sflag:$0x11], $0x1, s26, s24, $0xb8;
	[tilespmem:$0x1C600] =	vst v63  }
0x7a0: {  	s5 =	simm.s32 $0x1BEC0  }
0x7a1: {  	[spmem:s6] =	stream.indirect.scatter.add.f32 [tilespmem:s28], [sflag:$0x11], $0x1, s5, s24, $0xb8;
	[tilespmem:$0x1C600] =	vst v63  }
0x7a2: {  	s10 =	simm.s32 $0x1BF10  }
0x7a3: {  	[spmem:s6] =	stream.indirect.scatter.add.f32 [tilespmem:s28], [sflag:$0x11], $0x1, s10, s24, $0xb8;
	[tilespmem:$0x1C600] =	vst v63  }
0x7a4: {  	s26 =	simm.s32 $0x1BF60  }
0x7a5: {  	[spmem:s6] =	stream.indirect.scatter.add.f32 [tilespmem:s28], [sflag:$0x11], $0x1, s26, s24, $0xb8;
	[tilespmem:$0x1C600] =	vst v63  }
0x7a6: {  	s5 =	simm.s32 $0x1BFB0  }
0x7a7: {  	[spmem:s6] =	stream.indirect.scatter.add.f32 [tilespmem:s28], [sflag:$0x11], $0x1, s5, s24, $0xb8;
	[tilespmem:$0x1C600] =	vst v63  }
0x7a8: {  	s10 =	simm.s32 $0x1C000  }
0x7a9: {  	[spmem:s6] =	stream.indirect.scatter.add.f32 [tilespmem:s28], [sflag:$0x11], $0x1, s10, s24, $0xb8;
	[tilespmem:$0x1C600] =	vst v63  }
0x7aa: {  	_ =	swait.ge [sflag:s29], $0x50  }
0x7ab: {  	[sflag:s29] =	ssyncset.done $0x0  }
0x7ac: {  	[sflag:s29] =	ssyncadd.s32 $0xFFFFFFB0  }
0x7ad: {  	_ =	swait.ge [sflag:s29], $0x50  }
0x7ae: {  	[sflag:s29] =	ssyncset.done $0x0  }
0x7af: {  	[sflag:s29] =	ssyncadd.s32 $0xFFFFFFB0  }
0x7b0: {  	_ =	swait.ge [sflag:s29], $0x50  }
0x7b1: {  	[sflag:s29] =	ssyncset.done $0x0  }
0x7b2: {  	[sflag:s29] =	ssyncadd.s32 $0xFFFFFFB0  }
0x7b3: {  	_ =	swait.ge [sflag:s29], $0x50  }
0x7b4: {  	[sflag:s29] =	ssyncset.done $0x0  }
0x7b5: {  	[sflag:s29] =	ssyncadd.s32 $0xFFFFFFB0  }
0x7b6: {  	_ =	swait.ge [sflag:s29], $0x50  }
0x7b7: {  	[sflag:s29] =	ssyncset.done $0x0  }
0x7b8: {  	[sflag:s29] =	ssyncadd.s32 $0xFFFFFFB0  }
0x7b9: {  	_ =	swait.ge [sflag:s29], $0x50  }
0x7ba: {  	[sflag:s29] =	ssyncset.done $0x0  }
0x7bb: {  	[sflag:s29] =	ssyncadd.s32 $0xFFFFFFB0  }
0x7bc: {  	_ =	swait.ge [sflag:s29], $0x50  }
0x7bd: {  	[sflag:s29] =	ssyncset.done $0x0  }
0x7be: {  	[sflag:s29] =	ssyncadd.s32 $0xFFFFFFB0  }
0x7bf: {  	_ =	swait.ge [sflag:s29], $0x50  }
0x7c0: {  	[sflag:s29] =	ssyncset.done $0x0  }
0x7c1: {  	[sflag:s29] =	ssyncadd.s32 $0xFFFFFFB0  }
0x7c2: {  	_ =	swait.ge [sflag:s29], $0x50  }
0x7c3: {  	[sflag:s29] =	ssyncset.done $0x0  }
0x7c4: {  	[sflag:s29] =	ssyncadd.s32 $0xFFFFFFB0  }
0x7c5: {  	_ =	swait.ge [sflag:s29], $0x50  }
0x7c6: {  	[sflag:s29] =	ssyncset.done $0x0  }
0x7c7: {  	[sflag:s29] =	ssyncadd.s32 $0xFFFFFFB0  }
0x7c8: {  	_ =	swait.ge [sflag:s29], $0x50  }
0x7c9: {  	[sflag:s29] =	ssyncset.done $0x0  }
0x7ca: {  	[sflag:s29] =	ssyncadd.s32 $0xFFFFFFB0  }
0x7cb: {  	_ =	swait.ge [sflag:s29], $0x50  }
0x7cc: {  	[sflag:s29] =	ssyncset.done $0x0  }
0x7cd: {  	[sflag:s29] =	ssyncadd.s32 $0xFFFFFFB0  }
0x7ce: {  	_ =	swait.ge [sflag:s29], $0x50  }
0x7cf: {  	[sflag:s29] =	ssyncset.done $0x0  }
0x7d0: {  	[sflag:s29] =	ssyncadd.s32 $0xFFFFFFB0  }
0x7d1: {  	_ =	swait.ge [sflag:s29], $0x50  }
0x7d2: {  	[sflag:s29] =	ssyncset.done $0x0  }
0x7d3: {  	[sflag:s29] =	ssyncadd.s32 $0xFFFFFFB0  }
0x7d4: {  	_ =	swait.ge [sflag:s29], $0x50  }
0x7d5: {  	[sflag:s29] =	ssyncset.done $0x0  }
0x7d6: {  	[sflag:s29] =	ssyncadd.s32 $0xFFFFFFB0  }
0x7d7: {  	_ =	swait.ge [sflag:s29], $0x50  }
0x7d8: {  	[sflag:s29] =	ssyncset.done $0x0  }
0x7d9: {  	[sflag:s29] =	ssyncadd.s32 $0xFFFFFFB0  }
0x7da: {  	_ =	swait.ge [sflag:s29], $0x50  }
0x7db: {  	[sflag:s29] =	ssyncset.done $0x0  }
0x7dc: {  	[sflag:s29] =	ssyncadd.s32 $0xFFFFFFB0  }
0x7dd: {  	_ =	swait.ge [sflag:s29], $0x50  }
0x7de: {  	[sflag:s29] =	ssyncset.done $0x0  }
0x7df: {  	[sflag:s29] =	ssyncadd.s32 $0xFFFFFFB0  }
0x7e0: {  	_ =	swait.ge [sflag:s29], $0x50  }
0x7e1: {  	[sflag:s29] =	ssyncset.done $0x0  }
0x7e2: {  	[sflag:s29] =	ssyncadd.s32 $0xFFFFFFB0  }
0x7e3: {  	_ =	swait.ge [sflag:s29], $0x50  }
0x7e4: {  	[sflag:s29] =	ssyncset.done $0x0  }
0x7e5: {  	[sflag:s29] =	ssyncadd.s32 $0xFFFFFFB0  }
0x7e6: {  	_ =	swait.ge [sflag:s29], $0x50  }
0x7e7: {  	[sflag:s29] =	ssyncset.done $0x0  }
0x7e8: {  	[sflag:s29] =	ssyncadd.s32 $0xFFFFFFB0  }
0x7e9: {  	_ =	swait.ge [sflag:s29], $0x50  }
0x7ea: {  	[sflag:s29] =	ssyncset.done $0x0  }
0x7eb: {  	[sflag:s29] =	ssyncadd.s32 $0xFFFFFFB0  }
0x7ec: {  	_ =	swait.ge [sflag:s29], $0x50  }
0x7ed: {  	[sflag:s29] =	ssyncset.done $0x0  }
0x7ee: {  	[sflag:s29] =	ssyncadd.s32 $0xFFFFFFB0  }
0x7ef: {  	_ =	swait.ge [sflag:s29], $0x50  }
0x7f0: {  	[sflag:s29] =	ssyncset.done $0x0  }
0x7f1: {  	[sflag:s29] =	ssyncadd.s32 $0xFFFFFFB0  }
0x7f2: {  	_ =	swait.ge [sflag:s29], $0x50  }
0x7f3: {  	[sflag:s29] =	ssyncset.done $0x0  }
0x7f4: {  	[sflag:s29] =	ssyncadd.s32 $0xFFFFFFB0  }
0x7f5: {  	_ =	swait.ge [sflag:s14], $0x7D0  }
0x7f6: {  	[sflag:s14] =	ssyncset.done $0x0  }
0x7f7: {  	[sflag:s14] =	ssyncadd.s32 $0xFFFFF830  }
0x7f8: {  	[spmem:s6] =	stream.indirect.scatter.add.f32 [tilespmem:s28], [sflag:$0x11], $0x1, s11, s24, $0xb8;
	[tilespmem:$0x1C600] =	vst v63  }
0x7f9: {  	s13 =	simm.s32 $0x1B0D0  }
0x7fa: {  	[spmem:s6] =	stream.indirect.scatter.add.f32 [tilespmem:s28], [sflag:$0x11], $0x1, s13, s24, $0xb8;
	[tilespmem:$0x1C600] =	vst v63  }
0x7fb: {  	s26 =	simm.s32 $0x1B120  }
0x7fc: {  	[spmem:s6] =	stream.indirect.scatter.add.f32 [tilespmem:s28], [sflag:$0x11], $0x1, s26, s24, $0xb8;
	[tilespmem:$0x1C600] =	vst v63  }
0x7fd: {  	s5 =	simm.s32 $0x1B170  }
0x7fe: {  	[spmem:s6] =	stream.indirect.scatter.add.f32 [tilespmem:s28], [sflag:$0x11], $0x1, s5, s24, $0xb8;
	[tilespmem:$0x1C600] =	vst v63  }
0x7ff: {  	s10 =	simm.s32 $0x1B1C0  }
0x800: {  	[spmem:s6] =	stream.indirect.scatter.add.f32 [tilespmem:s28], [sflag:$0x11], $0x1, s10, s24, $0xb8;
	[tilespmem:$0x1C600] =	vst v63  }
0x801: {  	s11 =	simm.s32 $0x1B210  }
0x802: {  	[spmem:s6] =	stream.indirect.scatter.add.f32 [tilespmem:s28], [sflag:$0x11], $0x1, s11, s24, $0xb8;
	[tilespmem:$0x1C600] =	vst v63  }
0x803: {  	s13 =	simm.s32 $0x1B260  }
0x804: {  	[spmem:s6] =	stream.indirect.scatter.add.f32 [tilespmem:s28], [sflag:$0x11], $0x1, s13, s24, $0xb8;
	[tilespmem:$0x1C600] =	vst v63  }
0x805: {  	s14 =	simm.s32 $0x1B2B0  }
0x806: {  	[spmem:s6] =	stream.indirect.scatter.add.f32 [tilespmem:s28], [sflag:$0x11], $0x1, s14, s24, $0xb8;
	[tilespmem:$0x1C600] =	vst v63  }
0x807: {  	s26 =	simm.s32 $0x1B300  }
0x808: {  	[spmem:s6] =	stream.indirect.scatter.add.f32 [tilespmem:s28], [sflag:$0x11], $0x1, s26, s24, $0xb8;
	[tilespmem:$0x1C600] =	vst v63  }
0x809: {  	s5 =	simm.s32 $0x1B350  }
0x80a: {  	[spmem:s6] =	stream.indirect.scatter.add.f32 [tilespmem:s28], [sflag:$0x11], $0x1, s5, s24, $0xb8;
	[tilespmem:$0x1C600] =	vst v63  }
0x80b: {  	s10 =	simm.s32 $0x1B3A0  }
0x80c: {  	[spmem:s6] =	stream.indirect.scatter.add.f32 [tilespmem:s28], [sflag:$0x11], $0x1, s10, s24, $0xb8;
	[tilespmem:$0x1C600] =	vst v63  }
0x80d: {  	s11 =	simm.s32 $0x1B3F0  }
0x80e: {  	[spmem:s6] =	stream.indirect.scatter.add.f32 [tilespmem:s28], [sflag:$0x11], $0x1, s11, s24, $0xb8;
	[tilespmem:$0x1C600] =	vst v63  }
0x80f: {  	s13 =	simm.s32 $0x1B440  }
0x810: {  	[spmem:s6] =	stream.indirect.scatter.add.f32 [tilespmem:s28], [sflag:$0x11], $0x1, s13, s24, $0xb8;
	[tilespmem:$0x1C600] =	vst v63  }
0x811: {  	s14 =	simm.s32 $0x1B490  }
0x812: {  	[spmem:s6] =	stream.indirect.scatter.add.f32 [tilespmem:s28], [sflag:$0x11], $0x1, s14, s24, $0xb8;
	[tilespmem:$0x1C600] =	vst v63  }
0x813: {  	s26 =	simm.s32 $0x1B4E0  }
0x814: {  	[spmem:s6] =	stream.indirect.scatter.add.f32 [tilespmem:s28], [sflag:$0x11], $0x1, s26, s24, $0xb8;
	[tilespmem:$0x1C600] =	vst v63  }
0x815: {  	s5 =	simm.s32 $0x1B530  }
0x816: {  	[spmem:s6] =	stream.indirect.scatter.add.f32 [tilespmem:s28], [sflag:$0x11], $0x1, s5, s24, $0xb8;
	[tilespmem:$0x1C600] =	vst v63  }
0x817: {  	s10 =	simm.s32 $0x1B580  }
0x818: {  	[spmem:s6] =	stream.indirect.scatter.add.f32 [tilespmem:s28], [sflag:$0x11], $0x1, s10, s24, $0xb8;
	[tilespmem:$0x1C600] =	vst v63  }
0x819: {  	s11 =	simm.s32 $0x1B5D0  }
0x81a: {  	[spmem:s6] =	stream.indirect.scatter.add.f32 [tilespmem:s28], [sflag:$0x11], $0x1, s11, s24, $0xb8;
	[tilespmem:$0x1C600] =	vst v63  }
0x81b: {  	s13 =	simm.s32 $0x1B620  }
0x81c: {  	[spmem:s6] =	stream.indirect.scatter.add.f32 [tilespmem:s28], [sflag:$0x11], $0x1, s13, s24, $0xb8;
	[tilespmem:$0x1C600] =	vst v63  }
0x81d: {  	s14 =	simm.s32 $0x1B670  }
0x81e: {  	[spmem:s6] =	stream.indirect.scatter.add.f32 [tilespmem:s28], [sflag:$0x11], $0x1, s14, s24, $0xb8;
	[tilespmem:$0x1C600] =	vst v63  }
0x81f: {  	s26 =	simm.s32 $0x1B6C0  }
0x820: {  	[spmem:s6] =	stream.indirect.scatter.add.f32 [tilespmem:s28], [sflag:$0x11], $0x1, s26, s24, $0xb8;
	[tilespmem:$0x1C600] =	vst v63  }
0x821: {  	s5 =	simm.s32 $0x1B710  }
0x822: {  	[spmem:s6] =	stream.indirect.scatter.add.f32 [tilespmem:s28], [sflag:$0x11], $0x1, s5, s24, $0xb8;
	[tilespmem:$0x1C600] =	vst v63  }
0x823: {  	s10 =	simm.s32 $0x1B760  }
0x824: {  	[spmem:s6] =	stream.indirect.scatter.add.f32 [tilespmem:s28], [sflag:$0x11], $0x1, s10, s24, $0xb8;
	[tilespmem:$0x1C600] =	vst v63  }
0x825: {  	s11 =	simm.s32 $0x1B7B0  }
0x826: {  	[spmem:s6] =	stream.indirect.scatter.add.f32 [tilespmem:s28], [sflag:$0x11], $0x1, s11, s24, $0xb8;
	[tilespmem:$0x1C600] =	vst v63  }
0x827: {  	s13 =	simm.s32 $0x1B800  }
0x828: {  	[spmem:s6] =	stream.indirect.scatter.add.f32 [tilespmem:s28], [sflag:$0x11], $0x1, s13, s24, $0xb8;
	[tilespmem:$0x1C600] =	vst v63  }
0x829: {  	_ =	swait.ge [sflag:s29], $0x50  }
0x82a: {  	[sflag:s29] =	ssyncset.done $0x0  }
0x82b: {  	[sflag:s29] =	ssyncadd.s32 $0xFFFFFFB0  }
0x82c: {  	_ =	swait.ge [sflag:s29], $0x50  }
0x82d: {  	[sflag:s29] =	ssyncset.done $0x0  }
0x82e: {  	[sflag:s29] =	ssyncadd.s32 $0xFFFFFFB0  }
0x82f: {  	_ =	swait.ge [sflag:s29], $0x50  }
0x830: {  	[sflag:s29] =	ssyncset.done $0x0  }
0x831: {  	[sflag:s29] =	ssyncadd.s32 $0xFFFFFFB0  }
0x832: {  	_ =	swait.ge [sflag:s29], $0x50  }
0x833: {  	[sflag:s29] =	ssyncset.done $0x0  }
0x834: {  	[sflag:s29] =	ssyncadd.s32 $0xFFFFFFB0  }
0x835: {  	_ =	swait.ge [sflag:s29], $0x50  }
0x836: {  	[sflag:s29] =	ssyncset.done $0x0  }
0x837: {  	[sflag:s29] =	ssyncadd.s32 $0xFFFFFFB0  }
0x838: {  	_ =	swait.ge [sflag:s29], $0x50  }
0x839: {  	[sflag:s29] =	ssyncset.done $0x0  }
0x83a: {  	[sflag:s29] =	ssyncadd.s32 $0xFFFFFFB0  }
0x83b: {  	_ =	swait.ge [sflag:s29], $0x50  }
0x83c: {  	[sflag:s29] =	ssyncset.done $0x0  }
0x83d: {  	[sflag:s29] =	ssyncadd.s32 $0xFFFFFFB0  }
0x83e: {  	_ =	swait.ge [sflag:s29], $0x50  }
0x83f: {  	[sflag:s29] =	ssyncset.done $0x0  }
0x840: {  	[sflag:s29] =	ssyncadd.s32 $0xFFFFFFB0  }
0x841: {  	_ =	swait.ge [sflag:s29], $0x50  }
0x842: {  	[sflag:s29] =	ssyncset.done $0x0  }
0x843: {  	[sflag:s29] =	ssyncadd.s32 $0xFFFFFFB0  }
0x844: {  	_ =	swait.ge [sflag:s29], $0x50  }
0x845: {  	[sflag:s29] =	ssyncset.done $0x0  }
0x846: {  	[sflag:s29] =	ssyncadd.s32 $0xFFFFFFB0  }
0x847: {  	_ =	swait.ge [sflag:s29], $0x50  }
0x848: {  	[sflag:s29] =	ssyncset.done $0x0  }
0x849: {  	[sflag:s29] =	ssyncadd.s32 $0xFFFFFFB0  }
0x84a: {  	_ =	swait.ge [sflag:s29], $0x50  }
0x84b: {  	[sflag:s29] =	ssyncset.done $0x0  }
0x84c: {  	[sflag:s29] =	ssyncadd.s32 $0xFFFFFFB0  }
0x84d: {  	_ =	swait.ge [sflag:s29], $0x50  }
0x84e: {  	[sflag:s29] =	ssyncset.done $0x0  }
0x84f: {  	[sflag:s29] =	ssyncadd.s32 $0xFFFFFFB0  }
0x850: {  	_ =	swait.ge [sflag:s29], $0x50  }
0x851: {  	[sflag:s29] =	ssyncset.done $0x0  }
0x852: {  	[sflag:s29] =	ssyncadd.s32 $0xFFFFFFB0  }
0x853: {  	_ =	swait.ge [sflag:s29], $0x50  }
0x854: {  	[sflag:s29] =	ssyncset.done $0x0  }
0x855: {  	[sflag:s29] =	ssyncadd.s32 $0xFFFFFFB0  }
0x856: {  	_ =	swait.ge [sflag:s29], $0x50  }
0x857: {  	[sflag:s29] =	ssyncset.done $0x0  }
0x858: {  	[sflag:s29] =	ssyncadd.s32 $0xFFFFFFB0  }
0x859: {  	_ =	swait.ge [sflag:s29], $0x50  }
0x85a: {  	[sflag:s29] =	ssyncset.done $0x0  }
0x85b: {  	[sflag:s29] =	ssyncadd.s32 $0xFFFFFFB0  }
0x85c: {  	_ =	swait.ge [sflag:s29], $0x50  }
0x85d: {  	[sflag:s29] =	ssyncset.done $0x0  }
0x85e: {  	[sflag:s29] =	ssyncadd.s32 $0xFFFFFFB0  }
0x85f: {  	_ =	swait.ge [sflag:s29], $0x50  }
0x860: {  	[sflag:s29] =	ssyncset.done $0x0  }
0x861: {  	[sflag:s29] =	ssyncadd.s32 $0xFFFFFFB0  }
0x862: {  	_ =	swait.ge [sflag:s29], $0x50  }
0x863: {  	[sflag:s29] =	ssyncset.done $0x0  }
0x864: {  	[sflag:s29] =	ssyncadd.s32 $0xFFFFFFB0  }
0x865: {  	_ =	swait.ge [sflag:s29], $0x50  }
0x866: {  	[sflag:s29] =	ssyncset.done $0x0  }
0x867: {  	[sflag:s29] =	ssyncadd.s32 $0xFFFFFFB0  }
0x868: {  	_ =	swait.ge [sflag:s29], $0x50  }
0x869: {  	[sflag:s29] =	ssyncset.done $0x0  }
0x86a: {  	[sflag:s29] =	ssyncadd.s32 $0xFFFFFFB0  }
0x86b: {  	_ =	swait.ge [sflag:s29], $0x50  }
0x86c: {  	[sflag:s29] =	ssyncset.done $0x0  }
0x86d: {  	[sflag:s29] =	ssyncadd.s32 $0xFFFFFFB0  }
0x86e: {  	_ =	swait.ge [sflag:s29], $0x50  }
0x86f: {  	[sflag:s29] =	ssyncset.done $0x0  }
0x870: {  	[sflag:s29] =	ssyncadd.s32 $0xFFFFFFB0  }
0x871: {  	_ =	swait.ge [sflag:s29], $0x50  }
0x872: {  	[sflag:s29] =	ssyncset.done $0x0  }
0x873: {  	[sflag:s29] =	ssyncadd.s32 $0xFFFFFFB0  }
0x874: {  	[bflag:$0x0] =	sbarrier.arrive $0xFFFF  }
0x875: {  	s14 =	simm.s32 $0x1C380;
	s26 =	rddreg [dreg:$0x18]  }
0x876: {  	[tilespmem:s14], [sflag:$0x12] =	stream.linear.gather [spmem:s26], $0x280, $0x38;
	[tilespmem:$0x1C600] =	vst v63  }
0x877: {  	_ =	swait.ge [sflag:s19], $0x280  }
0x878: {  	[sflag:s19] =	ssyncset.done $0x0  }
0x879: {  	s2 =	simm.s32 $0x0;
	s5 =	simm.s32 $0x40;
	[sflag:s19] =	ssyncadd.s32 $0xFFFFFD80  }
.LBB2_4:
0x87a: {  	p0 =	sne.s32 s5, $0x9C0;
	v2 =	vld [tilespmem:s2+$0x1C380];
	_ =	sdelay $0x4  }
0x87b: {  	v2 =	vmax.f32 v2, $1.000000000e+00  }
0x87c: {  	v3 =	vmul.f32 $5.000000000e-01, v2;
	v2 =	vshra.s32 v2, $0x1  }
0x87d: {  	v2 =	vsub.s32 $0x5F3759DF, v2  }
0x87e: {  	v4 =	vmul.f32 v2, v3;
	_ =	sdelay $0x1  }
0x87f: {  	v4 =	vmul.f32 v2, v4;
	_ =	sdelay $0x1  }
0x880: {  	v4 =	vsub.f32 $1.500000000e+00, v4;
	_ =	sdelay $0x1  }
0x881: {  	v2 =	vmul.f32 v2, v4;
	_ =	sdelay $0x1  }
0x882: {  	v4 =	vmul.f32 v2, v3;
	_ =	sdelay $0x1  }
0x883: {  	v4 =	vmul.f32 v4, v2;
	_ =	sdelay $0x1  }
0x884: {  	v4 =	vsub.f32 $1.500000000e+00, v4;
	_ =	sdelay $0x1  }
0x885: {  	v2 =	vmul.f32 v4, v2;
	_ =	sdelay $0x1  }
0x886: {  	v3 =	vmul.f32 v2, v3;
	_ =	sdelay $0x1  }
0x887: {  	v3 =	vmul.f32 v3, v2;
	_ =	sdelay $0x1  }
.Ltmp3:
0x888: {  	v3 =	vsub.f32 $1.500000000e+00, v3;
	(pc) =	sbr.rel @p0 .LBB2_4-.Ltmp3, $3  }
0x889: {  	_ = 	snop  }
0x88a: {  	v2 =	vmul.f32 v3, v2;
	_ =	sdelay $0x1  }
0x88b: {  	[tilespmem:s2+$0x1C380] =	vst v2;
	s2 =	sshra.s32 s5, $0x2;
	s5 =	sadd.s32 $0x40, s5  }
0x88c: {  	v2 =	vld [tilespmem:s2+$0x1C380];
	_ =	sdelay $0x4  }
0x88d: {  	v2 =	vmax.f32 v2, $1.000000000e+00  }
0x88e: {  	v3 =	vmul.f32 $5.000000000e-01, v2;
	v2 =	vshra.s32 v2, $0x1  }
0x88f: {  	v2 =	vsub.s32 $0x5F3759DF, v2  }
0x890: {  	v4 =	vmul.f32 v2, v3;
	_ =	sdelay $0x1  }
0x891: {  	v4 =	vmul.f32 v2, v4;
	_ =	sdelay $0x1  }
0x892: {  	v4 =	vsub.f32 $1.500000000e+00, v4;
	_ =	sdelay $0x1  }
0x893: {  	v2 =	vmul.f32 v2, v4;
	_ =	sdelay $0x1  }
0x894: {  	v4 =	vmul.f32 v2, v3;
	_ =	sdelay $0x1  }
0x895: {  	v4 =	vmul.f32 v4, v2;
	_ =	sdelay $0x1  }
0x896: {  	v4 =	vsub.f32 $1.500000000e+00, v4;
	_ =	sdelay $0x1  }
0x897: {  	v2 =	vmul.f32 v4, v2;
	_ =	sdelay $0x1  }
0x898: {  	v3 =	vmul.f32 v2, v3;
	_ =	sdelay $0x1  }
0x899: {  	v3 =	vmul.f32 v3, v2;
	_ =	sdelay $0x1  }
0x89a: {  	v3 =	vsub.f32 $1.500000000e+00, v3;
	_ =	sdelay $0x1  }
0x89b: {  	v2 =	vmul.f32 v3, v2;
	_ =	sdelay $0x1  }
0x89c: {  	s11 =	rddreg [dreg:$0x1a];
	s5 =	simm.s32 $0x1C380;
	[tilespmem:s2+$0x1C380] =	vst v2  }
0x89d: {  	[spmem:s11] =	stream.linear.scatter [tilespmem:s5], [sflag:$0x12], $0x280, $0x38;
	[tilespmem:$0x1C600] =	vst v63  }
0x89e: {  	s13 =	stileid.u32;
	_ =	swait.ge [sflag:s19], $0x280  }
0x89f: {  	s2 =	sshll.u32 s13, $0x6;
	s14 =	rddreg [dreg:$0x19]  }
0x8a0: {  	s10 =	simm.s32 $0x10;
	s13 =	sor.u32 $0x1C12, s2;
	s26 =	rddreg [dreg:$0x1b]  }
0x8a1: {  	s11 =	simm.s32 $0x1;
	[sflag:s19] =	ssyncset.done $0x0;
	[smem:$0x7E5] =	sst s13  }
0x8a2: {  	[sflag:s19] =	ssyncadd.s32 $0xFFFFFD80;
	s2 =	sshrl.u32 s14, $0x3;
	s14 =	simm.s32 $0x20  }
0x8a3: {  	[hbm:s26@s14], [sflag:s13] =	dma.strided [spmem:s2@s10], $0x50, s11, $0x10   }
0x8a4: {  	_ =	swait.ge [sflag:s19], $0x50  }
0x8a5: {  	[sflag:s19] =	ssyncset.done $0x0  }
0x8a6: {  	[sflag:s19] =	ssyncadd.s32 $0xFFFFFFB0  }
0x8a7: {  	[bflag:$0x0] =	sbarrier.arrive $0xFFFF  }
0x8a8: {  	s10 =	rddreg [dreg:$0x1c]  }
0x8a9: {  	s5 =	simm.s32 $0x14780;
	s26 =	simm.s32 $0x0;
	s13 =	sld [smem:$0x7FD]  }
0x8aa: {  	[tilespmem:s5], [sflag:$0x1] =	stream.linear.gather [hbm4b:s10+s26], $0x80, $0x38;
	[tilespmem:$0x1C600] =	vst v63  }
0x8ab: {  	s10 =	simm.s32 $0x14800  }
0x8ac: {  	[tilespmem:s10], [sflag:$0x2] =	stream.linear.gather [hbm4b:s13+s26], $0x80, $0x38;
	[tilespmem:$0x1C600] =	vst v63  }
0x8ad: {  	s14 =	rddreg [dreg:$0x1d]  }
0x8ae: {  	[tilespmem:s17], [sflag:$0x3] =	stream.linear.gather [hbm4b:s14+s26], $0x80, $0x38;
	[tilespmem:$0x1C600] =	vst v63  }
0x8af: {  	s13 =	rddreg [dreg:$0x1e]  }
0x8b0: {  	[tilespmem:s18], [sflag:$0x4] =	stream.linear.gather [hbm4b:s13+s26], $0x80, $0x38;
	[tilespmem:$0x1C600] =	vst v63  }
0x8b1: {  	_ =	swait.ge [sflag:s11], $0x80  }
0x8b2: {  	[sflag:s11] =	ssyncset.done $0x0  }
0x8b3: {  	[sflag:s11] =	ssyncadd.s32 $0xFFFFFF80  }
0x8b4: {  	[tilespmem:s20], [sflag:$0x7] =	stream.indirect.gather [hbm4b:s0+s30], $0x80, s5, s30, $0xb8;
	[tilespmem:$0x1C600] =	vst v63  }
0x8b5: {  	s14 =	simm.s32 $0x1AE80;
	s11 =	simm.s32 $0x2  }
0x8b6: {  	[tilespmem:s14], [sflag:$0xA] =	stream.indirect.gather [spmem:s7], $0x1, s5, s30, $0xb8;
	[tilespmem:$0x1C600] =	vst v63  }
0x8b7: {  	_ =	swait.ge [sflag:s11], $0x80  }
.Ltmp4:
0x8b8: {  	[sflag:s11] =	ssyncset.done $0x0;
	(pc) =	sbr.rel .LBB2_6-.Ltmp4, $4  }
0x8b9: {  	s13 =	simm.s32 $0x15E80;
	[sflag:s11] =	ssyncadd.s32 $0xFFFFFF80  }
0x8ba: {  	[tilespmem:s13], [sflag:$0x8] =	stream.indirect.gather [hbm4b:s0+s30], $0x80, s10, s30, $0xb8;
	[tilespmem:$0x1C600] =	vst v63  }
0x8bb: {  	s14 =	simm.s32 $0x1AF00;
	s13 =	simm.s32 $0x14800  }
0x8bc: {  	[tilespmem:s14], [sflag:$0xB] =	stream.indirect.gather [spmem:s7], $0x1, s10, s30, $0xb8;
	[tilespmem:$0x1C600] =	vst v63  }
.LBB2_21:
0x8bd: {  	s26 =	sadd.s32 $0x1, s26  }
0x8be: {  	p0 =	sne.s32 s26, $0x2B  }
.Ltmp5:
0x8bf: {  	_ = 	snop;
	(pc) =	sbr.rel @!p0 .LBB2_22-.Ltmp5, $1  }
0x8c0: {  	_ =	sdelay $0x3  }
.LBB2_6:
0x8c1: {  	p0 =	seq.s32 s26, $0x2A  }
.Ltmp6:
0x8c2: {  	_ = 	snop;
	(pc) =	sbr.rel @p0 .LBB2_22-.Ltmp6, $1  }
0x8c3: {  	_ =	sdelay $0x3  }
0x8c4: {  	_ =	swait.ge [sflag:s23], $0x1400  }
0x8c5: {  	[sflag:s23] =	ssyncset.done $0x0  }
0x8c6: {  	[sflag:s23] =	ssyncadd.s32 $0xFFFFEC00  }
0x8c7: {  	_ =	swait.ge [sflag:s12], $0x28  }
0x8c8: {  	p1 =	seq.s32 s26, $0x0;
	[sflag:s12] =	ssyncset.done $0x0  }
0x8c9: {  	s2 =	simm.s32 @!p1 $0xD;
	[sflag:s12] =	ssyncadd.s32 $0xFFFFFFD8  }
0x8ca: {  	_ =	swait.ge @!p1 [sflag:s2], $0x1400  }
0x8cb: {  	[sflag:s2] =	ssyncset.done @!p1 $0x0  }
0x8cc: {  	[sflag:s2] =	ssyncadd.s32 @!p1 $0xFFFFEC00  }
0x8cd: {  	v2 =	vld [tilespmem:$0x147D0]  }
0x8ce: {  	v3 =	vld [tilespmem:$0x1AE80]  }
0x8cf: {  	v4 =	vld [tilespmem:$0x147E0]  }
0x8d0: {  	v5 =	vld [tilespmem:$0x1AE90]  }
0x8d1: {  	v6 =	vld [tilespmem:$0x147F0]  }
0x8d2: {  	v7 =	vld [tilespmem:$0x1AEA0];
	_ =	sdelay $0x2  }
0x8d3: {  	v2 =	vmul.f32 v3, v2  }
0x8d4: {  	v3 =	vmul.f32 v5, v4  }
0x8d5: {  	[tilespmem:$0x1B000] =	vst v2;
	v2 =	vmul.f32 v7, v6  }
0x8d6: {  	[tilespmem:$0x1B010] =	vst v3  }
0x8d7: {  	s2 =	simm.s32 $0x0;
	[tilespmem:$0x1B020] =	vst v2  }
0x8d8: {  	v3 =	vld [tilespmem:s2+$0x14A80]  }
0x8d9: {  	v4 =	vld [tilespmem:s2+$0x14A90]  }
0x8da: {  	v5 =	vld [tilespmem:s2+$0x14AA0]  }
0x8db: {  	s10 =	simm.s32 $0x1B000;
	v6 =	vld [tilespmem:s2+$0x14AB0]  }
0x8dc: {  	s5 =	smul.u32 $0x6, s26;
	s11 =	simm.s32 $0x200;
	v2 =	vld.msk [tilespmem:s10+$0x0 ss:$0x0], $0xffff  }
.LBB2_8:
0x8dd: {  	p0 =	sne.s32 s11, $0x4E00;
	v7 =	vld [tilespmem:s2+$0x14AC0]  }
0x8de: {  	v8 =	vld [tilespmem:s2+$0x14AD0]  }
0x8df: {  	v9 =	vld [tilespmem:s2+$0x14AE0]  }
0x8e0: {  	v10 =	vld [tilespmem:s2+$0x14AF0];
	_ =	sdelay $0x1  }
0x8e1: {  	v3 =	vmul.f32 v2, v3;
	v4 =	vmul.f32 v4, v2  }
0x8e2: {  	v5 =	vmul.f32 v5, v2;
	v6 =	vmul.f32 v6, v2  }
0x8e3: {  	v7 =	vmul.f32 v7, v2;
	v8 =	vmul.f32 v8, v2;
	[tilespmem:s2+$0x18680] =	vst v3  }
0x8e4: {  	v9 =	vmul.f32 v9, v2;
	[tilespmem:s2+$0x18690] =	vst v4;
	v2 =	vmul.f32 v10, v2  }
0x8e5: {  	[tilespmem:s2+$0x186A0] =	vst v5  }
0x8e6: {  	s14 =	sshra.s32 s11, $0x2;
	[tilespmem:s2+$0x186B0] =	vst v6  }
.Ltmp7:
0x8e7: {  	v3 =	vld [tilespmem:s14+$0x14A80];
	[tilespmem:s2+$0x186C0] =	vst v7;
	(pc) =	sbr.rel @p0 .LBB2_8-.Ltmp7, $4  }
0x8e8: {  	v4 =	vld [tilespmem:s14+$0x14A90];
	[tilespmem:s2+$0x186D0] =	vst v8  }
0x8e9: {  	v5 =	vld [tilespmem:s14+$0x14AA0];
	[tilespmem:s2+$0x186E0] =	vst v9  }
0x8ea: {  	s10 =	sadd.s32 $0x1, s10;
	v6 =	vld [tilespmem:s14+$0x14AB0];
	[tilespmem:s2+$0x186F0] =	vst v2;
	s2 =	smov.u32 s14  }
0x8eb: {  	s11 =	sadd.s32 $0x200, s11;
	v2 =	vld.msk [tilespmem:s10+$0x0 ss:$0x0], $0xffff  }
0x8ec: {  	_ =	sdelay $0x2  }
0x8ed: {  	v7 =	vld [tilespmem:s2+$0x14AC0]  }
0x8ee: {  	v8 =	vld [tilespmem:s2+$0x14AD0];
	v3 =	vmul.f32 v2, v3  }
0x8ef: {  	v9 =	vld [tilespmem:s2+$0x14AE0];
	v4 =	vmul.f32 v4, v2  }
0x8f0: {  	v10 =	vld [tilespmem:s2+$0x14AF0];
	v5 =	vmul.f32 v5, v2;
	[tilespmem:s2+$0x18680] =	vst v3  }
0x8f1: {  	v3 =	vmul.f32 v6, v2;
	[tilespmem:s2+$0x18690] =	vst v4  }
0x8f2: {  	v4 =	vmul.f32 v7, v2;
	[tilespmem:s2+$0x186A0] =	vst v5  }
0x8f3: {  	v5 =	vmul.f32 v8, v2;
	[tilespmem:s2+$0x186B0] =	vst v3  }
0x8f4: {  	v3 =	vmul.f32 v9, v2;
	[tilespmem:s2+$0x186C0] =	vst v4  }
0x8f5: {  	v2 =	vmul.f32 v10, v2;
	[tilespmem:s2+$0x186D0] =	vst v5  }
0x8f6: {  	s14 =	simm.s32 $0x147A8;
	[tilespmem:s2+$0x186E0] =	vst v3  }
0x8f7: {  	s10 =	simm.s32 $0x18680;
	p0 =	sgt.u32 s26, $0x28;
	[tilespmem:s2+$0x186F0] =	vst v2;
	s2 =	rddreg [dreg:$0x1f]  }
0x8f8: {  	[spmem:s3] =	stream.indirect.scatter.add.f32 [tilespmem:s10], [sflag:$0xD], $0x80, s14, s30, $0xb8;
	[tilespmem:$0x1C600] =	vst v63  }
0x8f9: {  	s2 =	sadd.s32 @!p0 s5, s2  }
0x8fa: {  	s2 =	sshll.u32 @!p0 s2, $0x4  }
0x8fb: {  	s2 =	sand.u32 @!p0 $0xFFFFFE0, s2  }
0x8fc: {  	s11 =	simm.s32 @!p0 $0x14980;
	s10 =	simm.s32 @!p0 $0x0;
	s2 =	sadd.s32 @!p0 s1, s2  }
0x8fd: {  	[tilespmem:s11], [sflag:$0x5] =	stream.linear.gather @!p0 [hbm4b:s2+s10], $0x80, $0x38;
	[tilespmem:$0x1C600] =	vst v63  }
0x8fe: {  	_ =	swait.ge [sflag:s21], $0x80  }
0x8ff: {  	[sflag:s21] =	ssyncset.done $0x0  }
0x900: {  	s11 =	simm.s32 $0x17280;
	[sflag:s21] =	ssyncadd.s32 $0xFFFFFF80  }
0x901: {  	[tilespmem:s11], [sflag:$0x9] =	stream.indirect.gather [hbm4b:s0+s30], $0x80, s17, s30, $0xb8;
	[tilespmem:$0x1C600] =	vst v63  }
0x902: {  	s14 =	simm.s32 $0x1AF80  }
0x903: {  	[tilespmem:s14], [sflag:$0xC] =	stream.indirect.gather [spmem:s7], $0x1, s17, s30, $0xb8;
	[tilespmem:$0x1C600] =	vst v63  }
0x904: {  	_ =	swait.ge [sflag:s31], $0x1400  }
0x905: {  	[sflag:s31] =	ssyncset.done $0x0  }
0x906: {  	[sflag:s31] =	ssyncadd.s32 $0xFFFFEC00  }
0x907: {  	_ =	swait.ge [sflag:s22], $0x28  }
0x908: {  	[sflag:s22] =	ssyncset.done $0x0  }
0x909: {  	s2 =	simm.s32 @!p1 $0xE;
	[sflag:s22] =	ssyncadd.s32 $0xFFFFFFD8  }
0x90a: {  	_ =	swait.ge @!p1 [sflag:s2], $0x1400  }
0x90b: {  	[sflag:s2] =	ssyncset.done @!p1 $0x0  }
0x90c: {  	[sflag:s2] =	ssyncadd.s32 @!p1 $0xFFFFEC00  }
0x90d: {  	v2 =	vld [tilespmem:$0x14850]  }
0x90e: {  	v3 =	vld [tilespmem:$0x1AF00]  }
0x90f: {  	v4 =	vld [tilespmem:$0x14860]  }
0x910: {  	v5 =	vld [tilespmem:$0x1AF10]  }
0x911: {  	v6 =	vld [tilespmem:$0x14870]  }
0x912: {  	v7 =	vld [tilespmem:$0x1AF20];
	_ =	sdelay $0x2  }
0x913: {  	v2 =	vmul.f32 v3, v2  }
0x914: {  	v3 =	vmul.f32 v5, v4  }
0x915: {  	[tilespmem:$0x1B000] =	vst v2;
	v2 =	vmul.f32 v7, v6  }
0x916: {  	[tilespmem:$0x1B010] =	vst v3  }
0x917: {  	s2 =	simm.s32 $0x0;
	[tilespmem:$0x1B020] =	vst v2  }
0x918: {  	v3 =	vld [tilespmem:s2+$0x15E80]  }
0x919: {  	v4 =	vld [tilespmem:s2+$0x15E90]  }
0x91a: {  	v5 =	vld [tilespmem:s2+$0x15EA0]  }
0x91b: {  	s10 =	simm.s32 $0x1B000;
	v6 =	vld [tilespmem:s2+$0x15EB0]  }
0x91c: {  	s11 =	simm.s32 $0x200;
	v2 =	vld.msk [tilespmem:s10+$0x0 ss:$0x0], $0xffff  }
.LBB2_10:
0x91d: {  	p1 =	sne.s32 s11, $0x4E00;
	v7 =	vld [tilespmem:s2+$0x15EC0]  }
0x91e: {  	v8 =	vld [tilespmem:s2+$0x15ED0]  }
0x91f: {  	v9 =	vld [tilespmem:s2+$0x15EE0]  }
0x920: {  	v10 =	vld [tilespmem:s2+$0x15EF0];
	_ =	sdelay $0x1  }
0x921: {  	v3 =	vmul.f32 v2, v3;
	v4 =	vmul.f32 v4, v2  }
0x922: {  	v5 =	vmul.f32 v5, v2;
	v6 =	vmul.f32 v6, v2  }
0x923: {  	v7 =	vmul.f32 v7, v2;
	v8 =	vmul.f32 v8, v2;
	[tilespmem:s2+$0x19A80] =	vst v3  }
0x924: {  	v9 =	vmul.f32 v9, v2;
	[tilespmem:s2+$0x19A90] =	vst v4;
	v2 =	vmul.f32 v10, v2  }
0x925: {  	[tilespmem:s2+$0x19AA0] =	vst v5  }
0x926: {  	s14 =	sshra.s32 s11, $0x2;
	[tilespmem:s2+$0x19AB0] =	vst v6  }
.Ltmp8:
0x927: {  	v3 =	vld [tilespmem:s14+$0x15E80];
	[tilespmem:s2+$0x19AC0] =	vst v7;
	(pc) =	sbr.rel @p1 .LBB2_10-.Ltmp8, $4  }
0x928: {  	v4 =	vld [tilespmem:s14+$0x15E90];
	[tilespmem:s2+$0x19AD0] =	vst v8  }
0x929: {  	v5 =	vld [tilespmem:s14+$0x15EA0];
	[tilespmem:s2+$0x19AE0] =	vst v9  }
0x92a: {  	s10 =	sadd.s32 $0x1, s10;
	v6 =	vld [tilespmem:s14+$0x15EB0];
	[tilespmem:s2+$0x19AF0] =	vst v2;
	s2 =	smov.u32 s14  }
0x92b: {  	s11 =	sadd.s32 $0x200, s11;
	v2 =	vld.msk [tilespmem:s10+$0x0 ss:$0x0], $0xffff  }
0x92c: {  	_ =	sdelay $0x2  }
0x92d: {  	v7 =	vld [tilespmem:s2+$0x15EC0]  }
0x92e: {  	v8 =	vld [tilespmem:s2+$0x15ED0];
	v3 =	vmul.f32 v2, v3  }
0x92f: {  	v9 =	vld [tilespmem:s2+$0x15EE0];
	v4 =	vmul.f32 v4, v2  }
0x930: {  	v10 =	vld [tilespmem:s2+$0x15EF0];
	v5 =	vmul.f32 v5, v2;
	[tilespmem:s2+$0x19A80] =	vst v3  }
0x931: {  	v3 =	vmul.f32 v6, v2;
	[tilespmem:s2+$0x19A90] =	vst v4  }
0x932: {  	v4 =	vmul.f32 v7, v2;
	[tilespmem:s2+$0x19AA0] =	vst v5  }
0x933: {  	v5 =	vmul.f32 v8, v2;
	[tilespmem:s2+$0x19AB0] =	vst v3  }
0x934: {  	v3 =	vmul.f32 v9, v2;
	[tilespmem:s2+$0x19AC0] =	vst v4  }
0x935: {  	v2 =	vmul.f32 v10, v2;
	[tilespmem:s2+$0x19AD0] =	vst v5  }
0x936: {  	[tilespmem:s2+$0x19AE0] =	vst v3  }
0x937: {  	[tilespmem:s2+$0x19AF0] =	vst v2;
	s2 =	sld [smem:$0x7E7]  }
0x938: {  	s11 =	simm.s32 $0x14828;
	s10 =	simm.s32 $0x19A80  }
0x939: {  	[spmem:s3] =	stream.indirect.scatter.add.f32 [tilespmem:s10], [sflag:$0xE], $0x80, s11, s30, $0xb8;
	[tilespmem:$0x1C600] =	vst v63  }
0x93a: {  	s2 =	sadd.s32 @!p0 s5, s2  }
0x93b: {  	s2 =	sshll.u32 @!p0 s2, $0x4  }
0x93c: {  	s2 =	sand.u32 @!p0 $0xFFFFFF0, s2  }
0x93d: {  	s10 =	simm.s32 @!p0 $0x0;
	s11 =	simm.s32 @!p0 $0x14A00;
	s2 =	sadd.s32 @!p0 s1, s2  }
0x93e: {  	[tilespmem:s11], [sflag:$0x6] =	stream.linear.gather @!p0 [hbm4b:s2+s10], $0x80, $0x38;
	[tilespmem:$0x1C600] =	vst v63  }
0x93f: {  	_ =	swait.ge [sflag:s15], $0x80  }
0x940: {  	[sflag:s15] =	ssyncset.done $0x0  }
0x941: {  	[sflag:s15] =	ssyncadd.s32 $0xFFFFFF80  }
0x942: {  	[tilespmem:s20], [sflag:$0x7] =	stream.indirect.gather [hbm4b:s0+s30], $0x80, s18, s30, $0xb8;
	[tilespmem:$0x1C600] =	vst v63  }
0x943: {  	s14 =	simm.s32 $0x1AE80  }
0x944: {  	[tilespmem:s14], [sflag:$0xA] =	stream.indirect.gather [spmem:s7], $0x1, s18, s30, $0xb8;
	[tilespmem:$0x1C600] =	vst v63  }
0x945: {  	_ =	swait.ge [sflag:s25], $0x1400  }
0x946: {  	[sflag:s25] =	ssyncset.done $0x0  }
0x947: {  	[sflag:s25] =	ssyncadd.s32 $0xFFFFEC00  }
0x948: {  	_ =	swait.ge [sflag:s16], $0x28  }
0x949: {  	[sflag:s16] =	ssyncset.done $0x0  }
0x94a: {  	[sflag:s16] =	ssyncadd.s32 $0xFFFFFFD8  }
0x94b: {  	_ =	swait.ge [sflag:s9], $0x1400  }
0x94c: {  	[sflag:s9] =	ssyncset.done $0x0  }
0x94d: {  	[sflag:s9] =	ssyncadd.s32 $0xFFFFEC00  }
0x94e: {  	v2 =	vld [tilespmem:$0x148D0]  }
0x94f: {  	v3 =	vld [tilespmem:$0x1AF80]  }
0x950: {  	v4 =	vld [tilespmem:$0x148E0]  }
0x951: {  	v5 =	vld [tilespmem:$0x1AF90]  }
0x952: {  	v6 =	vld [tilespmem:$0x148F0]  }
0x953: {  	v7 =	vld [tilespmem:$0x1AFA0];
	_ =	sdelay $0x2  }
0x954: {  	v2 =	vmul.f32 v3, v2  }
0x955: {  	v3 =	vmul.f32 v5, v4  }
0x956: {  	[tilespmem:$0x1B000] =	vst v2;
	v2 =	vmul.f32 v7, v6  }
0x957: {  	[tilespmem:$0x1B010] =	vst v3  }
0x958: {  	s2 =	simm.s32 $0x0;
	[tilespmem:$0x1B020] =	vst v2  }
0x959: {  	v3 =	vld [tilespmem:s2+$0x17280]  }
0x95a: {  	v4 =	vld [tilespmem:s2+$0x17290]  }
0x95b: {  	v5 =	vld [tilespmem:s2+$0x172A0]  }
0x95c: {  	s10 =	simm.s32 $0x1B000;
	v6 =	vld [tilespmem:s2+$0x172B0]  }
0x95d: {  	s11 =	simm.s32 $0x200;
	v2 =	vld.msk [tilespmem:s10+$0x0 ss:$0x0], $0xffff  }
.LBB2_12:
0x95e: {  	p1 =	sne.s32 s11, $0x4E00;
	v7 =	vld [tilespmem:s2+$0x172C0]  }
0x95f: {  	v8 =	vld [tilespmem:s2+$0x172D0]  }
0x960: {  	v9 =	vld [tilespmem:s2+$0x172E0]  }
0x961: {  	v10 =	vld [tilespmem:s2+$0x172F0];
	_ =	sdelay $0x1  }
0x962: {  	v3 =	vmul.f32 v2, v3;
	v4 =	vmul.f32 v4, v2  }
0x963: {  	v5 =	vmul.f32 v5, v2;
	v6 =	vmul.f32 v6, v2  }
0x964: {  	v7 =	vmul.f32 v7, v2;
	v8 =	vmul.f32 v8, v2;
	[tilespmem:s2+$0x18680] =	vst v3  }
0x965: {  	v9 =	vmul.f32 v9, v2;
	[tilespmem:s2+$0x18690] =	vst v4;
	v2 =	vmul.f32 v10, v2  }
0x966: {  	[tilespmem:s2+$0x186A0] =	vst v5  }
0x967: {  	s14 =	sshra.s32 s11, $0x2;
	[tilespmem:s2+$0x186B0] =	vst v6  }
.Ltmp9:
0x968: {  	v3 =	vld [tilespmem:s14+$0x17280];
	[tilespmem:s2+$0x186C0] =	vst v7;
	(pc) =	sbr.rel @p1 .LBB2_12-.Ltmp9, $4  }
0x969: {  	v4 =	vld [tilespmem:s14+$0x17290];
	[tilespmem:s2+$0x186D0] =	vst v8  }
0x96a: {  	v5 =	vld [tilespmem:s14+$0x172A0];
	[tilespmem:s2+$0x186E0] =	vst v9  }
0x96b: {  	s10 =	sadd.s32 $0x1, s10;
	v6 =	vld [tilespmem:s14+$0x172B0];
	[tilespmem:s2+$0x186F0] =	vst v2;
	s2 =	smov.u32 s14  }
0x96c: {  	s11 =	sadd.s32 $0x200, s11;
	v2 =	vld.msk [tilespmem:s10+$0x0 ss:$0x0], $0xffff  }
0x96d: {  	_ =	sdelay $0x2  }
0x96e: {  	v7 =	vld [tilespmem:s2+$0x172C0]  }
0x96f: {  	v8 =	vld [tilespmem:s2+$0x172D0];
	v3 =	vmul.f32 v2, v3  }
0x970: {  	v9 =	vld [tilespmem:s2+$0x172E0];
	v4 =	vmul.f32 v4, v2  }
0x971: {  	v10 =	vld [tilespmem:s2+$0x172F0];
	v5 =	vmul.f32 v5, v2;
	[tilespmem:s2+$0x18680] =	vst v3  }
0x972: {  	v3 =	vmul.f32 v6, v2;
	[tilespmem:s2+$0x18690] =	vst v4  }
0x973: {  	v4 =	vmul.f32 v7, v2;
	[tilespmem:s2+$0x186A0] =	vst v5  }
0x974: {  	v5 =	vmul.f32 v8, v2;
	[tilespmem:s2+$0x186B0] =	vst v3  }
0x975: {  	v3 =	vmul.f32 v9, v2;
	[tilespmem:s2+$0x186C0] =	vst v4  }
0x976: {  	v2 =	vmul.f32 v10, v2;
	[tilespmem:s2+$0x186D0] =	vst v5  }
0x977: {  	[tilespmem:s2+$0x186E0] =	vst v3  }
0x978: {  	[tilespmem:s2+$0x186F0] =	vst v2;
	s2 =	sld [smem:$0x7E8]  }
0x979: {  	s14 =	simm.s32 $0x18680;
	s10 =	simm.s32 $0x148A8  }
0x97a: {  	[spmem:s3] =	stream.indirect.scatter.add.f32 [tilespmem:s14], [sflag:$0xD], $0x80, s10, s30, $0xb8;
	[tilespmem:$0x1C600] =	vst v63  }
0x97b: {  	s2 =	sadd.s32 @!p0 s5, s2  }
0x97c: {  	s2 =	sshll.u32 @!p0 s2, $0x4  }
0x97d: {  	s2 =	sand.u32 @!p0 $0xFFFFFE0, s2  }
0x97e: {  	s11 =	simm.s32 @!p0 $0x14780;
	s10 =	simm.s32 @!p0 $0x0;
	s2 =	sadd.s32 @!p0 s1, s2  }
0x97f: {  	[tilespmem:s11], [sflag:$0x1] =	stream.linear.gather @!p0 [hbm4b:s2+s10], $0x80, $0x38;
	[tilespmem:$0x1C600] =	vst v63  }
0x980: {  	s2 =	simm.s32 @!p0 $0x5  }
0x981: {  	_ =	swait.ge @!p0 [sflag:s2], $0x80  }
0x982: {  	s10 =	simm.s32 @!p0 $0x14980;
	[sflag:s2] =	ssyncset.done @!p0 $0x0  }
0x983: {  	s11 =	simm.s32 @!p0 $0x15E80;
	[sflag:s2] =	ssyncadd.s32 @!p0 $0xFFFFFF80;
	s2 =	simm.s32 @!p0 $0x28  }
0x984: {  	[tilespmem:s11], [sflag:$0x8] =	stream.indirect.gather @!p0 [hbm4b:s0+s2], $0x80, s10, s2, $0xb8;
	[tilespmem:$0x1C600] =	vst v63  }
0x985: {  	s11 =	simm.s32 @!p0 $0x1AF00  }
0x986: {  	[tilespmem:s11], [sflag:$0xB] =	stream.indirect.gather @!p0 [spmem:s7], $0x1, s10, s2, $0xb8;
	[tilespmem:$0x1C600] =	vst v63  }
0x987: {  	_ =	swait.ge [sflag:s23], $0x1400  }
0x988: {  	[sflag:s23] =	ssyncset.done $0x0  }
0x989: {  	[sflag:s23] =	ssyncadd.s32 $0xFFFFEC00  }
0x98a: {  	_ =	swait.ge [sflag:s12], $0x28  }
0x98b: {  	[sflag:s12] =	ssyncset.done $0x0  }
0x98c: {  	[sflag:s12] =	ssyncadd.s32 $0xFFFFFFD8  }
0x98d: {  	_ =	swait.ge [sflag:s8], $0x1400  }
0x98e: {  	[sflag:s8] =	ssyncset.done $0x0  }
0x98f: {  	[sflag:s8] =	ssyncadd.s32 $0xFFFFEC00  }
0x990: {  	v2 =	vld [tilespmem:$0x14950]  }
0x991: {  	v3 =	vld [tilespmem:$0x1AE80]  }
0x992: {  	v4 =	vld [tilespmem:$0x14960]  }
0x993: {  	v5 =	vld [tilespmem:$0x1AE90]  }
0x994: {  	v6 =	vld [tilespmem:$0x14970]  }
0x995: {  	v7 =	vld [tilespmem:$0x1AEA0];
	_ =	sdelay $0x2  }
0x996: {  	v2 =	vmul.f32 v3, v2  }
0x997: {  	v3 =	vmul.f32 v5, v4  }
0x998: {  	[tilespmem:$0x1B000] =	vst v2;
	v2 =	vmul.f32 v7, v6  }
0x999: {  	[tilespmem:$0x1B010] =	vst v3  }
0x99a: {  	s2 =	simm.s32 $0x0;
	[tilespmem:$0x1B020] =	vst v2  }
0x99b: {  	v3 =	vld [tilespmem:s2+$0x14A80]  }
0x99c: {  	v4 =	vld [tilespmem:s2+$0x14A90]  }
0x99d: {  	v5 =	vld [tilespmem:s2+$0x14AA0]  }
0x99e: {  	s10 =	simm.s32 $0x1B000;
	v6 =	vld [tilespmem:s2+$0x14AB0]  }
0x99f: {  	s11 =	simm.s32 $0x200;
	v2 =	vld.msk [tilespmem:s10+$0x0 ss:$0x0], $0xffff  }
.LBB2_14:
0x9a0: {  	p1 =	sne.s32 s11, $0x4E00;
	v7 =	vld [tilespmem:s2+$0x14AC0]  }
0x9a1: {  	v8 =	vld [tilespmem:s2+$0x14AD0]  }
0x9a2: {  	v9 =	vld [tilespmem:s2+$0x14AE0]  }
0x9a3: {  	v10 =	vld [tilespmem:s2+$0x14AF0];
	_ =	sdelay $0x1  }
0x9a4: {  	v3 =	vmul.f32 v2, v3;
	v4 =	vmul.f32 v4, v2  }
0x9a5: {  	v5 =	vmul.f32 v5, v2;
	v6 =	vmul.f32 v6, v2  }
0x9a6: {  	v7 =	vmul.f32 v7, v2;
	v8 =	vmul.f32 v8, v2;
	[tilespmem:s2+$0x19A80] =	vst v3  }
0x9a7: {  	v9 =	vmul.f32 v9, v2;
	[tilespmem:s2+$0x19A90] =	vst v4;
	v2 =	vmul.f32 v10, v2  }
0x9a8: {  	[tilespmem:s2+$0x19AA0] =	vst v5  }
0x9a9: {  	s14 =	sshra.s32 s11, $0x2;
	[tilespmem:s2+$0x19AB0] =	vst v6  }
.Ltmp10:
0x9aa: {  	v3 =	vld [tilespmem:s14+$0x14A80];
	[tilespmem:s2+$0x19AC0] =	vst v7;
	(pc) =	sbr.rel @p1 .LBB2_14-.Ltmp10, $4  }
0x9ab: {  	v4 =	vld [tilespmem:s14+$0x14A90];
	[tilespmem:s2+$0x19AD0] =	vst v8  }
0x9ac: {  	v5 =	vld [tilespmem:s14+$0x14AA0];
	[tilespmem:s2+$0x19AE0] =	vst v9  }
0x9ad: {  	s10 =	sadd.s32 $0x1, s10;
	v6 =	vld [tilespmem:s14+$0x14AB0];
	[tilespmem:s2+$0x19AF0] =	vst v2;
	s2 =	smov.u32 s14  }
0x9ae: {  	s11 =	sadd.s32 $0x200, s11;
	v2 =	vld.msk [tilespmem:s10+$0x0 ss:$0x0], $0xffff  }
0x9af: {  	_ =	sdelay $0x1  }
0x9b0: {  	v7 =	vld [tilespmem:s2+$0x14AC0];
	_ =	sdelay $0x1  }
0x9b1: {  	v8 =	vld [tilespmem:s2+$0x14AD0];
	v3 =	vmul.f32 v2, v3  }
0x9b2: {  	v9 =	vld [tilespmem:s2+$0x14AE0];
	v4 =	vmul.f32 v4, v2  }
0x9b3: {  	v10 =	vld [tilespmem:s2+$0x14AF0];
	v5 =	vmul.f32 v5, v2;
	[tilespmem:s2+$0x19A80] =	vst v3  }
0x9b4: {  	v62 =	vmul.f32 v7, v2;
	[tilespmem:s2+$0x19A90] =	vst v4  }
0x9b5: {  	v3 =	vmul.f32 v6, v2;
	[tilespmem:s2+$0x19AA0] =	vst v5  }
0x9b6: {  	v63 =	vmul.f32 v8, v2;
	[tilespmem:s2+$0x19AC0] =	vst v62  }
.Ltmp11:
0x9b7: {  	[tilespmem:s2+$0x19AB0] =	vst v3;
	v3 =	vmul.f32 v9, v2;
	(pc) =	sbr.rel @p0 .LBB2_21-.Ltmp11, $4  }
0x9b8: {  	[tilespmem:s2+$0x19AD0] =	vst v63;
	v2 =	vmul.f32 v10, v2  }
0x9b9: {  	[tilespmem:s2+$0x19AE0] =	vst v3  }
0x9ba: {  	s14 =	simm.s32 $0x19A80;
	s10 =	simm.s32 $0x14928;
	[tilespmem:s2+$0x19AF0] =	vst v2  }
0x9bb: {  	[spmem:s3] =	stream.indirect.scatter.add.f32 [tilespmem:s14], [sflag:$0xE], $0x80, s10, s30, $0xb8;
	[tilespmem:$0x1C600] =	vst v63  }
0x9bc: {  	s2 =	sld [smem:$0x7E9];
	_ =	sdelay $0x2  }
0x9bd: {  	s2 =	sadd.s32 s5, s2  }
0x9be: {  	s2 =	sshll.u32 s2, $0x4  }
0x9bf: {  	s2 =	sand.u32 $0xFFFFFF0, s2  }
0x9c0: {  	s10 =	simm.s32 $0x0;
	s2 =	sadd.s32 s1, s2  }
0x9c1: {  	[tilespmem:s13], [sflag:$0x2] =	stream.linear.gather [hbm4b:s2+s10], $0x80, $0x38;
	[tilespmem:$0x1C600] =	vst v63  }
0x9c2: {  	s10 =	simm.s32 $0x6  }
0x9c3: {  	_ =	swait.ge [sflag:s10], $0x80  }
0x9c4: {  	[sflag:s10] =	ssyncset.done $0x0  }
0x9c5: {  	s11 =	simm.s32 $0x17280;
	s13 =	simm.s32 $0x14A00;
	[sflag:s10] =	ssyncadd.s32 $0xFFFFFF80  }
0x9c6: {  	[tilespmem:s11], [sflag:$0x9] =	stream.indirect.gather [hbm4b:s0+s30], $0x80, s13, s30, $0xb8;
	[tilespmem:$0x1C600] =	vst v63  }
0x9c7: {  	s14 =	simm.s32 $0x1AF80  }
0x9c8: {  	[tilespmem:s14], [sflag:$0xC] =	stream.indirect.gather [spmem:s7], $0x1, s13, s30, $0xb8;
	[tilespmem:$0x1C600] =	vst v63  }
0x9c9: {  	_ =	swait.ge [sflag:s31], $0x1400  }
0x9ca: {  	[sflag:s31] =	ssyncset.done $0x0  }
0x9cb: {  	[sflag:s31] =	ssyncadd.s32 $0xFFFFEC00  }
0x9cc: {  	_ =	swait.ge [sflag:s22], $0x28  }
0x9cd: {  	[sflag:s22] =	ssyncset.done $0x0  }
0x9ce: {  	[sflag:s22] =	ssyncadd.s32 $0xFFFFFFD8  }
0x9cf: {  	_ =	swait.ge [sflag:s9], $0x1400  }
0x9d0: {  	[sflag:s9] =	ssyncset.done $0x0  }
0x9d1: {  	[sflag:s9] =	ssyncadd.s32 $0xFFFFEC00  }
0x9d2: {  	v2 =	vld [tilespmem:$0x149D0]  }
0x9d3: {  	v3 =	vld [tilespmem:$0x1AF00]  }
0x9d4: {  	v4 =	vld [tilespmem:$0x149E0]  }
0x9d5: {  	v5 =	vld [tilespmem:$0x1AF10]  }
0x9d6: {  	v6 =	vld [tilespmem:$0x149F0]  }
0x9d7: {  	v7 =	vld [tilespmem:$0x1AF20];
	_ =	sdelay $0x2  }
0x9d8: {  	v2 =	vmul.f32 v3, v2  }
0x9d9: {  	v3 =	vmul.f32 v5, v4  }
0x9da: {  	[tilespmem:$0x1B000] =	vst v2;
	v2 =	vmul.f32 v7, v6  }
0x9db: {  	[tilespmem:$0x1B010] =	vst v3  }
0x9dc: {  	s2 =	simm.s32 $0x0;
	[tilespmem:$0x1B020] =	vst v2  }
0x9dd: {  	v3 =	vld [tilespmem:s2+$0x15E80]  }
0x9de: {  	v4 =	vld [tilespmem:s2+$0x15E90]  }
0x9df: {  	v5 =	vld [tilespmem:s2+$0x15EA0]  }
0x9e0: {  	s10 =	simm.s32 $0x1B000;
	v6 =	vld [tilespmem:s2+$0x15EB0]  }
0x9e1: {  	s11 =	simm.s32 $0x200;
	v2 =	vld.msk [tilespmem:s10+$0x0 ss:$0x0], $0xffff  }
.LBB2_17:
0x9e2: {  	p0 =	sne.s32 s11, $0x4E00;
	v7 =	vld [tilespmem:s2+$0x15EC0]  }
0x9e3: {  	v8 =	vld [tilespmem:s2+$0x15ED0]  }
0x9e4: {  	v9 =	vld [tilespmem:s2+$0x15EE0]  }
0x9e5: {  	v10 =	vld [tilespmem:s2+$0x15EF0];
	_ =	sdelay $0x1  }
0x9e6: {  	v3 =	vmul.f32 v2, v3;
	v4 =	vmul.f32 v4, v2  }
0x9e7: {  	v5 =	vmul.f32 v5, v2;
	v6 =	vmul.f32 v6, v2  }
0x9e8: {  	v7 =	vmul.f32 v7, v2;
	v8 =	vmul.f32 v8, v2;
	[tilespmem:s2+$0x18680] =	vst v3  }
0x9e9: {  	v9 =	vmul.f32 v9, v2;
	[tilespmem:s2+$0x18690] =	vst v4;
	v2 =	vmul.f32 v10, v2  }
0x9ea: {  	[tilespmem:s2+$0x186A0] =	vst v5  }
0x9eb: {  	s14 =	sshra.s32 s11, $0x2;
	[tilespmem:s2+$0x186B0] =	vst v6  }
.Ltmp12:
0x9ec: {  	v3 =	vld [tilespmem:s14+$0x15E80];
	[tilespmem:s2+$0x186C0] =	vst v7;
	(pc) =	sbr.rel @p0 .LBB2_17-.Ltmp12, $4  }
0x9ed: {  	v4 =	vld [tilespmem:s14+$0x15E90];
	[tilespmem:s2+$0x186D0] =	vst v8  }
0x9ee: {  	v5 =	vld [tilespmem:s14+$0x15EA0];
	[tilespmem:s2+$0x186E0] =	vst v9  }
0x9ef: {  	s10 =	sadd.s32 $0x1, s10;
	v6 =	vld [tilespmem:s14+$0x15EB0];
	[tilespmem:s2+$0x186F0] =	vst v2;
	s2 =	smov.u32 s14  }
0x9f0: {  	s11 =	sadd.s32 $0x200, s11;
	v2 =	vld.msk [tilespmem:s10+$0x0 ss:$0x0], $0xffff  }
0x9f1: {  	_ =	sdelay $0x2  }
0x9f2: {  	v7 =	vld [tilespmem:s2+$0x15EC0]  }
0x9f3: {  	v8 =	vld [tilespmem:s2+$0x15ED0];
	v3 =	vmul.f32 v2, v3  }
0x9f4: {  	v9 =	vld [tilespmem:s2+$0x15EE0];
	v4 =	vmul.f32 v4, v2  }
0x9f5: {  	v10 =	vld [tilespmem:s2+$0x15EF0];
	v5 =	vmul.f32 v5, v2;
	[tilespmem:s2+$0x18680] =	vst v3  }
0x9f6: {  	v3 =	vmul.f32 v6, v2;
	[tilespmem:s2+$0x18690] =	vst v4  }
0x9f7: {  	v4 =	vmul.f32 v7, v2;
	[tilespmem:s2+$0x186A0] =	vst v5  }
0x9f8: {  	v5 =	vmul.f32 v8, v2;
	[tilespmem:s2+$0x186B0] =	vst v3  }
0x9f9: {  	s13 =	sld [smem:$0x7EA];
	v3 =	vmul.f32 v9, v2;
	[tilespmem:s2+$0x186C0] =	vst v4  }
0x9fa: {  	v2 =	vmul.f32 v10, v2;
	[tilespmem:s2+$0x186D0] =	vst v5  }
0x9fb: {  	[tilespmem:s2+$0x186E0] =	vst v3  }
0x9fc: {  	s11 =	simm.s32 $0x18680;
	s10 =	simm.s32 $0x149A8;
	[tilespmem:s2+$0x186F0] =	vst v2;
	s2 =	sadd.s32 s5, s13  }
0x9fd: {  	[spmem:s3] =	stream.indirect.scatter.add.f32 [tilespmem:s11], [sflag:$0xD], $0x80, s10, s30, $0xb8;
	[tilespmem:$0x1C600] =	vst v63  }
0x9fe: {  	s2 =	sshll.u32 s2, $0x4  }
0x9ff: {  	s2 =	sand.u32 $0xFFFFFE0, s2  }
0xa00: {  	s14 =	simm.s32 $0x0;
	s11 =	simm.s32 $0x1;
	s2 =	sadd.s32 s1, s2  }
0xa01: {  	[tilespmem:s17], [sflag:$0x3] =	stream.linear.gather [hbm4b:s2+s14], $0x80, $0x38;
	[tilespmem:$0x1C600] =	vst v63  }
0xa02: {  	_ =	swait.ge [sflag:s11], $0x80  }
0xa03: {  	[sflag:s11] =	ssyncset.done $0x0  }
0xa04: {  	s13 =	simm.s32 $0x14780;
	[sflag:s11] =	ssyncadd.s32 $0xFFFFFF80  }
0xa05: {  	[tilespmem:s20], [sflag:$0x7] =	stream.indirect.gather [hbm4b:s0+s30], $0x80, s13, s30, $0xb8;
	[tilespmem:$0x1C600] =	vst v63  }
0xa06: {  	s14 =	simm.s32 $0x1AE80  }
0xa07: {  	[tilespmem:s14], [sflag:$0xA] =	stream.indirect.gather [spmem:s7], $0x1, s13, s30, $0xb8;
	[tilespmem:$0x1C600] =	vst v63  }
0xa08: {  	_ =	swait.ge [sflag:s25], $0x1400  }
0xa09: {  	[sflag:s25] =	ssyncset.done $0x0  }
0xa0a: {  	[sflag:s25] =	ssyncadd.s32 $0xFFFFEC00  }
0xa0b: {  	_ =	swait.ge [sflag:s16], $0x28  }
0xa0c: {  	[sflag:s16] =	ssyncset.done $0x0  }
0xa0d: {  	[sflag:s16] =	ssyncadd.s32 $0xFFFFFFD8  }
0xa0e: {  	_ =	swait.ge [sflag:s8], $0x1400  }
0xa0f: {  	[sflag:s8] =	ssyncset.done $0x0  }
0xa10: {  	[sflag:s8] =	ssyncadd.s32 $0xFFFFEC00  }
0xa11: {  	v2 =	vld [tilespmem:$0x14A50]  }
0xa12: {  	v3 =	vld [tilespmem:$0x1AF80]  }
0xa13: {  	v4 =	vld [tilespmem:$0x14A60]  }
0xa14: {  	v5 =	vld [tilespmem:$0x1AF90]  }
0xa15: {  	v6 =	vld [tilespmem:$0x14A70]  }
0xa16: {  	v7 =	vld [tilespmem:$0x1AFA0];
	_ =	sdelay $0x2  }
0xa17: {  	v2 =	vmul.f32 v3, v2  }
0xa18: {  	v3 =	vmul.f32 v5, v4  }
0xa19: {  	[tilespmem:$0x1B000] =	vst v2;
	v2 =	vmul.f32 v7, v6  }
0xa1a: {  	[tilespmem:$0x1B010] =	vst v3  }
0xa1b: {  	s2 =	simm.s32 $0x0;
	[tilespmem:$0x1B020] =	vst v2  }
0xa1c: {  	v3 =	vld [tilespmem:s2+$0x17280]  }
0xa1d: {  	v4 =	vld [tilespmem:s2+$0x17290]  }
0xa1e: {  	v5 =	vld [tilespmem:s2+$0x172A0]  }
0xa1f: {  	s10 =	simm.s32 $0x1B000;
	v6 =	vld [tilespmem:s2+$0x172B0]  }
0xa20: {  	s11 =	simm.s32 $0x200;
	v2 =	vld.msk [tilespmem:s10+$0x0 ss:$0x0], $0xffff  }
.LBB2_19:
0xa21: {  	p0 =	sne.s32 s11, $0x4E00;
	v7 =	vld [tilespmem:s2+$0x172C0]  }
0xa22: {  	v8 =	vld [tilespmem:s2+$0x172D0]  }
0xa23: {  	v9 =	vld [tilespmem:s2+$0x172E0]  }
0xa24: {  	v10 =	vld [tilespmem:s2+$0x172F0];
	_ =	sdelay $0x1  }
0xa25: {  	v3 =	vmul.f32 v2, v3;
	v4 =	vmul.f32 v4, v2  }
0xa26: {  	v5 =	vmul.f32 v5, v2;
	v6 =	vmul.f32 v6, v2  }
0xa27: {  	v7 =	vmul.f32 v7, v2;
	v8 =	vmul.f32 v8, v2;
	[tilespmem:s2+$0x19A80] =	vst v3  }
0xa28: {  	v9 =	vmul.f32 v9, v2;
	[tilespmem:s2+$0x19A90] =	vst v4;
	v2 =	vmul.f32 v10, v2  }
0xa29: {  	[tilespmem:s2+$0x19AA0] =	vst v5  }
0xa2a: {  	s14 =	sshra.s32 s11, $0x2;
	[tilespmem:s2+$0x19AB0] =	vst v6  }
.Ltmp13:
0xa2b: {  	v3 =	vld [tilespmem:s14+$0x17280];
	[tilespmem:s2+$0x19AC0] =	vst v7;
	(pc) =	sbr.rel @p0 .LBB2_19-.Ltmp13, $4  }
0xa2c: {  	v4 =	vld [tilespmem:s14+$0x17290];
	[tilespmem:s2+$0x19AD0] =	vst v8  }
0xa2d: {  	v5 =	vld [tilespmem:s14+$0x172A0];
	[tilespmem:s2+$0x19AE0] =	vst v9  }
0xa2e: {  	s10 =	sadd.s32 $0x1, s10;
	v6 =	vld [tilespmem:s14+$0x172B0];
	[tilespmem:s2+$0x19AF0] =	vst v2;
	s2 =	smov.u32 s14  }
0xa2f: {  	s11 =	sadd.s32 $0x200, s11;
	v2 =	vld.msk [tilespmem:s10+$0x0 ss:$0x0], $0xffff  }
0xa30: {  	_ =	sdelay $0x1  }
0xa31: {  	v7 =	vld [tilespmem:s2+$0x172C0];
	_ =	sdelay $0x1  }
0xa32: {  	v8 =	vld [tilespmem:s2+$0x172D0];
	v3 =	vmul.f32 v2, v3  }
0xa33: {  	v9 =	vld [tilespmem:s2+$0x172E0];
	v4 =	vmul.f32 v4, v2  }
0xa34: {  	v10 =	vld [tilespmem:s2+$0x172F0];
	v5 =	vmul.f32 v5, v2;
	[tilespmem:s2+$0x19A80] =	vst v3  }
0xa35: {  	v62 =	vmul.f32 v7, v2;
	[tilespmem:s2+$0x19A90] =	vst v4  }
0xa36: {  	v3 =	vmul.f32 v6, v2;
	[tilespmem:s2+$0x19AA0] =	vst v5  }
0xa37: {  	v63 =	vmul.f32 v8, v2;
	[tilespmem:s2+$0x19AC0] =	vst v62  }
0xa38: {  	s13 =	sld [smem:$0x7EB];
	[tilespmem:s2+$0x19AB0] =	vst v3;
	v3 =	vmul.f32 v9, v2  }
0xa39: {  	[tilespmem:s2+$0x19AD0] =	vst v63;
	v2 =	vmul.f32 v10, v2  }
0xa3a: {  	[tilespmem:s2+$0x19AE0] =	vst v3  }
0xa3b: {  	s11 =	simm.s32 $0x19A80;
	s10 =	simm.s32 $0x14A28;
	[tilespmem:s2+$0x19AF0] =	vst v2;
	s2 =	sadd.s32 s5, s13  }
0xa3c: {  	[spmem:s3] =	stream.indirect.scatter.add.f32 [tilespmem:s11], [sflag:$0xE], $0x80, s10, s30, $0xb8;
	[tilespmem:$0x1C600] =	vst v63  }
0xa3d: {  	s2 =	sshll.u32 s2, $0x4  }
0xa3e: {  	s2 =	sand.u32 $0xFFFFFF0, s2  }
0xa3f: {  	s14 =	simm.s32 $0x0;
	s10 =	simm.s32 $0x2;
	s2 =	sadd.s32 s1, s2  }
0xa40: {  	[tilespmem:s18], [sflag:$0x4] =	stream.linear.gather [hbm4b:s2+s14], $0x80, $0x38;
	[tilespmem:$0x1C600] =	vst v63  }
0xa41: {  	_ =	swait.ge [sflag:s10], $0x80  }
.Ltmp14:
0xa42: {  	[sflag:s10] =	ssyncset.done $0x0;
	(pc) =	sbr.rel .LBB2_21-.Ltmp14, $4  }
0xa43: {  	s13 =	simm.s32 $0x15E80;
	s11 =	simm.s32 $0x14800;
	[sflag:s10] =	ssyncadd.s32 $0xFFFFFF80  }
0xa44: {  	[tilespmem:s13], [sflag:$0x8] =	stream.indirect.gather [hbm4b:s0+s30], $0x80, s11, s30, $0xb8;
	[tilespmem:$0x1C600] =	vst v63  }
0xa45: {  	s14 =	simm.s32 $0x1AF00;
	s13 =	simm.s32 $0x14800  }
0xa46: {  	[tilespmem:s14], [sflag:$0xB] =	stream.indirect.gather [spmem:s7], $0x1, s11, s30, $0xb8;
	[tilespmem:$0x1C600] =	vst v63  }
.LBB2_23:
0xa47: {  	_ =	sfence.sel $0x180000  }
0xa48: {  	[bflag:$0x0] =	sbarrier.arrive $0xFFFF  }
0xa49: {  	_ =	strace $0x90000047  }
0xa4a: {  	s0 =	stileid.u32;
	[bflag:$0x2] =	sbarrier.arrive $0xFFFF  }
0xa4b: {  	p0 =	sne.s32 s0, $0x0;
	s0 =	rddreg [dreg:$0x7]  }
0xa4c: {  	s0 =	sadd.s32 @!p0 $0x100000, s0  }
0xa4d: {  	[sflag:s0] =	ssyncadd.tile.s32 @!p0 $0x1;
	_ =	shalt  }
.Lfunc_end2:
_tile_overlayer_lowered:
.L_overlay_start_2:
0xa4e: {  	(tag) =	ssettag $0x2  }
0xa4f: {  	s0 =	rddreg [dreg:$0x0];
	s2 =	stileid.u32  }
0xa50: {  	s1 =	rddreg [dreg:$0x1];
	p0 =	sne.s32 s2, $0x0  }
0xa51: {  	s3 =	rddreg [dreg:$0x2];
	[bflag:$0x3] =	sbarrier.arrive $0xFFFF;
	s2 =	simm.s32 @!p0 $0x1C12  }
0xa52: {  	[timem:s3], [sflag:s2] =	dma.local @!p0 [hbm:s0], s1  }
0xa53: {  	s0 =	simm.s32 @!p0 $0x12  }
0xa54: {  	_ =	swait.ge @!p0 [sflag:s0], s1  }
0xa55: {  	s1 =	ssub.s32 @!p0 $0x0, s1;
	[sflag:s0] =	ssyncset.done @!p0 $0x0  }
0xa56: {  	[sflag:s0] =	ssyncadd.s32 @!p0 s1  }
0xa57: {  	[bflag:$0x3] =	sbarrier.arrive $0xFFFF  }
0xa58: {  	_ =	shalt  }

</sc_bundles>
